<compile_context>
chip_gen: v7x
topology: tpu7x:2x2x1
jax: 0.10.2.dev20260603
libtpu: 0.0.44.dev20260713+nightly
codegen_flags: <defaults>
</compile_context>

<pallas_src>
import functools

import jax
import jax.numpy as jnp
from jax import lax
from jax.experimental import pallas as pl
from jax.experimental.pallas import tpu as pltpu
from jax.experimental.pallas import tpu_sc as plsc

_P = 16
_L = 576
_KEEP = 144
_NFILL = 432
_G = 24
_N = 64
_C = 3


def _rank_body(noise_ref, ids_ref, mask_ref):
    a = noise_ref[0, 0, :]
    col = a[:, None]
    row = a[None, :]
    il = lax.broadcasted_iota(jnp.int32, (_L, _L), 0)
    im_ = lax.broadcasted_iota(jnp.int32, (_L, _L), 1)
    cond = (row < col) | ((row == col) & (im_ < il))
    rank = jnp.sum(cond.astype(jnp.int32), axis=1)
    ids_ref[0, 0, :] = rank
    mask_ref[0, 0, :] = (rank >= _KEEP).astype(jnp.float32)


def _compute_ranks(noise):
    noise3 = noise.reshape(_N, 1, _L)
    ids3, mask3 = pl.pallas_call(
        _rank_body,
        grid=(_N,),
        in_specs=[pl.BlockSpec((1, 1, _L), lambda i: (i, 0, 0))],
        out_specs=[
            pl.BlockSpec((1, 1, _L), lambda i: (i, 0, 0)),
            pl.BlockSpec((1, 1, _L), lambda i: (i, 0, 0)),
        ],
        out_shape=[
            jax.ShapeDtypeStruct((_N, 1, _L), jnp.int32),
            jax.ShapeDtypeStruct((_N, 1, _L), jnp.float32),
        ],
    )(noise3)
    return ids3.reshape(_N, _L), mask3.reshape(_N, _L)


_NBLOCKS = _N * _G
_PER_W = _NBLOCKS // 32


@functools.cache
def _build_sc_masker():
    return functools.partial(
        pl.kernel,
        mesh=plsc.VectorSubcoreMesh(core_axis_name="c", subcore_axis_name="s"),
        compiler_params=pltpu.CompilerParams(needs_layout_passes=False),
        out_type=jax.ShapeDtypeStruct((_N, _C, 384, 384), jnp.float32),
        scratch_types=[
            pltpu.VMEM((_C * _P, 384), jnp.float32),
            pltpu.VMEM((_C * _P, 384), jnp.float32),
            pltpu.VMEM((_G, 768), jnp.float32),
            pltpu.VMEM((_G, 768), jnp.float32),
            pltpu.VMEM((1280,), jnp.int32),
            pltpu.VMEM((_PER_W, _G), jnp.int32),
            pltpu.SemaphoreType.DMA,
            pltpu.SemaphoreType.DMA,
            pltpu.SemaphoreType.DMA,
            pltpu.SemaphoreType.DMA,
            pltpu.SemaphoreType.DMA,
            pltpu.SemaphoreType.DMA,
        ],
    )(_sc_body)


def _sc_body(im_hbm, fill_hbm, rank_hbm, out_hbm,
             imb0, imb1, fb0, fb1, rkall, idxall,
             ims0, ims1, fls0, fls1, ous0, ous1):
    wid = lax.axis_index("s") * 2 + lax.axis_index("c")
    lane = lax.iota(jnp.int32, 16)
    n0 = wid * 2

    pltpu.sync_copy(rank_hbm.at[pl.ds(n0 * 640, 1280)], rkall)
    for lb in range(_PER_W):
        sl = lb // _G
        off = sl * 640 + (lb % _G) * _G
        nb = (n0 + sl) * _NFILL
        r0_ = rkall[pl.ds(off, 16)]
        r1_ = rkall[pl.ds(off + 8, 16)]
        idxall[lb, pl.ds(0, 16)] = jnp.maximum(r0_ - _KEEP, 0) + nb
        idxall[lb, pl.ds(8, 16)] = jnp.maximum(r1_ - _KEEP, 0) + nb

    def im_copies(i, imb, sem):
        n = n0 + i // _G
        hh = i % _G
        return [pltpu.make_async_copy(
            im_hbm.at[n, c, pl.ds(hh * _P, _P), :],
            imb.at[pl.ds(c * _P, _P)], sem) for c in range(_C)]

    def out_copies(i, imb, sem):
        n = n0 + i // _G
        hh = i % _G
        return [pltpu.make_async_copy(
            imb.at[pl.ds(c * _P, _P)],
            out_hbm.at[n, c, pl.ds(hh * _P, _P), :], sem) for c in range(_C)]

    def issue_in(i, imb, fb, ims, fls):
        for cp in im_copies(i, imb, ims):
            cp.start()
        pltpu.make_async_copy(fill_hbm.at[idxall.at[i]], fb, fls).start()

    def wait_in(i, imb, fb, ims, fls):
        for cp in im_copies(i, imb, ims):
            cp.wait()
        pltpu.make_async_copy(fill_hbm.at[idxall.at[i]], fb, fls).wait()

    def compute(i, imb, fb):
        rkoff = (i // _G) * 640 + (i % _G) * _G

        def patch_body(j, carry2):
            rkv = plsc.load_gather(rkall, [jnp.full((16,), rkoff + j,
                                                    jnp.int32)])
            msk = rkv >= _KEEP
            rz = jnp.minimum(rkv, 0)
            jv = jnp.full((16,), j, jnp.int32)
            colidx = lane + j * _P
            for c in range(_C):
                src_col = lane * 3 + c + rz
                row_v = jnp.full((16,), c * _P, jnp.int32) + rz
                for p in range(_P):
                    src = plsc.load_gather(fb, [jv, src_col])
                    plsc.store_scatter(imb, [row_v, colidx], src, mask=msk)
                    if p < _P - 1:
                        src_col = src_col + 48
                        row_v = row_v + 1
            return carry2

        lax.fori_loop(0, _G, patch_body, 0)

    issue_in(0, imb0, fb0, ims0, fls0)
    issue_in(1, imb1, fb1, ims1, fls1)

    def pipe_body(k, carry):
        i0 = 2 * k
        i1 = 2 * k + 1
        wait_in(i0, imb0, fb0, ims0, fls0)
        compute(i0, imb0, fb0)
        for cp in out_copies(i0, imb0, ous0):
            cp.start()
        wait_in(i1, imb1, fb1, ims1, fls1)
        compute(i1, imb1, fb1)
        for cp in out_copies(i1, imb1, ous1):
            cp.start()

        @pl.when(k < _PER_W // 2 - 1)
        def _prefetch():
            for cp in out_copies(i0, imb0, ous0):
                cp.wait()
            issue_in(i0 + 2, imb0, fb0, ims0, fls0)
            for cp in out_copies(i1, imb1, ous1):
                cp.wait()
            issue_in(i1 + 2, imb1, fb1, ims1, fls1)

        return carry

    lax.fori_loop(0, _PER_W // 2, pipe_body, 0)
    for cp in out_copies(_PER_W - 2, imb0, ous0):
        cp.wait()
    for cp in out_copies(_PER_W - 1, imb1, ous1):
        cp.wait()


def kernel(im, noise, fill_noise):
    ids_restore, mask = _compute_ranks(noise)
    rank_pad = jnp.pad(ids_restore, ((0, 1), (0, 64))).reshape(-1)
    fill_flat = fill_noise.reshape(_N * _NFILL, 768)
    masked_img = _build_sc_masker()(im, fill_flat, rank_pad)
    return masked_img, mask, ids_restore

# --- scband reference (transcript-rebuilt; emitter-appended) ---
"""Pipeline reference for scband-masker-30829275251210 (READ-ONLY COPY).

The authoritative reference and input builder live on the scoring server;
editing this copy changes nothing except your own understanding.
"""

import jax, jax.numpy as jnp
import numpy as np

P = 16
RATIO = 0.75

def patchify(im, p):
    N, C, H, W = im.shape
    h, w = H // p, W // p
    x = im.reshape(N, C, h, p, w, p)
    x = jnp.einsum('nchpwq->nhwpqc', x)
    return x.reshape(N, h * w, p * p * C)

def unpatchify(x, shape, p):
    N, C, H, W = shape
    h, w = H // p, W // p
    x = x.reshape(N, h, w, p, p, C)
    x = jnp.einsum('nhwpqc->nchpwq', x)
    return x.reshape(N, C, H, W)

def setup_inputs(seed: int = 0) -> dict:
    key = jax.random.key(seed)
    k1, k2, k3 = jax.random.split(key, 3)
    im = jax.random.normal(k1, (64, 3, 384, 384), dtype=jnp.float32)
    noise = jax.random.uniform(k2, (64, 576), dtype=jnp.float32)
    fill_noise = jax.random.normal(k3, (64, 432, 768), dtype=jnp.float32)
    return {"im": im, "noise": noise, "fill_noise": fill_noise}

def reference(im, noise, fill_noise):
    # Masker.encode (dim=2, mode='randn'):
    # patchify -> shuffle_mask_seq -> recovery_mask_seq (fill with randn)
    # -> recovery_shuffle_seq -> unpatchify => masked img, mask, ids_restore
    x = patchify(im, P)
    N, L, D = x.shape
    len_keep = int(L * (1.0 - RATIO))
    ids_shuffle = jnp.argsort(noise, axis=1)
    ids_restore = jnp.argsort(ids_shuffle, axis=1)
    ids_keep = ids_shuffle[:, :len_keep]
    x_masked = jnp.take_along_axis(x, ids_keep[:, :, None], axis=1)
    mask0 = jnp.concatenate([
        jnp.zeros((N, len_keep), dtype=x.dtype),
        jnp.ones((N, L - len_keep), dtype=x.dtype),
    ], axis=1)
    mask = jnp.take_along_axis(mask0, ids_restore, axis=1)
    # recovery_mask_seq: append fill patches for masked positions
    x_shuffle = jnp.concatenate([x_masked, fill_noise], axis=1)
    # recovery_shuffle_seq: unshuffle back to original patch order
    x_rec = jnp.take_along_axis(x_shuffle, ids_restore[:, :, None], axis=1)
    masked_img = unpatchify(x_rec, im.shape, P)
    return masked_img, mask, ids_restore

if __name__ == "__main__":
    import jax
    _d = setup_inputs()
    print(jax.jit(kernel)(*tuple(_d.values())))

</pallas_src>

<mosaic_0001>
#map = affine_map<(d0, d1) -> (0, 0, 0, 0)>
#map1 = affine_map<(d0, d1) -> (0, 0)>
#map2 = affine_map<(d0, d1) -> (0)>
module attributes {stable_mosaic.version = 14 : i64} {
  func.func @_sc_body(%arg0: i32, %arg1: i32, %arg2: memref<64x3x384x384xf32, #tpu.memory_space<hbm>>, %arg3: memref<27648x768xf32, #tpu.memory_space<hbm>>, %arg4: memref<41600xi32, #tpu.memory_space<hbm>>, %arg5: memref<64x3x384x384xf32, #tpu.memory_space<hbm>>, %arg6: memref<48x384xf32, #tpu.memory_space<vmem>>, %arg7: memref<48x384xf32, #tpu.memory_space<vmem>>, %arg8: memref<24x768xf32, #tpu.memory_space<vmem>>, %arg9: memref<24x768xf32, #tpu.memory_space<vmem>>, %arg10: memref<1280xi32, #tpu.memory_space<vmem>>, %arg11: memref<48x24xi32, #tpu.memory_space<vmem>>, %arg12: memref<!tpu.dma_semaphore, #tpu.memory_space<semaphore_mem>>, %arg13: memref<!tpu.dma_semaphore, #tpu.memory_space<semaphore_mem>>, %arg14: memref<!tpu.dma_semaphore, #tpu.memory_space<semaphore_mem>>, %arg15: memref<!tpu.dma_semaphore, #tpu.memory_space<semaphore_mem>>, %arg16: memref<!tpu.dma_semaphore, #tpu.memory_space<semaphore_mem>>, %arg17: memref<!tpu.dma_semaphore, #tpu.memory_space<semaphore_mem>>) attributes {dimension_semantics = [#tpu.dimension_semantics<core_parallel>, #tpu.dimension_semantics<subcore_parallel>], iteration_bounds = array<i64: 2, 16>, scalar_prefetch = 0 : i64, scratch_operands = 12 : i64, tpu.core_type = #tpu.core_type<sc_vector_subcore>, window_params = [{transform_indices = #map}, {transform_indices = #map1}, {transform_indices = #map2}, {transform_indices = #map}]} {
    %mul3A = arith.constant 2 : i32
    %mul3A_0 = arith.muli %arg1, %mul3A : i32
    %add3A = arith.addi %mul3A_0, %arg0 : i32
    %iota3A = tpu.iota {dimensions = array<i32: 0>} : vector<16xi32>
    %mul3A_1 = arith.constant 2 : i32
    %mul3A_2 = arith.muli %add3A, %mul3A_1 : i32
    %mul3A_3 = arith.constant 640 : i32
    %mul3A_4 = arith.muli %mul3A_2, %mul3A_3 : i32
    "tpu.region"() ({
      %run_scoped3A = tpu.sem_alloc : memref<!tpu.dma_semaphore, #tpu.memory_space<semaphore_mem>>
      %dma_start3A_1742 = tpu.memref_slice %arg4[%mul3A_4] : memref<41600xi32, #tpu.memory_space<hbm>> -> memref<1280xi32, #tpu.memory_space<hbm>>
      %dma_start3A_1743 = tpu.memref_slice %arg4[%mul3A_4] : memref<41600xi32, #tpu.memory_space<hbm>> -> memref<1280xi32, #tpu.memory_space<hbm>>
      tpu.enqueue_dma source(%dma_start3A_1743 : memref<1280xi32, #tpu.memory_space<hbm>>) target(%arg10 : memref<1280xi32, #tpu.memory_space<vmem>>) target_semaphore(%run_scoped3A : memref<!tpu.dma_semaphore, #tpu.memory_space<semaphore_mem>>)
      %dma_wait3A_1744 = tpu.memref_slice %arg4[%mul3A_4] : memref<41600xi32, #tpu.memory_space<hbm>> -> memref<1280xi32, #tpu.memory_space<hbm>>
      %dma_wait3A_1745 = tpu.memref_slice %arg4[%mul3A_4] : memref<41600xi32, #tpu.memory_space<hbm>> -> memref<1280xi32, #tpu.memory_space<hbm>>
      tpu.wait_dma2 semaphore(%run_scoped3A : memref<!tpu.dma_semaphore, #tpu.memory_space<semaphore_mem>>) src(%dma_wait3A_1745 : memref<1280xi32, #tpu.memory_space<hbm>>) dst(%arg10 : memref<1280xi32, #tpu.memory_space<vmem>>)
      tpu.yield
    }) : () -> ()
    %add3A_5 = arith.constant 0 : i32
    %add3A_6 = arith.addi %mul3A_2, %add3A_5 : i32
    %mul3A_7 = arith.constant 432 : i32
    %mul3A_8 = arith.muli %add3A_6, %mul3A_7 : i32
    %get3A = arith.constant 0 : index
    %get3A_9 = tpu.vector_load %arg10[%get3A] {strides = array<i32>} : memref<1280xi32, #tpu.memory_space<vmem>>, vector<16xi32>,
    %get3A_10 = arith.constant 8 : index
    %get3A_11 = tpu.vector_load %arg10[%get3A_10] {strides = array<i32>} : memref<1280xi32, #tpu.memory_space<vmem>>, vector<16xi32>,
    %sub3A = arith.constant 144 : i32
    %sub3A_12 = vector.broadcast %sub3A : i32 to vector<16xi32>
    %sub3A_13 = arith.subi %get3A_9, %sub3A_12 : vector<16xi32>
    %max3A = arith.constant 0 : i32
    %max3A_14 = vector.broadcast %max3A : i32 to vector<16xi32>
    %max3A_15 = arith.maxsi %sub3A_13, %max3A_14 : vector<16xi32>
    %add3A_16 = vector.broadcast %mul3A_8 : i32 to vector<16xi32>
    %add3A_17 = arith.addi %max3A_15, %add3A_16 : vector<16xi32>
    %swap3A = arith.constant 0 : i32
    %swap3A_18 = arith.index_cast %swap3A : i32 to index
    %swap3A_19 = arith.constant 0 : index
    %swap3A_20 = tpu.vector_load %arg11[%swap3A_18, %swap3A_19] {strides = array<i32>} : memref<48x24xi32, #tpu.memory_space<vmem>>, vector<16xi32>,
    tpu.vector_store %arg11[%swap3A_18, %swap3A_19], %add3A_17 {strides = array<i32>} : memref<48x24xi32, #tpu.memory_space<vmem>>, vector<16xi32>,
    %sub3A_21 = arith.constant 144 : i32
    %sub3A_22 = vector.broadcast %sub3A_21 : i32 to vector<16xi32>
    %sub3A_23 = arith.subi %get3A_11, %sub3A_22 : vector<16xi32>
    %max3A_24 = arith.constant 0 : i32
    %max3A_25 = vector.broadcast %max3A_24 : i32 to vector<16xi32>
    %max3A_26 = arith.maxsi %sub3A_23, %max3A_25 : vector<16xi32>
    %add3A_27 = vector.broadcast %mul3A_8 : i32 to vector<16xi32>
    %add3A_28 = arith.addi %max3A_26, %add3A_27 : vector<16xi32>
    %swap3A_29 = arith.constant 0 : i32
    %swap3A_30 = arith.index_cast %swap3A_29 : i32 to index
    %swap3A_31 = arith.constant 8 : index
    %swap3A_32 = tpu.vector_load %arg11[%swap3A_30, %swap3A_31] {strides = array<i32>} : memref<48x24xi32, #tpu.memory_space<vmem>>, vector<16xi32>,
    tpu.vector_store %arg11[%swap3A_30, %swap3A_31], %add3A_28 {strides = array<i32>} : memref<48x24xi32, #tpu.memory_space<vmem>>, vector<16xi32>,
    %add3A_33 = arith.constant 0 : i32
    %add3A_34 = arith.addi %mul3A_2, %add3A_33 : i32
    %mul3A_35 = arith.constant 432 : i32
    %mul3A_36 = arith.muli %add3A_34, %mul3A_35 : i32
    %get3A_37 = arith.constant 24 : index
    %get3A_38 = tpu.vector_load %arg10[%get3A_37] {strides = array<i32>} : memref<1280xi32, #tpu.memory_space<vmem>>, vector<16xi32>,
    %get3A_39 = arith.constant 32 : index
    %get3A_40 = tpu.vector_load %arg10[%get3A_39] {strides = array<i32>} : memref<1280xi32, #tpu.memory_space<vmem>>, vector<16xi32>,
    %sub3A_41 = arith.constant 144 : i32
    %sub3A_42 = vector.broadcast %sub3A_41 : i32 to vector<16xi32>
    %sub3A_43 = arith.subi %get3A_38, %sub3A_42 : vector<16xi32>
    %max3A_44 = arith.constant 0 : i32
    %max3A_45 = vector.broadcast %max3A_44 : i32 to vector<16xi32>
    %max3A_46 = arith.maxsi %sub3A_43, %max3A_45 : vector<16xi32>
    %add3A_47 = vector.broadcast %mul3A_36 : i32 to vector<16xi32>
    %add3A_48 = arith.addi %max3A_46, %add3A_47 : vector<16xi32>
    %swap3A_49 = arith.constant 1 : i32
    %swap3A_50 = arith.index_cast %swap3A_49 : i32 to index
    %swap3A_51 = arith.constant 0 : index
    %swap3A_52 = tpu.vector_load %arg11[%swap3A_50, %swap3A_51] {strides = array<i32>} : memref<48x24xi32, #tpu.memory_space<vmem>>, vector<16xi32>,
    tpu.vector_store %arg11[%swap3A_50, %swap3A_51], %add3A_48 {strides = array<i32>} : memref<48x24xi32, #tpu.memory_space<vmem>>, vector<16xi32>,
    %sub3A_53 = arith.constant 144 : i32
    %sub3A_54 = vector.broadcast %sub3A_53 : i32 to vector<16xi32>
    %sub3A_55 = arith.subi %get3A_40, %sub3A_54 : vector<16xi32>
    %max3A_56 = arith.constant 0 : i32
    %max3A_57 = vector.broadcast %max3A_56 : i32 to vector<16xi32>
    %max3A_58 = arith.maxsi %sub3A_55, %max3A_57 : vector<16xi32>
    %add3A_59 = vector.broadcast %mul3A_36 : i32 to vector<16xi32>
    %add3A_60 = arith.addi %max3A_58, %add3A_59 : vector<16xi32>
    %swap3A_61 = arith.constant 1 : i32
    %swap3A_62 = arith.index_cast %swap3A_61 : i32 to index
    %swap3A_63 = arith.constant 8 : index
    %swap3A_64 = tpu.vector_load %arg11[%swap3A_62, %swap3A_63] {strides = array<i32>} : memref<48x24xi32, #tpu.memory_space<vmem>>, vector<16xi32>,
    tpu.vector_store %arg11[%swap3A_62, %swap3A_63], %add3A_60 {strides = array<i32>} : memref<48x24xi32, #tpu.memory_space<vmem>>, vector<16xi32>,
    %add3A_65 = arith.constant 0 : i32
    %add3A_66 = arith.addi %mul3A_2, %add3A_65 : i32
    %mul3A_67 = arith.constant 432 : i32
    %mul3A_68 = arith.muli %add3A_66, %mul3A_67 : i32
    %get3A_69 = arith.constant 48 : index
    %get3A_70 = tpu.vector_load %arg10[%get3A_69] {strides = array<i32>} : memref<1280xi32, #tpu.memory_space<vmem>>, vector<16xi32>,
    %get3A_71 = arith.constant 56 : index
    %get3A_72 = tpu.vector_load %arg10[%get3A_71] {strides = array<i32>} : memref<1280xi32, #tpu.memory_space<vmem>>, vector<16xi32>,
    %sub3A_73 = arith.constant 144 : i32
    %sub3A_74 = vector.broadcast %sub3A_73 : i32 to vector<16xi32>
    %sub3A_75 = arith.subi %get3A_70, %sub3A_74 : vector<16xi32>
    %max3A_76 = arith.constant 0 : i32
    %max3A_77 = vector.broadcast %max3A_76 : i32 to vector<16xi32>
    %max3A_78 = arith.maxsi %sub3A_75, %max3A_77 : vector<16xi32>
    %add3A_79 = vector.broadcast %mul3A_68 : i32 to vector<16xi32>
    %add3A_80 = arith.addi %max3A_78, %add3A_79 : vector<16xi32>
    %swap3A_81 = arith.constant 2 : i32
    %swap3A_82 = arith.index_cast %swap3A_81 : i32 to index
    %swap3A_83 = arith.constant 0 : index
    %swap3A_84 = tpu.vector_load %arg11[%swap3A_82, %swap3A_83] {strides = array<i32>} : memref<48x24xi32, #tpu.memory_space<vmem>>, vector<16xi32>,
    tpu.vector_store %arg11[%swap3A_82, %swap3A_83], %add3A_80 {strides = array<i32>} : memref<48x24xi32, #tpu.memory_space<vmem>>, vector<16xi32>,
    %sub3A_85 = arith.constant 144 : i32
    %sub3A_86 = vector.broadcast %sub3A_85 : i32 to vector<16xi32>
    %sub3A_87 = arith.subi %get3A_72, %sub3A_86 : vector<16xi32>
    %max3A_88 = arith.constant 0 : i32
    %max3A_89 = vector.broadcast %max3A_88 : i32 to vector<16xi32>
    %max3A_90 = arith.maxsi %sub3A_87, %max3A_89 : vector<16xi32>
    %add3A_91 = vector.broadcast %mul3A_68 : i32 to vector<16xi32>
    %add3A_92 = arith.addi %max3A_90, %add3A_91 : vector<16xi32>
    %swap3A_93 = arith.constant 2 : i32
    %swap3A_94 = arith.index_cast %swap3A_93 : i32 to index
    %swap3A_95 = arith.constant 8 : index
    %swap3A_96 = tpu.vector_load %arg11[%swap3A_94, %swap3A_95] {strides = array<i32>} : memref<48x24xi32, #tpu.memory_space<vmem>>, vector<16xi32>,
    tpu.vector_store %arg11[%swap3A_94, %swap3A_95], %add3A_92 {strides = array<i32>} : memref<48x24xi32, #tpu.memory_space<vmem>>, vector<16xi32>,
    %add3A_97 = arith.constant 0 : i32
    %add3A_98 = arith.addi %mul3A_2, %add3A_97 : i32
    %mul3A_99 = arith.constant 432 : i32
    %mul3A_100 = arith.muli %add3A_98, %mul3A_99 : i32
    %get3A_101 = arith.constant 72 : index
    %get3A_102 = tpu.vector_load %arg10[%get3A_101] {strides = array<i32>} : memref<1280xi32, #tpu.memory_space<vmem>>, vector<16xi32>,
    %get3A_103 = arith.constant 80 : index
    %get3A_104 = tpu.vector_load %arg10[%get3A_103] {strides = array<i32>} : memref<1280xi32, #tpu.memory_space<vmem>>, vector<16xi32>,
    %sub3A_105 = arith.constant 144 : i32
    %sub3A_106 = vector.broadcast %sub3A_105 : i32 to vector<16xi32>
    %sub3A_107 = arith.subi %get3A_102, %sub3A_106 : vector<16xi32>
    %max3A_108 = arith.constant 0 : i32
    %max3A_109 = vector.broadcast %max3A_108 : i32 to vector<16xi32>
    %max3A_110 = arith.maxsi %sub3A_107, %max3A_109 : vector<16xi32>
    %add3A_111 = vector.broadcast %mul3A_100 : i32 to vector<16xi32>
    %add3A_112 = arith.addi %max3A_110, %add3A_111 : vector<16xi32>
    %swap3A_113 = arith.constant 3 : i32
    %swap3A_114 = arith.index_cast %swap3A_113 : i32 to index
    %swap3A_115 = arith.constant 0 : index
    %swap3A_116 = tpu.vector_load %arg11[%swap3A_114, %swap3A_115] {strides = array<i32>} : memref<48x24xi32, #tpu.memory_space<vmem>>, vector<16xi32>,
    tpu.vector_store %arg11[%swap3A_114, %swap3A_115], %add3A_112 {strides = array<i32>} : memref<48x24xi32, #tpu.memory_space<vmem>>, vector<16xi32>,
    %sub3A_117 = arith.constant 144 : i32
    %sub3A_118 = vector.broadcast %sub3A_117 : i32 to vector<16xi32>
    %sub3A_119 = arith.subi %get3A_104, %sub3A_118 : vector<16xi32>
    %max3A_120 = arith.constant 0 : i32
    %max3A_121 = vector.broadcast %max3A_120 : i32 to vector<16xi32>
    %max3A_122 = arith.maxsi %sub3A_119, %max3A_121 : vector<16xi32>
    %add3A_123 = vector.broadcast %mul3A_100 : i32 to vector<16xi32>
    %add3A_124 = arith.addi %max3A_122, %add3A_123 : vector<16xi32>
    %swap3A_125 = arith.constant 3 : i32
    %swap3A_126 = arith.index_cast %swap3A_125 : i32 to index
    %swap3A_127 = arith.constant 8 : index
    %swap3A_128 = tpu.vector_load %arg11[%swap3A_126, %swap3A_127] {strides = array<i32>} : memref<48x24xi32, #tpu.memory_space<vmem>>, vector<16xi32>,
    tpu.vector_store %arg11[%swap3A_126, %swap3A_127], %add3A_124 {strides = array<i32>} : memref<48x24xi32, #tpu.memory_space<vmem>>, vector<16xi32>,
    %add3A_129 = arith.constant 0 : i32
    %add3A_130 = arith.addi %mul3A_2, %add3A_129 : i32
    %mul3A_131 = arith.constant 432 : i32
    %mul3A_132 = arith.muli %add3A_130, %mul3A_131 : i32
    %get3A_133 = arith.constant 96 : index
    %get3A_134 = tpu.vector_load %arg10[%get3A_133] {strides = array<i32>} : memref<1280xi32, #tpu.memory_space<vmem>>, vector<16xi32>,
    %get3A_135 = arith.constant 104 : index
    %get3A_136 = tpu.vector_load %arg10[%get3A_135] {strides = array<i32>} : memref<1280xi32, #tpu.memory_space<vmem>>, vector<16xi32>,
    %sub3A_137 = arith.constant 144 : i32
    %sub3A_138 = vector.broadcast %sub3A_137 : i32 to vector<16xi32>
    %sub3A_139 = arith.subi %get3A_134, %sub3A_138 : vector<16xi32>
    %max3A_140 = arith.constant 0 : i32
    %max3A_141 = vector.broadcast %max3A_140 : i32 to vector<16xi32>
    %max3A_142 = arith.maxsi %sub3A_139, %max3A_141 : vector<16xi32>
    %add3A_143 = vector.broadcast %mul3A_132 : i32 to vector<16xi32>
    %add3A_144 = arith.addi %max3A_142, %add3A_143 : vector<16xi32>
    %swap3A_145 = arith.constant 4 : i32
    %swap3A_146 = arith.index_cast %swap3A_145 : i32 to index
    %swap3A_147 = arith.constant 0 : index
    %swap3A_148 = tpu.vector_load %arg11[%swap3A_146, %swap3A_147] {strides = array<i32>} : memref<48x24xi32, #tpu.memory_space<vmem>>, vector<16xi32>,
    tpu.vector_store %arg11[%swap3A_146, %swap3A_147], %add3A_144 {strides = array<i32>} : memref<48x24xi32, #tpu.memory_space<vmem>>, vector<16xi32>,
    %sub3A_149 = arith.constant 144 : i32
    %sub3A_150 = vector.broadcast %sub3A_149 : i32 to vector<16xi32>
    %sub3A_151 = arith.subi %get3A_136, %sub3A_150 : vector<16xi32>
    %max3A_152 = arith.constant 0 : i32
    %max3A_153 = vector.broadcast %max3A_152 : i32 to vector<16xi32>
    %max3A_154 = arith.maxsi %sub3A_151, %max3A_153 : vector<16xi32>
    %add3A_155 = vector.broadcast %mul3A_132 : i32 to vector<16xi32>
    %add3A_156 = arith.addi %max3A_154, %add3A_155 : vector<16xi32>
    %swap3A_157 = arith.constant 4 : i32
    %swap3A_158 = arith.index_cast %swap3A_157 : i32 to index
    %swap3A_159 = arith.constant 8 : index
    %swap3A_160 = tpu.vector_load %arg11[%swap3A_158, %swap3A_159] {strides = array<i32>} : memref<48x24xi32, #tpu.memory_space<vmem>>, vector<16xi32>,
    tpu.vector_store %arg11[%swap3A_158, %swap3A_159], %add3A_156 {strides = array<i32>} : memref<48x24xi32, #tpu.memory_space<vmem>>, vector<16xi32>,
    %add3A_161 = arith.constant 0 : i32
    %add3A_162 = arith.addi %mul3A_2, %add3A_161 : i32
    %mul3A_163 = arith.constant 432 : i32
    %mul3A_164 = arith.muli %add3A_162, %mul3A_163 : i32
    %get3A_165 = arith.constant 120 : index
    %get3A_166 = tpu.vector_load %arg10[%get3A_165] {strides = array<i32>} : memref<1280xi32, #tpu.memory_space<vmem>>, vector<16xi32>,
    %get3A_167 = arith.constant 128 : index
    %get3A_168 = tpu.vector_load %arg10[%get3A_167] {strides = array<i32>} : memref<1280xi32, #tpu.memory_space<vmem>>, vector<16xi32>,
    %sub3A_169 = arith.constant 144 : i32
    %sub3A_170 = vector.broadcast %sub3A_169 : i32 to vector<16xi32>
    %sub3A_171 = arith.subi %get3A_166, %sub3A_170 : vector<16xi32>
    %max3A_172 = arith.constant 0 : i32
    %max3A_173 = vector.broadcast %max3A_172 : i32 to vector<16xi32>
    %max3A_174 = arith.maxsi %sub3A_171, %max3A_173 : vector<16xi32>
    %add3A_175 = vector.broadcast %mul3A_164 : i32 to vector<16xi32>
    %add3A_176 = arith.addi %max3A_174, %add3A_175 : vector<16xi32>
    %swap3A_177 = arith.constant 5 : i32
    %swap3A_178 = arith.index_cast %swap3A_177 : i32 to index
    %swap3A_179 = arith.constant 0 : index
    %swap3A_180 = tpu.vector_load %arg11[%swap3A_178, %swap3A_179] {strides = array<i32>} : memref<48x24xi32, #tpu.memory_space<vmem>>, vector<16xi32>,
    tpu.vector_store %arg11[%swap3A_178, %swap3A_179], %add3A_176 {strides = array<i32>} : memref<48x24xi32, #tpu.memory_space<vmem>>, vector<16xi32>,
    %sub3A_181 = arith.constant 144 : i32
    %sub3A_182 = vector.broadcast %sub3A_181 : i32 to vector<16xi32>
    %sub3A_183 = arith.subi %get3A_168, %sub3A_182 : vector<16xi32>
    %max3A_184 = arith.constant 0 : i32
    %max3A_185 = vector.broadcast %max3A_184 : i32 to vector<16xi32>
    %max3A_186 = arith.maxsi %sub3A_183, %max3A_185 : vector<16xi32>
    %add3A_187 = vector.broadcast %mul3A_164 : i32 to vector<16xi32>
    %add3A_188 = arith.addi %max3A_186, %add3A_187 : vector<16xi32>
    %swap3A_189 = arith.constant 5 : i32
    %swap3A_190 = arith.index_cast %swap3A_189 : i32 to index
    %swap3A_191 = arith.constant 8 : index
    %swap3A_192 = tpu.vector_load %arg11[%swap3A_190, %swap3A_191] {strides = array<i32>} : memref<48x24xi32, #tpu.memory_space<vmem>>, vector<16xi32>,
    tpu.vector_store %arg11[%swap3A_190, %swap3A_191], %add3A_188 {strides = array<i32>} : memref<48x24xi32, #tpu.memory_space<vmem>>, vector<16xi32>,
    %add3A_193 = arith.constant 0 : i32
    %add3A_194 = arith.addi %mul3A_2, %add3A_193 : i32
    %mul3A_195 = arith.constant 432 : i32
    %mul3A_196 = arith.muli %add3A_194, %mul3A_195 : i32
    %get3A_197 = arith.constant 144 : index
    %get3A_198 = tpu.vector_load %arg10[%get3A_197] {strides = array<i32>} : memref<1280xi32, #tpu.memory_space<vmem>>, vector<16xi32>,
    %get3A_199 = arith.constant 152 : index
    %get3A_200 = tpu.vector_load %arg10[%get3A_199] {strides = array<i32>} : memref<1280xi32, #tpu.memory_space<vmem>>, vector<16xi32>,
    %sub3A_201 = arith.constant 144 : i32
    %sub3A_202 = vector.broadcast %sub3A_201 : i32 to vector<16xi32>
    %sub3A_203 = arith.subi %get3A_198, %sub3A_202 : vector<16xi32>
    %max3A_204 = arith.constant 0 : i32
    %max3A_205 = vector.broadcast %max3A_204 : i32 to vector<16xi32>
    %max3A_206 = arith.maxsi %sub3A_203, %max3A_205 : vector<16xi32>
    %add3A_207 = vector.broadcast %mul3A_196 : i32 to vector<16xi32>
    %add3A_208 = arith.addi %max3A_206, %add3A_207 : vector<16xi32>
    %swap3A_209 = arith.constant 6 : i32
    %swap3A_210 = arith.index_cast %swap3A_209 : i32 to index
    %swap3A_211 = arith.constant 0 : index
    %swap3A_212 = tpu.vector_load %arg11[%swap3A_210, %swap3A_211] {strides = array<i32>} : memref<48x24xi32, #tpu.memory_space<vmem>>, vector<16xi32>,
    tpu.vector_store %arg11[%swap3A_210, %swap3A_211], %add3A_208 {strides = array<i32>} : memref<48x24xi32, #tpu.memory_space<vmem>>, vector<16xi32>,
    %sub3A_213 = arith.constant 144 : i32
    %sub3A_214 = vector.broadcast %sub3A_213 : i32 to vector<16xi32>
    %sub3A_215 = arith.subi %get3A_200, %sub3A_214 : vector<16xi32>
    %max3A_216 = arith.constant 0 : i32
    %max3A_217 = vector.broadcast %max3A_216 : i32 to vector<16xi32>
    %max3A_218 = arith.maxsi %sub3A_215, %max3A_217 : vector<16xi32>
    %add3A_219 = vector.broadcast %mul3A_196 : i32 to vector<16xi32>
    %add3A_220 = arith.addi %max3A_218, %add3A_219 : vector<16xi32>
    %swap3A_221 = arith.constant 6 : i32
    %swap3A_222 = arith.index_cast %swap3A_221 : i32 to index
    %swap3A_223 = arith.constant 8 : index
    %swap3A_224 = tpu.vector_load %arg11[%swap3A_222, %swap3A_223] {strides = array<i32>} : memref<48x24xi32, #tpu.memory_space<vmem>>, vector<16xi32>,
    tpu.vector_store %arg11[%swap3A_222, %swap3A_223], %add3A_220 {strides = array<i32>} : memref<48x24xi32, #tpu.memory_space<vmem>>, vector<16xi32>,
    %add3A_225 = arith.constant 0 : i32
    %add3A_226 = arith.addi %mul3A_2, %add3A_225 : i32
    %mul3A_227 = arith.constant 432 : i32
    %mul3A_228 = arith.muli %add3A_226, %mul3A_227 : i32
    %get3A_229 = arith.constant 168 : index
    %get3A_230 = tpu.vector_load %arg10[%get3A_229] {strides = array<i32>} : memref<1280xi32, #tpu.memory_space<vmem>>, vector<16xi32>,
    %get3A_231 = arith.constant 176 : index
    %get3A_232 = tpu.vector_load %arg10[%get3A_231] {strides = array<i32>} : memref<1280xi32, #tpu.memory_space<vmem>>, vector<16xi32>,
    %sub3A_233 = arith.constant 144 : i32
    %sub3A_234 = vector.broadcast %sub3A_233 : i32 to vector<16xi32>
    %sub3A_235 = arith.subi %get3A_230, %sub3A_234 : vector<16xi32>
    %max3A_236 = arith.constant 0 : i32
    %max3A_237 = vector.broadcast %max3A_236 : i32 to vector<16xi32>
    %max3A_238 = arith.maxsi %sub3A_235, %max3A_237 : vector<16xi32>
    %add3A_239 = vector.broadcast %mul3A_228 : i32 to vector<16xi32>
    %add3A_240 = arith.addi %max3A_238, %add3A_239 : vector<16xi32>
    %swap3A_241 = arith.constant 7 : i32
    %swap3A_242 = arith.index_cast %swap3A_241 : i32 to index
    %swap3A_243 = arith.constant 0 : index
    %swap3A_244 = tpu.vector_load %arg11[%swap3A_242, %swap3A_243] {strides = array<i32>} : memref<48x24xi32, #tpu.memory_space<vmem>>, vector<16xi32>,
    tpu.vector_store %arg11[%swap3A_242, %swap3A_243], %add3A_240 {strides = array<i32>} : memref<48x24xi32, #tpu.memory_space<vmem>>, vector<16xi32>,
    %sub3A_245 = arith.constant 144 : i32
    %sub3A_246 = vector.broadcast %sub3A_245 : i32 to vector<16xi32>
    %sub3A_247 = arith.subi %get3A_232, %sub3A_246 : vector<16xi32>
    %max3A_248 = arith.constant 0 : i32
    %max3A_249 = vector.broadcast %max3A_248 : i32 to vector<16xi32>
    %max3A_250 = arith.maxsi %sub3A_247, %max3A_249 : vector<16xi32>
    %add3A_251 = vector.broadcast %mul3A_228 : i32 to vector<16xi32>
    %add3A_252 = arith.addi %max3A_250, %add3A_251 : vector<16xi32>
    %swap3A_253 = arith.constant 7 : i32
    %swap3A_254 = arith.index_cast %swap3A_253 : i32 to index
    %swap3A_255 = arith.constant 8 : index
    %swap3A_256 = tpu.vector_load %arg11[%swap3A_254, %swap3A_255] {strides = array<i32>} : memref<48x24xi32, #tpu.memory_space<vmem>>, vector<16xi32>,
    tpu.vector_store %arg11[%swap3A_254, %swap3A_255], %add3A_252 {strides = array<i32>} : memref<48x24xi32, #tpu.memory_space<vmem>>, vector<16xi32>,
    %add3A_257 = arith.constant 0 : i32
    %add3A_258 = arith.addi %mul3A_2, %add3A_257 : i32
    %mul3A_259 = arith.constant 432 : i32
    %mul3A_260 = arith.muli %add3A_258, %mul3A_259 : i32
    %get3A_261 = arith.constant 192 : index
    %get3A_262 = tpu.vector_load %arg10[%get3A_261] {strides = array<i32>} : memref<1280xi32, #tpu.memory_space<vmem>>, vector<16xi32>,
    %get3A_263 = arith.constant 200 : index
    %get3A_264 = tpu.vector_load %arg10[%get3A_263] {strides = array<i32>} : memref<1280xi32, #tpu.memory_space<vmem>>, vector<16xi32>,
    %sub3A_265 = arith.constant 144 : i32
    %sub3A_266 = vector.broadcast %sub3A_265 : i32 to vector<16xi32>
    %sub3A_267 = arith.subi %get3A_262, %sub3A_266 : vector<16xi32>
    %max3A_268 = arith.constant 0 : i32
    %max3A_269 = vector.broadcast %max3A_268 : i32 to vector<16xi32>
    %max3A_270 = arith.maxsi %sub3A_267, %max3A_269 : vector<16xi32>
    %add3A_271 = vector.broadcast %mul3A_260 : i32 to vector<16xi32>
    %add3A_272 = arith.addi %max3A_270, %add3A_271 : vector<16xi32>
    %swap3A_273 = arith.constant 8 : i32
    %swap3A_274 = arith.index_cast %swap3A_273 : i32 to index
    %swap3A_275 = arith.constant 0 : index
    %swap3A_276 = tpu.vector_load %arg11[%swap3A_274, %swap3A_275] {strides = array<i32>} : memref<48x24xi32, #tpu.memory_space<vmem>>, vector<16xi32>,
    tpu.vector_store %arg11[%swap3A_274, %swap3A_275], %add3A_272 {strides = array<i32>} : memref<48x24xi32, #tpu.memory_space<vmem>>, vector<16xi32>,
    %sub3A_277 = arith.constant 144 : i32
    %sub3A_278 = vector.broadcast %sub3A_277 : i32 to vector<16xi32>
    %sub3A_279 = arith.subi %get3A_264, %sub3A_278 : vector<16xi32>
    %max3A_280 = arith.constant 0 : i32
    %max3A_281 = vector.broadcast %max3A_280 : i32 to vector<16xi32>
    %max3A_282 = arith.maxsi %sub3A_279, %max3A_281 : vector<16xi32>
    %add3A_283 = vector.broadcast %mul3A_260 : i32 to vector<16xi32>
    %add3A_284 = arith.addi %max3A_282, %add3A_283 : vector<16xi32>
    %swap3A_285 = arith.constant 8 : i32
    %swap3A_286 = arith.index_cast %swap3A_285 : i32 to index
    %swap3A_287 = arith.constant 8 : index
    %swap3A_288 = tpu.vector_load %arg11[%swap3A_286, %swap3A_287] {strides = array<i32>} : memref<48x24xi32, #tpu.memory_space<vmem>>, vector<16xi32>,
    tpu.vector_store %arg11[%swap3A_286, %swap3A_287], %add3A_284 {strides = array<i32>} : memref<48x24xi32, #tpu.memory_space<vmem>>, vector<16xi32>,
    %add3A_289 = arith.constant 0 : i32
    %add3A_290 = arith.addi %mul3A_2, %add3A_289 : i32
    %mul3A_291 = arith.constant 432 : i32
    %mul3A_292 = arith.muli %add3A_290, %mul3A_291 : i32
    %get3A_293 = arith.constant 216 : index
    %get3A_294 = tpu.vector_load %arg10[%get3A_293] {strides = array<i32>} : memref<1280xi32, #tpu.memory_space<vmem>>, vector<16xi32>,
    %get3A_295 = arith.constant 224 : index
    %get3A_296 = tpu.vector_load %arg10[%get3A_295] {strides = array<i32>} : memref<1280xi32, #tpu.memory_space<vmem>>, vector<16xi32>,
    %sub3A_297 = arith.constant 144 : i32
    %sub3A_298 = vector.broadcast %sub3A_297 : i32 to vector<16xi32>
    %sub3A_299 = arith.subi %get3A_294, %sub3A_298 : vector<16xi32>
    %max3A_300 = arith.constant 0 : i32
    %max3A_301 = vector.broadcast %max3A_300 : i32 to vector<16xi32>
    %max3A_302 = arith.maxsi %sub3A_299, %max3A_301 : vector<16xi32>
    %add3A_303 = vector.broadcast %mul3A_292 : i32 to vector<16xi32>
    %add3A_304 = arith.addi %max3A_302, %add3A_303 : vector<16xi32>
    %swap3A_305 = arith.constant 9 : i32
    %swap3A_306 = arith.index_cast %swap3A_305 : i32 to index
    %swap3A_307 = arith.constant 0 : index
    %swap3A_308 = tpu.vector_load %arg11[%swap3A_306, %swap3A_307] {strides = array<i32>} : memref<48x24xi32, #tpu.memory_space<vmem>>, vector<16xi32>,
    tpu.vector_store %arg11[%swap3A_306, %swap3A_307], %add3A_304 {strides = array<i32>} : memref<48x24xi32, #tpu.memory_space<vmem>>, vector<16xi32>,
    %sub3A_309 = arith.constant 144 : i32
    %sub3A_310 = vector.broadcast %sub3A_309 : i32 to vector<16xi32>
    %sub3A_311 = arith.subi %get3A_296, %sub3A_310 : vector<16xi32>
    %max3A_312 = arith.constant 0 : i32
    %max3A_313 = vector.broadcast %max3A_312 : i32 to vector<16xi32>
    %max3A_314 = arith.maxsi %sub3A_311, %max3A_313 : vector<16xi32>
    %add3A_315 = vector.broadcast %mul3A_292 : i32 to vector<16xi32>
    %add3A_316 = arith.addi %max3A_314, %add3A_315 : vector<16xi32>
    %swap3A_317 = arith.constant 9 : i32
    %swap3A_318 = arith.index_cast %swap3A_317 : i32 to index
    %swap3A_319 = arith.constant 8 : index
    %swap3A_320 = tpu.vector_load %arg11[%swap3A_318, %swap3A_319] {strides = array<i32>} : memref<48x24xi32, #tpu.memory_space<vmem>>, vector<16xi32>,
    tpu.vector_store %arg11[%swap3A_318, %swap3A_319], %add3A_316 {strides = array<i32>} : memref<48x24xi32, #tpu.memory_space<vmem>>, vector<16xi32>,
    %add3A_321 = arith.constant 0 : i32
    %add3A_322 = arith.addi %mul3A_2, %add3A_321 : i32
    %mul3A_323 = arith.constant 432 : i32
    %mul3A_324 = arith.muli %add3A_322, %mul3A_323 : i32
    %get3A_325 = arith.constant 240 : index
    %get3A_326 = tpu.vector_load %arg10[%get3A_325] {strides = array<i32>} : memref<1280xi32, #tpu.memory_space<vmem>>, vector<16xi32>,
    %get3A_327 = arith.constant 248 : index
    %get3A_328 = tpu.vector_load %arg10[%get3A_327] {strides = array<i32>} : memref<1280xi32, #tpu.memory_space<vmem>>, vector<16xi32>,
    %sub3A_329 = arith.constant 144 : i32
    %sub3A_330 = vector.broadcast %sub3A_329 : i32 to vector<16xi32>
    %sub3A_331 = arith.subi %get3A_326, %sub3A_330 : vector<16xi32>
    %max3A_332 = arith.constant 0 : i32
    %max3A_333 = vector.broadcast %max3A_332 : i32 to vector<16xi32>
    %max3A_334 = arith.maxsi %sub3A_331, %max3A_333 : vector<16xi32>
    %add3A_335 = vector.broadcast %mul3A_324 : i32 to vector<16xi32>
    %add3A_336 = arith.addi %max3A_334, %add3A_335 : vector<16xi32>
    %swap3A_337 = arith.constant 10 : i32
    %swap3A_338 = arith.index_cast %swap3A_337 : i32 to index
    %swap3A_339 = arith.constant 0 : index
    %swap3A_340 = tpu.vector_load %arg11[%swap3A_338, %swap3A_339] {strides = array<i32>} : memref<48x24xi32, #tpu.memory_space<vmem>>, vector<16xi32>,
    tpu.vector_store %arg11[%swap3A_338, %swap3A_339], %add3A_336 {strides = array<i32>} : memref<48x24xi32, #tpu.memory_space<vmem>>, vector<16xi32>,
    %sub3A_341 = arith.constant 144 : i32
    %sub3A_342 = vector.broadcast %sub3A_341 : i32 to vector<16xi32>
    %sub3A_343 = arith.subi %get3A_328, %sub3A_342 : vector<16xi32>
    %max3A_344 = arith.constant 0 : i32
    %max3A_345 = vector.broadcast %max3A_344 : i32 to vector<16xi32>
    %max3A_346 = arith.maxsi %sub3A_343, %max3A_345 : vector<16xi32>
    %add3A_347 = vector.broadcast %mul3A_324 : i32 to vector<16xi32>
    %add3A_348 = arith.addi %max3A_346, %add3A_347 : vector<16xi32>
    %swap3A_349 = arith.constant 10 : i32
    %swap3A_350 = arith.index_cast %swap3A_349 : i32 to index
    %swap3A_351 = arith.constant 8 : index
    %swap3A_352 = tpu.vector_load %arg11[%swap3A_350, %swap3A_351] {strides = array<i32>} : memref<48x24xi32, #tpu.memory_space<vmem>>, vector<16xi32>,
    tpu.vector_store %arg11[%swap3A_350, %swap3A_351], %add3A_348 {strides = array<i32>} : memref<48x24xi32, #tpu.memory_space<vmem>>, vector<16xi32>,
    %add3A_353 = arith.constant 0 : i32
    %add3A_354 = arith.addi %mul3A_2, %add3A_353 : i32
    %mul3A_355 = arith.constant 432 : i32
    %mul3A_356 = arith.muli %add3A_354, %mul3A_355 : i32
    %get3A_357 = arith.constant 264 : index
    %get3A_358 = tpu.vector_load %arg10[%get3A_357] {strides = array<i32>} : memref<1280xi32, #tpu.memory_space<vmem>>, vector<16xi32>,
    %get3A_359 = arith.constant 272 : index
    %get3A_360 = tpu.vector_load %arg10[%get3A_359] {strides = array<i32>} : memref<1280xi32, #tpu.memory_space<vmem>>, vector<16xi32>,
    %sub3A_361 = arith.constant 144 : i32
    %sub3A_362 = vector.broadcast %sub3A_361 : i32 to vector<16xi32>
    %sub3A_363 = arith.subi %get3A_358, %sub3A_362 : vector<16xi32>
    %max3A_364 = arith.constant 0 : i32
    %max3A_365 = vector.broadcast %max3A_364 : i32 to vector<16xi32>
    %max3A_366 = arith.maxsi %sub3A_363, %max3A_365 : vector<16xi32>
    %add3A_367 = vector.broadcast %mul3A_356 : i32 to vector<16xi32>
    %add3A_368 = arith.addi %max3A_366, %add3A_367 : vector<16xi32>
    %swap3A_369 = arith.constant 11 : i32
    %swap3A_370 = arith.index_cast %swap3A_369 : i32 to index
    %swap3A_371 = arith.constant 0 : index
    %swap3A_372 = tpu.vector_load %arg11[%swap3A_370, %swap3A_371] {strides = array<i32>} : memref<48x24xi32, #tpu.memory_space<vmem>>, vector<16xi32>,
    tpu.vector_store %arg11[%swap3A_370, %swap3A_371], %add3A_368 {strides = array<i32>} : memref<48x24xi32, #tpu.memory_space<vmem>>, vector<16xi32>,
    %sub3A_373 = arith.constant 144 : i32
    %sub3A_374 = vector.broadcast %sub3A_373 : i32 to vector<16xi32>
    %sub3A_375 = arith.subi %get3A_360, %sub3A_374 : vector<16xi32>
    %max3A_376 = arith.constant 0 : i32
    %max3A_377 = vector.broadcast %max3A_376 : i32 to vector<16xi32>
    %max3A_378 = arith.maxsi %sub3A_375, %max3A_377 : vector<16xi32>
    %add3A_379 = vector.broadcast %mul3A_356 : i32 to vector<16xi32>
    %add3A_380 = arith.addi %max3A_378, %add3A_379 : vector<16xi32>
    %swap3A_381 = arith.constant 11 : i32
    %swap3A_382 = arith.index_cast %swap3A_381 : i32 to index
    %swap3A_383 = arith.constant 8 : index
    %swap3A_384 = tpu.vector_load %arg11[%swap3A_382, %swap3A_383] {strides = array<i32>} : memref<48x24xi32, #tpu.memory_space<vmem>>, vector<16xi32>,
    tpu.vector_store %arg11[%swap3A_382, %swap3A_383], %add3A_380 {strides = array<i32>} : memref<48x24xi32, #tpu.memory_space<vmem>>, vector<16xi32>,
    %add3A_385 = arith.constant 0 : i32
    %add3A_386 = arith.addi %mul3A_2, %add3A_385 : i32
    %mul3A_387 = arith.constant 432 : i32
    %mul3A_388 = arith.muli %add3A_386, %mul3A_387 : i32
    %get3A_389 = arith.constant 288 : index
    %get3A_390 = tpu.vector_load %arg10[%get3A_389] {strides = array<i32>} : memref<1280xi32, #tpu.memory_space<vmem>>, vector<16xi32>,
    %get3A_391 = arith.constant 296 : index
    %get3A_392 = tpu.vector_load %arg10[%get3A_391] {strides = array<i32>} : memref<1280xi32, #tpu.memory_space<vmem>>, vector<16xi32>,
    %sub3A_393 = arith.constant 144 : i32
    %sub3A_394 = vector.broadcast %sub3A_393 : i32 to vector<16xi32>
    %sub3A_395 = arith.subi %get3A_390, %sub3A_394 : vector<16xi32>
    %max3A_396 = arith.constant 0 : i32
    %max3A_397 = vector.broadcast %max3A_396 : i32 to vector<16xi32>
    %max3A_398 = arith.maxsi %sub3A_395, %max3A_397 : vector<16xi32>
    %add3A_399 = vector.broadcast %mul3A_388 : i32 to vector<16xi32>
    %add3A_400 = arith.addi %max3A_398, %add3A_399 : vector<16xi32>
    %swap3A_401 = arith.constant 12 : i32
    %swap3A_402 = arith.index_cast %swap3A_401 : i32 to index
    %swap3A_403 = arith.constant 0 : index
    %swap3A_404 = tpu.vector_load %arg11[%swap3A_402, %swap3A_403] {strides = array<i32>} : memref<48x24xi32, #tpu.memory_space<vmem>>, vector<16xi32>,
    tpu.vector_store %arg11[%swap3A_402, %swap3A_403], %add3A_400 {strides = array<i32>} : memref<48x24xi32, #tpu.memory_space<vmem>>, vector<16xi32>,
    %sub3A_405 = arith.constant 144 : i32
    %sub3A_406 = vector.broadcast %sub3A_405 : i32 to vector<16xi32>
    %sub3A_407 = arith.subi %get3A_392, %sub3A_406 : vector<16xi32>
    %max3A_408 = arith.constant 0 : i32
    %max3A_409 = vector.broadcast %max3A_408 : i32 to vector<16xi32>
    %max3A_410 = arith.maxsi %sub3A_407, %max3A_409 : vector<16xi32>
    %add3A_411 = vector.broadcast %mul3A_388 : i32 to vector<16xi32>
    %add3A_412 = arith.addi %max3A_410, %add3A_411 : vector<16xi32>
    %swap3A_413 = arith.constant 12 : i32
    %swap3A_414 = arith.index_cast %swap3A_413 : i32 to index
    %swap3A_415 = arith.constant 8 : index
    %swap3A_416 = tpu.vector_load %arg11[%swap3A_414, %swap3A_415] {strides = array<i32>} : memref<48x24xi32, #tpu.memory_space<vmem>>, vector<16xi32>,
    tpu.vector_store %arg11[%swap3A_414, %swap3A_415], %add3A_412 {strides = array<i32>} : memref<48x24xi32, #tpu.memory_space<vmem>>, vector<16xi32>,
    %add3A_417 = arith.constant 0 : i32
    %add3A_418 = arith.addi %mul3A_2, %add3A_417 : i32
    %mul3A_419 = arith.constant 432 : i32
    %mul3A_420 = arith.muli %add3A_418, %mul3A_419 : i32
    %get3A_421 = arith.constant 312 : index
    %get3A_422 = tpu.vector_load %arg10[%get3A_421] {strides = array<i32>} : memref<1280xi32, #tpu.memory_space<vmem>>, vector<16xi32>,
    %get3A_423 = arith.constant 320 : index
    %get3A_424 = tpu.vector_load %arg10[%get3A_423] {strides = array<i32>} : memref<1280xi32, #tpu.memory_space<vmem>>, vector<16xi32>,
    %sub3A_425 = arith.constant 144 : i32
    %sub3A_426 = vector.broadcast %sub3A_425 : i32 to vector<16xi32>
    %sub3A_427 = arith.subi %get3A_422, %sub3A_426 : vector<16xi32>
    %max3A_428 = arith.constant 0 : i32
    %max3A_429 = vector.broadcast %max3A_428 : i32 to vector<16xi32>
    %max3A_430 = arith.maxsi %sub3A_427, %max3A_429 : vector<16xi32>
    %add3A_431 = vector.broadcast %mul3A_420 : i32 to vector<16xi32>
    %add3A_432 = arith.addi %max3A_430, %add3A_431 : vector<16xi32>
    %swap3A_433 = arith.constant 13 : i32
    %swap3A_434 = arith.index_cast %swap3A_433 : i32 to index
    %swap3A_435 = arith.constant 0 : index
    %swap3A_436 = tpu.vector_load %arg11[%swap3A_434, %swap3A_435] {strides = array<i32>} : memref<48x24xi32, #tpu.memory_space<vmem>>, vector<16xi32>,
    tpu.vector_store %arg11[%swap3A_434, %swap3A_435], %add3A_432 {strides = array<i32>} : memref<48x24xi32, #tpu.memory_space<vmem>>, vector<16xi32>,
    %sub3A_437 = arith.constant 144 : i32
    %sub3A_438 = vector.broadcast %sub3A_437 : i32 to vector<16xi32>
    %sub3A_439 = arith.subi %get3A_424, %sub3A_438 : vector<16xi32>
    %max3A_440 = arith.constant 0 : i32
    %max3A_441 = vector.broadcast %max3A_440 : i32 to vector<16xi32>
    %max3A_442 = arith.maxsi %sub3A_439, %max3A_441 : vector<16xi32>
    %add3A_443 = vector.broadcast %mul3A_420 : i32 to vector<16xi32>
    %add3A_444 = arith.addi %max3A_442, %add3A_443 : vector<16xi32>
    %swap3A_445 = arith.constant 13 : i32
    %swap3A_446 = arith.index_cast %swap3A_445 : i32 to index
    %swap3A_447 = arith.constant 8 : index
    %swap3A_448 = tpu.vector_load %arg11[%swap3A_446, %swap3A_447] {strides = array<i32>} : memref<48x24xi32, #tpu.memory_space<vmem>>, vector<16xi32>,
    tpu.vector_store %arg11[%swap3A_446, %swap3A_447], %add3A_444 {strides = array<i32>} : memref<48x24xi32, #tpu.memory_space<vmem>>, vector<16xi32>,
    %add3A_449 = arith.constant 0 : i32
    %add3A_450 = arith.addi %mul3A_2, %add3A_449 : i32
    %mul3A_451 = arith.constant 432 : i32
    %mul3A_452 = arith.muli %add3A_450, %mul3A_451 : i32
    %get3A_453 = arith.constant 336 : index
    %get3A_454 = tpu.vector_load %arg10[%get3A_453] {strides = array<i32>} : memref<1280xi32, #tpu.memory_space<vmem>>, vector<16xi32>,
    %get3A_455 = arith.constant 344 : index
    %get3A_456 = tpu.vector_load %arg10[%get3A_455] {strides = array<i32>} : memref<1280xi32, #tpu.memory_space<vmem>>, vector<16xi32>,
    %sub3A_457 = arith.constant 144 : i32
    %sub3A_458 = vector.broadcast %sub3A_457 : i32 to vector<16xi32>
    %sub3A_459 = arith.subi %get3A_454, %sub3A_458 : vector<16xi32>
    %max3A_460 = arith.constant 0 : i32
    %max3A_461 = vector.broadcast %max3A_460 : i32 to vector<16xi32>
    %max3A_462 = arith.maxsi %sub3A_459, %max3A_461 : vector<16xi32>
    %add3A_463 = vector.broadcast %mul3A_452 : i32 to vector<16xi32>
    %add3A_464 = arith.addi %max3A_462, %add3A_463 : vector<16xi32>
    %swap3A_465 = arith.constant 14 : i32
    %swap3A_466 = arith.index_cast %swap3A_465 : i32 to index
    %swap3A_467 = arith.constant 0 : index
    %swap3A_468 = tpu.vector_load %arg11[%swap3A_466, %swap3A_467] {strides = array<i32>} : memref<48x24xi32, #tpu.memory_space<vmem>>, vector<16xi32>,
    tpu.vector_store %arg11[%swap3A_466, %swap3A_467], %add3A_464 {strides = array<i32>} : memref<48x24xi32, #tpu.memory_space<vmem>>, vector<16xi32>,
    %sub3A_469 = arith.constant 144 : i32
    %sub3A_470 = vector.broadcast %sub3A_469 : i32 to vector<16xi32>
    %sub3A_471 = arith.subi %get3A_456, %sub3A_470 : vector<16xi32>
    %max3A_472 = arith.constant 0 : i32
    %max3A_473 = vector.broadcast %max3A_472 : i32 to vector<16xi32>
    %max3A_474 = arith.maxsi %sub3A_471, %max3A_473 : vector<16xi32>
    %add3A_475 = vector.broadcast %mul3A_452 : i32 to vector<16xi32>
    %add3A_476 = arith.addi %max3A_474, %add3A_475 : vector<16xi32>
    %swap3A_477 = arith.constant 14 : i32
    %swap3A_478 = arith.index_cast %swap3A_477 : i32 to index
    %swap3A_479 = arith.constant 8 : index
    %swap3A_480 = tpu.vector_load %arg11[%swap3A_478, %swap3A_479] {strides = array<i32>} : memref<48x24xi32, #tpu.memory_space<vmem>>, vector<16xi32>,
    tpu.vector_store %arg11[%swap3A_478, %swap3A_479], %add3A_476 {strides = array<i32>} : memref<48x24xi32, #tpu.memory_space<vmem>>, vector<16xi32>,
    %add3A_481 = arith.constant 0 : i32
    %add3A_482 = arith.addi %mul3A_2, %add3A_481 : i32
    %mul3A_483 = arith.constant 432 : i32
    %mul3A_484 = arith.muli %add3A_482, %mul3A_483 : i32
    %get3A_485 = arith.constant 360 : index
    %get3A_486 = tpu.vector_load %arg10[%get3A_485] {strides = array<i32>} : memref<1280xi32, #tpu.memory_space<vmem>>, vector<16xi32>,
    %get3A_487 = arith.constant 368 : index
    %get3A_488 = tpu.vector_load %arg10[%get3A_487] {strides = array<i32>} : memref<1280xi32, #tpu.memory_space<vmem>>, vector<16xi32>,
    %sub3A_489 = arith.constant 144 : i32
    %sub3A_490 = vector.broadcast %sub3A_489 : i32 to vector<16xi32>
    %sub3A_491 = arith.subi %get3A_486, %sub3A_490 : vector<16xi32>
    %max3A_492 = arith.constant 0 : i32
    %max3A_493 = vector.broadcast %max3A_492 : i32 to vector<16xi32>
    %max3A_494 = arith.maxsi %sub3A_491, %max3A_493 : vector<16xi32>
    %add3A_495 = vector.broadcast %mul3A_484 : i32 to vector<16xi32>
    %add3A_496 = arith.addi %max3A_494, %add3A_495 : vector<16xi32>
    %swap3A_497 = arith.constant 15 : i32
    %swap3A_498 = arith.index_cast %swap3A_497 : i32 to index
    %swap3A_499 = arith.constant 0 : index
    %swap3A_500 = tpu.vector_load %arg11[%swap3A_498, %swap3A_499] {strides = array<i32>} : memref<48x24xi32, #tpu.memory_space<vmem>>, vector<16xi32>,
    tpu.vector_store %arg11[%swap3A_498, %swap3A_499], %add3A_496 {strides = array<i32>} : memref<48x24xi32, #tpu.memory_space<vmem>>, vector<16xi32>,
    %sub3A_501 = arith.constant 144 : i32
    %sub3A_502 = vector.broadcast %sub3A_501 : i32 to vector<16xi32>
    %sub3A_503 = arith.subi %get3A_488, %sub3A_502 : vector<16xi32>
    %max3A_504 = arith.constant 0 : i32
    %max3A_505 = vector.broadcast %max3A_504 : i32 to vector<16xi32>
    %max3A_506 = arith.maxsi %sub3A_503, %max3A_505 : vector<16xi32>
    %add3A_507 = vector.broadcast %mul3A_484 : i32 to vector<16xi32>
    %add3A_508 = arith.addi %max3A_506, %add3A_507 : vector<16xi32>
    %swap3A_509 = arith.constant 15 : i32
    %swap3A_510 = arith.index_cast %swap3A_509 : i32 to index
    %swap3A_511 = arith.constant 8 : index
    %swap3A_512 = tpu.vector_load %arg11[%swap3A_510, %swap3A_511] {strides = array<i32>} : memref<48x24xi32, #tpu.memory_space<vmem>>, vector<16xi32>,
    tpu.vector_store %arg11[%swap3A_510, %swap3A_511], %add3A_508 {strides = array<i32>} : memref<48x24xi32, #tpu.memory_space<vmem>>, vector<16xi32>,
    %add3A_513 = arith.constant 0 : i32
    %add3A_514 = arith.addi %mul3A_2, %add3A_513 : i32
    %mul3A_515 = arith.constant 432 : i32
    %mul3A_516 = arith.muli %add3A_514, %mul3A_515 : i32
    %get3A_517 = arith.constant 384 : index
    %get3A_518 = tpu.vector_load %arg10[%get3A_517] {strides = array<i32>} : memref<1280xi32, #tpu.memory_space<vmem>>, vector<16xi32>,
    %get3A_519 = arith.constant 392 : index
    %get3A_520 = tpu.vector_load %arg10[%get3A_519] {strides = array<i32>} : memref<1280xi32, #tpu.memory_space<vmem>>, vector<16xi32>,
    %sub3A_521 = arith.constant 144 : i32
    %sub3A_522 = vector.broadcast %sub3A_521 : i32 to vector<16xi32>
    %sub3A_523 = arith.subi %get3A_518, %sub3A_522 : vector<16xi32>
    %max3A_524 = arith.constant 0 : i32
    %max3A_525 = vector.broadcast %max3A_524 : i32 to vector<16xi32>
    %max3A_526 = arith.maxsi %sub3A_523, %max3A_525 : vector<16xi32>
    %add3A_527 = vector.broadcast %mul3A_516 : i32 to vector<16xi32>
    %add3A_528 = arith.addi %max3A_526, %add3A_527 : vector<16xi32>
    %swap3A_529 = arith.constant 16 : i32
    %swap3A_530 = arith.index_cast %swap3A_529 : i32 to index
    %swap3A_531 = arith.constant 0 : index
    %swap3A_532 = tpu.vector_load %arg11[%swap3A_530, %swap3A_531] {strides = array<i32>} : memref<48x24xi32, #tpu.memory_space<vmem>>, vector<16xi32>,
    tpu.vector_store %arg11[%swap3A_530, %swap3A_531], %add3A_528 {strides = array<i32>} : memref<48x24xi32, #tpu.memory_space<vmem>>, vector<16xi32>,
    %sub3A_533 = arith.constant 144 : i32
    %sub3A_534 = vector.broadcast %sub3A_533 : i32 to vector<16xi32>
    %sub3A_535 = arith.subi %get3A_520, %sub3A_534 : vector<16xi32>
    %max3A_536 = arith.constant 0 : i32
    %max3A_537 = vector.broadcast %max3A_536 : i32 to vector<16xi32>
    %max3A_538 = arith.maxsi %sub3A_535, %max3A_537 : vector<16xi32>
    %add3A_539 = vector.broadcast %mul3A_516 : i32 to vector<16xi32>
    %add3A_540 = arith.addi %max3A_538, %add3A_539 : vector<16xi32>
    %swap3A_541 = arith.constant 16 : i32
    %swap3A_542 = arith.index_cast %swap3A_541 : i32 to index
    %swap3A_543 = arith.constant 8 : index
    %swap3A_544 = tpu.vector_load %arg11[%swap3A_542, %swap3A_543] {strides = array<i32>} : memref<48x24xi32, #tpu.memory_space<vmem>>, vector<16xi32>,
    tpu.vector_store %arg11[%swap3A_542, %swap3A_543], %add3A_540 {strides = array<i32>} : memref<48x24xi32, #tpu.memory_space<vmem>>, vector<16xi32>,
    %add3A_545 = arith.constant 0 : i32
    %add3A_546 = arith.addi %mul3A_2, %add3A_545 : i32
    %mul3A_547 = arith.constant 432 : i32
    %mul3A_548 = arith.muli %add3A_546, %mul3A_547 : i32
    %get3A_549 = arith.constant 408 : index
    %get3A_550 = tpu.vector_load %arg10[%get3A_549] {strides = array<i32>} : memref<1280xi32, #tpu.memory_space<vmem>>, vector<16xi32>,
    %get3A_551 = arith.constant 416 : index
    %get3A_552 = tpu.vector_load %arg10[%get3A_551] {strides = array<i32>} : memref<1280xi32, #tpu.memory_space<vmem>>, vector<16xi32>,
    %sub3A_553 = arith.constant 144 : i32
    %sub3A_554 = vector.broadcast %sub3A_553 : i32 to vector<16xi32>
    %sub3A_555 = arith.subi %get3A_550, %sub3A_554 : vector<16xi32>
    %max3A_556 = arith.constant 0 : i32
    %max3A_557 = vector.broadcast %max3A_556 : i32 to vector<16xi32>
    %max3A_558 = arith.maxsi %sub3A_555, %max3A_557 : vector<16xi32>
    %add3A_559 = vector.broadcast %mul3A_548 : i32 to vector<16xi32>
    %add3A_560 = arith.addi %max3A_558, %add3A_559 : vector<16xi32>
    %swap3A_561 = arith.constant 17 : i32
    %swap3A_562 = arith.index_cast %swap3A_561 : i32 to index
    %swap3A_563 = arith.constant 0 : index
    %swap3A_564 = tpu.vector_load %arg11[%swap3A_562, %swap3A_563] {strides = array<i32>} : memref<48x24xi32, #tpu.memory_space<vmem>>, vector<16xi32>,
    tpu.vector_store %arg11[%swap3A_562, %swap3A_563], %add3A_560 {strides = array<i32>} : memref<48x24xi32, #tpu.memory_space<vmem>>, vector<16xi32>,
    %sub3A_565 = arith.constant 144 : i32
    %sub3A_566 = vector.broadcast %sub3A_565 : i32 to vector<16xi32>
    %sub3A_567 = arith.subi %get3A_552, %sub3A_566 : vector<16xi32>
    %max3A_568 = arith.constant 0 : i32
    %max3A_569 = vector.broadcast %max3A_568 : i32 to vector<16xi32>
    %max3A_570 = arith.maxsi %sub3A_567, %max3A_569 : vector<16xi32>
    %add3A_571 = vector.broadcast %mul3A_548 : i32 to vector<16xi32>
    %add3A_572 = arith.addi %max3A_570, %add3A_571 : vector<16xi32>
    %swap3A_573 = arith.constant 17 : i32
    %swap3A_574 = arith.index_cast %swap3A_573 : i32 to index
    %swap3A_575 = arith.constant 8 : index
    %swap3A_576 = tpu.vector_load %arg11[%swap3A_574, %swap3A_575] {strides = array<i32>} : memref<48x24xi32, #tpu.memory_space<vmem>>, vector<16xi32>,
    tpu.vector_store %arg11[%swap3A_574, %swap3A_575], %add3A_572 {strides = array<i32>} : memref<48x24xi32, #tpu.memory_space<vmem>>, vector<16xi32>,
    %add3A_577 = arith.constant 0 : i32
    %add3A_578 = arith.addi %mul3A_2, %add3A_577 : i32
    %mul3A_579 = arith.constant 432 : i32
    %mul3A_580 = arith.muli %add3A_578, %mul3A_579 : i32
    %get3A_581 = arith.constant 432 : index
    %get3A_582 = tpu.vector_load %arg10[%get3A_581] {strides = array<i32>} : memref<1280xi32, #tpu.memory_space<vmem>>, vector<16xi32>,
    %get3A_583 = arith.constant 440 : index
    %get3A_584 = tpu.vector_load %arg10[%get3A_583] {strides = array<i32>} : memref<1280xi32, #tpu.memory_space<vmem>>, vector<16xi32>,
    %sub3A_585 = arith.constant 144 : i32
    %sub3A_586 = vector.broadcast %sub3A_585 : i32 to vector<16xi32>
    %sub3A_587 = arith.subi %get3A_582, %sub3A_586 : vector<16xi32>
    %max3A_588 = arith.constant 0 : i32
    %max3A_589 = vector.broadcast %max3A_588 : i32 to vector<16xi32>
    %max3A_590 = arith.maxsi %sub3A_587, %max3A_589 : vector<16xi32>
    %add3A_591 = vector.broadcast %mul3A_580 : i32 to vector<16xi32>
    %add3A_592 = arith.addi %max3A_590, %add3A_591 : vector<16xi32>
    %swap3A_593 = arith.constant 18 : i32
    %swap3A_594 = arith.index_cast %swap3A_593 : i32 to index
    %swap3A_595 = arith.constant 0 : index
    %swap3A_596 = tpu.vector_load %arg11[%swap3A_594, %swap3A_595] {strides = array<i32>} : memref<48x24xi32, #tpu.memory_space<vmem>>, vector<16xi32>,
    tpu.vector_store %arg11[%swap3A_594, %swap3A_595], %add3A_592 {strides = array<i32>} : memref<48x24xi32, #tpu.memory_space<vmem>>, vector<16xi32>,
    %sub3A_597 = arith.constant 144 : i32
    %sub3A_598 = vector.broadcast %sub3A_597 : i32 to vector<16xi32>
    %sub3A_599 = arith.subi %get3A_584, %sub3A_598 : vector<16xi32>
    %max3A_600 = arith.constant 0 : i32
    %max3A_601 = vector.broadcast %max3A_600 : i32 to vector<16xi32>
    %max3A_602 = arith.maxsi %sub3A_599, %max3A_601 : vector<16xi32>
    %add3A_603 = vector.broadcast %mul3A_580 : i32 to vector<16xi32>
    %add3A_604 = arith.addi %max3A_602, %add3A_603 : vector<16xi32>
    %swap3A_605 = arith.constant 18 : i32
    %swap3A_606 = arith.index_cast %swap3A_605 : i32 to index
    %swap3A_607 = arith.constant 8 : index
    %swap3A_608 = tpu.vector_load %arg11[%swap3A_606, %swap3A_607] {strides = array<i32>} : memref<48x24xi32, #tpu.memory_space<vmem>>, vector<16xi32>,
    tpu.vector_store %arg11[%swap3A_606, %swap3A_607], %add3A_604 {strides = array<i32>} : memref<48x24xi32, #tpu.memory_space<vmem>>, vector<16xi32>,
    %add3A_609 = arith.constant 0 : i32
    %add3A_610 = arith.addi %mul3A_2, %add3A_609 : i32
    %mul3A_611 = arith.constant 432 : i32
    %mul3A_612 = arith.muli %add3A_610, %mul3A_611 : i32
    %get3A_613 = arith.constant 456 : index
    %get3A_614 = tpu.vector_load %arg10[%get3A_613] {strides = array<i32>} : memref<1280xi32, #tpu.memory_space<vmem>>, vector<16xi32>,
    %get3A_615 = arith.constant 464 : index
    %get3A_616 = tpu.vector_load %arg10[%get3A_615] {strides = array<i32>} : memref<1280xi32, #tpu.memory_space<vmem>>, vector<16xi32>,
    %sub3A_617 = arith.constant 144 : i32
    %sub3A_618 = vector.broadcast %sub3A_617 : i32 to vector<16xi32>
    %sub3A_619 = arith.subi %get3A_614, %sub3A_618 : vector<16xi32>
    %max3A_620 = arith.constant 0 : i32
    %max3A_621 = vector.broadcast %max3A_620 : i32 to vector<16xi32>
    %max3A_622 = arith.maxsi %sub3A_619, %max3A_621 : vector<16xi32>
    %add3A_623 = vector.broadcast %mul3A_612 : i32 to vector<16xi32>
    %add3A_624 = arith.addi %max3A_622, %add3A_623 : vector<16xi32>
    %swap3A_625 = arith.constant 19 : i32
    %swap3A_626 = arith.index_cast %swap3A_625 : i32 to index
    %swap3A_627 = arith.constant 0 : index
    %swap3A_628 = tpu.vector_load %arg11[%swap3A_626, %swap3A_627] {strides = array<i32>} : memref<48x24xi32, #tpu.memory_space<vmem>>, vector<16xi32>,
    tpu.vector_store %arg11[%swap3A_626, %swap3A_627], %add3A_624 {strides = array<i32>} : memref<48x24xi32, #tpu.memory_space<vmem>>, vector<16xi32>,
    %sub3A_629 = arith.constant 144 : i32
    %sub3A_630 = vector.broadcast %sub3A_629 : i32 to vector<16xi32>
    %sub3A_631 = arith.subi %get3A_616, %sub3A_630 : vector<16xi32>
    %max3A_632 = arith.constant 0 : i32
    %max3A_633 = vector.broadcast %max3A_632 : i32 to vector<16xi32>
    %max3A_634 = arith.maxsi %sub3A_631, %max3A_633 : vector<16xi32>
    %add3A_635 = vector.broadcast %mul3A_612 : i32 to vector<16xi32>
    %add3A_636 = arith.addi %max3A_634, %add3A_635 : vector<16xi32>
    %swap3A_637 = arith.constant 19 : i32
    %swap3A_638 = arith.index_cast %swap3A_637 : i32 to index
    %swap3A_639 = arith.constant 8 : index
    %swap3A_640 = tpu.vector_load %arg11[%swap3A_638, %swap3A_639] {strides = array<i32>} : memref<48x24xi32, #tpu.memory_space<vmem>>, vector<16xi32>,
    tpu.vector_store %arg11[%swap3A_638, %swap3A_639], %add3A_636 {strides = array<i32>} : memref<48x24xi32, #tpu.memory_space<vmem>>, vector<16xi32>,
    %add3A_641 = arith.constant 0 : i32
    %add3A_642 = arith.addi %mul3A_2, %add3A_641 : i32
    %mul3A_643 = arith.constant 432 : i32
    %mul3A_644 = arith.muli %add3A_642, %mul3A_643 : i32
    %get3A_645 = arith.constant 480 : index
    %get3A_646 = tpu.vector_load %arg10[%get3A_645] {strides = array<i32>} : memref<1280xi32, #tpu.memory_space<vmem>>, vector<16xi32>,
    %get3A_647 = arith.constant 488 : index
    %get3A_648 = tpu.vector_load %arg10[%get3A_647] {strides = array<i32>} : memref<1280xi32, #tpu.memory_space<vmem>>, vector<16xi32>,
    %sub3A_649 = arith.constant 144 : i32
    %sub3A_650 = vector.broadcast %sub3A_649 : i32 to vector<16xi32>
    %sub3A_651 = arith.subi %get3A_646, %sub3A_650 : vector<16xi32>
    %max3A_652 = arith.constant 0 : i32
    %max3A_653 = vector.broadcast %max3A_652 : i32 to vector<16xi32>
    %max3A_654 = arith.maxsi %sub3A_651, %max3A_653 : vector<16xi32>
    %add3A_655 = vector.broadcast %mul3A_644 : i32 to vector<16xi32>
    %add3A_656 = arith.addi %max3A_654, %add3A_655 : vector<16xi32>
    %swap3A_657 = arith.constant 20 : i32
    %swap3A_658 = arith.index_cast %swap3A_657 : i32 to index
    %swap3A_659 = arith.constant 0 : index
    %swap3A_660 = tpu.vector_load %arg11[%swap3A_658, %swap3A_659] {strides = array<i32>} : memref<48x24xi32, #tpu.memory_space<vmem>>, vector<16xi32>,
    tpu.vector_store %arg11[%swap3A_658, %swap3A_659], %add3A_656 {strides = array<i32>} : memref<48x24xi32, #tpu.memory_space<vmem>>, vector<16xi32>,
    %sub3A_661 = arith.constant 144 : i32
    %sub3A_662 = vector.broadcast %sub3A_661 : i32 to vector<16xi32>
    %sub3A_663 = arith.subi %get3A_648, %sub3A_662 : vector<16xi32>
    %max3A_664 = arith.constant 0 : i32
    %max3A_665 = vector.broadcast %max3A_664 : i32 to vector<16xi32>
    %max3A_666 = arith.maxsi %sub3A_663, %max3A_665 : vector<16xi32>
    %add3A_667 = vector.broadcast %mul3A_644 : i32 to vector<16xi32>
    %add3A_668 = arith.addi %max3A_666, %add3A_667 : vector<16xi32>
    %swap3A_669 = arith.constant 20 : i32
    %swap3A_670 = arith.index_cast %swap3A_669 : i32 to index
    %swap3A_671 = arith.constant 8 : index
    %swap3A_672 = tpu.vector_load %arg11[%swap3A_670, %swap3A_671] {strides = array<i32>} : memref<48x24xi32, #tpu.memory_space<vmem>>, vector<16xi32>,
    tpu.vector_store %arg11[%swap3A_670, %swap3A_671], %add3A_668 {strides = array<i32>} : memref<48x24xi32, #tpu.memory_space<vmem>>, vector<16xi32>,
    %add3A_673 = arith.constant 0 : i32
    %add3A_674 = arith.addi %mul3A_2, %add3A_673 : i32
    %mul3A_675 = arith.constant 432 : i32
    %mul3A_676 = arith.muli %add3A_674, %mul3A_675 : i32
    %get3A_677 = arith.constant 504 : index
    %get3A_678 = tpu.vector_load %arg10[%get3A_677] {strides = array<i32>} : memref<1280xi32, #tpu.memory_space<vmem>>, vector<16xi32>,
    %get3A_679 = arith.constant 512 : index
    %get3A_680 = tpu.vector_load %arg10[%get3A_679] {strides = array<i32>} : memref<1280xi32, #tpu.memory_space<vmem>>, vector<16xi32>,
    %sub3A_681 = arith.constant 144 : i32
    %sub3A_682 = vector.broadcast %sub3A_681 : i32 to vector<16xi32>
    %sub3A_683 = arith.subi %get3A_678, %sub3A_682 : vector<16xi32>
    %max3A_684 = arith.constant 0 : i32
    %max3A_685 = vector.broadcast %max3A_684 : i32 to vector<16xi32>
    %max3A_686 = arith.maxsi %sub3A_683, %max3A_685 : vector<16xi32>
    %add3A_687 = vector.broadcast %mul3A_676 : i32 to vector<16xi32>
    %add3A_688 = arith.addi %max3A_686, %add3A_687 : vector<16xi32>
    %swap3A_689 = arith.constant 21 : i32
    %swap3A_690 = arith.index_cast %swap3A_689 : i32 to index
    %swap3A_691 = arith.constant 0 : index
    %swap3A_692 = tpu.vector_load %arg11[%swap3A_690, %swap3A_691] {strides = array<i32>} : memref<48x24xi32, #tpu.memory_space<vmem>>, vector<16xi32>,
    tpu.vector_store %arg11[%swap3A_690, %swap3A_691], %add3A_688 {strides = array<i32>} : memref<48x24xi32, #tpu.memory_space<vmem>>, vector<16xi32>,
    %sub3A_693 = arith.constant 144 : i32
    %sub3A_694 = vector.broadcast %sub3A_693 : i32 to vector<16xi32>
    %sub3A_695 = arith.subi %get3A_680, %sub3A_694 : vector<16xi32>
    %max3A_696 = arith.constant 0 : i32
    %max3A_697 = vector.broadcast %max3A_696 : i32 to vector<16xi32>
    %max3A_698 = arith.maxsi %sub3A_695, %max3A_697 : vector<16xi32>
    %add3A_699 = vector.broadcast %mul3A_676 : i32 to vector<16xi32>
    %add3A_700 = arith.addi %max3A_698, %add3A_699 : vector<16xi32>
    %swap3A_701 = arith.constant 21 : i32
    %swap3A_702 = arith.index_cast %swap3A_701 : i32 to index
    %swap3A_703 = arith.constant 8 : index
    %swap3A_704 = tpu.vector_load %arg11[%swap3A_702, %swap3A_703] {strides = array<i32>} : memref<48x24xi32, #tpu.memory_space<vmem>>, vector<16xi32>,
    tpu.vector_store %arg11[%swap3A_702, %swap3A_703], %add3A_700 {strides = array<i32>} : memref<48x24xi32, #tpu.memory_space<vmem>>, vector<16xi32>,
    %add3A_705 = arith.constant 0 : i32
    %add3A_706 = arith.addi %mul3A_2, %add3A_705 : i32
    %mul3A_707 = arith.constant 432 : i32
    %mul3A_708 = arith.muli %add3A_706, %mul3A_707 : i32
    %get3A_709 = arith.constant 528 : index
    %get3A_710 = tpu.vector_load %arg10[%get3A_709] {strides = array<i32>} : memref<1280xi32, #tpu.memory_space<vmem>>, vector<16xi32>,
    %get3A_711 = arith.constant 536 : index
    %get3A_712 = tpu.vector_load %arg10[%get3A_711] {strides = array<i32>} : memref<1280xi32, #tpu.memory_space<vmem>>, vector<16xi32>,
    %sub3A_713 = arith.constant 144 : i32
    %sub3A_714 = vector.broadcast %sub3A_713 : i32 to vector<16xi32>
    %sub3A_715 = arith.subi %get3A_710, %sub3A_714 : vector<16xi32>
    %max3A_716 = arith.constant 0 : i32
    %max3A_717 = vector.broadcast %max3A_716 : i32 to vector<16xi32>
    %max3A_718 = arith.maxsi %sub3A_715, %max3A_717 : vector<16xi32>
    %add3A_719 = vector.broadcast %mul3A_708 : i32 to vector<16xi32>
    %add3A_720 = arith.addi %max3A_718, %add3A_719 : vector<16xi32>
    %swap3A_721 = arith.constant 22 : i32
    %swap3A_722 = arith.index_cast %swap3A_721 : i32 to index
    %swap3A_723 = arith.constant 0 : index
    %swap3A_724 = tpu.vector_load %arg11[%swap3A_722, %swap3A_723] {strides = array<i32>} : memref<48x24xi32, #tpu.memory_space<vmem>>, vector<16xi32>,
    tpu.vector_store %arg11[%swap3A_722, %swap3A_723], %add3A_720 {strides = array<i32>} : memref<48x24xi32, #tpu.memory_space<vmem>>, vector<16xi32>,
    %sub3A_725 = arith.constant 144 : i32
    %sub3A_726 = vector.broadcast %sub3A_725 : i32 to vector<16xi32>
    %sub3A_727 = arith.subi %get3A_712, %sub3A_726 : vector<16xi32>
    %max3A_728 = arith.constant 0 : i32
    %max3A_729 = vector.broadcast %max3A_728 : i32 to vector<16xi32>
    %max3A_730 = arith.maxsi %sub3A_727, %max3A_729 : vector<16xi32>
    %add3A_731 = vector.broadcast %mul3A_708 : i32 to vector<16xi32>
    %add3A_732 = arith.addi %max3A_730, %add3A_731 : vector<16xi32>
    %swap3A_733 = arith.constant 22 : i32
    %swap3A_734 = arith.index_cast %swap3A_733 : i32 to index
    %swap3A_735 = arith.constant 8 : index
    %swap3A_736 = tpu.vector_load %arg11[%swap3A_734, %swap3A_735] {strides = array<i32>} : memref<48x24xi32, #tpu.memory_space<vmem>>, vector<16xi32>,
    tpu.vector_store %arg11[%swap3A_734, %swap3A_735], %add3A_732 {strides = array<i32>} : memref<48x24xi32, #tpu.memory_space<vmem>>, vector<16xi32>,
    %add3A_737 = arith.constant 0 : i32
    %add3A_738 = arith.addi %mul3A_2, %add3A_737 : i32
    %mul3A_739 = arith.constant 432 : i32
    %mul3A_740 = arith.muli %add3A_738, %mul3A_739 : i32
    %get3A_741 = arith.constant 552 : index
    %get3A_742 = tpu.vector_load %arg10[%get3A_741] {strides = array<i32>} : memref<1280xi32, #tpu.memory_space<vmem>>, vector<16xi32>,
    %get3A_743 = arith.constant 560 : index
    %get3A_744 = tpu.vector_load %arg10[%get3A_743] {strides = array<i32>} : memref<1280xi32, #tpu.memory_space<vmem>>, vector<16xi32>,
    %sub3A_745 = arith.constant 144 : i32
    %sub3A_746 = vector.broadcast %sub3A_745 : i32 to vector<16xi32>
    %sub3A_747 = arith.subi %get3A_742, %sub3A_746 : vector<16xi32>
    %max3A_748 = arith.constant 0 : i32
    %max3A_749 = vector.broadcast %max3A_748 : i32 to vector<16xi32>
    %max3A_750 = arith.maxsi %sub3A_747, %max3A_749 : vector<16xi32>
    %add3A_751 = vector.broadcast %mul3A_740 : i32 to vector<16xi32>
    %add3A_752 = arith.addi %max3A_750, %add3A_751 : vector<16xi32>
    %swap3A_753 = arith.constant 23 : i32
    %swap3A_754 = arith.index_cast %swap3A_753 : i32 to index
    %swap3A_755 = arith.constant 0 : index
    %swap3A_756 = tpu.vector_load %arg11[%swap3A_754, %swap3A_755] {strides = array<i32>} : memref<48x24xi32, #tpu.memory_space<vmem>>, vector<16xi32>,
    tpu.vector_store %arg11[%swap3A_754, %swap3A_755], %add3A_752 {strides = array<i32>} : memref<48x24xi32, #tpu.memory_space<vmem>>, vector<16xi32>,
    %sub3A_757 = arith.constant 144 : i32
    %sub3A_758 = vector.broadcast %sub3A_757 : i32 to vector<16xi32>
    %sub3A_759 = arith.subi %get3A_744, %sub3A_758 : vector<16xi32>
    %max3A_760 = arith.constant 0 : i32
    %max3A_761 = vector.broadcast %max3A_760 : i32 to vector<16xi32>
    %max3A_762 = arith.maxsi %sub3A_759, %max3A_761 : vector<16xi32>
    %add3A_763 = vector.broadcast %mul3A_740 : i32 to vector<16xi32>
    %add3A_764 = arith.addi %max3A_762, %add3A_763 : vector<16xi32>
    %swap3A_765 = arith.constant 23 : i32
    %swap3A_766 = arith.index_cast %swap3A_765 : i32 to index
    %swap3A_767 = arith.constant 8 : index
    %swap3A_768 = tpu.vector_load %arg11[%swap3A_766, %swap3A_767] {strides = array<i32>} : memref<48x24xi32, #tpu.memory_space<vmem>>, vector<16xi32>,
    tpu.vector_store %arg11[%swap3A_766, %swap3A_767], %add3A_764 {strides = array<i32>} : memref<48x24xi32, #tpu.memory_space<vmem>>, vector<16xi32>,
    %add3A_769 = arith.constant 1 : i32
    %add3A_770 = arith.addi %mul3A_2, %add3A_769 : i32
    %mul3A_771 = arith.constant 432 : i32
    %mul3A_772 = arith.muli %add3A_770, %mul3A_771 : i32
    %get3A_773 = arith.constant 640 : index
    %get3A_774 = tpu.vector_load %arg10[%get3A_773] {strides = array<i32>} : memref<1280xi32, #tpu.memory_space<vmem>>, vector<16xi32>,
    %get3A_775 = arith.constant 648 : index
    %get3A_776 = tpu.vector_load %arg10[%get3A_775] {strides = array<i32>} : memref<1280xi32, #tpu.memory_space<vmem>>, vector<16xi32>,
    %sub3A_777 = arith.constant 144 : i32
    %sub3A_778 = vector.broadcast %sub3A_777 : i32 to vector<16xi32>
    %sub3A_779 = arith.subi %get3A_774, %sub3A_778 : vector<16xi32>
    %max3A_780 = arith.constant 0 : i32
    %max3A_781 = vector.broadcast %max3A_780 : i32 to vector<16xi32>
    %max3A_782 = arith.maxsi %sub3A_779, %max3A_781 : vector<16xi32>
    %add3A_783 = vector.broadcast %mul3A_772 : i32 to vector<16xi32>
    %add3A_784 = arith.addi %max3A_782, %add3A_783 : vector<16xi32>
    %swap3A_785 = arith.constant 24 : i32
    %swap3A_786 = arith.index_cast %swap3A_785 : i32 to index
    %swap3A_787 = arith.constant 0 : index
    %swap3A_788 = tpu.vector_load %arg11[%swap3A_786, %swap3A_787] {strides = array<i32>} : memref<48x24xi32, #tpu.memory_space<vmem>>, vector<16xi32>,
    tpu.vector_store %arg11[%swap3A_786, %swap3A_787], %add3A_784 {strides = array<i32>} : memref<48x24xi32, #tpu.memory_space<vmem>>, vector<16xi32>,
    %sub3A_789 = arith.constant 144 : i32
    %sub3A_790 = vector.broadcast %sub3A_789 : i32 to vector<16xi32>
    %sub3A_791 = arith.subi %get3A_776, %sub3A_790 : vector<16xi32>
    %max3A_792 = arith.constant 0 : i32
    %max3A_793 = vector.broadcast %max3A_792 : i32 to vector<16xi32>
    %max3A_794 = arith.maxsi %sub3A_791, %max3A_793 : vector<16xi32>
    %add3A_795 = vector.broadcast %mul3A_772 : i32 to vector<16xi32>
    %add3A_796 = arith.addi %max3A_794, %add3A_795 : vector<16xi32>
    %swap3A_797 = arith.constant 24 : i32
    %swap3A_798 = arith.index_cast %swap3A_797 : i32 to index
    %swap3A_799 = arith.constant 8 : index
    %swap3A_800 = tpu.vector_load %arg11[%swap3A_798, %swap3A_799] {strides = array<i32>} : memref<48x24xi32, #tpu.memory_space<vmem>>, vector<16xi32>,
    tpu.vector_store %arg11[%swap3A_798, %swap3A_799], %add3A_796 {strides = array<i32>} : memref<48x24xi32, #tpu.memory_space<vmem>>, vector<16xi32>,
    %add3A_801 = arith.constant 1 : i32
    %add3A_802 = arith.addi %mul3A_2, %add3A_801 : i32
    %mul3A_803 = arith.constant 432 : i32
    %mul3A_804 = arith.muli %add3A_802, %mul3A_803 : i32
    %get3A_805 = arith.constant 664 : index
    %get3A_806 = tpu.vector_load %arg10[%get3A_805] {strides = array<i32>} : memref<1280xi32, #tpu.memory_space<vmem>>, vector<16xi32>,
    %get3A_807 = arith.constant 672 : index
    %get3A_808 = tpu.vector_load %arg10[%get3A_807] {strides = array<i32>} : memref<1280xi32, #tpu.memory_space<vmem>>, vector<16xi32>,
    %sub3A_809 = arith.constant 144 : i32
    %sub3A_810 = vector.broadcast %sub3A_809 : i32 to vector<16xi32>
    %sub3A_811 = arith.subi %get3A_806, %sub3A_810 : vector<16xi32>
    %max3A_812 = arith.constant 0 : i32
    %max3A_813 = vector.broadcast %max3A_812 : i32 to vector<16xi32>
    %max3A_814 = arith.maxsi %sub3A_811, %max3A_813 : vector<16xi32>
    %add3A_815 = vector.broadcast %mul3A_804 : i32 to vector<16xi32>
    %add3A_816 = arith.addi %max3A_814, %add3A_815 : vector<16xi32>
    %swap3A_817 = arith.constant 25 : i32
    %swap3A_818 = arith.index_cast %swap3A_817 : i32 to index
    %swap3A_819 = arith.constant 0 : index
    %swap3A_820 = tpu.vector_load %arg11[%swap3A_818, %swap3A_819] {strides = array<i32>} : memref<48x24xi32, #tpu.memory_space<vmem>>, vector<16xi32>,
    tpu.vector_store %arg11[%swap3A_818, %swap3A_819], %add3A_816 {strides = array<i32>} : memref<48x24xi32, #tpu.memory_space<vmem>>, vector<16xi32>,
    %sub3A_821 = arith.constant 144 : i32
    %sub3A_822 = vector.broadcast %sub3A_821 : i32 to vector<16xi32>
    %sub3A_823 = arith.subi %get3A_808, %sub3A_822 : vector<16xi32>
    %max3A_824 = arith.constant 0 : i32
    %max3A_825 = vector.broadcast %max3A_824 : i32 to vector<16xi32>
    %max3A_826 = arith.maxsi %sub3A_823, %max3A_825 : vector<16xi32>
    %add3A_827 = vector.broadcast %mul3A_804 : i32 to vector<16xi32>
    %add3A_828 = arith.addi %max3A_826, %add3A_827 : vector<16xi32>
    %swap3A_829 = arith.constant 25 : i32
    %swap3A_830 = arith.index_cast %swap3A_829 : i32 to index
    %swap3A_831 = arith.constant 8 : index
    %swap3A_832 = tpu.vector_load %arg11[%swap3A_830, %swap3A_831] {strides = array<i32>} : memref<48x24xi32, #tpu.memory_space<vmem>>, vector<16xi32>,
    tpu.vector_store %arg11[%swap3A_830, %swap3A_831], %add3A_828 {strides = array<i32>} : memref<48x24xi32, #tpu.memory_space<vmem>>, vector<16xi32>,
    %add3A_833 = arith.constant 1 : i32
    %add3A_834 = arith.addi %mul3A_2, %add3A_833 : i32
    %mul3A_835 = arith.constant 432 : i32
    %mul3A_836 = arith.muli %add3A_834, %mul3A_835 : i32
    %get3A_837 = arith.constant 688 : index
    %get3A_838 = tpu.vector_load %arg10[%get3A_837] {strides = array<i32>} : memref<1280xi32, #tpu.memory_space<vmem>>, vector<16xi32>,
    %get3A_839 = arith.constant 696 : index
    %get3A_840 = tpu.vector_load %arg10[%get3A_839] {strides = array<i32>} : memref<1280xi32, #tpu.memory_space<vmem>>, vector<16xi32>,
    %sub3A_841 = arith.constant 144 : i32
    %sub3A_842 = vector.broadcast %sub3A_841 : i32 to vector<16xi32>
    %sub3A_843 = arith.subi %get3A_838, %sub3A_842 : vector<16xi32>
    %max3A_844 = arith.constant 0 : i32
    %max3A_845 = vector.broadcast %max3A_844 : i32 to vector<16xi32>
    %max3A_846 = arith.maxsi %sub3A_843, %max3A_845 : vector<16xi32>
    %add3A_847 = vector.broadcast %mul3A_836 : i32 to vector<16xi32>
    %add3A_848 = arith.addi %max3A_846, %add3A_847 : vector<16xi32>
    %swap3A_849 = arith.constant 26 : i32
    %swap3A_850 = arith.index_cast %swap3A_849 : i32 to index
    %swap3A_851 = arith.constant 0 : index
    %swap3A_852 = tpu.vector_load %arg11[%swap3A_850, %swap3A_851] {strides = array<i32>} : memref<48x24xi32, #tpu.memory_space<vmem>>, vector<16xi32>,
    tpu.vector_store %arg11[%swap3A_850, %swap3A_851], %add3A_848 {strides = array<i32>} : memref<48x24xi32, #tpu.memory_space<vmem>>, vector<16xi32>,
    %sub3A_853 = arith.constant 144 : i32
    %sub3A_854 = vector.broadcast %sub3A_853 : i32 to vector<16xi32>
    %sub3A_855 = arith.subi %get3A_840, %sub3A_854 : vector<16xi32>
    %max3A_856 = arith.constant 0 : i32
    %max3A_857 = vector.broadcast %max3A_856 : i32 to vector<16xi32>
    %max3A_858 = arith.maxsi %sub3A_855, %max3A_857 : vector<16xi32>
    %add3A_859 = vector.broadcast %mul3A_836 : i32 to vector<16xi32>
    %add3A_860 = arith.addi %max3A_858, %add3A_859 : vector<16xi32>
    %swap3A_861 = arith.constant 26 : i32
    %swap3A_862 = arith.index_cast %swap3A_861 : i32 to index
    %swap3A_863 = arith.constant 8 : index
    %swap3A_864 = tpu.vector_load %arg11[%swap3A_862, %swap3A_863] {strides = array<i32>} : memref<48x24xi32, #tpu.memory_space<vmem>>, vector<16xi32>,
    tpu.vector_store %arg11[%swap3A_862, %swap3A_863], %add3A_860 {strides = array<i32>} : memref<48x24xi32, #tpu.memory_space<vmem>>, vector<16xi32>,
    %add3A_865 = arith.constant 1 : i32
    %add3A_866 = arith.addi %mul3A_2, %add3A_865 : i32
    %mul3A_867 = arith.constant 432 : i32
    %mul3A_868 = arith.muli %add3A_866, %mul3A_867 : i32
    %get3A_869 = arith.constant 712 : index
    %get3A_870 = tpu.vector_load %arg10[%get3A_869] {strides = array<i32>} : memref<1280xi32, #tpu.memory_space<vmem>>, vector<16xi32>,
    %get3A_871 = arith.constant 720 : index
    %get3A_872 = tpu.vector_load %arg10[%get3A_871] {strides = array<i32>} : memref<1280xi32, #tpu.memory_space<vmem>>, vector<16xi32>,
    %sub3A_873 = arith.constant 144 : i32
    %sub3A_874 = vector.broadcast %sub3A_873 : i32 to vector<16xi32>
    %sub3A_875 = arith.subi %get3A_870, %sub3A_874 : vector<16xi32>
    %max3A_876 = arith.constant 0 : i32
    %max3A_877 = vector.broadcast %max3A_876 : i32 to vector<16xi32>
    %max3A_878 = arith.maxsi %sub3A_875, %max3A_877 : vector<16xi32>
    %add3A_879 = vector.broadcast %mul3A_868 : i32 to vector<16xi32>
    %add3A_880 = arith.addi %max3A_878, %add3A_879 : vector<16xi32>
    %swap3A_881 = arith.constant 27 : i32
    %swap3A_882 = arith.index_cast %swap3A_881 : i32 to index
    %swap3A_883 = arith.constant 0 : index
    %swap3A_884 = tpu.vector_load %arg11[%swap3A_882, %swap3A_883] {strides = array<i32>} : memref<48x24xi32, #tpu.memory_space<vmem>>, vector<16xi32>,
    tpu.vector_store %arg11[%swap3A_882, %swap3A_883], %add3A_880 {strides = array<i32>} : memref<48x24xi32, #tpu.memory_space<vmem>>, vector<16xi32>,
    %sub3A_885 = arith.constant 144 : i32
    %sub3A_886 = vector.broadcast %sub3A_885 : i32 to vector<16xi32>
    %sub3A_887 = arith.subi %get3A_872, %sub3A_886 : vector<16xi32>
    %max3A_888 = arith.constant 0 : i32
    %max3A_889 = vector.broadcast %max3A_888 : i32 to vector<16xi32>
    %max3A_890 = arith.maxsi %sub3A_887, %max3A_889 : vector<16xi32>
    %add3A_891 = vector.broadcast %mul3A_868 : i32 to vector<16xi32>
    %add3A_892 = arith.addi %max3A_890, %add3A_891 : vector<16xi32>
    %swap3A_893 = arith.constant 27 : i32
    %swap3A_894 = arith.index_cast %swap3A_893 : i32 to index
    %swap3A_895 = arith.constant 8 : index
    %swap3A_896 = tpu.vector_load %arg11[%swap3A_894, %swap3A_895] {strides = array<i32>} : memref<48x24xi32, #tpu.memory_space<vmem>>, vector<16xi32>,
    tpu.vector_store %arg11[%swap3A_894, %swap3A_895], %add3A_892 {strides = array<i32>} : memref<48x24xi32, #tpu.memory_space<vmem>>, vector<16xi32>,
    %add3A_897 = arith.constant 1 : i32
    %add3A_898 = arith.addi %mul3A_2, %add3A_897 : i32
    %mul3A_899 = arith.constant 432 : i32
    %mul3A_900 = arith.muli %add3A_898, %mul3A_899 : i32
    %get3A_901 = arith.constant 736 : index
    %get3A_902 = tpu.vector_load %arg10[%get3A_901] {strides = array<i32>} : memref<1280xi32, #tpu.memory_space<vmem>>, vector<16xi32>,
    %get3A_903 = arith.constant 744 : index
    %get3A_904 = tpu.vector_load %arg10[%get3A_903] {strides = array<i32>} : memref<1280xi32, #tpu.memory_space<vmem>>, vector<16xi32>,
    %sub3A_905 = arith.constant 144 : i32
    %sub3A_906 = vector.broadcast %sub3A_905 : i32 to vector<16xi32>
    %sub3A_907 = arith.subi %get3A_902, %sub3A_906 : vector<16xi32>
    %max3A_908 = arith.constant 0 : i32
    %max3A_909 = vector.broadcast %max3A_908 : i32 to vector<16xi32>
    %max3A_910 = arith.maxsi %sub3A_907, %max3A_909 : vector<16xi32>
    %add3A_911 = vector.broadcast %mul3A_900 : i32 to vector<16xi32>
    %add3A_912 = arith.addi %max3A_910, %add3A_911 : vector<16xi32>
    %swap3A_913 = arith.constant 28 : i32
    %swap3A_914 = arith.index_cast %swap3A_913 : i32 to index
    %swap3A_915 = arith.constant 0 : index
    %swap3A_916 = tpu.vector_load %arg11[%swap3A_914, %swap3A_915] {strides = array<i32>} : memref<48x24xi32, #tpu.memory_space<vmem>>, vector<16xi32>,
    tpu.vector_store %arg11[%swap3A_914, %swap3A_915], %add3A_912 {strides = array<i32>} : memref<48x24xi32, #tpu.memory_space<vmem>>, vector<16xi32>,
    %sub3A_917 = arith.constant 144 : i32
    %sub3A_918 = vector.broadcast %sub3A_917 : i32 to vector<16xi32>
    %sub3A_919 = arith.subi %get3A_904, %sub3A_918 : vector<16xi32>
    %max3A_920 = arith.constant 0 : i32
    %max3A_921 = vector.broadcast %max3A_920 : i32 to vector<16xi32>
    %max3A_922 = arith.maxsi %sub3A_919, %max3A_921 : vector<16xi32>
    %add3A_923 = vector.broadcast %mul3A_900 : i32 to vector<16xi32>
    %add3A_924 = arith.addi %max3A_922, %add3A_923 : vector<16xi32>
    %swap3A_925 = arith.constant 28 : i32
    %swap3A_926 = arith.index_cast %swap3A_925 : i32 to index
    %swap3A_927 = arith.constant 8 : index
    %swap3A_928 = tpu.vector_load %arg11[%swap3A_926, %swap3A_927] {strides = array<i32>} : memref<48x24xi32, #tpu.memory_space<vmem>>, vector<16xi32>,
    tpu.vector_store %arg11[%swap3A_926, %swap3A_927], %add3A_924 {strides = array<i32>} : memref<48x24xi32, #tpu.memory_space<vmem>>, vector<16xi32>,
    %add3A_929 = arith.constant 1 : i32
    %add3A_930 = arith.addi %mul3A_2, %add3A_929 : i32
    %mul3A_931 = arith.constant 432 : i32
    %mul3A_932 = arith.muli %add3A_930, %mul3A_931 : i32
    %get3A_933 = arith.constant 760 : index
    %get3A_934 = tpu.vector_load %arg10[%get3A_933] {strides = array<i32>} : memref<1280xi32, #tpu.memory_space<vmem>>, vector<16xi32>,
    %get3A_935 = arith.constant 768 : index
    %get3A_936 = tpu.vector_load %arg10[%get3A_935] {strides = array<i32>} : memref<1280xi32, #tpu.memory_space<vmem>>, vector<16xi32>,
    %sub3A_937 = arith.constant 144 : i32
    %sub3A_938 = vector.broadcast %sub3A_937 : i32 to vector<16xi32>
    %sub3A_939 = arith.subi %get3A_934, %sub3A_938 : vector<16xi32>
    %max3A_940 = arith.constant 0 : i32
    %max3A_941 = vector.broadcast %max3A_940 : i32 to vector<16xi32>
    %max3A_942 = arith.maxsi %sub3A_939, %max3A_941 : vector<16xi32>
    %add3A_943 = vector.broadcast %mul3A_932 : i32 to vector<16xi32>
    %add3A_944 = arith.addi %max3A_942, %add3A_943 : vector<16xi32>
    %swap3A_945 = arith.constant 29 : i32
    %swap3A_946 = arith.index_cast %swap3A_945 : i32 to index
    %swap3A_947 = arith.constant 0 : index
    %swap3A_948 = tpu.vector_load %arg11[%swap3A_946, %swap3A_947] {strides = array<i32>} : memref<48x24xi32, #tpu.memory_space<vmem>>, vector<16xi32>,
    tpu.vector_store %arg11[%swap3A_946, %swap3A_947], %add3A_944 {strides = array<i32>} : memref<48x24xi32, #tpu.memory_space<vmem>>, vector<16xi32>,
    %sub3A_949 = arith.constant 144 : i32
    %sub3A_950 = vector.broadcast %sub3A_949 : i32 to vector<16xi32>
    %sub3A_951 = arith.subi %get3A_936, %sub3A_950 : vector<16xi32>
    %max3A_952 = arith.constant 0 : i32
    %max3A_953 = vector.broadcast %max3A_952 : i32 to vector<16xi32>
    %max3A_954 = arith.maxsi %sub3A_951, %max3A_953 : vector<16xi32>
    %add3A_955 = vector.broadcast %mul3A_932 : i32 to vector<16xi32>
    %add3A_956 = arith.addi %max3A_954, %add3A_955 : vector<16xi32>
    %swap3A_957 = arith.constant 29 : i32
    %swap3A_958 = arith.index_cast %swap3A_957 : i32 to index
    %swap3A_959 = arith.constant 8 : index
    %swap3A_960 = tpu.vector_load %arg11[%swap3A_958, %swap3A_959] {strides = array<i32>} : memref<48x24xi32, #tpu.memory_space<vmem>>, vector<16xi32>,
    tpu.vector_store %arg11[%swap3A_958, %swap3A_959], %add3A_956 {strides = array<i32>} : memref<48x24xi32, #tpu.memory_space<vmem>>, vector<16xi32>,
    %add3A_961 = arith.constant 1 : i32
    %add3A_962 = arith.addi %mul3A_2, %add3A_961 : i32
    %mul3A_963 = arith.constant 432 : i32
    %mul3A_964 = arith.muli %add3A_962, %mul3A_963 : i32
    %get3A_965 = arith.constant 784 : index
    %get3A_966 = tpu.vector_load %arg10[%get3A_965] {strides = array<i32>} : memref<1280xi32, #tpu.memory_space<vmem>>, vector<16xi32>,
    %get3A_967 = arith.constant 792 : index
    %get3A_968 = tpu.vector_load %arg10[%get3A_967] {strides = array<i32>} : memref<1280xi32, #tpu.memory_space<vmem>>, vector<16xi32>,
    %sub3A_969 = arith.constant 144 : i32
    %sub3A_970 = vector.broadcast %sub3A_969 : i32 to vector<16xi32>
    %sub3A_971 = arith.subi %get3A_966, %sub3A_970 : vector<16xi32>
    %max3A_972 = arith.constant 0 : i32
    %max3A_973 = vector.broadcast %max3A_972 : i32 to vector<16xi32>
    %max3A_974 = arith.maxsi %sub3A_971, %max3A_973 : vector<16xi32>
    %add3A_975 = vector.broadcast %mul3A_964 : i32 to vector<16xi32>
    %add3A_976 = arith.addi %max3A_974, %add3A_975 : vector<16xi32>
    %swap3A_977 = arith.constant 30 : i32
    %swap3A_978 = arith.index_cast %swap3A_977 : i32 to index
    %swap3A_979 = arith.constant 0 : index
    %swap3A_980 = tpu.vector_load %arg11[%swap3A_978, %swap3A_979] {strides = array<i32>} : memref<48x24xi32, #tpu.memory_space<vmem>>, vector<16xi32>,
    tpu.vector_store %arg11[%swap3A_978, %swap3A_979], %add3A_976 {strides = array<i32>} : memref<48x24xi32, #tpu.memory_space<vmem>>, vector<16xi32>,
    %sub3A_981 = arith.constant 144 : i32
    %sub3A_982 = vector.broadcast %sub3A_981 : i32 to vector<16xi32>
    %sub3A_983 = arith.subi %get3A_968, %sub3A_982 : vector<16xi32>
    %max3A_984 = arith.constant 0 : i32
    %max3A_985 = vector.broadcast %max3A_984 : i32 to vector<16xi32>
    %max3A_986 = arith.maxsi %sub3A_983, %max3A_985 : vector<16xi32>
    %add3A_987 = vector.broadcast %mul3A_964 : i32 to vector<16xi32>
    %add3A_988 = arith.addi %max3A_986, %add3A_987 : vector<16xi32>
    %swap3A_989 = arith.constant 30 : i32
    %swap3A_990 = arith.index_cast %swap3A_989 : i32 to index
    %swap3A_991 = arith.constant 8 : index
    %swap3A_992 = tpu.vector_load %arg11[%swap3A_990, %swap3A_991] {strides = array<i32>} : memref<48x24xi32, #tpu.memory_space<vmem>>, vector<16xi32>,
    tpu.vector_store %arg11[%swap3A_990, %swap3A_991], %add3A_988 {strides = array<i32>} : memref<48x24xi32, #tpu.memory_space<vmem>>, vector<16xi32>,
    %add3A_993 = arith.constant 1 : i32
    %add3A_994 = arith.addi %mul3A_2, %add3A_993 : i32
    %mul3A_995 = arith.constant 432 : i32
    %mul3A_996 = arith.muli %add3A_994, %mul3A_995 : i32
    %get3A_997 = arith.constant 808 : index
    %get3A_998 = tpu.vector_load %arg10[%get3A_997] {strides = array<i32>} : memref<1280xi32, #tpu.memory_space<vmem>>, vector<16xi32>,
    %get3A_999 = arith.constant 816 : index
    %get3A_1000 = tpu.vector_load %arg10[%get3A_999] {strides = array<i32>} : memref<1280xi32, #tpu.memory_space<vmem>>, vector<16xi32>,
    %sub3A_1001 = arith.constant 144 : i32
    %sub3A_1002 = vector.broadcast %sub3A_1001 : i32 to vector<16xi32>
    %sub3A_1003 = arith.subi %get3A_998, %sub3A_1002 : vector<16xi32>
    %max3A_1004 = arith.constant 0 : i32
    %max3A_1005 = vector.broadcast %max3A_1004 : i32 to vector<16xi32>
    %max3A_1006 = arith.maxsi %sub3A_1003, %max3A_1005 : vector<16xi32>
    %add3A_1007 = vector.broadcast %mul3A_996 : i32 to vector<16xi32>
    %add3A_1008 = arith.addi %max3A_1006, %add3A_1007 : vector<16xi32>
    %swap3A_1009 = arith.constant 31 : i32
    %swap3A_1010 = arith.index_cast %swap3A_1009 : i32 to index
    %swap3A_1011 = arith.constant 0 : index
    %swap3A_1012 = tpu.vector_load %arg11[%swap3A_1010, %swap3A_1011] {strides = array<i32>} : memref<48x24xi32, #tpu.memory_space<vmem>>, vector<16xi32>,
    tpu.vector_store %arg11[%swap3A_1010, %swap3A_1011], %add3A_1008 {strides = array<i32>} : memref<48x24xi32, #tpu.memory_space<vmem>>, vector<16xi32>,
    %sub3A_1013 = arith.constant 144 : i32
    %sub3A_1014 = vector.broadcast %sub3A_1013 : i32 to vector<16xi32>
    %sub3A_1015 = arith.subi %get3A_1000, %sub3A_1014 : vector<16xi32>
    %max3A_1016 = arith.constant 0 : i32
    %max3A_1017 = vector.broadcast %max3A_1016 : i32 to vector<16xi32>
    %max3A_1018 = arith.maxsi %sub3A_1015, %max3A_1017 : vector<16xi32>
    %add3A_1019 = vector.broadcast %mul3A_996 : i32 to vector<16xi32>
    %add3A_1020 = arith.addi %max3A_1018, %add3A_1019 : vector<16xi32>
    %swap3A_1021 = arith.constant 31 : i32
    %swap3A_1022 = arith.index_cast %swap3A_1021 : i32 to index
    %swap3A_1023 = arith.constant 8 : index
    %swap3A_1024 = tpu.vector_load %arg11[%swap3A_1022, %swap3A_1023] {strides = array<i32>} : memref<48x24xi32, #tpu.memory_space<vmem>>, vector<16xi32>,
    tpu.vector_store %arg11[%swap3A_1022, %swap3A_1023], %add3A_1020 {strides = array<i32>} : memref<48x24xi32, #tpu.memory_space<vmem>>, vector<16xi32>,
    %add3A_1025 = arith.constant 1 : i32
    %add3A_1026 = arith.addi %mul3A_2, %add3A_1025 : i32
    %mul3A_1027 = arith.constant 432 : i32
    %mul3A_1028 = arith.muli %add3A_1026, %mul3A_1027 : i32
    %get3A_1029 = arith.constant 832 : index
    %get3A_1030 = tpu.vector_load %arg10[%get3A_1029] {strides = array<i32>} : memref<1280xi32, #tpu.memory_space<vmem>>, vector<16xi32>,
    %get3A_1031 = arith.constant 840 : index
    %get3A_1032 = tpu.vector_load %arg10[%get3A_1031] {strides = array<i32>} : memref<1280xi32, #tpu.memory_space<vmem>>, vector<16xi32>,
    %sub3A_1033 = arith.constant 144 : i32
    %sub3A_1034 = vector.broadcast %sub3A_1033 : i32 to vector<16xi32>
    %sub3A_1035 = arith.subi %get3A_1030, %sub3A_1034 : vector<16xi32>
    %max3A_1036 = arith.constant 0 : i32
    %max3A_1037 = vector.broadcast %max3A_1036 : i32 to vector<16xi32>
    %max3A_1038 = arith.maxsi %sub3A_1035, %max3A_1037 : vector<16xi32>
    %add3A_1039 = vector.broadcast %mul3A_1028 : i32 to vector<16xi32>
    %add3A_1040 = arith.addi %max3A_1038, %add3A_1039 : vector<16xi32>
    %swap3A_1041 = arith.constant 32 : i32
    %swap3A_1042 = arith.index_cast %swap3A_1041 : i32 to index
    %swap3A_1043 = arith.constant 0 : index
    %swap3A_1044 = tpu.vector_load %arg11[%swap3A_1042, %swap3A_1043] {strides = array<i32>} : memref<48x24xi32, #tpu.memory_space<vmem>>, vector<16xi32>,
    tpu.vector_store %arg11[%swap3A_1042, %swap3A_1043], %add3A_1040 {strides = array<i32>} : memref<48x24xi32, #tpu.memory_space<vmem>>, vector<16xi32>,
    %sub3A_1045 = arith.constant 144 : i32
    %sub3A_1046 = vector.broadcast %sub3A_1045 : i32 to vector<16xi32>
    %sub3A_1047 = arith.subi %get3A_1032, %sub3A_1046 : vector<16xi32>
    %max3A_1048 = arith.constant 0 : i32
    %max3A_1049 = vector.broadcast %max3A_1048 : i32 to vector<16xi32>
    %max3A_1050 = arith.maxsi %sub3A_1047, %max3A_1049 : vector<16xi32>
    %add3A_1051 = vector.broadcast %mul3A_1028 : i32 to vector<16xi32>
    %add3A_1052 = arith.addi %max3A_1050, %add3A_1051 : vector<16xi32>
    %swap3A_1053 = arith.constant 32 : i32
    %swap3A_1054 = arith.index_cast %swap3A_1053 : i32 to index
    %swap3A_1055 = arith.constant 8 : index
    %swap3A_1056 = tpu.vector_load %arg11[%swap3A_1054, %swap3A_1055] {strides = array<i32>} : memref<48x24xi32, #tpu.memory_space<vmem>>, vector<16xi32>,
    tpu.vector_store %arg11[%swap3A_1054, %swap3A_1055], %add3A_1052 {strides = array<i32>} : memref<48x24xi32, #tpu.memory_space<vmem>>, vector<16xi32>,
    %add3A_1057 = arith.constant 1 : i32
    %add3A_1058 = arith.addi %mul3A_2, %add3A_1057 : i32
    %mul3A_1059 = arith.constant 432 : i32
    %mul3A_1060 = arith.muli %add3A_1058, %mul3A_1059 : i32
    %get3A_1061 = arith.constant 856 : index
    %get3A_1062 = tpu.vector_load %arg10[%get3A_1061] {strides = array<i32>} : memref<1280xi32, #tpu.memory_space<vmem>>, vector<16xi32>,
    %get3A_1063 = arith.constant 864 : index
    %get3A_1064 = tpu.vector_load %arg10[%get3A_1063] {strides = array<i32>} : memref<1280xi32, #tpu.memory_space<vmem>>, vector<16xi32>,
    %sub3A_1065 = arith.constant 144 : i32
    %sub3A_1066 = vector.broadcast %sub3A_1065 : i32 to vector<16xi32>
    %sub3A_1067 = arith.subi %get3A_1062, %sub3A_1066 : vector<16xi32>
    %max3A_1068 = arith.constant 0 : i32
    %max3A_1069 = vector.broadcast %max3A_1068 : i32 to vector<16xi32>
    %max3A_1070 = arith.maxsi %sub3A_1067, %max3A_1069 : vector<16xi32>
    %add3A_1071 = vector.broadcast %mul3A_1060 : i32 to vector<16xi32>
    %add3A_1072 = arith.addi %max3A_1070, %add3A_1071 : vector<16xi32>
    %swap3A_1073 = arith.constant 33 : i32
    %swap3A_1074 = arith.index_cast %swap3A_1073 : i32 to index
    %swap3A_1075 = arith.constant 0 : index
    %swap3A_1076 = tpu.vector_load %arg11[%swap3A_1074, %swap3A_1075] {strides = array<i32>} : memref<48x24xi32, #tpu.memory_space<vmem>>, vector<16xi32>,
    tpu.vector_store %arg11[%swap3A_1074, %swap3A_1075], %add3A_1072 {strides = array<i32>} : memref<48x24xi32, #tpu.memory_space<vmem>>, vector<16xi32>,
    %sub3A_1077 = arith.constant 144 : i32
    %sub3A_1078 = vector.broadcast %sub3A_1077 : i32 to vector<16xi32>
    %sub3A_1079 = arith.subi %get3A_1064, %sub3A_1078 : vector<16xi32>
    %max3A_1080 = arith.constant 0 : i32
    %max3A_1081 = vector.broadcast %max3A_1080 : i32 to vector<16xi32>
    %max3A_1082 = arith.maxsi %sub3A_1079, %max3A_1081 : vector<16xi32>
    %add3A_1083 = vector.broadcast %mul3A_1060 : i32 to vector<16xi32>
    %add3A_1084 = arith.addi %max3A_1082, %add3A_1083 : vector<16xi32>
    %swap3A_1085 = arith.constant 33 : i32
    %swap3A_1086 = arith.index_cast %swap3A_1085 : i32 to index
    %swap3A_1087 = arith.constant 8 : index
    %swap3A_1088 = tpu.vector_load %arg11[%swap3A_1086, %swap3A_1087] {strides = array<i32>} : memref<48x24xi32, #tpu.memory_space<vmem>>, vector<16xi32>,
    tpu.vector_store %arg11[%swap3A_1086, %swap3A_1087], %add3A_1084 {strides = array<i32>} : memref<48x24xi32, #tpu.memory_space<vmem>>, vector<16xi32>,
    %add3A_1089 = arith.constant 1 : i32
    %add3A_1090 = arith.addi %mul3A_2, %add3A_1089 : i32
    %mul3A_1091 = arith.constant 432 : i32
    %mul3A_1092 = arith.muli %add3A_1090, %mul3A_1091 : i32
    %get3A_1093 = arith.constant 880 : index
    %get3A_1094 = tpu.vector_load %arg10[%get3A_1093] {strides = array<i32>} : memref<1280xi32, #tpu.memory_space<vmem>>, vector<16xi32>,
    %get3A_1095 = arith.constant 888 : index
    %get3A_1096 = tpu.vector_load %arg10[%get3A_1095] {strides = array<i32>} : memref<1280xi32, #tpu.memory_space<vmem>>, vector<16xi32>,
    %sub3A_1097 = arith.constant 144 : i32
    %sub3A_1098 = vector.broadcast %sub3A_1097 : i32 to vector<16xi32>
    %sub3A_1099 = arith.subi %get3A_1094, %sub3A_1098 : vector<16xi32>
    %max3A_1100 = arith.constant 0 : i32
    %max3A_1101 = vector.broadcast %max3A_1100 : i32 to vector<16xi32>
    %max3A_1102 = arith.maxsi %sub3A_1099, %max3A_1101 : vector<16xi32>
    %add3A_1103 = vector.broadcast %mul3A_1092 : i32 to vector<16xi32>
    %add3A_1104 = arith.addi %max3A_1102, %add3A_1103 : vector<16xi32>
    %swap3A_1105 = arith.constant 34 : i32
    %swap3A_1106 = arith.index_cast %swap3A_1105 : i32 to index
    %swap3A_1107 = arith.constant 0 : index
    %swap3A_1108 = tpu.vector_load %arg11[%swap3A_1106, %swap3A_1107] {strides = array<i32>} : memref<48x24xi32, #tpu.memory_space<vmem>>, vector<16xi32>,
    tpu.vector_store %arg11[%swap3A_1106, %swap3A_1107], %add3A_1104 {strides = array<i32>} : memref<48x24xi32, #tpu.memory_space<vmem>>, vector<16xi32>,
    %sub3A_1109 = arith.constant 144 : i32
    %sub3A_1110 = vector.broadcast %sub3A_1109 : i32 to vector<16xi32>
    %sub3A_1111 = arith.subi %get3A_1096, %sub3A_1110 : vector<16xi32>
    %max3A_1112 = arith.constant 0 : i32
    %max3A_1113 = vector.broadcast %max3A_1112 : i32 to vector<16xi32>
    %max3A_1114 = arith.maxsi %sub3A_1111, %max3A_1113 : vector<16xi32>
    %add3A_1115 = vector.broadcast %mul3A_1092 : i32 to vector<16xi32>
    %add3A_1116 = arith.addi %max3A_1114, %add3A_1115 : vector<16xi32>
    %swap3A_1117 = arith.constant 34 : i32
    %swap3A_1118 = arith.index_cast %swap3A_1117 : i32 to index
    %swap3A_1119 = arith.constant 8 : index
    %swap3A_1120 = tpu.vector_load %arg11[%swap3A_1118, %swap3A_1119] {strides = array<i32>} : memref<48x24xi32, #tpu.memory_space<vmem>>, vector<16xi32>,
    tpu.vector_store %arg11[%swap3A_1118, %swap3A_1119], %add3A_1116 {strides = array<i32>} : memref<48x24xi32, #tpu.memory_space<vmem>>, vector<16xi32>,
    %add3A_1121 = arith.constant 1 : i32
    %add3A_1122 = arith.addi %mul3A_2, %add3A_1121 : i32
    %mul3A_1123 = arith.constant 432 : i32
    %mul3A_1124 = arith.muli %add3A_1122, %mul3A_1123 : i32
    %get3A_1125 = arith.constant 904 : index
    %get3A_1126 = tpu.vector_load %arg10[%get3A_1125] {strides = array<i32>} : memref<1280xi32, #tpu.memory_space<vmem>>, vector<16xi32>,
    %get3A_1127 = arith.constant 912 : index
    %get3A_1128 = tpu.vector_load %arg10[%get3A_1127] {strides = array<i32>} : memref<1280xi32, #tpu.memory_space<vmem>>, vector<16xi32>,
    %sub3A_1129 = arith.constant 144 : i32
    %sub3A_1130 = vector.broadcast %sub3A_1129 : i32 to vector<16xi32>
    %sub3A_1131 = arith.subi %get3A_1126, %sub3A_1130 : vector<16xi32>
    %max3A_1132 = arith.constant 0 : i32
    %max3A_1133 = vector.broadcast %max3A_1132 : i32 to vector<16xi32>
    %max3A_1134 = arith.maxsi %sub3A_1131, %max3A_1133 : vector<16xi32>
    %add3A_1135 = vector.broadcast %mul3A_1124 : i32 to vector<16xi32>
    %add3A_1136 = arith.addi %max3A_1134, %add3A_1135 : vector<16xi32>
    %swap3A_1137 = arith.constant 35 : i32
    %swap3A_1138 = arith.index_cast %swap3A_1137 : i32 to index
    %swap3A_1139 = arith.constant 0 : index
    %swap3A_1140 = tpu.vector_load %arg11[%swap3A_1138, %swap3A_1139] {strides = array<i32>} : memref<48x24xi32, #tpu.memory_space<vmem>>, vector<16xi32>,
    tpu.vector_store %arg11[%swap3A_1138, %swap3A_1139], %add3A_1136 {strides = array<i32>} : memref<48x24xi32, #tpu.memory_space<vmem>>, vector<16xi32>,
    %sub3A_1141 = arith.constant 144 : i32
    %sub3A_1142 = vector.broadcast %sub3A_1141 : i32 to vector<16xi32>
    %sub3A_1143 = arith.subi %get3A_1128, %sub3A_1142 : vector<16xi32>
    %max3A_1144 = arith.constant 0 : i32
    %max3A_1145 = vector.broadcast %max3A_1144 : i32 to vector<16xi32>
    %max3A_1146 = arith.maxsi %sub3A_1143, %max3A_1145 : vector<16xi32>
    %add3A_1147 = vector.broadcast %mul3A_1124 : i32 to vector<16xi32>
    %add3A_1148 = arith.addi %max3A_1146, %add3A_1147 : vector<16xi32>
    %swap3A_1149 = arith.constant 35 : i32
    %swap3A_1150 = arith.index_cast %swap3A_1149 : i32 to index
    %swap3A_1151 = arith.constant 8 : index
    %swap3A_1152 = tpu.vector_load %arg11[%swap3A_1150, %swap3A_1151] {strides = array<i32>} : memref<48x24xi32, #tpu.memory_space<vmem>>, vector<16xi32>,
    tpu.vector_store %arg11[%swap3A_1150, %swap3A_1151], %add3A_1148 {strides = array<i32>} : memref<48x24xi32, #tpu.memory_space<vmem>>, vector<16xi32>,
    %add3A_1153 = arith.constant 1 : i32
    %add3A_1154 = arith.addi %mul3A_2, %add3A_1153 : i32
    %mul3A_1155 = arith.constant 432 : i32
    %mul3A_1156 = arith.muli %add3A_1154, %mul3A_1155 : i32
    %get3A_1157 = arith.constant 928 : index
    %get3A_1158 = tpu.vector_load %arg10[%get3A_1157] {strides = array<i32>} : memref<1280xi32, #tpu.memory_space<vmem>>, vector<16xi32>,
    %get3A_1159 = arith.constant 936 : index
    %get3A_1160 = tpu.vector_load %arg10[%get3A_1159] {strides = array<i32>} : memref<1280xi32, #tpu.memory_space<vmem>>, vector<16xi32>,
    %sub3A_1161 = arith.constant 144 : i32
    %sub3A_1162 = vector.broadcast %sub3A_1161 : i32 to vector<16xi32>
    %sub3A_1163 = arith.subi %get3A_1158, %sub3A_1162 : vector<16xi32>
    %max3A_1164 = arith.constant 0 : i32
    %max3A_1165 = vector.broadcast %max3A_1164 : i32 to vector<16xi32>
    %max3A_1166 = arith.maxsi %sub3A_1163, %max3A_1165 : vector<16xi32>
    %add3A_1167 = vector.broadcast %mul3A_1156 : i32 to vector<16xi32>
    %add3A_1168 = arith.addi %max3A_1166, %add3A_1167 : vector<16xi32>
    %swap3A_1169 = arith.constant 36 : i32
    %swap3A_1170 = arith.index_cast %swap3A_1169 : i32 to index
    %swap3A_1171 = arith.constant 0 : index
    %swap3A_1172 = tpu.vector_load %arg11[%swap3A_1170, %swap3A_1171] {strides = array<i32>} : memref<48x24xi32, #tpu.memory_space<vmem>>, vector<16xi32>,
    tpu.vector_store %arg11[%swap3A_1170, %swap3A_1171], %add3A_1168 {strides = array<i32>} : memref<48x24xi32, #tpu.memory_space<vmem>>, vector<16xi32>,
    %sub3A_1173 = arith.constant 144 : i32
    %sub3A_1174 = vector.broadcast %sub3A_1173 : i32 to vector<16xi32>
    %sub3A_1175 = arith.subi %get3A_1160, %sub3A_1174 : vector<16xi32>
    %max3A_1176 = arith.constant 0 : i32
    %max3A_1177 = vector.broadcast %max3A_1176 : i32 to vector<16xi32>
    %max3A_1178 = arith.maxsi %sub3A_1175, %max3A_1177 : vector<16xi32>
    %add3A_1179 = vector.broadcast %mul3A_1156 : i32 to vector<16xi32>
    %add3A_1180 = arith.addi %max3A_1178, %add3A_1179 : vector<16xi32>
    %swap3A_1181 = arith.constant 36 : i32
    %swap3A_1182 = arith.index_cast %swap3A_1181 : i32 to index
    %swap3A_1183 = arith.constant 8 : index
    %swap3A_1184 = tpu.vector_load %arg11[%swap3A_1182, %swap3A_1183] {strides = array<i32>} : memref<48x24xi32, #tpu.memory_space<vmem>>, vector<16xi32>,
    tpu.vector_store %arg11[%swap3A_1182, %swap3A_1183], %add3A_1180 {strides = array<i32>} : memref<48x24xi32, #tpu.memory_space<vmem>>, vector<16xi32>,
    %add3A_1185 = arith.constant 1 : i32
    %add3A_1186 = arith.addi %mul3A_2, %add3A_1185 : i32
    %mul3A_1187 = arith.constant 432 : i32
    %mul3A_1188 = arith.muli %add3A_1186, %mul3A_1187 : i32
    %get3A_1189 = arith.constant 952 : index
    %get3A_1190 = tpu.vector_load %arg10[%get3A_1189] {strides = array<i32>} : memref<1280xi32, #tpu.memory_space<vmem>>, vector<16xi32>,
    %get3A_1191 = arith.constant 960 : index
    %get3A_1192 = tpu.vector_load %arg10[%get3A_1191] {strides = array<i32>} : memref<1280xi32, #tpu.memory_space<vmem>>, vector<16xi32>,
    %sub3A_1193 = arith.constant 144 : i32
    %sub3A_1194 = vector.broadcast %sub3A_1193 : i32 to vector<16xi32>
    %sub3A_1195 = arith.subi %get3A_1190, %sub3A_1194 : vector<16xi32>
    %max3A_1196 = arith.constant 0 : i32
    %max3A_1197 = vector.broadcast %max3A_1196 : i32 to vector<16xi32>
    %max3A_1198 = arith.maxsi %sub3A_1195, %max3A_1197 : vector<16xi32>
    %add3A_1199 = vector.broadcast %mul3A_1188 : i32 to vector<16xi32>
    %add3A_1200 = arith.addi %max3A_1198, %add3A_1199 : vector<16xi32>
    %swap3A_1201 = arith.constant 37 : i32
    %swap3A_1202 = arith.index_cast %swap3A_1201 : i32 to index
    %swap3A_1203 = arith.constant 0 : index
    %swap3A_1204 = tpu.vector_load %arg11[%swap3A_1202, %swap3A_1203] {strides = array<i32>} : memref<48x24xi32, #tpu.memory_space<vmem>>, vector<16xi32>,
    tpu.vector_store %arg11[%swap3A_1202, %swap3A_1203], %add3A_1200 {strides = array<i32>} : memref<48x24xi32, #tpu.memory_space<vmem>>, vector<16xi32>,
    %sub3A_1205 = arith.constant 144 : i32
    %sub3A_1206 = vector.broadcast %sub3A_1205 : i32 to vector<16xi32>
    %sub3A_1207 = arith.subi %get3A_1192, %sub3A_1206 : vector<16xi32>
    %max3A_1208 = arith.constant 0 : i32
    %max3A_1209 = vector.broadcast %max3A_1208 : i32 to vector<16xi32>
    %max3A_1210 = arith.maxsi %sub3A_1207, %max3A_1209 : vector<16xi32>
    %add3A_1211 = vector.broadcast %mul3A_1188 : i32 to vector<16xi32>
    %add3A_1212 = arith.addi %max3A_1210, %add3A_1211 : vector<16xi32>
    %swap3A_1213 = arith.constant 37 : i32
    %swap3A_1214 = arith.index_cast %swap3A_1213 : i32 to index
    %swap3A_1215 = arith.constant 8 : index
    %swap3A_1216 = tpu.vector_load %arg11[%swap3A_1214, %swap3A_1215] {strides = array<i32>} : memref<48x24xi32, #tpu.memory_space<vmem>>, vector<16xi32>,
    tpu.vector_store %arg11[%swap3A_1214, %swap3A_1215], %add3A_1212 {strides = array<i32>} : memref<48x24xi32, #tpu.memory_space<vmem>>, vector<16xi32>,
    %add3A_1217 = arith.constant 1 : i32
    %add3A_1218 = arith.addi %mul3A_2, %add3A_1217 : i32
    %mul3A_1219 = arith.constant 432 : i32
    %mul3A_1220 = arith.muli %add3A_1218, %mul3A_1219 : i32
    %get3A_1221 = arith.constant 976 : index
    %get3A_1222 = tpu.vector_load %arg10[%get3A_1221] {strides = array<i32>} : memref<1280xi32, #tpu.memory_space<vmem>>, vector<16xi32>,
    %get3A_1223 = arith.constant 984 : index
    %get3A_1224 = tpu.vector_load %arg10[%get3A_1223] {strides = array<i32>} : memref<1280xi32, #tpu.memory_space<vmem>>, vector<16xi32>,
    %sub3A_1225 = arith.constant 144 : i32
    %sub3A_1226 = vector.broadcast %sub3A_1225 : i32 to vector<16xi32>
    %sub3A_1227 = arith.subi %get3A_1222, %sub3A_1226 : vector<16xi32>
    %max3A_1228 = arith.constant 0 : i32
    %max3A_1229 = vector.broadcast %max3A_1228 : i32 to vector<16xi32>
    %max3A_1230 = arith.maxsi %sub3A_1227, %max3A_1229 : vector<16xi32>
    %add3A_1231 = vector.broadcast %mul3A_1220 : i32 to vector<16xi32>
    %add3A_1232 = arith.addi %max3A_1230, %add3A_1231 : vector<16xi32>
    %swap3A_1233 = arith.constant 38 : i32
    %swap3A_1234 = arith.index_cast %swap3A_1233 : i32 to index
    %swap3A_1235 = arith.constant 0 : index
    %swap3A_1236 = tpu.vector_load %arg11[%swap3A_1234, %swap3A_1235] {strides = array<i32>} : memref<48x24xi32, #tpu.memory_space<vmem>>, vector<16xi32>,
    tpu.vector_store %arg11[%swap3A_1234, %swap3A_1235], %add3A_1232 {strides = array<i32>} : memref<48x24xi32, #tpu.memory_space<vmem>>, vector<16xi32>,
    %sub3A_1237 = arith.constant 144 : i32
    %sub3A_1238 = vector.broadcast %sub3A_1237 : i32 to vector<16xi32>
    %sub3A_1239 = arith.subi %get3A_1224, %sub3A_1238 : vector<16xi32>
    %max3A_1240 = arith.constant 0 : i32
    %max3A_1241 = vector.broadcast %max3A_1240 : i32 to vector<16xi32>
    %max3A_1242 = arith.maxsi %sub3A_1239, %max3A_1241 : vector<16xi32>
    %add3A_1243 = vector.broadcast %mul3A_1220 : i32 to vector<16xi32>
    %add3A_1244 = arith.addi %max3A_1242, %add3A_1243 : vector<16xi32>
    %swap3A_1245 = arith.constant 38 : i32
    %swap3A_1246 = arith.index_cast %swap3A_1245 : i32 to index
    %swap3A_1247 = arith.constant 8 : index
    %swap3A_1248 = tpu.vector_load %arg11[%swap3A_1246, %swap3A_1247] {strides = array<i32>} : memref<48x24xi32, #tpu.memory_space<vmem>>, vector<16xi32>,
    tpu.vector_store %arg11[%swap3A_1246, %swap3A_1247], %add3A_1244 {strides = array<i32>} : memref<48x24xi32, #tpu.memory_space<vmem>>, vector<16xi32>,
    %add3A_1249 = arith.constant 1 : i32
    %add3A_1250 = arith.addi %mul3A_2, %add3A_1249 : i32
    %mul3A_1251 = arith.constant 432 : i32
    %mul3A_1252 = arith.muli %add3A_1250, %mul3A_1251 : i32
    %get3A_1253 = arith.constant 1000 : index
    %get3A_1254 = tpu.vector_load %arg10[%get3A_1253] {strides = array<i32>} : memref<1280xi32, #tpu.memory_space<vmem>>, vector<16xi32>,
    %get3A_1255 = arith.constant 1008 : index
    %get3A_1256 = tpu.vector_load %arg10[%get3A_1255] {strides = array<i32>} : memref<1280xi32, #tpu.memory_space<vmem>>, vector<16xi32>,
    %sub3A_1257 = arith.constant 144 : i32
    %sub3A_1258 = vector.broadcast %sub3A_1257 : i32 to vector<16xi32>
    %sub3A_1259 = arith.subi %get3A_1254, %sub3A_1258 : vector<16xi32>
    %max3A_1260 = arith.constant 0 : i32
    %max3A_1261 = vector.broadcast %max3A_1260 : i32 to vector<16xi32>
    %max3A_1262 = arith.maxsi %sub3A_1259, %max3A_1261 : vector<16xi32>
    %add3A_1263 = vector.broadcast %mul3A_1252 : i32 to vector<16xi32>
    %add3A_1264 = arith.addi %max3A_1262, %add3A_1263 : vector<16xi32>
    %swap3A_1265 = arith.constant 39 : i32
    %swap3A_1266 = arith.index_cast %swap3A_1265 : i32 to index
    %swap3A_1267 = arith.constant 0 : index
    %swap3A_1268 = tpu.vector_load %arg11[%swap3A_1266, %swap3A_1267] {strides = array<i32>} : memref<48x24xi32, #tpu.memory_space<vmem>>, vector<16xi32>,
    tpu.vector_store %arg11[%swap3A_1266, %swap3A_1267], %add3A_1264 {strides = array<i32>} : memref<48x24xi32, #tpu.memory_space<vmem>>, vector<16xi32>,
    %sub3A_1269 = arith.constant 144 : i32
    %sub3A_1270 = vector.broadcast %sub3A_1269 : i32 to vector<16xi32>
    %sub3A_1271 = arith.subi %get3A_1256, %sub3A_1270 : vector<16xi32>
    %max3A_1272 = arith.constant 0 : i32
    %max3A_1273 = vector.broadcast %max3A_1272 : i32 to vector<16xi32>
    %max3A_1274 = arith.maxsi %sub3A_1271, %max3A_1273 : vector<16xi32>
    %add3A_1275 = vector.broadcast %mul3A_1252 : i32 to vector<16xi32>
    %add3A_1276 = arith.addi %max3A_1274, %add3A_1275 : vector<16xi32>
    %swap3A_1277 = arith.constant 39 : i32
    %swap3A_1278 = arith.index_cast %swap3A_1277 : i32 to index
    %swap3A_1279 = arith.constant 8 : index
    %swap3A_1280 = tpu.vector_load %arg11[%swap3A_1278, %swap3A_1279] {strides = array<i32>} : memref<48x24xi32, #tpu.memory_space<vmem>>, vector<16xi32>,
    tpu.vector_store %arg11[%swap3A_1278, %swap3A_1279], %add3A_1276 {strides = array<i32>} : memref<48x24xi32, #tpu.memory_space<vmem>>, vector<16xi32>,
    %add3A_1281 = arith.constant 1 : i32
    %add3A_1282 = arith.addi %mul3A_2, %add3A_1281 : i32
    %mul3A_1283 = arith.constant 432 : i32
    %mul3A_1284 = arith.muli %add3A_1282, %mul3A_1283 : i32
    %get3A_1285 = arith.constant 1024 : index
    %get3A_1286 = tpu.vector_load %arg10[%get3A_1285] {strides = array<i32>} : memref<1280xi32, #tpu.memory_space<vmem>>, vector<16xi32>,
    %get3A_1287 = arith.constant 1032 : index
    %get3A_1288 = tpu.vector_load %arg10[%get3A_1287] {strides = array<i32>} : memref<1280xi32, #tpu.memory_space<vmem>>, vector<16xi32>,
    %sub3A_1289 = arith.constant 144 : i32
    %sub3A_1290 = vector.broadcast %sub3A_1289 : i32 to vector<16xi32>
    %sub3A_1291 = arith.subi %get3A_1286, %sub3A_1290 : vector<16xi32>
    %max3A_1292 = arith.constant 0 : i32
    %max3A_1293 = vector.broadcast %max3A_1292 : i32 to vector<16xi32>
    %max3A_1294 = arith.maxsi %sub3A_1291, %max3A_1293 : vector<16xi32>
    %add3A_1295 = vector.broadcast %mul3A_1284 : i32 to vector<16xi32>
    %add3A_1296 = arith.addi %max3A_1294, %add3A_1295 : vector<16xi32>
    %swap3A_1297 = arith.constant 40 : i32
    %swap3A_1298 = arith.index_cast %swap3A_1297 : i32 to index
    %swap3A_1299 = arith.constant 0 : index
    %swap3A_1300 = tpu.vector_load %arg11[%swap3A_1298, %swap3A_1299] {strides = array<i32>} : memref<48x24xi32, #tpu.memory_space<vmem>>, vector<16xi32>,
    tpu.vector_store %arg11[%swap3A_1298, %swap3A_1299], %add3A_1296 {strides = array<i32>} : memref<48x24xi32, #tpu.memory_space<vmem>>, vector<16xi32>,
    %sub3A_1301 = arith.constant 144 : i32
    %sub3A_1302 = vector.broadcast %sub3A_1301 : i32 to vector<16xi32>
    %sub3A_1303 = arith.subi %get3A_1288, %sub3A_1302 : vector<16xi32>
    %max3A_1304 = arith.constant 0 : i32
    %max3A_1305 = vector.broadcast %max3A_1304 : i32 to vector<16xi32>
    %max3A_1306 = arith.maxsi %sub3A_1303, %max3A_1305 : vector<16xi32>
    %add3A_1307 = vector.broadcast %mul3A_1284 : i32 to vector<16xi32>
    %add3A_1308 = arith.addi %max3A_1306, %add3A_1307 : vector<16xi32>
    %swap3A_1309 = arith.constant 40 : i32
    %swap3A_1310 = arith.index_cast %swap3A_1309 : i32 to index
    %swap3A_1311 = arith.constant 8 : index
    %swap3A_1312 = tpu.vector_load %arg11[%swap3A_1310, %swap3A_1311] {strides = array<i32>} : memref<48x24xi32, #tpu.memory_space<vmem>>, vector<16xi32>,
    tpu.vector_store %arg11[%swap3A_1310, %swap3A_1311], %add3A_1308 {strides = array<i32>} : memref<48x24xi32, #tpu.memory_space<vmem>>, vector<16xi32>,
    %add3A_1313 = arith.constant 1 : i32
    %add3A_1314 = arith.addi %mul3A_2, %add3A_1313 : i32
    %mul3A_1315 = arith.constant 432 : i32
    %mul3A_1316 = arith.muli %add3A_1314, %mul3A_1315 : i32
    %get3A_1317 = arith.constant 1048 : index
    %get3A_1318 = tpu.vector_load %arg10[%get3A_1317] {strides = array<i32>} : memref<1280xi32, #tpu.memory_space<vmem>>, vector<16xi32>,
    %get3A_1319 = arith.constant 1056 : index
    %get3A_1320 = tpu.vector_load %arg10[%get3A_1319] {strides = array<i32>} : memref<1280xi32, #tpu.memory_space<vmem>>, vector<16xi32>,
    %sub3A_1321 = arith.constant 144 : i32
    %sub3A_1322 = vector.broadcast %sub3A_1321 : i32 to vector<16xi32>
    %sub3A_1323 = arith.subi %get3A_1318, %sub3A_1322 : vector<16xi32>
    %max3A_1324 = arith.constant 0 : i32
    %max3A_1325 = vector.broadcast %max3A_1324 : i32 to vector<16xi32>
    %max3A_1326 = arith.maxsi %sub3A_1323, %max3A_1325 : vector<16xi32>
    %add3A_1327 = vector.broadcast %mul3A_1316 : i32 to vector<16xi32>
    %add3A_1328 = arith.addi %max3A_1326, %add3A_1327 : vector<16xi32>
    %swap3A_1329 = arith.constant 41 : i32
    %swap3A_1330 = arith.index_cast %swap3A_1329 : i32 to index
    %swap3A_1331 = arith.constant 0 : index
    %swap3A_1332 = tpu.vector_load %arg11[%swap3A_1330, %swap3A_1331] {strides = array<i32>} : memref<48x24xi32, #tpu.memory_space<vmem>>, vector<16xi32>,
    tpu.vector_store %arg11[%swap3A_1330, %swap3A_1331], %add3A_1328 {strides = array<i32>} : memref<48x24xi32, #tpu.memory_space<vmem>>, vector<16xi32>,
    %sub3A_1333 = arith.constant 144 : i32
    %sub3A_1334 = vector.broadcast %sub3A_1333 : i32 to vector<16xi32>
    %sub3A_1335 = arith.subi %get3A_1320, %sub3A_1334 : vector<16xi32>
    %max3A_1336 = arith.constant 0 : i32
    %max3A_1337 = vector.broadcast %max3A_1336 : i32 to vector<16xi32>
    %max3A_1338 = arith.maxsi %sub3A_1335, %max3A_1337 : vector<16xi32>
    %add3A_1339 = vector.broadcast %mul3A_1316 : i32 to vector<16xi32>
    %add3A_1340 = arith.addi %max3A_1338, %add3A_1339 : vector<16xi32>
    %swap3A_1341 = arith.constant 41 : i32
    %swap3A_1342 = arith.index_cast %swap3A_1341 : i32 to index
    %swap3A_1343 = arith.constant 8 : index
    %swap3A_1344 = tpu.vector_load %arg11[%swap3A_1342, %swap3A_1343] {strides = array<i32>} : memref<48x24xi32, #tpu.memory_space<vmem>>, vector<16xi32>,
    tpu.vector_store %arg11[%swap3A_1342, %swap3A_1343], %add3A_1340 {strides = array<i32>} : memref<48x24xi32, #tpu.memory_space<vmem>>, vector<16xi32>,
    %add3A_1345 = arith.constant 1 : i32
    %add3A_1346 = arith.addi %mul3A_2, %add3A_1345 : i32
    %mul3A_1347 = arith.constant 432 : i32
    %mul3A_1348 = arith.muli %add3A_1346, %mul3A_1347 : i32
    %get3A_1349 = arith.constant 1072 : index
    %get3A_1350 = tpu.vector_load %arg10[%get3A_1349] {strides = array<i32>} : memref<1280xi32, #tpu.memory_space<vmem>>, vector<16xi32>,
    %get3A_1351 = arith.constant 1080 : index
    %get3A_1352 = tpu.vector_load %arg10[%get3A_1351] {strides = array<i32>} : memref<1280xi32, #tpu.memory_space<vmem>>, vector<16xi32>,
    %sub3A_1353 = arith.constant 144 : i32
    %sub3A_1354 = vector.broadcast %sub3A_1353 : i32 to vector<16xi32>
    %sub3A_1355 = arith.subi %get3A_1350, %sub3A_1354 : vector<16xi32>
    %max3A_1356 = arith.constant 0 : i32
    %max3A_1357 = vector.broadcast %max3A_1356 : i32 to vector<16xi32>
    %max3A_1358 = arith.maxsi %sub3A_1355, %max3A_1357 : vector<16xi32>
    %add3A_1359 = vector.broadcast %mul3A_1348 : i32 to vector<16xi32>
    %add3A_1360 = arith.addi %max3A_1358, %add3A_1359 : vector<16xi32>
    %swap3A_1361 = arith.constant 42 : i32
    %swap3A_1362 = arith.index_cast %swap3A_1361 : i32 to index
    %swap3A_1363 = arith.constant 0 : index
    %swap3A_1364 = tpu.vector_load %arg11[%swap3A_1362, %swap3A_1363] {strides = array<i32>} : memref<48x24xi32, #tpu.memory_space<vmem>>, vector<16xi32>,
    tpu.vector_store %arg11[%swap3A_1362, %swap3A_1363], %add3A_1360 {strides = array<i32>} : memref<48x24xi32, #tpu.memory_space<vmem>>, vector<16xi32>,
    %sub3A_1365 = arith.constant 144 : i32
    %sub3A_1366 = vector.broadcast %sub3A_1365 : i32 to vector<16xi32>
    %sub3A_1367 = arith.subi %get3A_1352, %sub3A_1366 : vector<16xi32>
    %max3A_1368 = arith.constant 0 : i32
    %max3A_1369 = vector.broadcast %max3A_1368 : i32 to vector<16xi32>
    %max3A_1370 = arith.maxsi %sub3A_1367, %max3A_1369 : vector<16xi32>
    %add3A_1371 = vector.broadcast %mul3A_1348 : i32 to vector<16xi32>
    %add3A_1372 = arith.addi %max3A_1370, %add3A_1371 : vector<16xi32>
    %swap3A_1373 = arith.constant 42 : i32
    %swap3A_1374 = arith.index_cast %swap3A_1373 : i32 to index
    %swap3A_1375 = arith.constant 8 : index
    %swap3A_1376 = tpu.vector_load %arg11[%swap3A_1374, %swap3A_1375] {strides = array<i32>} : memref<48x24xi32, #tpu.memory_space<vmem>>, vector<16xi32>,
    tpu.vector_store %arg11[%swap3A_1374, %swap3A_1375], %add3A_1372 {strides = array<i32>} : memref<48x24xi32, #tpu.memory_space<vmem>>, vector<16xi32>,
    %add3A_1377 = arith.constant 1 : i32
    %add3A_1378 = arith.addi %mul3A_2, %add3A_1377 : i32
    %mul3A_1379 = arith.constant 432 : i32
    %mul3A_1380 = arith.muli %add3A_1378, %mul3A_1379 : i32
    %get3A_1381 = arith.constant 1096 : index
    %get3A_1382 = tpu.vector_load %arg10[%get3A_1381] {strides = array<i32>} : memref<1280xi32, #tpu.memory_space<vmem>>, vector<16xi32>,
    %get3A_1383 = arith.constant 1104 : index
    %get3A_1384 = tpu.vector_load %arg10[%get3A_1383] {strides = array<i32>} : memref<1280xi32, #tpu.memory_space<vmem>>, vector<16xi32>,
    %sub3A_1385 = arith.constant 144 : i32
    %sub3A_1386 = vector.broadcast %sub3A_1385 : i32 to vector<16xi32>
    %sub3A_1387 = arith.subi %get3A_1382, %sub3A_1386 : vector<16xi32>
    %max3A_1388 = arith.constant 0 : i32
    %max3A_1389 = vector.broadcast %max3A_1388 : i32 to vector<16xi32>
    %max3A_1390 = arith.maxsi %sub3A_1387, %max3A_1389 : vector<16xi32>
    %add3A_1391 = vector.broadcast %mul3A_1380 : i32 to vector<16xi32>
    %add3A_1392 = arith.addi %max3A_1390, %add3A_1391 : vector<16xi32>
    %swap3A_1393 = arith.constant 43 : i32
    %swap3A_1394 = arith.index_cast %swap3A_1393 : i32 to index
    %swap3A_1395 = arith.constant 0 : index
    %swap3A_1396 = tpu.vector_load %arg11[%swap3A_1394, %swap3A_1395] {strides = array<i32>} : memref<48x24xi32, #tpu.memory_space<vmem>>, vector<16xi32>,
    tpu.vector_store %arg11[%swap3A_1394, %swap3A_1395], %add3A_1392 {strides = array<i32>} : memref<48x24xi32, #tpu.memory_space<vmem>>, vector<16xi32>,
    %sub3A_1397 = arith.constant 144 : i32
    %sub3A_1398 = vector.broadcast %sub3A_1397 : i32 to vector<16xi32>
    %sub3A_1399 = arith.subi %get3A_1384, %sub3A_1398 : vector<16xi32>
    %max3A_1400 = arith.constant 0 : i32
    %max3A_1401 = vector.broadcast %max3A_1400 : i32 to vector<16xi32>
    %max3A_1402 = arith.maxsi %sub3A_1399, %max3A_1401 : vector<16xi32>
    %add3A_1403 = vector.broadcast %mul3A_1380 : i32 to vector<16xi32>
    %add3A_1404 = arith.addi %max3A_1402, %add3A_1403 : vector<16xi32>
    %swap3A_1405 = arith.constant 43 : i32
    %swap3A_1406 = arith.index_cast %swap3A_1405 : i32 to index
    %swap3A_1407 = arith.constant 8 : index
    %swap3A_1408 = tpu.vector_load %arg11[%swap3A_1406, %swap3A_1407] {strides = array<i32>} : memref<48x24xi32, #tpu.memory_space<vmem>>, vector<16xi32>,
    tpu.vector_store %arg11[%swap3A_1406, %swap3A_1407], %add3A_1404 {strides = array<i32>} : memref<48x24xi32, #tpu.memory_space<vmem>>, vector<16xi32>,
    %add3A_1409 = arith.constant 1 : i32
    %add3A_1410 = arith.addi %mul3A_2, %add3A_1409 : i32
    %mul3A_1411 = arith.constant 432 : i32
    %mul3A_1412 = arith.muli %add3A_1410, %mul3A_1411 : i32
    %get3A_1413 = arith.constant 1120 : index
    %get3A_1414 = tpu.vector_load %arg10[%get3A_1413] {strides = array<i32>} : memref<1280xi32, #tpu.memory_space<vmem>>, vector<16xi32>,
    %get3A_1415 = arith.constant 1128 : index
    %get3A_1416 = tpu.vector_load %arg10[%get3A_1415] {strides = array<i32>} : memref<1280xi32, #tpu.memory_space<vmem>>, vector<16xi32>,
    %sub3A_1417 = arith.constant 144 : i32
    %sub3A_1418 = vector.broadcast %sub3A_1417 : i32 to vector<16xi32>
    %sub3A_1419 = arith.subi %get3A_1414, %sub3A_1418 : vector<16xi32>
    %max3A_1420 = arith.constant 0 : i32
    %max3A_1421 = vector.broadcast %max3A_1420 : i32 to vector<16xi32>
    %max3A_1422 = arith.maxsi %sub3A_1419, %max3A_1421 : vector<16xi32>
    %add3A_1423 = vector.broadcast %mul3A_1412 : i32 to vector<16xi32>
    %add3A_1424 = arith.addi %max3A_1422, %add3A_1423 : vector<16xi32>
    %swap3A_1425 = arith.constant 44 : i32
    %swap3A_1426 = arith.index_cast %swap3A_1425 : i32 to index
    %swap3A_1427 = arith.constant 0 : index
    %swap3A_1428 = tpu.vector_load %arg11[%swap3A_1426, %swap3A_1427] {strides = array<i32>} : memref<48x24xi32, #tpu.memory_space<vmem>>, vector<16xi32>,
    tpu.vector_store %arg11[%swap3A_1426, %swap3A_1427], %add3A_1424 {strides = array<i32>} : memref<48x24xi32, #tpu.memory_space<vmem>>, vector<16xi32>,
    %sub3A_1429 = arith.constant 144 : i32
    %sub3A_1430 = vector.broadcast %sub3A_1429 : i32 to vector<16xi32>
    %sub3A_1431 = arith.subi %get3A_1416, %sub3A_1430 : vector<16xi32>
    %max3A_1432 = arith.constant 0 : i32
    %max3A_1433 = vector.broadcast %max3A_1432 : i32 to vector<16xi32>
    %max3A_1434 = arith.maxsi %sub3A_1431, %max3A_1433 : vector<16xi32>
    %add3A_1435 = vector.broadcast %mul3A_1412 : i32 to vector<16xi32>
    %add3A_1436 = arith.addi %max3A_1434, %add3A_1435 : vector<16xi32>
    %swap3A_1437 = arith.constant 44 : i32
    %swap3A_1438 = arith.index_cast %swap3A_1437 : i32 to index
    %swap3A_1439 = arith.constant 8 : index
    %swap3A_1440 = tpu.vector_load %arg11[%swap3A_1438, %swap3A_1439] {strides = array<i32>} : memref<48x24xi32, #tpu.memory_space<vmem>>, vector<16xi32>,
    tpu.vector_store %arg11[%swap3A_1438, %swap3A_1439], %add3A_1436 {strides = array<i32>} : memref<48x24xi32, #tpu.memory_space<vmem>>, vector<16xi32>,
    %add3A_1441 = arith.constant 1 : i32
    %add3A_1442 = arith.addi %mul3A_2, %add3A_1441 : i32
    %mul3A_1443 = arith.constant 432 : i32
    %mul3A_1444 = arith.muli %add3A_1442, %mul3A_1443 : i32
    %get3A_1445 = arith.constant 1144 : index
    %get3A_1446 = tpu.vector_load %arg10[%get3A_1445] {strides = array<i32>} : memref<1280xi32, #tpu.memory_space<vmem>>, vector<16xi32>,
    %get3A_1447 = arith.constant 1152 : index
    %get3A_1448 = tpu.vector_load %arg10[%get3A_1447] {strides = array<i32>} : memref<1280xi32, #tpu.memory_space<vmem>>, vector<16xi32>,
    %sub3A_1449 = arith.constant 144 : i32
    %sub3A_1450 = vector.broadcast %sub3A_1449 : i32 to vector<16xi32>
    %sub3A_1451 = arith.subi %get3A_1446, %sub3A_1450 : vector<16xi32>
    %max3A_1452 = arith.constant 0 : i32
    %max3A_1453 = vector.broadcast %max3A_1452 : i32 to vector<16xi32>
    %max3A_1454 = arith.maxsi %sub3A_1451, %max3A_1453 : vector<16xi32>
    %add3A_1455 = vector.broadcast %mul3A_1444 : i32 to vector<16xi32>
    %add3A_1456 = arith.addi %max3A_1454, %add3A_1455 : vector<16xi32>
    %swap3A_1457 = arith.constant 45 : i32
    %swap3A_1458 = arith.index_cast %swap3A_1457 : i32 to index
    %swap3A_1459 = arith.constant 0 : index
    %swap3A_1460 = tpu.vector_load %arg11[%swap3A_1458, %swap3A_1459] {strides = array<i32>} : memref<48x24xi32, #tpu.memory_space<vmem>>, vector<16xi32>,
    tpu.vector_store %arg11[%swap3A_1458, %swap3A_1459], %add3A_1456 {strides = array<i32>} : memref<48x24xi32, #tpu.memory_space<vmem>>, vector<16xi32>,
    %sub3A_1461 = arith.constant 144 : i32
    %sub3A_1462 = vector.broadcast %sub3A_1461 : i32 to vector<16xi32>
    %sub3A_1463 = arith.subi %get3A_1448, %sub3A_1462 : vector<16xi32>
    %max3A_1464 = arith.constant 0 : i32
    %max3A_1465 = vector.broadcast %max3A_1464 : i32 to vector<16xi32>
    %max3A_1466 = arith.maxsi %sub3A_1463, %max3A_1465 : vector<16xi32>
    %add3A_1467 = vector.broadcast %mul3A_1444 : i32 to vector<16xi32>
    %add3A_1468 = arith.addi %max3A_1466, %add3A_1467 : vector<16xi32>
    %swap3A_1469 = arith.constant 45 : i32
    %swap3A_1470 = arith.index_cast %swap3A_1469 : i32 to index
    %swap3A_1471 = arith.constant 8 : index
    %swap3A_1472 = tpu.vector_load %arg11[%swap3A_1470, %swap3A_1471] {strides = array<i32>} : memref<48x24xi32, #tpu.memory_space<vmem>>, vector<16xi32>,
    tpu.vector_store %arg11[%swap3A_1470, %swap3A_1471], %add3A_1468 {strides = array<i32>} : memref<48x24xi32, #tpu.memory_space<vmem>>, vector<16xi32>,
    %add3A_1473 = arith.constant 1 : i32
    %add3A_1474 = arith.addi %mul3A_2, %add3A_1473 : i32
    %mul3A_1475 = arith.constant 432 : i32
    %mul3A_1476 = arith.muli %add3A_1474, %mul3A_1475 : i32
    %get3A_1477 = arith.constant 1168 : index
    %get3A_1478 = tpu.vector_load %arg10[%get3A_1477] {strides = array<i32>} : memref<1280xi32, #tpu.memory_space<vmem>>, vector<16xi32>,
    %get3A_1479 = arith.constant 1176 : index
    %get3A_1480 = tpu.vector_load %arg10[%get3A_1479] {strides = array<i32>} : memref<1280xi32, #tpu.memory_space<vmem>>, vector<16xi32>,
    %sub3A_1481 = arith.constant 144 : i32
    %sub3A_1482 = vector.broadcast %sub3A_1481 : i32 to vector<16xi32>
    %sub3A_1483 = arith.subi %get3A_1478, %sub3A_1482 : vector<16xi32>
    %max3A_1484 = arith.constant 0 : i32
    %max3A_1485 = vector.broadcast %max3A_1484 : i32 to vector<16xi32>
    %max3A_1486 = arith.maxsi %sub3A_1483, %max3A_1485 : vector<16xi32>
    %add3A_1487 = vector.broadcast %mul3A_1476 : i32 to vector<16xi32>
    %add3A_1488 = arith.addi %max3A_1486, %add3A_1487 : vector<16xi32>
    %swap3A_1489 = arith.constant 46 : i32
    %swap3A_1490 = arith.index_cast %swap3A_1489 : i32 to index
    %swap3A_1491 = arith.constant 0 : index
    %swap3A_1492 = tpu.vector_load %arg11[%swap3A_1490, %swap3A_1491] {strides = array<i32>} : memref<48x24xi32, #tpu.memory_space<vmem>>, vector<16xi32>,
    tpu.vector_store %arg11[%swap3A_1490, %swap3A_1491], %add3A_1488 {strides = array<i32>} : memref<48x24xi32, #tpu.memory_space<vmem>>, vector<16xi32>,
    %sub3A_1493 = arith.constant 144 : i32
    %sub3A_1494 = vector.broadcast %sub3A_1493 : i32 to vector<16xi32>
    %sub3A_1495 = arith.subi %get3A_1480, %sub3A_1494 : vector<16xi32>
    %max3A_1496 = arith.constant 0 : i32
    %max3A_1497 = vector.broadcast %max3A_1496 : i32 to vector<16xi32>
    %max3A_1498 = arith.maxsi %sub3A_1495, %max3A_1497 : vector<16xi32>
    %add3A_1499 = vector.broadcast %mul3A_1476 : i32 to vector<16xi32>
    %add3A_1500 = arith.addi %max3A_1498, %add3A_1499 : vector<16xi32>
    %swap3A_1501 = arith.constant 46 : i32
    %swap3A_1502 = arith.index_cast %swap3A_1501 : i32 to index
    %swap3A_1503 = arith.constant 8 : index
    %swap3A_1504 = tpu.vector_load %arg11[%swap3A_1502, %swap3A_1503] {strides = array<i32>} : memref<48x24xi32, #tpu.memory_space<vmem>>, vector<16xi32>,
    tpu.vector_store %arg11[%swap3A_1502, %swap3A_1503], %add3A_1500 {strides = array<i32>} : memref<48x24xi32, #tpu.memory_space<vmem>>, vector<16xi32>,
    %add3A_1505 = arith.constant 1 : i32
    %add3A_1506 = arith.addi %mul3A_2, %add3A_1505 : i32
    %mul3A_1507 = arith.constant 432 : i32
    %mul3A_1508 = arith.muli %add3A_1506, %mul3A_1507 : i32
    %get3A_1509 = arith.constant 1192 : index
    %get3A_1510 = tpu.vector_load %arg10[%get3A_1509] {strides = array<i32>} : memref<1280xi32, #tpu.memory_space<vmem>>, vector<16xi32>,
    %get3A_1511 = arith.constant 1200 : index
    %get3A_1512 = tpu.vector_load %arg10[%get3A_1511] {strides = array<i32>} : memref<1280xi32, #tpu.memory_space<vmem>>, vector<16xi32>,
    %sub3A_1513 = arith.constant 144 : i32
    %sub3A_1514 = vector.broadcast %sub3A_1513 : i32 to vector<16xi32>
    %sub3A_1515 = arith.subi %get3A_1510, %sub3A_1514 : vector<16xi32>
    %max3A_1516 = arith.constant 0 : i32
    %max3A_1517 = vector.broadcast %max3A_1516 : i32 to vector<16xi32>
    %max3A_1518 = arith.maxsi %sub3A_1515, %max3A_1517 : vector<16xi32>
    %add3A_1519 = vector.broadcast %mul3A_1508 : i32 to vector<16xi32>
    %add3A_1520 = arith.addi %max3A_1518, %add3A_1519 : vector<16xi32>
    %swap3A_1521 = arith.constant 47 : i32
    %swap3A_1522 = arith.index_cast %swap3A_1521 : i32 to index
    %swap3A_1523 = arith.constant 0 : index
    %swap3A_1524 = tpu.vector_load %arg11[%swap3A_1522, %swap3A_1523] {strides = array<i32>} : memref<48x24xi32, #tpu.memory_space<vmem>>, vector<16xi32>,
    tpu.vector_store %arg11[%swap3A_1522, %swap3A_1523], %add3A_1520 {strides = array<i32>} : memref<48x24xi32, #tpu.memory_space<vmem>>, vector<16xi32>,
    %sub3A_1525 = arith.constant 144 : i32
    %sub3A_1526 = vector.broadcast %sub3A_1525 : i32 to vector<16xi32>
    %sub3A_1527 = arith.subi %get3A_1512, %sub3A_1526 : vector<16xi32>
    %max3A_1528 = arith.constant 0 : i32
    %max3A_1529 = vector.broadcast %max3A_1528 : i32 to vector<16xi32>
    %max3A_1530 = arith.maxsi %sub3A_1527, %max3A_1529 : vector<16xi32>
    %add3A_1531 = vector.broadcast %mul3A_1508 : i32 to vector<16xi32>
    %add3A_1532 = arith.addi %max3A_1530, %add3A_1531 : vector<16xi32>
    %swap3A_1533 = arith.constant 47 : i32
    %swap3A_1534 = arith.index_cast %swap3A_1533 : i32 to index
    %swap3A_1535 = arith.constant 8 : index
    %swap3A_1536 = tpu.vector_load %arg11[%swap3A_1534, %swap3A_1535] {strides = array<i32>} : memref<48x24xi32, #tpu.memory_space<vmem>>, vector<16xi32>,
    tpu.vector_store %arg11[%swap3A_1534, %swap3A_1535], %add3A_1532 {strides = array<i32>} : memref<48x24xi32, #tpu.memory_space<vmem>>, vector<16xi32>,
    %add3A_1537 = arith.constant 0 : i32
    %add3A_1538 = arith.addi %mul3A_2, %add3A_1537 : i32
    %dma_start3A = arith.constant 0 : i32
    %dma_start3A_1539 = arith.constant 0 : i32
    %dma_start3A_1540 = arith.constant 0 : i32
    %dma_start3A_1541 = tpu.memref_slice %arg6[%dma_start3A_1539, %dma_start3A_1540] : memref<48x384xf32, #tpu.memory_space<vmem>> -> memref<16x384xf32, #tpu.memory_space<vmem>>
    %dma_start3A_1542 = arith.constant 0 : i32
    %dma_start3A_1543 = arith.constant 0 : i32
    %dma_start3A_1544 = tpu.memref_slice %arg2[%add3A_1538, %dma_start3A, %dma_start3A_1542, %dma_start3A_1543] : memref<64x3x384x384xf32, #tpu.memory_space<hbm>> -> memref<1x1x16x384xf32, #tpu.memory_space<hbm>>
    %dma_start3A_1545 = tpu.memref_squeeze %dma_start3A_1544 : memref<1x1x16x384xf32, #tpu.memory_space<hbm>> -> memref<16x384xf32, #tpu.memory_space<hbm>>
    %dma_start3A_1546 = arith.constant 0 : i32
    %dma_start3A_1547 = arith.constant 0 : i32
    %dma_start3A_1548 = tpu.memref_slice %arg6[%dma_start3A_1546, %dma_start3A_1547] : memref<48x384xf32, #tpu.memory_space<vmem>> -> memref<16x384xf32, #tpu.memory_space<vmem>>
    %dma_start3A_1549 = arith.constant 0 : i32
    %dma_start3A_1550 = arith.constant 0 : i32
    %dma_start3A_1551 = tpu.memref_slice %arg2[%add3A_1538, %dma_start3A, %dma_start3A_1549, %dma_start3A_1550] : memref<64x3x384x384xf32, #tpu.memory_space<hbm>> -> memref<1x1x16x384xf32, #tpu.memory_space<hbm>>
    %dma_start3A_1552 = tpu.memref_squeeze %dma_start3A_1551 : memref<1x1x16x384xf32, #tpu.memory_space<hbm>> -> memref<16x384xf32, #tpu.memory_space<hbm>>
    tpu.enqueue_dma source(%dma_start3A_1552 : memref<16x384xf32, #tpu.memory_space<hbm>>) target(%dma_start3A_1548 : memref<16x384xf32, #tpu.memory_space<vmem>>) target_semaphore(%arg12 : memref<!tpu.dma_semaphore, #tpu.memory_space<semaphore_mem>>)
    %dma_start3A_1553 = arith.constant 1 : i32
    %dma_start3A_1554 = arith.constant 16 : i32
    %dma_start3A_1555 = arith.constant 0 : i32
    %dma_start3A_1556 = tpu.memref_slice %arg6[%dma_start3A_1554, %dma_start3A_1555] : memref<48x384xf32, #tpu.memory_space<vmem>> -> memref<16x384xf32, #tpu.memory_space<vmem>>
    %dma_start3A_1557 = arith.constant 0 : i32
    %dma_start3A_1558 = arith.constant 0 : i32
    %dma_start3A_1559 = tpu.memref_slice %arg2[%add3A_1538, %dma_start3A_1553, %dma_start3A_1557, %dma_start3A_1558] : memref<64x3x384x384xf32, #tpu.memory_space<hbm>> -> memref<1x1x16x384xf32, #tpu.memory_space<hbm>>
    %dma_start3A_1560 = tpu.memref_squeeze %dma_start3A_1559 : memref<1x1x16x384xf32, #tpu.memory_space<hbm>> -> memref<16x384xf32, #tpu.memory_space<hbm>>
    %dma_start3A_1561 = arith.constant 16 : i32
    %dma_start3A_1562 = arith.constant 0 : i32
    %dma_start3A_1563 = tpu.memref_slice %arg6[%dma_start3A_1561, %dma_start3A_1562] : memref<48x384xf32, #tpu.memory_space<vmem>> -> memref<16x384xf32, #tpu.memory_space<vmem>>
    %dma_start3A_1564 = arith.constant 0 : i32
    %dma_start3A_1565 = arith.constant 0 : i32
    %dma_start3A_1566 = tpu.memref_slice %arg2[%add3A_1538, %dma_start3A_1553, %dma_start3A_1564, %dma_start3A_1565] : memref<64x3x384x384xf32, #tpu.memory_space<hbm>> -> memref<1x1x16x384xf32, #tpu.memory_space<hbm>>
    %dma_start3A_1567 = tpu.memref_squeeze %dma_start3A_1566 : memref<1x1x16x384xf32, #tpu.memory_space<hbm>> -> memref<16x384xf32, #tpu.memory_space<hbm>>
    tpu.enqueue_dma source(%dma_start3A_1567 : memref<16x384xf32, #tpu.memory_space<hbm>>) target(%dma_start3A_1563 : memref<16x384xf32, #tpu.memory_space<vmem>>) target_semaphore(%arg12 : memref<!tpu.dma_semaphore, #tpu.memory_space<semaphore_mem>>)
    %dma_start3A_1568 = arith.constant 2 : i32
    %dma_start3A_1569 = arith.constant 32 : i32
    %dma_start3A_1570 = arith.constant 0 : i32
    %dma_start3A_1571 = tpu.memref_slice %arg6[%dma_start3A_1569, %dma_start3A_1570] : memref<48x384xf32, #tpu.memory_space<vmem>> -> memref<16x384xf32, #tpu.memory_space<vmem>>
    %dma_start3A_1572 = arith.constant 0 : i32
    %dma_start3A_1573 = arith.constant 0 : i32
    %dma_start3A_1574 = tpu.memref_slice %arg2[%add3A_1538, %dma_start3A_1568, %dma_start3A_1572, %dma_start3A_1573] : memref<64x3x384x384xf32, #tpu.memory_space<hbm>> -> memref<1x1x16x384xf32, #tpu.memory_space<hbm>>
    %dma_start3A_1575 = tpu.memref_squeeze %dma_start3A_1574 : memref<1x1x16x384xf32, #tpu.memory_space<hbm>> -> memref<16x384xf32, #tpu.memory_space<hbm>>
    %dma_start3A_1576 = arith.constant 32 : i32
    %dma_start3A_1577 = arith.constant 0 : i32
    %dma_start3A_1578 = tpu.memref_slice %arg6[%dma_start3A_1576, %dma_start3A_1577] : memref<48x384xf32, #tpu.memory_space<vmem>> -> memref<16x384xf32, #tpu.memory_space<vmem>>
    %dma_start3A_1579 = arith.constant 0 : i32
    %dma_start3A_1580 = arith.constant 0 : i32
    %dma_start3A_1581 = tpu.memref_slice %arg2[%add3A_1538, %dma_start3A_1568, %dma_start3A_1579, %dma_start3A_1580] : memref<64x3x384x384xf32, #tpu.memory_space<hbm>> -> memref<1x1x16x384xf32, #tpu.memory_space<hbm>>
    %dma_start3A_1582 = tpu.memref_squeeze %dma_start3A_1581 : memref<1x1x16x384xf32, #tpu.memory_space<hbm>> -> memref<16x384xf32, #tpu.memory_space<hbm>>
    tpu.enqueue_dma source(%dma_start3A_1582 : memref<16x384xf32, #tpu.memory_space<hbm>>) target(%dma_start3A_1578 : memref<16x384xf32, #tpu.memory_space<vmem>>) target_semaphore(%arg12 : memref<!tpu.dma_semaphore, #tpu.memory_space<semaphore_mem>>)
    %dma_start3A_1583 = arith.constant 0 : i32
    %dma_start3A_1584 = arith.constant 0 : i32
    %dma_start3A_1585 = tpu.memref_slice %arg11[%dma_start3A_1583, %dma_start3A_1584] : memref<48x24xi32, #tpu.memory_space<vmem>> -> memref<1x24xi32, #tpu.memory_space<vmem>>
    %dma_start3A_1586 = tpu.memref_squeeze %dma_start3A_1585 : memref<1x24xi32, #tpu.memory_space<vmem>> -> memref<24xi32, #tpu.memory_space<vmem>>
    %dma_start3A_1587 = arith.constant 0 : i32
    %dma_start3A_1588 = arith.constant 0 : i32
    %dma_start3A_1589 = tpu.memref_slice %arg3[%dma_start3A_1587, %dma_start3A_1588] : memref<27648x768xf32, #tpu.memory_space<hbm>> -> memref<27648x768xf32, #tpu.memory_space<hbm>>
    tpu.enqueue_indirect_dma source(%dma_start3A_1589 : memref<27648x768xf32, #tpu.memory_space<hbm>>) target(%arg8 : memref<24x768xf32, #tpu.memory_space<vmem>>) offsets(%dma_start3A_1586 : memref<24xi32, #tpu.memory_space<vmem>>) semaphore(%arg14 : memref<!tpu.dma_semaphore, #tpu.memory_space<semaphore_mem>>)
    %add3A_1590 = arith.constant 0 : i32
    %add3A_1591 = arith.addi %mul3A_2, %add3A_1590 : i32
    %dma_start3A_1592 = arith.constant 0 : i32
    %dma_start3A_1593 = arith.constant 0 : i32
    %dma_start3A_1594 = arith.constant 0 : i32
    %dma_start3A_1595 = tpu.memref_slice %arg7[%dma_start3A_1593, %dma_start3A_1594] : memref<48x384xf32, #tpu.memory_space<vmem>> -> memref<16x384xf32, #tpu.memory_space<vmem>>
    %dma_start3A_1596 = arith.constant 16 : i32
    %dma_start3A_1597 = arith.constant 0 : i32
    %dma_start3A_1598 = tpu.memref_slice %arg2[%add3A_1591, %dma_start3A_1592, %dma_start3A_1596, %dma_start3A_1597] : memref<64x3x384x384xf32, #tpu.memory_space<hbm>> -> memref<1x1x16x384xf32, #tpu.memory_space<hbm>>
    %dma_start3A_1599 = tpu.memref_squeeze %dma_start3A_1598 : memref<1x1x16x384xf32, #tpu.memory_space<hbm>> -> memref<16x384xf32, #tpu.memory_space<hbm>>
    %dma_start3A_1600 = arith.constant 0 : i32
    %dma_start3A_1601 = arith.constant 0 : i32
    %dma_start3A_1602 = tpu.memref_slice %arg7[%dma_start3A_1600, %dma_start3A_1601] : memref<48x384xf32, #tpu.memory_space<vmem>> -> memref<16x384xf32, #tpu.memory_space<vmem>>
    %dma_start3A_1603 = arith.constant 16 : i32
    %dma_start3A_1604 = arith.constant 0 : i32
    %dma_start3A_1605 = tpu.memref_slice %arg2[%add3A_1591, %dma_start3A_1592, %dma_start3A_1603, %dma_start3A_1604] : memref<64x3x384x384xf32, #tpu.memory_space<hbm>> -> memref<1x1x16x384xf32, #tpu.memory_space<hbm>>
    %dma_start3A_1606 = tpu.memref_squeeze %dma_start3A_1605 : memref<1x1x16x384xf32, #tpu.memory_space<hbm>> -> memref<16x384xf32, #tpu.memory_space<hbm>>
    tpu.enqueue_dma source(%dma_start3A_1606 : memref<16x384xf32, #tpu.memory_space<hbm>>) target(%dma_start3A_1602 : memref<16x384xf32, #tpu.memory_space<vmem>>) target_semaphore(%arg13 : memref<!tpu.dma_semaphore, #tpu.memory_space<semaphore_mem>>)
    %dma_start3A_1607 = arith.constant 1 : i32
    %dma_start3A_1608 = arith.constant 16 : i32
    %dma_start3A_1609 = arith.constant 0 : i32
    %dma_start3A_1610 = tpu.memref_slice %arg7[%dma_start3A_1608, %dma_start3A_1609] : memref<48x384xf32, #tpu.memory_space<vmem>> -> memref<16x384xf32, #tpu.memory_space<vmem>>
    %dma_start3A_1611 = arith.constant 16 : i32
    %dma_start3A_1612 = arith.constant 0 : i32
    %dma_start3A_1613 = tpu.memref_slice %arg2[%add3A_1591, %dma_start3A_1607, %dma_start3A_1611, %dma_start3A_1612] : memref<64x3x384x384xf32, #tpu.memory_space<hbm>> -> memref<1x1x16x384xf32, #tpu.memory_space<hbm>>
    %dma_start3A_1614 = tpu.memref_squeeze %dma_start3A_1613 : memref<1x1x16x384xf32, #tpu.memory_space<hbm>> -> memref<16x384xf32, #tpu.memory_space<hbm>>
    %dma_start3A_1615 = arith.constant 16 : i32
    %dma_start3A_1616 = arith.constant 0 : i32
    %dma_start3A_1617 = tpu.memref_slice %arg7[%dma_start3A_1615, %dma_start3A_1616] : memref<48x384xf32, #tpu.memory_space<vmem>> -> memref<16x384xf32, #tpu.memory_space<vmem>>
    %dma_start3A_1618 = arith.constant 16 : i32
    %dma_start3A_1619 = arith.constant 0 : i32
    %dma_start3A_1620 = tpu.memref_slice %arg2[%add3A_1591, %dma_start3A_1607, %dma_start3A_1618, %dma_start3A_1619] : memref<64x3x384x384xf32, #tpu.memory_space<hbm>> -> memref<1x1x16x384xf32, #tpu.memory_space<hbm>>
    %dma_start3A_1621 = tpu.memref_squeeze %dma_start3A_1620 : memref<1x1x16x384xf32, #tpu.memory_space<hbm>> -> memref<16x384xf32, #tpu.memory_space<hbm>>
    tpu.enqueue_dma source(%dma_start3A_1621 : memref<16x384xf32, #tpu.memory_space<hbm>>) target(%dma_start3A_1617 : memref<16x384xf32, #tpu.memory_space<vmem>>) target_semaphore(%arg13 : memref<!tpu.dma_semaphore, #tpu.memory_space<semaphore_mem>>)
    %dma_start3A_1622 = arith.constant 2 : i32
    %dma_start3A_1623 = arith.constant 32 : i32
    %dma_start3A_1624 = arith.constant 0 : i32
    %dma_start3A_1625 = tpu.memref_slice %arg7[%dma_start3A_1623, %dma_start3A_1624] : memref<48x384xf32, #tpu.memory_space<vmem>> -> memref<16x384xf32, #tpu.memory_space<vmem>>
    %dma_start3A_1626 = arith.constant 16 : i32
    %dma_start3A_1627 = arith.constant 0 : i32
    %dma_start3A_1628 = tpu.memref_slice %arg2[%add3A_1591, %dma_start3A_1622, %dma_start3A_1626, %dma_start3A_1627] : memref<64x3x384x384xf32, #tpu.memory_space<hbm>> -> memref<1x1x16x384xf32, #tpu.memory_space<hbm>>
    %dma_start3A_1629 = tpu.memref_squeeze %dma_start3A_1628 : memref<1x1x16x384xf32, #tpu.memory_space<hbm>> -> memref<16x384xf32, #tpu.memory_space<hbm>>
    %dma_start3A_1630 = arith.constant 32 : i32
    %dma_start3A_1631 = arith.constant 0 : i32
    %dma_start3A_1632 = tpu.memref_slice %arg7[%dma_start3A_1630, %dma_start3A_1631] : memref<48x384xf32, #tpu.memory_space<vmem>> -> memref<16x384xf32, #tpu.memory_space<vmem>>
    %dma_start3A_1633 = arith.constant 16 : i32
    %dma_start3A_1634 = arith.constant 0 : i32
    %dma_start3A_1635 = tpu.memref_slice %arg2[%add3A_1591, %dma_start3A_1622, %dma_start3A_1633, %dma_start3A_1634] : memref<64x3x384x384xf32, #tpu.memory_space<hbm>> -> memref<1x1x16x384xf32, #tpu.memory_space<hbm>>
    %dma_start3A_1636 = tpu.memref_squeeze %dma_start3A_1635 : memref<1x1x16x384xf32, #tpu.memory_space<hbm>> -> memref<16x384xf32, #tpu.memory_space<hbm>>
    tpu.enqueue_dma source(%dma_start3A_1636 : memref<16x384xf32, #tpu.memory_space<hbm>>) target(%dma_start3A_1632 : memref<16x384xf32, #tpu.memory_space<vmem>>) target_semaphore(%arg13 : memref<!tpu.dma_semaphore, #tpu.memory_space<semaphore_mem>>)
    %dma_start3A_1637 = arith.constant 1 : i32
    %dma_start3A_1638 = arith.constant 0 : i32
    %dma_start3A_1639 = tpu.memref_slice %arg11[%dma_start3A_1637, %dma_start3A_1638] : memref<48x24xi32, #tpu.memory_space<vmem>> -> memref<1x24xi32, #tpu.memory_space<vmem>>
    %dma_start3A_1640 = tpu.memref_squeeze %dma_start3A_1639 : memref<1x24xi32, #tpu.memory_space<vmem>> -> memref<24xi32, #tpu.memory_space<vmem>>
    %dma_start3A_1641 = arith.constant 0 : i32
    %dma_start3A_1642 = arith.constant 0 : i32
    %dma_start3A_1643 = tpu.memref_slice %arg3[%dma_start3A_1641, %dma_start3A_1642] : memref<27648x768xf32, #tpu.memory_space<hbm>> -> memref<27648x768xf32, #tpu.memory_space<hbm>>
    tpu.enqueue_indirect_dma source(%dma_start3A_1643 : memref<27648x768xf32, #tpu.memory_space<hbm>>) target(%arg9 : memref<24x768xf32, #tpu.memory_space<vmem>>) offsets(%dma_start3A_1640 : memref<24xi32, #tpu.memory_space<vmem>>) semaphore(%arg15 : memref<!tpu.dma_semaphore, #tpu.memory_space<semaphore_mem>>)
    %scan3A = arith.constant 0 : i32
    %scan3A_1644 = arith.constant 0 : i32
    %scan3A_1645 = arith.constant 24 : i32
    %scan3A_1646 = arith.addi %scan3A_1644, %scan3A_1645 : i32
    %scan3A_1647 = arith.constant 1 : i32
    scf.for %scan3A_1742 = %scan3A_1644 to %scan3A_1646 step %scan3A_1647  : i32 {
      %mul3A_1743 = arith.constant 2 : i32
      %mul3A_1744 = arith.muli %mul3A_1743, %scan3A_1742 : i32
      %mul3A_1745 = arith.constant 2 : i32
      %mul3A_1746 = arith.muli %mul3A_1745, %scan3A_1742 : i32
      %add3A_1747 = arith.constant 1 : i32
      %add3A_1748 = arith.addi %mul3A_1746, %add3A_1747 : i32
      %jit3A = arith.constant 24 : i32
      %div3A = arith.divsi %mul3A_1744, %jit3A : i32
      %sign3A = arith.constant 0 : i32
      %sign3A_1749 = arith.cmpi sgt, %mul3A_1744, %sign3A : i32
      %sign3A_1750 = arith.extui %sign3A_1749 : i1 to i32
      %sign3A_1751 = arith.constant 0 : i32
      %sign3A_1752 = arith.cmpi slt, %mul3A_1744, %sign3A_1751 : i32
      %sign3A_1753 = arith.extui %sign3A_1752 : i1 to i32
      %sign3A_1754 = arith.subi %sign3A_1750, %sign3A_1753 : i32
      %sign3A_1755 = arith.constant 0 : i32
      %sign3A_1756 = arith.cmpi sgt, %jit3A, %sign3A_1755 : i32
      %sign3A_1757 = arith.extui %sign3A_1756 : i1 to i32
      %sign3A_1758 = arith.constant 0 : i32
      %sign3A_1759 = arith.cmpi slt, %jit3A, %sign3A_1758 : i32
      %sign3A_1760 = arith.extui %sign3A_1759 : i1 to i32
      %sign3A_1761 = arith.subi %sign3A_1757, %sign3A_1760 : i32
      %ne3A = arith.cmpi ne, %sign3A_1754, %sign3A_1761 : i32
      %rem3A = arith.remsi %mul3A_1744, %jit3A : i32
      %ne3A_1762 = arith.constant 0 : i32
      %ne3A_1763 = arith.cmpi ne, %rem3A, %ne3A_1762 : i32
      %and3A = arith.andi %ne3A, %ne3A_1763 : i1
      %sub3A_1764 = arith.constant 1 : i32
      %sub3A_1765 = arith.subi %div3A, %sub3A_1764 : i32
      %select_n3A = arith.select %and3A, %sub3A_1765, %div3A : i32
      %add3A_1766 = arith.addi %mul3A_2, %select_n3A : i32
      %jit3A_1767 = arith.constant 24 : i32
      %eq3A = arith.constant 0 : i32
      %eq3A_1768 = arith.cmpi eq, %jit3A_1767, %eq3A : i32
      %jit3A_1769 = arith.constant 1 : i32
      %select_n3A_1770 = arith.select %eq3A_1768, %jit3A_1769, %jit3A_1767 : i32
      %rem3A_1771 = arith.remsi %mul3A_1744, %select_n3A_1770 : i32
      %ne3A_1772 = arith.constant 0 : i32
      %ne3A_1773 = arith.cmpi ne, %rem3A_1771, %ne3A_1772 : i32
      %lt3A = arith.constant 0 : i32
      %lt3A_1774 = arith.cmpi slt, %rem3A_1771, %lt3A : i32
      %lt3A_1775 = arith.constant 0 : i32
      %lt3A_1776 = arith.cmpi slt, %select_n3A_1770, %lt3A_1775 : i32
      %ne3A_1777 = arith.xori %lt3A_1774, %lt3A_1776 : i1
      %and3A_1778 = arith.andi %ne3A_1777, %ne3A_1773 : i1
      %add3A_1779 = arith.addi %rem3A_1771, %select_n3A_1770 : i32
      %select_n3A_1780 = arith.select %and3A_1778, %add3A_1779, %rem3A_1771 : i32
      %mul3A_1781 = arith.constant 16 : i32
      %mul3A_1782 = arith.muli %select_n3A_1780, %mul3A_1781 : i32
      %mul3A_1783 = arith.constant 16 : i32
      %mul3A_1784 = arith.muli %select_n3A_1780, %mul3A_1783 : i32
      %mul3A_1785 = arith.constant 16 : i32
      %mul3A_1786 = arith.muli %select_n3A_1780, %mul3A_1785 : i32
      %dma_wait3A_1787 = arith.constant 0 : i32
      %dma_wait3A_1788 = arith.constant 0 : i32
      %dma_wait3A_1789 = arith.constant 0 : i32
      %dma_wait3A_1790 = tpu.memref_slice %arg6[%dma_wait3A_1788, %dma_wait3A_1789] : memref<48x384xf32, #tpu.memory_space<vmem>> -> memref<16x384xf32, #tpu.memory_space<vmem>>
      %dma_wait3A_1791 = arith.constant 0 : i32
      %dma_wait3A_1792 = tpu.memref_slice %arg2[%add3A_1766, %dma_wait3A_1787, %mul3A_1782, %dma_wait3A_1791] : memref<64x3x384x384xf32, #tpu.memory_space<hbm>> -> memref<1x1x16x384xf32, #tpu.memory_space<hbm>>
      %dma_wait3A_1793 = tpu.memref_squeeze %dma_wait3A_1792 : memref<1x1x16x384xf32, #tpu.memory_space<hbm>> -> memref<16x384xf32, #tpu.memory_space<hbm>>
      %dma_wait3A_1794 = arith.constant 0 : i32
      %dma_wait3A_1795 = arith.constant 0 : i32
      %dma_wait3A_1796 = tpu.memref_slice %arg6[%dma_wait3A_1794, %dma_wait3A_1795] : memref<48x384xf32, #tpu.memory_space<vmem>> -> memref<16x384xf32, #tpu.memory_space<vmem>>
      %dma_wait3A_1797 = arith.constant 0 : i32
      %dma_wait3A_1798 = tpu.memref_slice %arg2[%add3A_1766, %dma_wait3A_1787, %mul3A_1782, %dma_wait3A_1797] : memref<64x3x384x384xf32, #tpu.memory_space<hbm>> -> memref<1x1x16x384xf32, #tpu.memory_space<hbm>>
      %dma_wait3A_1799 = tpu.memref_squeeze %dma_wait3A_1798 : memref<1x1x16x384xf32, #tpu.memory_space<hbm>> -> memref<16x384xf32, #tpu.memory_space<hbm>>
      tpu.wait_dma2 semaphore(%arg12 : memref<!tpu.dma_semaphore, #tpu.memory_space<semaphore_mem>>) src(%dma_wait3A_1799 : memref<16x384xf32, #tpu.memory_space<hbm>>) dst(%dma_wait3A_1796 : memref<16x384xf32, #tpu.memory_space<vmem>>)
      %dma_wait3A_1800 = arith.constant 1 : i32
      %dma_wait3A_1801 = arith.constant 16 : i32
      %dma_wait3A_1802 = arith.constant 0 : i32
      %dma_wait3A_1803 = tpu.memref_slice %arg6[%dma_wait3A_1801, %dma_wait3A_1802] : memref<48x384xf32, #tpu.memory_space<vmem>> -> memref<16x384xf32, #tpu.memory_space<vmem>>
      %dma_wait3A_1804 = arith.constant 0 : i32
      %dma_wait3A_1805 = tpu.memref_slice %arg2[%add3A_1766, %dma_wait3A_1800, %mul3A_1784, %dma_wait3A_1804] : memref<64x3x384x384xf32, #tpu.memory_space<hbm>> -> memref<1x1x16x384xf32, #tpu.memory_space<hbm>>
      %dma_wait3A_1806 = tpu.memref_squeeze %dma_wait3A_1805 : memref<1x1x16x384xf32, #tpu.memory_space<hbm>> -> memref<16x384xf32, #tpu.memory_space<hbm>>
      %dma_wait3A_1807 = arith.constant 16 : i32
      %dma_wait3A_1808 = arith.constant 0 : i32
      %dma_wait3A_1809 = tpu.memref_slice %arg6[%dma_wait3A_1807, %dma_wait3A_1808] : memref<48x384xf32, #tpu.memory_space<vmem>> -> memref<16x384xf32, #tpu.memory_space<vmem>>
      %dma_wait3A_1810 = arith.constant 0 : i32
      %dma_wait3A_1811 = tpu.memref_slice %arg2[%add3A_1766, %dma_wait3A_1800, %mul3A_1784, %dma_wait3A_1810] : memref<64x3x384x384xf32, #tpu.memory_space<hbm>> -> memref<1x1x16x384xf32, #tpu.memory_space<hbm>>
      %dma_wait3A_1812 = tpu.memref_squeeze %dma_wait3A_1811 : memref<1x1x16x384xf32, #tpu.memory_space<hbm>> -> memref<16x384xf32, #tpu.memory_space<hbm>>
      tpu.wait_dma2 semaphore(%arg12 : memref<!tpu.dma_semaphore, #tpu.memory_space<semaphore_mem>>) src(%dma_wait3A_1812 : memref<16x384xf32, #tpu.memory_space<hbm>>) dst(%dma_wait3A_1809 : memref<16x384xf32, #tpu.memory_space<vmem>>)
      %dma_wait3A_1813 = arith.constant 2 : i32
      %dma_wait3A_1814 = arith.constant 32 : i32
      %dma_wait3A_1815 = arith.constant 0 : i32
      %dma_wait3A_1816 = tpu.memref_slice %arg6[%dma_wait3A_1814, %dma_wait3A_1815] : memref<48x384xf32, #tpu.memory_space<vmem>> -> memref<16x384xf32, #tpu.memory_space<vmem>>
      %dma_wait3A_1817 = arith.constant 0 : i32
      %dma_wait3A_1818 = tpu.memref_slice %arg2[%add3A_1766, %dma_wait3A_1813, %mul3A_1786, %dma_wait3A_1817] : memref<64x3x384x384xf32, #tpu.memory_space<hbm>> -> memref<1x1x16x384xf32, #tpu.memory_space<hbm>>
      %dma_wait3A_1819 = tpu.memref_squeeze %dma_wait3A_1818 : memref<1x1x16x384xf32, #tpu.memory_space<hbm>> -> memref<16x384xf32, #tpu.memory_space<hbm>>
      %dma_wait3A_1820 = arith.constant 32 : i32
      %dma_wait3A_1821 = arith.constant 0 : i32
      %dma_wait3A_1822 = tpu.memref_slice %arg6[%dma_wait3A_1820, %dma_wait3A_1821] : memref<48x384xf32, #tpu.memory_space<vmem>> -> memref<16x384xf32, #tpu.memory_space<vmem>>
      %dma_wait3A_1823 = arith.constant 0 : i32
      %dma_wait3A_1824 = tpu.memref_slice %arg2[%add3A_1766, %dma_wait3A_1813, %mul3A_1786, %dma_wait3A_1823] : memref<64x3x384x384xf32, #tpu.memory_space<hbm>> -> memref<1x1x16x384xf32, #tpu.memory_space<hbm>>
      %dma_wait3A_1825 = tpu.memref_squeeze %dma_wait3A_1824 : memref<1x1x16x384xf32, #tpu.memory_space<hbm>> -> memref<16x384xf32, #tpu.memory_space<hbm>>
      tpu.wait_dma2 semaphore(%arg12 : memref<!tpu.dma_semaphore, #tpu.memory_space<semaphore_mem>>) src(%dma_wait3A_1825 : memref<16x384xf32, #tpu.memory_space<hbm>>) dst(%dma_wait3A_1822 : memref<16x384xf32, #tpu.memory_space<vmem>>)
      %dma_wait3A_1826 = arith.constant 0 : i32
      %dma_wait3A_1827 = tpu.memref_slice %arg11[%mul3A_1744, %dma_wait3A_1826] : memref<48x24xi32, #tpu.memory_space<vmem>> -> memref<1x24xi32, #tpu.memory_space<vmem>>
      %dma_wait3A_1828 = tpu.memref_squeeze %dma_wait3A_1827 : memref<1x24xi32, #tpu.memory_space<vmem>> -> memref<24xi32, #tpu.memory_space<vmem>>
      %dma_wait3A_1829 = arith.constant 0 : i32
      %dma_wait3A_1830 = arith.constant 0 : i32
      %dma_wait3A_1831 = tpu.memref_slice %arg3[%dma_wait3A_1829, %dma_wait3A_1830] : memref<27648x768xf32, #tpu.memory_space<hbm>> -> memref<27648x768xf32, #tpu.memory_space<hbm>>
      tpu.wait_indirect_dma semaphore(%arg14 : memref<!tpu.dma_semaphore, #tpu.memory_space<semaphore_mem>>) src(%dma_wait3A_1831 : memref<27648x768xf32, #tpu.memory_space<hbm>>) dst(%arg8 : memref<24x768xf32, #tpu.memory_space<vmem>>)
      %jit3A_1832 = arith.constant 24 : i32
      %div3A_1833 = arith.divsi %mul3A_1744, %jit3A_1832 : i32
      %sign3A_1834 = arith.constant 0 : i32
      %sign3A_1835 = arith.cmpi sgt, %mul3A_1744, %sign3A_1834 : i32
      %sign3A_1836 = arith.extui %sign3A_1835 : i1 to i32
      %sign3A_1837 = arith.constant 0 : i32
      %sign3A_1838 = arith.cmpi slt, %mul3A_1744, %sign3A_1837 : i32
      %sign3A_1839 = arith.extui %sign3A_1838 : i1 to i32
      %sign3A_1840 = arith.subi %sign3A_1836, %sign3A_1839 : i32
      %sign3A_1841 = arith.constant 0 : i32
      %sign3A_1842 = arith.cmpi sgt, %jit3A_1832, %sign3A_1841 : i32
      %sign3A_1843 = arith.extui %sign3A_1842 : i1 to i32
      %sign3A_1844 = arith.constant 0 : i32
      %sign3A_1845 = arith.cmpi slt, %jit3A_1832, %sign3A_1844 : i32
      %sign3A_1846 = arith.extui %sign3A_1845 : i1 to i32
      %sign3A_1847 = arith.subi %sign3A_1843, %sign3A_1846 : i32
      %ne3A_1848 = arith.cmpi ne, %sign3A_1840, %sign3A_1847 : i32
      %rem3A_1849 = arith.remsi %mul3A_1744, %jit3A_1832 : i32
      %ne3A_1850 = arith.constant 0 : i32
      %ne3A_1851 = arith.cmpi ne, %rem3A_1849, %ne3A_1850 : i32
      %and3A_1852 = arith.andi %ne3A_1848, %ne3A_1851 : i1
      %sub3A_1853 = arith.constant 1 : i32
      %sub3A_1854 = arith.subi %div3A_1833, %sub3A_1853 : i32
      %select_n3A_1855 = arith.select %and3A_1852, %sub3A_1854, %div3A_1833 : i32
      %mul3A_1856 = arith.constant 640 : i32
      %mul3A_1857 = arith.muli %select_n3A_1855, %mul3A_1856 : i32
      %jit3A_1858 = arith.constant 24 : i32
      %eq3A_1859 = arith.constant 0 : i32
      %eq3A_1860 = arith.cmpi eq, %jit3A_1858, %eq3A_1859 : i32
      %jit3A_1861 = arith.constant 1 : i32
      %select_n3A_1862 = arith.select %eq3A_1860, %jit3A_1861, %jit3A_1858 : i32
      %rem3A_1863 = arith.remsi %mul3A_1744, %select_n3A_1862 : i32
      %ne3A_1864 = arith.constant 0 : i32
      %ne3A_1865 = arith.cmpi ne, %rem3A_1863, %ne3A_1864 : i32
      %lt3A_1866 = arith.constant 0 : i32
      %lt3A_1867 = arith.cmpi slt, %rem3A_1863, %lt3A_1866 : i32
      %lt3A_1868 = arith.constant 0 : i32
      %lt3A_1869 = arith.cmpi slt, %select_n3A_1862, %lt3A_1868 : i32
      %ne3A_1870 = arith.xori %lt3A_1867, %lt3A_1869 : i1
      %and3A_1871 = arith.andi %ne3A_1870, %ne3A_1865 : i1
      %add3A_1872 = arith.addi %rem3A_1863, %select_n3A_1862 : i32
      %select_n3A_1873 = arith.select %and3A_1871, %add3A_1872, %rem3A_1863 : i32
      %mul3A_1874 = arith.constant 24 : i32
      %mul3A_1875 = arith.muli %select_n3A_1873, %mul3A_1874 : i32
      %add3A_1876 = arith.addi %mul3A_1857, %mul3A_1875 : i32
      %scan3A_1877 = arith.constant 0 : i32
      %scan3A_1878 = arith.constant 0 : i32
      %scan3A_1879 = arith.constant 24 : i32
      %scan3A_1880 = arith.addi %scan3A_1878, %scan3A_1879 : i32
      %scan3A_1881 = arith.constant 1 : i32
      scf.for %scan3A_2201 = %scan3A_1878 to %scan3A_1880 step %scan3A_1881  : i32 {
        %add3A_2202 = arith.addi %add3A_1876, %scan3A_2201 : i32
        %broadcast_in_dim3A = vector.broadcast %add3A_2202 : i32 to vector<16xi32>
        %gather3A = tpu.vector_load_idx %arg10[%broadcast_in_dim3A] : memref<1280xi32, #tpu.memory_space<vmem>>[vector<16xi32>], vector<16xi32>,
        %ge3A = arith.constant 144 : i32
        %ge3A_2203 = vector.broadcast %ge3A : i32 to vector<16xi32>
        %ge3A_2204 = arith.cmpi sge, %gather3A, %ge3A_2203 : vector<16xi32>
        %min3A = arith.constant 0 : i32
        %min3A_2205 = vector.broadcast %min3A : i32 to vector<16xi32>
        %min3A_2206 = arith.minsi %gather3A, %min3A_2205 : vector<16xi32>
        %broadcast_in_dim3A_2207 = vector.broadcast %scan3A_2201 : i32 to vector<16xi32>
        %mul3A_2208 = arith.constant 16 : i32
        %mul3A_2209 = arith.muli %scan3A_2201, %mul3A_2208 : i32
        %add3A_2210 = vector.broadcast %mul3A_2209 : i32 to vector<16xi32>
        %add3A_2211 = arith.addi %iota3A, %add3A_2210 : vector<16xi32>
        %mul3A_2212 = arith.constant 3 : i32
        %mul3A_2213 = vector.broadcast %mul3A_2212 : i32 to vector<16xi32>
        %mul3A_2214 = arith.muli %iota3A, %mul3A_2213 : vector<16xi32>
        %add3A_2215 = arith.constant 0 : i32
        %add3A_2216 = vector.broadcast %add3A_2215 : i32 to vector<16xi32>
        %add3A_2217 = arith.addi %mul3A_2214, %add3A_2216 : vector<16xi32>
        %add3A_2218 = arith.addi %add3A_2217, %min3A_2206 : vector<16xi32>
        %broadcast_in_dim3A_2219 = arith.constant 0 : i32
        %broadcast_in_dim3A_2220 = vector.broadcast %broadcast_in_dim3A_2219 : i32 to vector<16xi32>
        %add3A_2221 = arith.addi %broadcast_in_dim3A_2220, %min3A_2206 : vector<16xi32>
        %gather3A_2222 = tpu.vector_load_idx %arg8[%broadcast_in_dim3A_2207, %add3A_2218] : memref<24x768xf32, #tpu.memory_space<vmem>>[vector<16xi32>, vector<16xi32>], vector<16xf32>,
        tpu.vector_store_idx %arg6[%add3A_2221, %add3A_2211], %gather3A_2222 masked %ge3A_2204 : memref<48x384xf32, #tpu.memory_space<vmem>>[vector<16xi32>, vector<16xi32>], vector<16xf32>, vector<16xi1>
        %add3A_2223 = arith.constant 48 : i32
        %add3A_2224 = vector.broadcast %add3A_2223 : i32 to vector<16xi32>
        %add3A_2225 = arith.addi %add3A_2218, %add3A_2224 : vector<16xi32>
        %add3A_2226 = arith.constant 1 : i32
        %add3A_2227 = vector.broadcast %add3A_2226 : i32 to vector<16xi32>
        %add3A_2228 = arith.addi %add3A_2221, %add3A_2227 : vector<16xi32>
        %gather3A_2229 = tpu.vector_load_idx %arg8[%broadcast_in_dim3A_2207, %add3A_2225] : memref<24x768xf32, #tpu.memory_space<vmem>>[vector<16xi32>, vector<16xi32>], vector<16xf32>,
        tpu.vector_store_idx %arg6[%add3A_2228, %add3A_2211], %gather3A_2229 masked %ge3A_2204 : memref<48x384xf32, #tpu.memory_space<vmem>>[vector<16xi32>, vector<16xi32>], vector<16xf32>, vector<16xi1>
        %add3A_2230 = arith.constant 48 : i32
        %add3A_2231 = vector.broadcast %add3A_2230 : i32 to vector<16xi32>
        %add3A_2232 = arith.addi %add3A_2225, %add3A_2231 : vector<16xi32>
        %add3A_2233 = arith.constant 1 : i32
        %add3A_2234 = vector.broadcast %add3A_2233 : i32 to vector<16xi32>
        %add3A_2235 = arith.addi %add3A_2228, %add3A_2234 : vector<16xi32>
        %gather3A_2236 = tpu.vector_load_idx %arg8[%broadcast_in_dim3A_2207, %add3A_2232] : memref<24x768xf32, #tpu.memory_space<vmem>>[vector<16xi32>, vector<16xi32>], vector<16xf32>,
        tpu.vector_store_idx %arg6[%add3A_2235, %add3A_2211], %gather3A_2236 masked %ge3A_2204 : memref<48x384xf32, #tpu.memory_space<vmem>>[vector<16xi32>, vector<16xi32>], vector<16xf32>, vector<16xi1>
        %add3A_2237 = arith.constant 48 : i32
        %add3A_2238 = vector.broadcast %add3A_2237 : i32 to vector<16xi32>
        %add3A_2239 = arith.addi %add3A_2232, %add3A_2238 : vector<16xi32>
        %add3A_2240 = arith.constant 1 : i32
        %add3A_2241 = vector.broadcast %add3A_2240 : i32 to vector<16xi32>
        %add3A_2242 = arith.addi %add3A_2235, %add3A_2241 : vector<16xi32>
        %gather3A_2243 = tpu.vector_load_idx %arg8[%broadcast_in_dim3A_2207, %add3A_2239] : memref<24x768xf32, #tpu.memory_space<vmem>>[vector<16xi32>, vector<16xi32>], vector<16xf32>,
        tpu.vector_store_idx %arg6[%add3A_2242, %add3A_2211], %gather3A_2243 masked %ge3A_2204 : memref<48x384xf32, #tpu.memory_space<vmem>>[vector<16xi32>, vector<16xi32>], vector<16xf32>, vector<16xi1>
        %add3A_2244 = arith.constant 48 : i32
        %add3A_2245 = vector.broadcast %add3A_2244 : i32 to vector<16xi32>
        %add3A_2246 = arith.addi %add3A_2239, %add3A_2245 : vector<16xi32>
        %add3A_2247 = arith.constant 1 : i32
        %add3A_2248 = vector.broadcast %add3A_2247 : i32 to vector<16xi32>
        %add3A_2249 = arith.addi %add3A_2242, %add3A_2248 : vector<16xi32>
        %gather3A_2250 = tpu.vector_load_idx %arg8[%broadcast_in_dim3A_2207, %add3A_2246] : memref<24x768xf32, #tpu.memory_space<vmem>>[vector<16xi32>, vector<16xi32>], vector<16xf32>,
        tpu.vector_store_idx %arg6[%add3A_2249, %add3A_2211], %gather3A_2250 masked %ge3A_2204 : memref<48x384xf32, #tpu.memory_space<vmem>>[vector<16xi32>, vector<16xi32>], vector<16xf32>, vector<16xi1>
        %add3A_2251 = arith.constant 48 : i32
        %add3A_2252 = vector.broadcast %add3A_2251 : i32 to vector<16xi32>
        %add3A_2253 = arith.addi %add3A_2246, %add3A_2252 : vector<16xi32>
        %add3A_2254 = arith.constant 1 : i32
        %add3A_2255 = vector.broadcast %add3A_2254 : i32 to vector<16xi32>
        %add3A_2256 = arith.addi %add3A_2249, %add3A_2255 : vector<16xi32>
        %gather3A_2257 = tpu.vector_load_idx %arg8[%broadcast_in_dim3A_2207, %add3A_2253] : memref<24x768xf32, #tpu.memory_space<vmem>>[vector<16xi32>, vector<16xi32>], vector<16xf32>,
        tpu.vector_store_idx %arg6[%add3A_2256, %add3A_2211], %gather3A_2257 masked %ge3A_2204 : memref<48x384xf32, #tpu.memory_space<vmem>>[vector<16xi32>, vector<16xi32>], vector<16xf32>, vector<16xi1>
        %add3A_2258 = arith.constant 48 : i32
        %add3A_2259 = vector.broadcast %add3A_2258 : i32 to vector<16xi32>
        %add3A_2260 = arith.addi %add3A_2253, %add3A_2259 : vector<16xi32>
        %add3A_2261 = arith.constant 1 : i32
        %add3A_2262 = vector.broadcast %add3A_2261 : i32 to vector<16xi32>
        %add3A_2263 = arith.addi %add3A_2256, %add3A_2262 : vector<16xi32>
        %gather3A_2264 = tpu.vector_load_idx %arg8[%broadcast_in_dim3A_2207, %add3A_2260] : memref<24x768xf32, #tpu.memory_space<vmem>>[vector<16xi32>, vector<16xi32>], vector<16xf32>,
        tpu.vector_store_idx %arg6[%add3A_2263, %add3A_2211], %gather3A_2264 masked %ge3A_2204 : memref<48x384xf32, #tpu.memory_space<vmem>>[vector<16xi32>, vector<16xi32>], vector<16xf32>, vector<16xi1>
        %add3A_2265 = arith.constant 48 : i32
        %add3A_2266 = vector.broadcast %add3A_2265 : i32 to vector<16xi32>
        %add3A_2267 = arith.addi %add3A_2260, %add3A_2266 : vector<16xi32>
        %add3A_2268 = arith.constant 1 : i32
        %add3A_2269 = vector.broadcast %add3A_2268 : i32 to vector<16xi32>
        %add3A_2270 = arith.addi %add3A_2263, %add3A_2269 : vector<16xi32>
        %gather3A_2271 = tpu.vector_load_idx %arg8[%broadcast_in_dim3A_2207, %add3A_2267] : memref<24x768xf32, #tpu.memory_space<vmem>>[vector<16xi32>, vector<16xi32>], vector<16xf32>,
        tpu.vector_store_idx %arg6[%add3A_2270, %add3A_2211], %gather3A_2271 masked %ge3A_2204 : memref<48x384xf32, #tpu.memory_space<vmem>>[vector<16xi32>, vector<16xi32>], vector<16xf32>, vector<16xi1>
        %add3A_2272 = arith.constant 48 : i32
        %add3A_2273 = vector.broadcast %add3A_2272 : i32 to vector<16xi32>
        %add3A_2274 = arith.addi %add3A_2267, %add3A_2273 : vector<16xi32>
        %add3A_2275 = arith.constant 1 : i32
        %add3A_2276 = vector.broadcast %add3A_2275 : i32 to vector<16xi32>
        %add3A_2277 = arith.addi %add3A_2270, %add3A_2276 : vector<16xi32>
        %gather3A_2278 = tpu.vector_load_idx %arg8[%broadcast_in_dim3A_2207, %add3A_2274] : memref<24x768xf32, #tpu.memory_space<vmem>>[vector<16xi32>, vector<16xi32>], vector<16xf32>,
        tpu.vector_store_idx %arg6[%add3A_2277, %add3A_2211], %gather3A_2278 masked %ge3A_2204 : memref<48x384xf32, #tpu.memory_space<vmem>>[vector<16xi32>, vector<16xi32>], vector<16xf32>, vector<16xi1>
        %add3A_2279 = arith.constant 48 : i32
        %add3A_2280 = vector.broadcast %add3A_2279 : i32 to vector<16xi32>
        %add3A_2281 = arith.addi %add3A_2274, %add3A_2280 : vector<16xi32>
        %add3A_2282 = arith.constant 1 : i32
        %add3A_2283 = vector.broadcast %add3A_2282 : i32 to vector<16xi32>
        %add3A_2284 = arith.addi %add3A_2277, %add3A_2283 : vector<16xi32>
        %gather3A_2285 = tpu.vector_load_idx %arg8[%broadcast_in_dim3A_2207, %add3A_2281] : memref<24x768xf32, #tpu.memory_space<vmem>>[vector<16xi32>, vector<16xi32>], vector<16xf32>,
        tpu.vector_store_idx %arg6[%add3A_2284, %add3A_2211], %gather3A_2285 masked %ge3A_2204 : memref<48x384xf32, #tpu.memory_space<vmem>>[vector<16xi32>, vector<16xi32>], vector<16xf32>, vector<16xi1>
        %add3A_2286 = arith.constant 48 : i32
        %add3A_2287 = vector.broadcast %add3A_2286 : i32 to vector<16xi32>
        %add3A_2288 = arith.addi %add3A_2281, %add3A_2287 : vector<16xi32>
        %add3A_2289 = arith.constant 1 : i32
        %add3A_2290 = vector.broadcast %add3A_2289 : i32 to vector<16xi32>
        %add3A_2291 = arith.addi %add3A_2284, %add3A_2290 : vector<16xi32>
        %gather3A_2292 = tpu.vector_load_idx %arg8[%broadcast_in_dim3A_2207, %add3A_2288] : memref<24x768xf32, #tpu.memory_space<vmem>>[vector<16xi32>, vector<16xi32>], vector<16xf32>,
        tpu.vector_store_idx %arg6[%add3A_2291, %add3A_2211], %gather3A_2292 masked %ge3A_2204 : memref<48x384xf32, #tpu.memory_space<vmem>>[vector<16xi32>, vector<16xi32>], vector<16xf32>, vector<16xi1>
        %add3A_2293 = arith.constant 48 : i32
        %add3A_2294 = vector.broadcast %add3A_2293 : i32 to vector<16xi32>
        %add3A_2295 = arith.addi %add3A_2288, %add3A_2294 : vector<16xi32>
        %add3A_2296 = arith.constant 1 : i32
        %add3A_2297 = vector.broadcast %add3A_2296 : i32 to vector<16xi32>
        %add3A_2298 = arith.addi %add3A_2291, %add3A_2297 : vector<16xi32>
        %gather3A_2299 = tpu.vector_load_idx %arg8[%broadcast_in_dim3A_2207, %add3A_2295] : memref<24x768xf32, #tpu.memory_space<vmem>>[vector<16xi32>, vector<16xi32>], vector<16xf32>,
        tpu.vector_store_idx %arg6[%add3A_2298, %add3A_2211], %gather3A_2299 masked %ge3A_2204 : memref<48x384xf32, #tpu.memory_space<vmem>>[vector<16xi32>, vector<16xi32>], vector<16xf32>, vector<16xi1>
        %add3A_2300 = arith.constant 48 : i32
        %add3A_2301 = vector.broadcast %add3A_2300 : i32 to vector<16xi32>
        %add3A_2302 = arith.addi %add3A_2295, %add3A_2301 : vector<16xi32>
        %add3A_2303 = arith.constant 1 : i32
        %add3A_2304 = vector.broadcast %add3A_2303 : i32 to vector<16xi32>
        %add3A_2305 = arith.addi %add3A_2298, %add3A_2304 : vector<16xi32>
        %gather3A_2306 = tpu.vector_load_idx %arg8[%broadcast_in_dim3A_2207, %add3A_2302] : memref<24x768xf32, #tpu.memory_space<vmem>>[vector<16xi32>, vector<16xi32>], vector<16xf32>,
        tpu.vector_store_idx %arg6[%add3A_2305, %add3A_2211], %gather3A_2306 masked %ge3A_2204 : memref<48x384xf32, #tpu.memory_space<vmem>>[vector<16xi32>, vector<16xi32>], vector<16xf32>, vector<16xi1>
        %add3A_2307 = arith.constant 48 : i32
        %add3A_2308 = vector.broadcast %add3A_2307 : i32 to vector<16xi32>
        %add3A_2309 = arith.addi %add3A_2302, %add3A_2308 : vector<16xi32>
        %add3A_2310 = arith.constant 1 : i32
        %add3A_2311 = vector.broadcast %add3A_2310 : i32 to vector<16xi32>
        %add3A_2312 = arith.addi %add3A_2305, %add3A_2311 : vector<16xi32>
        %gather3A_2313 = tpu.vector_load_idx %arg8[%broadcast_in_dim3A_2207, %add3A_2309] : memref<24x768xf32, #tpu.memory_space<vmem>>[vector<16xi32>, vector<16xi32>], vector<16xf32>,
        tpu.vector_store_idx %arg6[%add3A_2312, %add3A_2211], %gather3A_2313 masked %ge3A_2204 : memref<48x384xf32, #tpu.memory_space<vmem>>[vector<16xi32>, vector<16xi32>], vector<16xf32>, vector<16xi1>
        %add3A_2314 = arith.constant 48 : i32
        %add3A_2315 = vector.broadcast %add3A_2314 : i32 to vector<16xi32>
        %add3A_2316 = arith.addi %add3A_2309, %add3A_2315 : vector<16xi32>
        %add3A_2317 = arith.constant 1 : i32
        %add3A_2318 = vector.broadcast %add3A_2317 : i32 to vector<16xi32>
        %add3A_2319 = arith.addi %add3A_2312, %add3A_2318 : vector<16xi32>
        %gather3A_2320 = tpu.vector_load_idx %arg8[%broadcast_in_dim3A_2207, %add3A_2316] : memref<24x768xf32, #tpu.memory_space<vmem>>[vector<16xi32>, vector<16xi32>], vector<16xf32>,
        tpu.vector_store_idx %arg6[%add3A_2319, %add3A_2211], %gather3A_2320 masked %ge3A_2204 : memref<48x384xf32, #tpu.memory_space<vmem>>[vector<16xi32>, vector<16xi32>], vector<16xf32>, vector<16xi1>
        %add3A_2321 = arith.constant 48 : i32
        %add3A_2322 = vector.broadcast %add3A_2321 : i32 to vector<16xi32>
        %add3A_2323 = arith.addi %add3A_2316, %add3A_2322 : vector<16xi32>
        %add3A_2324 = arith.constant 1 : i32
        %add3A_2325 = vector.broadcast %add3A_2324 : i32 to vector<16xi32>
        %add3A_2326 = arith.addi %add3A_2319, %add3A_2325 : vector<16xi32>
        %gather3A_2327 = tpu.vector_load_idx %arg8[%broadcast_in_dim3A_2207, %add3A_2323] : memref<24x768xf32, #tpu.memory_space<vmem>>[vector<16xi32>, vector<16xi32>], vector<16xf32>,
        tpu.vector_store_idx %arg6[%add3A_2326, %add3A_2211], %gather3A_2327 masked %ge3A_2204 : memref<48x384xf32, #tpu.memory_space<vmem>>[vector<16xi32>, vector<16xi32>], vector<16xf32>, vector<16xi1>
        %mul3A_2328 = arith.constant 3 : i32
        %mul3A_2329 = vector.broadcast %mul3A_2328 : i32 to vector<16xi32>
        %mul3A_2330 = arith.muli %iota3A, %mul3A_2329 : vector<16xi32>
        %add3A_2331 = arith.constant 1 : i32
        %add3A_2332 = vector.broadcast %add3A_2331 : i32 to vector<16xi32>
        %add3A_2333 = arith.addi %mul3A_2330, %add3A_2332 : vector<16xi32>
        %add3A_2334 = arith.addi %add3A_2333, %min3A_2206 : vector<16xi32>
        %broadcast_in_dim3A_2335 = arith.constant 16 : i32
        %broadcast_in_dim3A_2336 = vector.broadcast %broadcast_in_dim3A_2335 : i32 to vector<16xi32>
        %add3A_2337 = arith.addi %broadcast_in_dim3A_2336, %min3A_2206 : vector<16xi32>
        %gather3A_2338 = tpu.vector_load_idx %arg8[%broadcast_in_dim3A_2207, %add3A_2334] : memref<24x768xf32, #tpu.memory_space<vmem>>[vector<16xi32>, vector<16xi32>], vector<16xf32>,
        tpu.vector_store_idx %arg6[%add3A_2337, %add3A_2211], %gather3A_2338 masked %ge3A_2204 : memref<48x384xf32, #tpu.memory_space<vmem>>[vector<16xi32>, vector<16xi32>], vector<16xf32>, vector<16xi1>
        %add3A_2339 = arith.constant 48 : i32
        %add3A_2340 = vector.broadcast %add3A_2339 : i32 to vector<16xi32>
        %add3A_2341 = arith.addi %add3A_2334, %add3A_2340 : vector<16xi32>
        %add3A_2342 = arith.constant 1 : i32
        %add3A_2343 = vector.broadcast %add3A_2342 : i32 to vector<16xi32>
        %add3A_2344 = arith.addi %add3A_2337, %add3A_2343 : vector<16xi32>
        %gather3A_2345 = tpu.vector_load_idx %arg8[%broadcast_in_dim3A_2207, %add3A_2341] : memref<24x768xf32, #tpu.memory_space<vmem>>[vector<16xi32>, vector<16xi32>], vector<16xf32>,
        tpu.vector_store_idx %arg6[%add3A_2344, %add3A_2211], %gather3A_2345 masked %ge3A_2204 : memref<48x384xf32, #tpu.memory_space<vmem>>[vector<16xi32>, vector<16xi32>], vector<16xf32>, vector<16xi1>
        %add3A_2346 = arith.constant 48 : i32
        %add3A_2347 = vector.broadcast %add3A_2346 : i32 to vector<16xi32>
        %add3A_2348 = arith.addi %add3A_2341, %add3A_2347 : vector<16xi32>
        %add3A_2349 = arith.constant 1 : i32
        %add3A_2350 = vector.broadcast %add3A_2349 : i32 to vector<16xi32>
        %add3A_2351 = arith.addi %add3A_2344, %add3A_2350 : vector<16xi32>
        %gather3A_2352 = tpu.vector_load_idx %arg8[%broadcast_in_dim3A_2207, %add3A_2348] : memref<24x768xf32, #tpu.memory_space<vmem>>[vector<16xi32>, vector<16xi32>], vector<16xf32>,
        tpu.vector_store_idx %arg6[%add3A_2351, %add3A_2211], %gather3A_2352 masked %ge3A_2204 : memref<48x384xf32, #tpu.memory_space<vmem>>[vector<16xi32>, vector<16xi32>], vector<16xf32>, vector<16xi1>
        %add3A_2353 = arith.constant 48 : i32
        %add3A_2354 = vector.broadcast %add3A_2353 : i32 to vector<16xi32>
        %add3A_2355 = arith.addi %add3A_2348, %add3A_2354 : vector<16xi32>
        %add3A_2356 = arith.constant 1 : i32
        %add3A_2357 = vector.broadcast %add3A_2356 : i32 to vector<16xi32>
        %add3A_2358 = arith.addi %add3A_2351, %add3A_2357 : vector<16xi32>
        %gather3A_2359 = tpu.vector_load_idx %arg8[%broadcast_in_dim3A_2207, %add3A_2355] : memref<24x768xf32, #tpu.memory_space<vmem>>[vector<16xi32>, vector<16xi32>], vector<16xf32>,
        tpu.vector_store_idx %arg6[%add3A_2358, %add3A_2211], %gather3A_2359 masked %ge3A_2204 : memref<48x384xf32, #tpu.memory_space<vmem>>[vector<16xi32>, vector<16xi32>], vector<16xf32>, vector<16xi1>
        %add3A_2360 = arith.constant 48 : i32
        %add3A_2361 = vector.broadcast %add3A_2360 : i32 to vector<16xi32>
        %add3A_2362 = arith.addi %add3A_2355, %add3A_2361 : vector<16xi32>
        %add3A_2363 = arith.constant 1 : i32
        %add3A_2364 = vector.broadcast %add3A_2363 : i32 to vector<16xi32>
        %add3A_2365 = arith.addi %add3A_2358, %add3A_2364 : vector<16xi32>
        %gather3A_2366 = tpu.vector_load_idx %arg8[%broadcast_in_dim3A_2207, %add3A_2362] : memref<24x768xf32, #tpu.memory_space<vmem>>[vector<16xi32>, vector<16xi32>], vector<16xf32>,
        tpu.vector_store_idx %arg6[%add3A_2365, %add3A_2211], %gather3A_2366 masked %ge3A_2204 : memref<48x384xf32, #tpu.memory_space<vmem>>[vector<16xi32>, vector<16xi32>], vector<16xf32>, vector<16xi1>
        %add3A_2367 = arith.constant 48 : i32
        %add3A_2368 = vector.broadcast %add3A_2367 : i32 to vector<16xi32>
        %add3A_2369 = arith.addi %add3A_2362, %add3A_2368 : vector<16xi32>
        %add3A_2370 = arith.constant 1 : i32
        %add3A_2371 = vector.broadcast %add3A_2370 : i32 to vector<16xi32>
        %add3A_2372 = arith.addi %add3A_2365, %add3A_2371 : vector<16xi32>
        %gather3A_2373 = tpu.vector_load_idx %arg8[%broadcast_in_dim3A_2207, %add3A_2369] : memref<24x768xf32, #tpu.memory_space<vmem>>[vector<16xi32>, vector<16xi32>], vector<16xf32>,
        tpu.vector_store_idx %arg6[%add3A_2372, %add3A_2211], %gather3A_2373 masked %ge3A_2204 : memref<48x384xf32, #tpu.memory_space<vmem>>[vector<16xi32>, vector<16xi32>], vector<16xf32>, vector<16xi1>
        %add3A_2374 = arith.constant 48 : i32
        %add3A_2375 = vector.broadcast %add3A_2374 : i32 to vector<16xi32>
        %add3A_2376 = arith.addi %add3A_2369, %add3A_2375 : vector<16xi32>
        %add3A_2377 = arith.constant 1 : i32
        %add3A_2378 = vector.broadcast %add3A_2377 : i32 to vector<16xi32>
        %add3A_2379 = arith.addi %add3A_2372, %add3A_2378 : vector<16xi32>
        %gather3A_2380 = tpu.vector_load_idx %arg8[%broadcast_in_dim3A_2207, %add3A_2376] : memref<24x768xf32, #tpu.memory_space<vmem>>[vector<16xi32>, vector<16xi32>], vector<16xf32>,
        tpu.vector_store_idx %arg6[%add3A_2379, %add3A_2211], %gather3A_2380 masked %ge3A_2204 : memref<48x384xf32, #tpu.memory_space<vmem>>[vector<16xi32>, vector<16xi32>], vector<16xf32>, vector<16xi1>
        %add3A_2381 = arith.constant 48 : i32
        %add3A_2382 = vector.broadcast %add3A_2381 : i32 to vector<16xi32>
        %add3A_2383 = arith.addi %add3A_2376, %add3A_2382 : vector<16xi32>
        %add3A_2384 = arith.constant 1 : i32
        %add3A_2385 = vector.broadcast %add3A_2384 : i32 to vector<16xi32>
        %add3A_2386 = arith.addi %add3A_2379, %add3A_2385 : vector<16xi32>
        %gather3A_2387 = tpu.vector_load_idx %arg8[%broadcast_in_dim3A_2207, %add3A_2383] : memref<24x768xf32, #tpu.memory_space<vmem>>[vector<16xi32>, vector<16xi32>], vector<16xf32>,
        tpu.vector_store_idx %arg6[%add3A_2386, %add3A_2211], %gather3A_2387 masked %ge3A_2204 : memref<48x384xf32, #tpu.memory_space<vmem>>[vector<16xi32>, vector<16xi32>], vector<16xf32>, vector<16xi1>
        %add3A_2388 = arith.constant 48 : i32
        %add3A_2389 = vector.broadcast %add3A_2388 : i32 to vector<16xi32>
        %add3A_2390 = arith.addi %add3A_2383, %add3A_2389 : vector<16xi32>
        %add3A_2391 = arith.constant 1 : i32
        %add3A_2392 = vector.broadcast %add3A_2391 : i32 to vector<16xi32>
        %add3A_2393 = arith.addi %add3A_2386, %add3A_2392 : vector<16xi32>
        %gather3A_2394 = tpu.vector_load_idx %arg8[%broadcast_in_dim3A_2207, %add3A_2390] : memref<24x768xf32, #tpu.memory_space<vmem>>[vector<16xi32>, vector<16xi32>], vector<16xf32>,
        tpu.vector_store_idx %arg6[%add3A_2393, %add3A_2211], %gather3A_2394 masked %ge3A_2204 : memref<48x384xf32, #tpu.memory_space<vmem>>[vector<16xi32>, vector<16xi32>], vector<16xf32>, vector<16xi1>
        %add3A_2395 = arith.constant 48 : i32
        %add3A_2396 = vector.broadcast %add3A_2395 : i32 to vector<16xi32>
        %add3A_2397 = arith.addi %add3A_2390, %add3A_2396 : vector<16xi32>
        %add3A_2398 = arith.constant 1 : i32
        %add3A_2399 = vector.broadcast %add3A_2398 : i32 to vector<16xi32>
        %add3A_2400 = arith.addi %add3A_2393, %add3A_2399 : vector<16xi32>
        %gather3A_2401 = tpu.vector_load_idx %arg8[%broadcast_in_dim3A_2207, %add3A_2397] : memref<24x768xf32, #tpu.memory_space<vmem>>[vector<16xi32>, vector<16xi32>], vector<16xf32>,
        tpu.vector_store_idx %arg6[%add3A_2400, %add3A_2211], %gather3A_2401 masked %ge3A_2204 : memref<48x384xf32, #tpu.memory_space<vmem>>[vector<16xi32>, vector<16xi32>], vector<16xf32>, vector<16xi1>
        %add3A_2402 = arith.constant 48 : i32
        %add3A_2403 = vector.broadcast %add3A_2402 : i32 to vector<16xi32>
        %add3A_2404 = arith.addi %add3A_2397, %add3A_2403 : vector<16xi32>
        %add3A_2405 = arith.constant 1 : i32
        %add3A_2406 = vector.broadcast %add3A_2405 : i32 to vector<16xi32>
        %add3A_2407 = arith.addi %add3A_2400, %add3A_2406 : vector<16xi32>
        %gather3A_2408 = tpu.vector_load_idx %arg8[%broadcast_in_dim3A_2207, %add3A_2404] : memref<24x768xf32, #tpu.memory_space<vmem>>[vector<16xi32>, vector<16xi32>], vector<16xf32>,
        tpu.vector_store_idx %arg6[%add3A_2407, %add3A_2211], %gather3A_2408 masked %ge3A_2204 : memref<48x384xf32, #tpu.memory_space<vmem>>[vector<16xi32>, vector<16xi32>], vector<16xf32>, vector<16xi1>
        %add3A_2409 = arith.constant 48 : i32
        %add3A_2410 = vector.broadcast %add3A_2409 : i32 to vector<16xi32>
        %add3A_2411 = arith.addi %add3A_2404, %add3A_2410 : vector<16xi32>
        %add3A_2412 = arith.constant 1 : i32
        %add3A_2413 = vector.broadcast %add3A_2412 : i32 to vector<16xi32>
        %add3A_2414 = arith.addi %add3A_2407, %add3A_2413 : vector<16xi32>
        %gather3A_2415 = tpu.vector_load_idx %arg8[%broadcast_in_dim3A_2207, %add3A_2411] : memref<24x768xf32, #tpu.memory_space<vmem>>[vector<16xi32>, vector<16xi32>], vector<16xf32>,
        tpu.vector_store_idx %arg6[%add3A_2414, %add3A_2211], %gather3A_2415 masked %ge3A_2204 : memref<48x384xf32, #tpu.memory_space<vmem>>[vector<16xi32>, vector<16xi32>], vector<16xf32>, vector<16xi1>
        %add3A_2416 = arith.constant 48 : i32
        %add3A_2417 = vector.broadcast %add3A_2416 : i32 to vector<16xi32>
        %add3A_2418 = arith.addi %add3A_2411, %add3A_2417 : vector<16xi32>
        %add3A_2419 = arith.constant 1 : i32
        %add3A_2420 = vector.broadcast %add3A_2419 : i32 to vector<16xi32>
        %add3A_2421 = arith.addi %add3A_2414, %add3A_2420 : vector<16xi32>
        %gather3A_2422 = tpu.vector_load_idx %arg8[%broadcast_in_dim3A_2207, %add3A_2418] : memref<24x768xf32, #tpu.memory_space<vmem>>[vector<16xi32>, vector<16xi32>], vector<16xf32>,
        tpu.vector_store_idx %arg6[%add3A_2421, %add3A_2211], %gather3A_2422 masked %ge3A_2204 : memref<48x384xf32, #tpu.memory_space<vmem>>[vector<16xi32>, vector<16xi32>], vector<16xf32>, vector<16xi1>
        %add3A_2423 = arith.constant 48 : i32
        %add3A_2424 = vector.broadcast %add3A_2423 : i32 to vector<16xi32>
        %add3A_2425 = arith.addi %add3A_2418, %add3A_2424 : vector<16xi32>
        %add3A_2426 = arith.constant 1 : i32
        %add3A_2427 = vector.broadcast %add3A_2426 : i32 to vector<16xi32>
        %add3A_2428 = arith.addi %add3A_2421, %add3A_2427 : vector<16xi32>
        %gather3A_2429 = tpu.vector_load_idx %arg8[%broadcast_in_dim3A_2207, %add3A_2425] : memref<24x768xf32, #tpu.memory_space<vmem>>[vector<16xi32>, vector<16xi32>], vector<16xf32>,
        tpu.vector_store_idx %arg6[%add3A_2428, %add3A_2211], %gather3A_2429 masked %ge3A_2204 : memref<48x384xf32, #tpu.memory_space<vmem>>[vector<16xi32>, vector<16xi32>], vector<16xf32>, vector<16xi1>
        %add3A_2430 = arith.constant 48 : i32
        %add3A_2431 = vector.broadcast %add3A_2430 : i32 to vector<16xi32>
        %add3A_2432 = arith.addi %add3A_2425, %add3A_2431 : vector<16xi32>
        %add3A_2433 = arith.constant 1 : i32
        %add3A_2434 = vector.broadcast %add3A_2433 : i32 to vector<16xi32>
        %add3A_2435 = arith.addi %add3A_2428, %add3A_2434 : vector<16xi32>
        %gather3A_2436 = tpu.vector_load_idx %arg8[%broadcast_in_dim3A_2207, %add3A_2432] : memref<24x768xf32, #tpu.memory_space<vmem>>[vector<16xi32>, vector<16xi32>], vector<16xf32>,
        tpu.vector_store_idx %arg6[%add3A_2435, %add3A_2211], %gather3A_2436 masked %ge3A_2204 : memref<48x384xf32, #tpu.memory_space<vmem>>[vector<16xi32>, vector<16xi32>], vector<16xf32>, vector<16xi1>
        %add3A_2437 = arith.constant 48 : i32
        %add3A_2438 = vector.broadcast %add3A_2437 : i32 to vector<16xi32>
        %add3A_2439 = arith.addi %add3A_2432, %add3A_2438 : vector<16xi32>
        %add3A_2440 = arith.constant 1 : i32
        %add3A_2441 = vector.broadcast %add3A_2440 : i32 to vector<16xi32>
        %add3A_2442 = arith.addi %add3A_2435, %add3A_2441 : vector<16xi32>
        %gather3A_2443 = tpu.vector_load_idx %arg8[%broadcast_in_dim3A_2207, %add3A_2439] : memref<24x768xf32, #tpu.memory_space<vmem>>[vector<16xi32>, vector<16xi32>], vector<16xf32>,
        tpu.vector_store_idx %arg6[%add3A_2442, %add3A_2211], %gather3A_2443 masked %ge3A_2204 : memref<48x384xf32, #tpu.memory_space<vmem>>[vector<16xi32>, vector<16xi32>], vector<16xf32>, vector<16xi1>
        %mul3A_2444 = arith.constant 3 : i32
        %mul3A_2445 = vector.broadcast %mul3A_2444 : i32 to vector<16xi32>
        %mul3A_2446 = arith.muli %iota3A, %mul3A_2445 : vector<16xi32>
        %add3A_2447 = arith.constant 2 : i32
        %add3A_2448 = vector.broadcast %add3A_2447 : i32 to vector<16xi32>
        %add3A_2449 = arith.addi %mul3A_2446, %add3A_2448 : vector<16xi32>
        %add3A_2450 = arith.addi %add3A_2449, %min3A_2206 : vector<16xi32>
        %broadcast_in_dim3A_2451 = arith.constant 32 : i32
        %broadcast_in_dim3A_2452 = vector.broadcast %broadcast_in_dim3A_2451 : i32 to vector<16xi32>
        %add3A_2453 = arith.addi %broadcast_in_dim3A_2452, %min3A_2206 : vector<16xi32>
        %gather3A_2454 = tpu.vector_load_idx %arg8[%broadcast_in_dim3A_2207, %add3A_2450] : memref<24x768xf32, #tpu.memory_space<vmem>>[vector<16xi32>, vector<16xi32>], vector<16xf32>,
        tpu.vector_store_idx %arg6[%add3A_2453, %add3A_2211], %gather3A_2454 masked %ge3A_2204 : memref<48x384xf32, #tpu.memory_space<vmem>>[vector<16xi32>, vector<16xi32>], vector<16xf32>, vector<16xi1>
        %add3A_2455 = arith.constant 48 : i32
        %add3A_2456 = vector.broadcast %add3A_2455 : i32 to vector<16xi32>
        %add3A_2457 = arith.addi %add3A_2450, %add3A_2456 : vector<16xi32>
        %add3A_2458 = arith.constant 1 : i32
        %add3A_2459 = vector.broadcast %add3A_2458 : i32 to vector<16xi32>
        %add3A_2460 = arith.addi %add3A_2453, %add3A_2459 : vector<16xi32>
        %gather3A_2461 = tpu.vector_load_idx %arg8[%broadcast_in_dim3A_2207, %add3A_2457] : memref<24x768xf32, #tpu.memory_space<vmem>>[vector<16xi32>, vector<16xi32>], vector<16xf32>,
        tpu.vector_store_idx %arg6[%add3A_2460, %add3A_2211], %gather3A_2461 masked %ge3A_2204 : memref<48x384xf32, #tpu.memory_space<vmem>>[vector<16xi32>, vector<16xi32>], vector<16xf32>, vector<16xi1>
        %add3A_2462 = arith.constant 48 : i32
        %add3A_2463 = vector.broadcast %add3A_2462 : i32 to vector<16xi32>
        %add3A_2464 = arith.addi %add3A_2457, %add3A_2463 : vector<16xi32>
        %add3A_2465 = arith.constant 1 : i32
        %add3A_2466 = vector.broadcast %add3A_2465 : i32 to vector<16xi32>
        %add3A_2467 = arith.addi %add3A_2460, %add3A_2466 : vector<16xi32>
        %gather3A_2468 = tpu.vector_load_idx %arg8[%broadcast_in_dim3A_2207, %add3A_2464] : memref<24x768xf32, #tpu.memory_space<vmem>>[vector<16xi32>, vector<16xi32>], vector<16xf32>,
        tpu.vector_store_idx %arg6[%add3A_2467, %add3A_2211], %gather3A_2468 masked %ge3A_2204 : memref<48x384xf32, #tpu.memory_space<vmem>>[vector<16xi32>, vector<16xi32>], vector<16xf32>, vector<16xi1>
        %add3A_2469 = arith.constant 48 : i32
        %add3A_2470 = vector.broadcast %add3A_2469 : i32 to vector<16xi32>
        %add3A_2471 = arith.addi %add3A_2464, %add3A_2470 : vector<16xi32>
        %add3A_2472 = arith.constant 1 : i32
        %add3A_2473 = vector.broadcast %add3A_2472 : i32 to vector<16xi32>
        %add3A_2474 = arith.addi %add3A_2467, %add3A_2473 : vector<16xi32>
        %gather3A_2475 = tpu.vector_load_idx %arg8[%broadcast_in_dim3A_2207, %add3A_2471] : memref<24x768xf32, #tpu.memory_space<vmem>>[vector<16xi32>, vector<16xi32>], vector<16xf32>,
        tpu.vector_store_idx %arg6[%add3A_2474, %add3A_2211], %gather3A_2475 masked %ge3A_2204 : memref<48x384xf32, #tpu.memory_space<vmem>>[vector<16xi32>, vector<16xi32>], vector<16xf32>, vector<16xi1>
        %add3A_2476 = arith.constant 48 : i32
        %add3A_2477 = vector.broadcast %add3A_2476 : i32 to vector<16xi32>
        %add3A_2478 = arith.addi %add3A_2471, %add3A_2477 : vector<16xi32>
        %add3A_2479 = arith.constant 1 : i32
        %add3A_2480 = vector.broadcast %add3A_2479 : i32 to vector<16xi32>
        %add3A_2481 = arith.addi %add3A_2474, %add3A_2480 : vector<16xi32>
        %gather3A_2482 = tpu.vector_load_idx %arg8[%broadcast_in_dim3A_2207, %add3A_2478] : memref<24x768xf32, #tpu.memory_space<vmem>>[vector<16xi32>, vector<16xi32>], vector<16xf32>,
        tpu.vector_store_idx %arg6[%add3A_2481, %add3A_2211], %gather3A_2482 masked %ge3A_2204 : memref<48x384xf32, #tpu.memory_space<vmem>>[vector<16xi32>, vector<16xi32>], vector<16xf32>, vector<16xi1>
        %add3A_2483 = arith.constant 48 : i32
        %add3A_2484 = vector.broadcast %add3A_2483 : i32 to vector<16xi32>
        %add3A_2485 = arith.addi %add3A_2478, %add3A_2484 : vector<16xi32>
        %add3A_2486 = arith.constant 1 : i32
        %add3A_2487 = vector.broadcast %add3A_2486 : i32 to vector<16xi32>
        %add3A_2488 = arith.addi %add3A_2481, %add3A_2487 : vector<16xi32>
        %gather3A_2489 = tpu.vector_load_idx %arg8[%broadcast_in_dim3A_2207, %add3A_2485] : memref<24x768xf32, #tpu.memory_space<vmem>>[vector<16xi32>, vector<16xi32>], vector<16xf32>,
        tpu.vector_store_idx %arg6[%add3A_2488, %add3A_2211], %gather3A_2489 masked %ge3A_2204 : memref<48x384xf32, #tpu.memory_space<vmem>>[vector<16xi32>, vector<16xi32>], vector<16xf32>, vector<16xi1>
        %add3A_2490 = arith.constant 48 : i32
        %add3A_2491 = vector.broadcast %add3A_2490 : i32 to vector<16xi32>
        %add3A_2492 = arith.addi %add3A_2485, %add3A_2491 : vector<16xi32>
        %add3A_2493 = arith.constant 1 : i32
        %add3A_2494 = vector.broadcast %add3A_2493 : i32 to vector<16xi32>
        %add3A_2495 = arith.addi %add3A_2488, %add3A_2494 : vector<16xi32>
        %gather3A_2496 = tpu.vector_load_idx %arg8[%broadcast_in_dim3A_2207, %add3A_2492] : memref<24x768xf32, #tpu.memory_space<vmem>>[vector<16xi32>, vector<16xi32>], vector<16xf32>,
        tpu.vector_store_idx %arg6[%add3A_2495, %add3A_2211], %gather3A_2496 masked %ge3A_2204 : memref<48x384xf32, #tpu.memory_space<vmem>>[vector<16xi32>, vector<16xi32>], vector<16xf32>, vector<16xi1>
        %add3A_2497 = arith.constant 48 : i32
        %add3A_2498 = vector.broadcast %add3A_2497 : i32 to vector<16xi32>
        %add3A_2499 = arith.addi %add3A_2492, %add3A_2498 : vector<16xi32>
        %add3A_2500 = arith.constant 1 : i32
        %add3A_2501 = vector.broadcast %add3A_2500 : i32 to vector<16xi32>
        %add3A_2502 = arith.addi %add3A_2495, %add3A_2501 : vector<16xi32>
        %gather3A_2503 = tpu.vector_load_idx %arg8[%broadcast_in_dim3A_2207, %add3A_2499] : memref<24x768xf32, #tpu.memory_space<vmem>>[vector<16xi32>, vector<16xi32>], vector<16xf32>,
        tpu.vector_store_idx %arg6[%add3A_2502, %add3A_2211], %gather3A_2503 masked %ge3A_2204 : memref<48x384xf32, #tpu.memory_space<vmem>>[vector<16xi32>, vector<16xi32>], vector<16xf32>, vector<16xi1>
        %add3A_2504 = arith.constant 48 : i32
        %add3A_2505 = vector.broadcast %add3A_2504 : i32 to vector<16xi32>
        %add3A_2506 = arith.addi %add3A_2499, %add3A_2505 : vector<16xi32>
        %add3A_2507 = arith.constant 1 : i32
        %add3A_2508 = vector.broadcast %add3A_2507 : i32 to vector<16xi32>
        %add3A_2509 = arith.addi %add3A_2502, %add3A_2508 : vector<16xi32>
        %gather3A_2510 = tpu.vector_load_idx %arg8[%broadcast_in_dim3A_2207, %add3A_2506] : memref<24x768xf32, #tpu.memory_space<vmem>>[vector<16xi32>, vector<16xi32>], vector<16xf32>,
        tpu.vector_store_idx %arg6[%add3A_2509, %add3A_2211], %gather3A_2510 masked %ge3A_2204 : memref<48x384xf32, #tpu.memory_space<vmem>>[vector<16xi32>, vector<16xi32>], vector<16xf32>, vector<16xi1>
        %add3A_2511 = arith.constant 48 : i32
        %add3A_2512 = vector.broadcast %add3A_2511 : i32 to vector<16xi32>
        %add3A_2513 = arith.addi %add3A_2506, %add3A_2512 : vector<16xi32>
        %add3A_2514 = arith.constant 1 : i32
        %add3A_2515 = vector.broadcast %add3A_2514 : i32 to vector<16xi32>
        %add3A_2516 = arith.addi %add3A_2509, %add3A_2515 : vector<16xi32>
        %gather3A_2517 = tpu.vector_load_idx %arg8[%broadcast_in_dim3A_2207, %add3A_2513] : memref<24x768xf32, #tpu.memory_space<vmem>>[vector<16xi32>, vector<16xi32>], vector<16xf32>,
        tpu.vector_store_idx %arg6[%add3A_2516, %add3A_2211], %gather3A_2517 masked %ge3A_2204 : memref<48x384xf32, #tpu.memory_space<vmem>>[vector<16xi32>, vector<16xi32>], vector<16xf32>, vector<16xi1>
        %add3A_2518 = arith.constant 48 : i32
        %add3A_2519 = vector.broadcast %add3A_2518 : i32 to vector<16xi32>
        %add3A_2520 = arith.addi %add3A_2513, %add3A_2519 : vector<16xi32>
        %add3A_2521 = arith.constant 1 : i32
        %add3A_2522 = vector.broadcast %add3A_2521 : i32 to vector<16xi32>
        %add3A_2523 = arith.addi %add3A_2516, %add3A_2522 : vector<16xi32>
        %gather3A_2524 = tpu.vector_load_idx %arg8[%broadcast_in_dim3A_2207, %add3A_2520] : memref<24x768xf32, #tpu.memory_space<vmem>>[vector<16xi32>, vector<16xi32>], vector<16xf32>,
        tpu.vector_store_idx %arg6[%add3A_2523, %add3A_2211], %gather3A_2524 masked %ge3A_2204 : memref<48x384xf32, #tpu.memory_space<vmem>>[vector<16xi32>, vector<16xi32>], vector<16xf32>, vector<16xi1>
        %add3A_2525 = arith.constant 48 : i32
        %add3A_2526 = vector.broadcast %add3A_2525 : i32 to vector<16xi32>
        %add3A_2527 = arith.addi %add3A_2520, %add3A_2526 : vector<16xi32>
        %add3A_2528 = arith.constant 1 : i32
        %add3A_2529 = vector.broadcast %add3A_2528 : i32 to vector<16xi32>
        %add3A_2530 = arith.addi %add3A_2523, %add3A_2529 : vector<16xi32>
        %gather3A_2531 = tpu.vector_load_idx %arg8[%broadcast_in_dim3A_2207, %add3A_2527] : memref<24x768xf32, #tpu.memory_space<vmem>>[vector<16xi32>, vector<16xi32>], vector<16xf32>,
        tpu.vector_store_idx %arg6[%add3A_2530, %add3A_2211], %gather3A_2531 masked %ge3A_2204 : memref<48x384xf32, #tpu.memory_space<vmem>>[vector<16xi32>, vector<16xi32>], vector<16xf32>, vector<16xi1>
        %add3A_2532 = arith.constant 48 : i32
        %add3A_2533 = vector.broadcast %add3A_2532 : i32 to vector<16xi32>
        %add3A_2534 = arith.addi %add3A_2527, %add3A_2533 : vector<16xi32>
        %add3A_2535 = arith.constant 1 : i32
        %add3A_2536 = vector.broadcast %add3A_2535 : i32 to vector<16xi32>
        %add3A_2537 = arith.addi %add3A_2530, %add3A_2536 : vector<16xi32>
        %gather3A_2538 = tpu.vector_load_idx %arg8[%broadcast_in_dim3A_2207, %add3A_2534] : memref<24x768xf32, #tpu.memory_space<vmem>>[vector<16xi32>, vector<16xi32>], vector<16xf32>,
        tpu.vector_store_idx %arg6[%add3A_2537, %add3A_2211], %gather3A_2538 masked %ge3A_2204 : memref<48x384xf32, #tpu.memory_space<vmem>>[vector<16xi32>, vector<16xi32>], vector<16xf32>, vector<16xi1>
        %add3A_2539 = arith.constant 48 : i32
        %add3A_2540 = vector.broadcast %add3A_2539 : i32 to vector<16xi32>
        %add3A_2541 = arith.addi %add3A_2534, %add3A_2540 : vector<16xi32>
        %add3A_2542 = arith.constant 1 : i32
        %add3A_2543 = vector.broadcast %add3A_2542 : i32 to vector<16xi32>
        %add3A_2544 = arith.addi %add3A_2537, %add3A_2543 : vector<16xi32>
        %gather3A_2545 = tpu.vector_load_idx %arg8[%broadcast_in_dim3A_2207, %add3A_2541] : memref<24x768xf32, #tpu.memory_space<vmem>>[vector<16xi32>, vector<16xi32>], vector<16xf32>,
        tpu.vector_store_idx %arg6[%add3A_2544, %add3A_2211], %gather3A_2545 masked %ge3A_2204 : memref<48x384xf32, #tpu.memory_space<vmem>>[vector<16xi32>, vector<16xi32>], vector<16xf32>, vector<16xi1>
        %add3A_2546 = arith.constant 48 : i32
        %add3A_2547 = vector.broadcast %add3A_2546 : i32 to vector<16xi32>
        %add3A_2548 = arith.addi %add3A_2541, %add3A_2547 : vector<16xi32>
        %add3A_2549 = arith.constant 1 : i32
        %add3A_2550 = vector.broadcast %add3A_2549 : i32 to vector<16xi32>
        %add3A_2551 = arith.addi %add3A_2544, %add3A_2550 : vector<16xi32>
        %gather3A_2552 = tpu.vector_load_idx %arg8[%broadcast_in_dim3A_2207, %add3A_2548] : memref<24x768xf32, #tpu.memory_space<vmem>>[vector<16xi32>, vector<16xi32>], vector<16xf32>,
        tpu.vector_store_idx %arg6[%add3A_2551, %add3A_2211], %gather3A_2552 masked %ge3A_2204 : memref<48x384xf32, #tpu.memory_space<vmem>>[vector<16xi32>, vector<16xi32>], vector<16xf32>, vector<16xi1>
        %add3A_2553 = arith.constant 48 : i32
        %add3A_2554 = vector.broadcast %add3A_2553 : i32 to vector<16xi32>
        %add3A_2555 = arith.addi %add3A_2548, %add3A_2554 : vector<16xi32>
        %add3A_2556 = arith.constant 1 : i32
        %add3A_2557 = vector.broadcast %add3A_2556 : i32 to vector<16xi32>
        %add3A_2558 = arith.addi %add3A_2551, %add3A_2557 : vector<16xi32>
        %gather3A_2559 = tpu.vector_load_idx %arg8[%broadcast_in_dim3A_2207, %add3A_2555] : memref<24x768xf32, #tpu.memory_space<vmem>>[vector<16xi32>, vector<16xi32>], vector<16xf32>,
        tpu.vector_store_idx %arg6[%add3A_2558, %add3A_2211], %gather3A_2559 masked %ge3A_2204 : memref<48x384xf32, #tpu.memory_space<vmem>>[vector<16xi32>, vector<16xi32>], vector<16xf32>, vector<16xi1>
      }
      %scan3A_1882 = arith.constant 24 : i32
      %jit3A_1883 = arith.constant 24 : i32
      %div3A_1884 = arith.divsi %mul3A_1744, %jit3A_1883 : i32
      %sign3A_1885 = arith.constant 0 : i32
      %sign3A_1886 = arith.cmpi sgt, %mul3A_1744, %sign3A_1885 : i32
      %sign3A_1887 = arith.extui %sign3A_1886 : i1 to i32
      %sign3A_1888 = arith.constant 0 : i32
      %sign3A_1889 = arith.cmpi slt, %mul3A_1744, %sign3A_1888 : i32
      %sign3A_1890 = arith.extui %sign3A_1889 : i1 to i32
      %sign3A_1891 = arith.subi %sign3A_1887, %sign3A_1890 : i32
      %sign3A_1892 = arith.constant 0 : i32
      %sign3A_1893 = arith.cmpi sgt, %jit3A_1883, %sign3A_1892 : i32
      %sign3A_1894 = arith.extui %sign3A_1893 : i1 to i32
      %sign3A_1895 = arith.constant 0 : i32
      %sign3A_1896 = arith.cmpi slt, %jit3A_1883, %sign3A_1895 : i32
      %sign3A_1897 = arith.extui %sign3A_1896 : i1 to i32
      %sign3A_1898 = arith.subi %sign3A_1894, %sign3A_1897 : i32
      %ne3A_1899 = arith.cmpi ne, %sign3A_1891, %sign3A_1898 : i32
      %rem3A_1900 = arith.remsi %mul3A_1744, %jit3A_1883 : i32
      %ne3A_1901 = arith.constant 0 : i32
      %ne3A_1902 = arith.cmpi ne, %rem3A_1900, %ne3A_1901 : i32
      %and3A_1903 = arith.andi %ne3A_1899, %ne3A_1902 : i1
      %sub3A_1904 = arith.constant 1 : i32
      %sub3A_1905 = arith.subi %div3A_1884, %sub3A_1904 : i32
      %select_n3A_1906 = arith.select %and3A_1903, %sub3A_1905, %div3A_1884 : i32
      %add3A_1907 = arith.addi %mul3A_2, %select_n3A_1906 : i32
      %jit3A_1908 = arith.constant 24 : i32
      %eq3A_1909 = arith.constant 0 : i32
      %eq3A_1910 = arith.cmpi eq, %jit3A_1908, %eq3A_1909 : i32
      %jit3A_1911 = arith.constant 1 : i32
      %select_n3A_1912 = arith.select %eq3A_1910, %jit3A_1911, %jit3A_1908 : i32
      %rem3A_1913 = arith.remsi %mul3A_1744, %select_n3A_1912 : i32
      %ne3A_1914 = arith.constant 0 : i32
      %ne3A_1915 = arith.cmpi ne, %rem3A_1913, %ne3A_1914 : i32
      %lt3A_1916 = arith.constant 0 : i32
      %lt3A_1917 = arith.cmpi slt, %rem3A_1913, %lt3A_1916 : i32
      %lt3A_1918 = arith.constant 0 : i32
      %lt3A_1919 = arith.cmpi slt, %select_n3A_1912, %lt3A_1918 : i32
      %ne3A_1920 = arith.xori %lt3A_1917, %lt3A_1919 : i1
      %and3A_1921 = arith.andi %ne3A_1920, %ne3A_1915 : i1
      %add3A_1922 = arith.addi %rem3A_1913, %select_n3A_1912 : i32
      %select_n3A_1923 = arith.select %and3A_1921, %add3A_1922, %rem3A_1913 : i32
      %mul3A_1924 = arith.constant 16 : i32
      %mul3A_1925 = arith.muli %select_n3A_1923, %mul3A_1924 : i32
      %mul3A_1926 = arith.constant 16 : i32
      %mul3A_1927 = arith.muli %select_n3A_1923, %mul3A_1926 : i32
      %mul3A_1928 = arith.constant 16 : i32
      %mul3A_1929 = arith.muli %select_n3A_1923, %mul3A_1928 : i32
      %dma_start3A_1930 = arith.constant 0 : i32
      %dma_start3A_1931 = arith.constant 0 : i32
      %dma_start3A_1932 = arith.constant 0 : i32
      %dma_start3A_1933 = tpu.memref_slice %arg6[%dma_start3A_1931, %dma_start3A_1932] : memref<48x384xf32, #tpu.memory_space<vmem>> -> memref<16x384xf32, #tpu.memory_space<vmem>>
      %dma_start3A_1934 = arith.constant 0 : i32
      %dma_start3A_1935 = tpu.memref_slice %arg5[%add3A_1907, %dma_start3A_1930, %mul3A_1925, %dma_start3A_1934] : memref<64x3x384x384xf32, #tpu.memory_space<hbm>> -> memref<1x1x16x384xf32, #tpu.memory_space<hbm>>
      %dma_start3A_1936 = tpu.memref_squeeze %dma_start3A_1935 : memref<1x1x16x384xf32, #tpu.memory_space<hbm>> -> memref<16x384xf32, #tpu.memory_space<hbm>>
      %dma_start3A_1937 = arith.constant 0 : i32
      %dma_start3A_1938 = tpu.memref_slice %arg5[%add3A_1907, %dma_start3A_1930, %mul3A_1925, %dma_start3A_1937] : memref<64x3x384x384xf32, #tpu.memory_space<hbm>> -> memref<1x1x16x384xf32, #tpu.memory_space<hbm>>
      %dma_start3A_1939 = tpu.memref_squeeze %dma_start3A_1938 : memref<1x1x16x384xf32, #tpu.memory_space<hbm>> -> memref<16x384xf32, #tpu.memory_space<hbm>>
      %dma_start3A_1940 = arith.constant 0 : i32
      %dma_start3A_1941 = arith.constant 0 : i32
      %dma_start3A_1942 = tpu.memref_slice %arg6[%dma_start3A_1940, %dma_start3A_1941] : memref<48x384xf32, #tpu.memory_space<vmem>> -> memref<16x384xf32, #tpu.memory_space<vmem>>
      tpu.enqueue_dma source(%dma_start3A_1942 : memref<16x384xf32, #tpu.memory_space<vmem>>) target(%dma_start3A_1939 : memref<16x384xf32, #tpu.memory_space<hbm>>) target_semaphore(%arg16 : memref<!tpu.dma_semaphore, #tpu.memory_space<semaphore_mem>>)
      %dma_start3A_1943 = arith.constant 1 : i32
      %dma_start3A_1944 = arith.constant 16 : i32
      %dma_start3A_1945 = arith.constant 0 : i32
      %dma_start3A_1946 = tpu.memref_slice %arg6[%dma_start3A_1944, %dma_start3A_1945] : memref<48x384xf32, #tpu.memory_space<vmem>> -> memref<16x384xf32, #tpu.memory_space<vmem>>
      %dma_start3A_1947 = arith.constant 0 : i32
      %dma_start3A_1948 = tpu.memref_slice %arg5[%add3A_1907, %dma_start3A_1943, %mul3A_1927, %dma_start3A_1947] : memref<64x3x384x384xf32, #tpu.memory_space<hbm>> -> memref<1x1x16x384xf32, #tpu.memory_space<hbm>>
      %dma_start3A_1949 = tpu.memref_squeeze %dma_start3A_1948 : memref<1x1x16x384xf32, #tpu.memory_space<hbm>> -> memref<16x384xf32, #tpu.memory_space<hbm>>
      %dma_start3A_1950 = arith.constant 0 : i32
      %dma_start3A_1951 = tpu.memref_slice %arg5[%add3A_1907, %dma_start3A_1943, %mul3A_1927, %dma_start3A_1950] : memref<64x3x384x384xf32, #tpu.memory_space<hbm>> -> memref<1x1x16x384xf32, #tpu.memory_space<hbm>>
      %dma_start3A_1952 = tpu.memref_squeeze %dma_start3A_1951 : memref<1x1x16x384xf32, #tpu.memory_space<hbm>> -> memref<16x384xf32, #tpu.memory_space<hbm>>
      %dma_start3A_1953 = arith.constant 16 : i32
      %dma_start3A_1954 = arith.constant 0 : i32
      %dma_start3A_1955 = tpu.memref_slice %arg6[%dma_start3A_1953, %dma_start3A_1954] : memref<48x384xf32, #tpu.memory_space<vmem>> -> memref<16x384xf32, #tpu.memory_space<vmem>>
      tpu.enqueue_dma source(%dma_start3A_1955 : memref<16x384xf32, #tpu.memory_space<vmem>>) target(%dma_start3A_1952 : memref<16x384xf32, #tpu.memory_space<hbm>>) target_semaphore(%arg16 : memref<!tpu.dma_semaphore, #tpu.memory_space<semaphore_mem>>)
      %dma_start3A_1956 = arith.constant 2 : i32
      %dma_start3A_1957 = arith.constant 32 : i32
      %dma_start3A_1958 = arith.constant 0 : i32
      %dma_start3A_1959 = tpu.memref_slice %arg6[%dma_start3A_1957, %dma_start3A_1958] : memref<48x384xf32, #tpu.memory_space<vmem>> -> memref<16x384xf32, #tpu.memory_space<vmem>>
      %dma_start3A_1960 = arith.constant 0 : i32
      %dma_start3A_1961 = tpu.memref_slice %arg5[%add3A_1907, %dma_start3A_1956, %mul3A_1929, %dma_start3A_1960] : memref<64x3x384x384xf32, #tpu.memory_space<hbm>> -> memref<1x1x16x384xf32, #tpu.memory_space<hbm>>
      %dma_start3A_1962 = tpu.memref_squeeze %dma_start3A_1961 : memref<1x1x16x384xf32, #tpu.memory_space<hbm>> -> memref<16x384xf32, #tpu.memory_space<hbm>>
      %dma_start3A_1963 = arith.constant 0 : i32
      %dma_start3A_1964 = tpu.memref_slice %arg5[%add3A_1907, %dma_start3A_1956, %mul3A_1929, %dma_start3A_1963] : memref<64x3x384x384xf32, #tpu.memory_space<hbm>> -> memref<1x1x16x384xf32, #tpu.memory_space<hbm>>
      %dma_start3A_1965 = tpu.memref_squeeze %dma_start3A_1964 : memref<1x1x16x384xf32, #tpu.memory_space<hbm>> -> memref<16x384xf32, #tpu.memory_space<hbm>>
      %dma_start3A_1966 = arith.constant 32 : i32
      %dma_start3A_1967 = arith.constant 0 : i32
      %dma_start3A_1968 = tpu.memref_slice %arg6[%dma_start3A_1966, %dma_start3A_1967] : memref<48x384xf32, #tpu.memory_space<vmem>> -> memref<16x384xf32, #tpu.memory_space<vmem>>
      tpu.enqueue_dma source(%dma_start3A_1968 : memref<16x384xf32, #tpu.memory_space<vmem>>) target(%dma_start3A_1965 : memref<16x384xf32, #tpu.memory_space<hbm>>) target_semaphore(%arg16 : memref<!tpu.dma_semaphore, #tpu.memory_space<semaphore_mem>>)
      %jit3A_1969 = arith.constant 24 : i32
      %div3A_1970 = arith.divsi %add3A_1748, %jit3A_1969 : i32
      %sign3A_1971 = arith.constant 0 : i32
      %sign3A_1972 = arith.cmpi sgt, %add3A_1748, %sign3A_1971 : i32
      %sign3A_1973 = arith.extui %sign3A_1972 : i1 to i32
      %sign3A_1974 = arith.constant 0 : i32
      %sign3A_1975 = arith.cmpi slt, %add3A_1748, %sign3A_1974 : i32
      %sign3A_1976 = arith.extui %sign3A_1975 : i1 to i32
      %sign3A_1977 = arith.subi %sign3A_1973, %sign3A_1976 : i32
      %sign3A_1978 = arith.constant 0 : i32
      %sign3A_1979 = arith.cmpi sgt, %jit3A_1969, %sign3A_1978 : i32
      %sign3A_1980 = arith.extui %sign3A_1979 : i1 to i32
      %sign3A_1981 = arith.constant 0 : i32
      %sign3A_1982 = arith.cmpi slt, %jit3A_1969, %sign3A_1981 : i32
      %sign3A_1983 = arith.extui %sign3A_1982 : i1 to i32
      %sign3A_1984 = arith.subi %sign3A_1980, %sign3A_1983 : i32
      %ne3A_1985 = arith.cmpi ne, %sign3A_1977, %sign3A_1984 : i32
      %rem3A_1986 = arith.remsi %add3A_1748, %jit3A_1969 : i32
      %ne3A_1987 = arith.constant 0 : i32
      %ne3A_1988 = arith.cmpi ne, %rem3A_1986, %ne3A_1987 : i32
      %and3A_1989 = arith.andi %ne3A_1985, %ne3A_1988 : i1
      %sub3A_1990 = arith.constant 1 : i32
      %sub3A_1991 = arith.subi %div3A_1970, %sub3A_1990 : i32
      %select_n3A_1992 = arith.select %and3A_1989, %sub3A_1991, %div3A_1970 : i32
      %add3A_1993 = arith.addi %mul3A_2, %select_n3A_1992 : i32
      %jit3A_1994 = arith.constant 24 : i32
      %eq3A_1995 = arith.constant 0 : i32
      %eq3A_1996 = arith.cmpi eq, %jit3A_1994, %eq3A_1995 : i32
      %jit3A_1997 = arith.constant 1 : i32
      %select_n3A_1998 = arith.select %eq3A_1996, %jit3A_1997, %jit3A_1994 : i32
      %rem3A_1999 = arith.remsi %add3A_1748, %select_n3A_1998 : i32
      %ne3A_2000 = arith.constant 0 : i32
      %ne3A_2001 = arith.cmpi ne, %rem3A_1999, %ne3A_2000 : i32
      %lt3A_2002 = arith.constant 0 : i32
      %lt3A_2003 = arith.cmpi slt, %rem3A_1999, %lt3A_2002 : i32
      %lt3A_2004 = arith.constant 0 : i32
      %lt3A_2005 = arith.cmpi slt, %select_n3A_1998, %lt3A_2004 : i32
      %ne3A_2006 = arith.xori %lt3A_2003, %lt3A_2005 : i1
      %and3A_2007 = arith.andi %ne3A_2006, %ne3A_2001 : i1
      %add3A_2008 = arith.addi %rem3A_1999, %select_n3A_1998 : i32
      %select_n3A_2009 = arith.select %and3A_2007, %add3A_2008, %rem3A_1999 : i32
      %mul3A_2010 = arith.constant 16 : i32
      %mul3A_2011 = arith.muli %select_n3A_2009, %mul3A_2010 : i32
      %mul3A_2012 = arith.constant 16 : i32
      %mul3A_2013 = arith.muli %select_n3A_2009, %mul3A_2012 : i32
      %mul3A_2014 = arith.constant 16 : i32
      %mul3A_2015 = arith.muli %select_n3A_2009, %mul3A_2014 : i32
      %dma_wait3A_2016 = arith.constant 0 : i32
      %dma_wait3A_2017 = arith.constant 0 : i32
      %dma_wait3A_2018 = arith.constant 0 : i32
      %dma_wait3A_2019 = tpu.memref_slice %arg7[%dma_wait3A_2017, %dma_wait3A_2018] : memref<48x384xf32, #tpu.memory_space<vmem>> -> memref<16x384xf32, #tpu.memory_space<vmem>>
      %dma_wait3A_2020 = arith.constant 0 : i32
      %dma_wait3A_2021 = tpu.memref_slice %arg2[%add3A_1993, %dma_wait3A_2016, %mul3A_2011, %dma_wait3A_2020] : memref<64x3x384x384xf32, #tpu.memory_space<hbm>> -> memref<1x1x16x384xf32, #tpu.memory_space<hbm>>
      %dma_wait3A_2022 = tpu.memref_squeeze %dma_wait3A_2021 : memref<1x1x16x384xf32, #tpu.memory_space<hbm>> -> memref<16x384xf32, #tpu.memory_space<hbm>>
      %dma_wait3A_2023 = arith.constant 0 : i32
      %dma_wait3A_2024 = arith.constant 0 : i32
      %dma_wait3A_2025 = tpu.memref_slice %arg7[%dma_wait3A_2023, %dma_wait3A_2024] : memref<48x384xf32, #tpu.memory_space<vmem>> -> memref<16x384xf32, #tpu.memory_space<vmem>>
      %dma_wait3A_2026 = arith.constant 0 : i32
      %dma_wait3A_2027 = tpu.memref_slice %arg2[%add3A_1993, %dma_wait3A_2016, %mul3A_2011, %dma_wait3A_2026] : memref<64x3x384x384xf32, #tpu.memory_space<hbm>> -> memref<1x1x16x384xf32, #tpu.memory_space<hbm>>
      %dma_wait3A_2028 = tpu.memref_squeeze %dma_wait3A_2027 : memref<1x1x16x384xf32, #tpu.memory_space<hbm>> -> memref<16x384xf32, #tpu.memory_space<hbm>>
      tpu.wait_dma2 semaphore(%arg13 : memref<!tpu.dma_semaphore, #tpu.memory_space<semaphore_mem>>) src(%dma_wait3A_2028 : memref<16x384xf32, #tpu.memory_space<hbm>>) dst(%dma_wait3A_2025 : memref<16x384xf32, #tpu.memory_space<vmem>>)
      %dma_wait3A_2029 = arith.constant 1 : i32
      %dma_wait3A_2030 = arith.constant 16 : i32
      %dma_wait3A_2031 = arith.constant 0 : i32
      %dma_wait3A_2032 = tpu.memref_slice %arg7[%dma_wait3A_2030, %dma_wait3A_2031] : memref<48x384xf32, #tpu.memory_space<vmem>> -> memref<16x384xf32, #tpu.memory_space<vmem>>
      %dma_wait3A_2033 = arith.constant 0 : i32
      %dma_wait3A_2034 = tpu.memref_slice %arg2[%add3A_1993, %dma_wait3A_2029, %mul3A_2013, %dma_wait3A_2033] : memref<64x3x384x384xf32, #tpu.memory_space<hbm>> -> memref<1x1x16x384xf32, #tpu.memory_space<hbm>>
      %dma_wait3A_2035 = tpu.memref_squeeze %dma_wait3A_2034 : memref<1x1x16x384xf32, #tpu.memory_space<hbm>> -> memref<16x384xf32, #tpu.memory_space<hbm>>
      %dma_wait3A_2036 = arith.constant 16 : i32
      %dma_wait3A_2037 = arith.constant 0 : i32
      %dma_wait3A_2038 = tpu.memref_slice %arg7[%dma_wait3A_2036, %dma_wait3A_2037] : memref<48x384xf32, #tpu.memory_space<vmem>> -> memref<16x384xf32, #tpu.memory_space<vmem>>
      %dma_wait3A_2039 = arith.constant 0 : i32
      %dma_wait3A_2040 = tpu.memref_slice %arg2[%add3A_1993, %dma_wait3A_2029, %mul3A_2013, %dma_wait3A_2039] : memref<64x3x384x384xf32, #tpu.memory_space<hbm>> -> memref<1x1x16x384xf32, #tpu.memory_space<hbm>>
      %dma_wait3A_2041 = tpu.memref_squeeze %dma_wait3A_2040 : memref<1x1x16x384xf32, #tpu.memory_space<hbm>> -> memref<16x384xf32, #tpu.memory_space<hbm>>
      tpu.wait_dma2 semaphore(%arg13 : memref<!tpu.dma_semaphore, #tpu.memory_space<semaphore_mem>>) src(%dma_wait3A_2041 : memref<16x384xf32, #tpu.memory_space<hbm>>) dst(%dma_wait3A_2038 : memref<16x384xf32, #tpu.memory_space<vmem>>)
      %dma_wait3A_2042 = arith.constant 2 : i32
      %dma_wait3A_2043 = arith.constant 32 : i32
      %dma_wait3A_2044 = arith.constant 0 : i32
      %dma_wait3A_2045 = tpu.memref_slice %arg7[%dma_wait3A_2043, %dma_wait3A_2044] : memref<48x384xf32, #tpu.memory_space<vmem>> -> memref<16x384xf32, #tpu.memory_space<vmem>>
      %dma_wait3A_2046 = arith.constant 0 : i32
      %dma_wait3A_2047 = tpu.memref_slice %arg2[%add3A_1993, %dma_wait3A_2042, %mul3A_2015, %dma_wait3A_2046] : memref<64x3x384x384xf32, #tpu.memory_space<hbm>> -> memref<1x1x16x384xf32, #tpu.memory_space<hbm>>
      %dma_wait3A_2048 = tpu.memref_squeeze %dma_wait3A_2047 : memref<1x1x16x384xf32, #tpu.memory_space<hbm>> -> memref<16x384xf32, #tpu.memory_space<hbm>>
      %dma_wait3A_2049 = arith.constant 32 : i32
      %dma_wait3A_2050 = arith.constant 0 : i32
      %dma_wait3A_2051 = tpu.memref_slice %arg7[%dma_wait3A_2049, %dma_wait3A_2050] : memref<48x384xf32, #tpu.memory_space<vmem>> -> memref<16x384xf32, #tpu.memory_space<vmem>>
      %dma_wait3A_2052 = arith.constant 0 : i32
      %dma_wait3A_2053 = tpu.memref_slice %arg2[%add3A_1993, %dma_wait3A_2042, %mul3A_2015, %dma_wait3A_2052] : memref<64x3x384x384xf32, #tpu.memory_space<hbm>> -> memref<1x1x16x384xf32, #tpu.memory_space<hbm>>
      %dma_wait3A_2054 = tpu.memref_squeeze %dma_wait3A_2053 : memref<1x1x16x384xf32, #tpu.memory_space<hbm>> -> memref<16x384xf32, #tpu.memory_space<hbm>>
      tpu.wait_dma2 semaphore(%arg13 : memref<!tpu.dma_semaphore, #tpu.memory_space<semaphore_mem>>) src(%dma_wait3A_2054 : memref<16x384xf32, #tpu.memory_space<hbm>>) dst(%dma_wait3A_2051 : memref<16x384xf32, #tpu.memory_space<vmem>>)
      %dma_wait3A_2055 = arith.constant 0 : i32
      %dma_wait3A_2056 = tpu.memref_slice %arg11[%add3A_1748, %dma_wait3A_2055] : memref<48x24xi32, #tpu.memory_space<vmem>> -> memref<1x24xi32, #tpu.memory_space<vmem>>
      %dma_wait3A_2057 = tpu.memref_squeeze %dma_wait3A_2056 : memref<1x24xi32, #tpu.memory_space<vmem>> -> memref<24xi32, #tpu.memory_space<vmem>>
      %dma_wait3A_2058 = arith.constant 0 : i32
      %dma_wait3A_2059 = arith.constant 0 : i32
      %dma_wait3A_2060 = tpu.memref_slice %arg3[%dma_wait3A_2058, %dma_wait3A_2059] : memref<27648x768xf32, #tpu.memory_space<hbm>> -> memref<27648x768xf32, #tpu.memory_space<hbm>>
      tpu.wait_indirect_dma semaphore(%arg15 : memref<!tpu.dma_semaphore, #tpu.memory_space<semaphore_mem>>) src(%dma_wait3A_2060 : memref<27648x768xf32, #tpu.memory_space<hbm>>) dst(%arg9 : memref<24x768xf32, #tpu.memory_space<vmem>>)
      %jit3A_2061 = arith.constant 24 : i32
      %div3A_2062 = arith.divsi %add3A_1748, %jit3A_2061 : i32
      %sign3A_2063 = arith.constant 0 : i32
      %sign3A_2064 = arith.cmpi sgt, %add3A_1748, %sign3A_2063 : i32
      %sign3A_2065 = arith.extui %sign3A_2064 : i1 to i32
      %sign3A_2066 = arith.constant 0 : i32
      %sign3A_2067 = arith.cmpi slt, %add3A_1748, %sign3A_2066 : i32
      %sign3A_2068 = arith.extui %sign3A_2067 : i1 to i32
      %sign3A_2069 = arith.subi %sign3A_2065, %sign3A_2068 : i32
      %sign3A_2070 = arith.constant 0 : i32
      %sign3A_2071 = arith.cmpi sgt, %jit3A_2061, %sign3A_2070 : i32
      %sign3A_2072 = arith.extui %sign3A_2071 : i1 to i32
      %sign3A_2073 = arith.constant 0 : i32
      %sign3A_2074 = arith.cmpi slt, %jit3A_2061, %sign3A_2073 : i32
      %sign3A_2075 = arith.extui %sign3A_2074 : i1 to i32
      %sign3A_2076 = arith.subi %sign3A_2072, %sign3A_2075 : i32
      %ne3A_2077 = arith.cmpi ne, %sign3A_2069, %sign3A_2076 : i32
      %rem3A_2078 = arith.remsi %add3A_1748, %jit3A_2061 : i32
      %ne3A_2079 = arith.constant 0 : i32
      %ne3A_2080 = arith.cmpi ne, %rem3A_2078, %ne3A_2079 : i32
      %and3A_2081 = arith.andi %ne3A_2077, %ne3A_2080 : i1
      %sub3A_2082 = arith.constant 1 : i32
      %sub3A_2083 = arith.subi %div3A_2062, %sub3A_2082 : i32
      %select_n3A_2084 = arith.select %and3A_2081, %sub3A_2083, %div3A_2062 : i32
      %mul3A_2085 = arith.constant 640 : i32
      %mul3A_2086 = arith.muli %select_n3A_2084, %mul3A_2085 : i32
      %jit3A_2087 = arith.constant 24 : i32
      %eq3A_2088 = arith.constant 0 : i32
      %eq3A_2089 = arith.cmpi eq, %jit3A_2087, %eq3A_2088 : i32
      %jit3A_2090 = arith.constant 1 : i32
      %select_n3A_2091 = arith.select %eq3A_2089, %jit3A_2090, %jit3A_2087 : i32
      %rem3A_2092 = arith.remsi %add3A_1748, %select_n3A_2091 : i32
      %ne3A_2093 = arith.constant 0 : i32
      %ne3A_2094 = arith.cmpi ne, %rem3A_2092, %ne3A_2093 : i32
      %lt3A_2095 = arith.constant 0 : i32
      %lt3A_2096 = arith.cmpi slt, %rem3A_2092, %lt3A_2095 : i32
      %lt3A_2097 = arith.constant 0 : i32
      %lt3A_2098 = arith.cmpi slt, %select_n3A_2091, %lt3A_2097 : i32
      %ne3A_2099 = arith.xori %lt3A_2096, %lt3A_2098 : i1
      %and3A_2100 = arith.andi %ne3A_2099, %ne3A_2094 : i1
      %add3A_2101 = arith.addi %rem3A_2092, %select_n3A_2091 : i32
      %select_n3A_2102 = arith.select %and3A_2100, %add3A_2101, %rem3A_2092 : i32
      %mul3A_2103 = arith.constant 24 : i32
      %mul3A_2104 = arith.muli %select_n3A_2102, %mul3A_2103 : i32
      %add3A_2105 = arith.addi %mul3A_2086, %mul3A_2104 : i32
      %scan3A_2106 = arith.constant 0 : i32
      %scan3A_2107 = arith.constant 0 : i32
      %scan3A_2108 = arith.constant 24 : i32
      %scan3A_2109 = arith.addi %scan3A_2107, %scan3A_2108 : i32
      %scan3A_2110 = arith.constant 1 : i32
      scf.for %scan3A_2201 = %scan3A_2107 to %scan3A_2109 step %scan3A_2110  : i32 {
        %add3A_2202 = arith.addi %add3A_2105, %scan3A_2201 : i32
        %broadcast_in_dim3A = vector.broadcast %add3A_2202 : i32 to vector<16xi32>
        %gather3A = tpu.vector_load_idx %arg10[%broadcast_in_dim3A] : memref<1280xi32, #tpu.memory_space<vmem>>[vector<16xi32>], vector<16xi32>,
        %ge3A = arith.constant 144 : i32
        %ge3A_2203 = vector.broadcast %ge3A : i32 to vector<16xi32>
        %ge3A_2204 = arith.cmpi sge, %gather3A, %ge3A_2203 : vector<16xi32>
        %min3A = arith.constant 0 : i32
        %min3A_2205 = vector.broadcast %min3A : i32 to vector<16xi32>
        %min3A_2206 = arith.minsi %gather3A, %min3A_2205 : vector<16xi32>
        %broadcast_in_dim3A_2207 = vector.broadcast %scan3A_2201 : i32 to vector<16xi32>
        %mul3A_2208 = arith.constant 16 : i32
        %mul3A_2209 = arith.muli %scan3A_2201, %mul3A_2208 : i32
        %add3A_2210 = vector.broadcast %mul3A_2209 : i32 to vector<16xi32>
        %add3A_2211 = arith.addi %iota3A, %add3A_2210 : vector<16xi32>
        %mul3A_2212 = arith.constant 3 : i32
        %mul3A_2213 = vector.broadcast %mul3A_2212 : i32 to vector<16xi32>
        %mul3A_2214 = arith.muli %iota3A, %mul3A_2213 : vector<16xi32>
        %add3A_2215 = arith.constant 0 : i32
        %add3A_2216 = vector.broadcast %add3A_2215 : i32 to vector<16xi32>
        %add3A_2217 = arith.addi %mul3A_2214, %add3A_2216 : vector<16xi32>
        %add3A_2218 = arith.addi %add3A_2217, %min3A_2206 : vector<16xi32>
        %broadcast_in_dim3A_2219 = arith.constant 0 : i32
        %broadcast_in_dim3A_2220 = vector.broadcast %broadcast_in_dim3A_2219 : i32 to vector<16xi32>
        %add3A_2221 = arith.addi %broadcast_in_dim3A_2220, %min3A_2206 : vector<16xi32>
        %gather3A_2222 = tpu.vector_load_idx %arg9[%broadcast_in_dim3A_2207, %add3A_2218] : memref<24x768xf32, #tpu.memory_space<vmem>>[vector<16xi32>, vector<16xi32>], vector<16xf32>,
        tpu.vector_store_idx %arg7[%add3A_2221, %add3A_2211], %gather3A_2222 masked %ge3A_2204 : memref<48x384xf32, #tpu.memory_space<vmem>>[vector<16xi32>, vector<16xi32>], vector<16xf32>, vector<16xi1>
        %add3A_2223 = arith.constant 48 : i32
        %add3A_2224 = vector.broadcast %add3A_2223 : i32 to vector<16xi32>
        %add3A_2225 = arith.addi %add3A_2218, %add3A_2224 : vector<16xi32>
        %add3A_2226 = arith.constant 1 : i32
        %add3A_2227 = vector.broadcast %add3A_2226 : i32 to vector<16xi32>
        %add3A_2228 = arith.addi %add3A_2221, %add3A_2227 : vector<16xi32>
        %gather3A_2229 = tpu.vector_load_idx %arg9[%broadcast_in_dim3A_2207, %add3A_2225] : memref<24x768xf32, #tpu.memory_space<vmem>>[vector<16xi32>, vector<16xi32>], vector<16xf32>,
        tpu.vector_store_idx %arg7[%add3A_2228, %add3A_2211], %gather3A_2229 masked %ge3A_2204 : memref<48x384xf32, #tpu.memory_space<vmem>>[vector<16xi32>, vector<16xi32>], vector<16xf32>, vector<16xi1>
        %add3A_2230 = arith.constant 48 : i32
        %add3A_2231 = vector.broadcast %add3A_2230 : i32 to vector<16xi32>
        %add3A_2232 = arith.addi %add3A_2225, %add3A_2231 : vector<16xi32>
        %add3A_2233 = arith.constant 1 : i32
        %add3A_2234 = vector.broadcast %add3A_2233 : i32 to vector<16xi32>
        %add3A_2235 = arith.addi %add3A_2228, %add3A_2234 : vector<16xi32>
        %gather3A_2236 = tpu.vector_load_idx %arg9[%broadcast_in_dim3A_2207, %add3A_2232] : memref<24x768xf32, #tpu.memory_space<vmem>>[vector<16xi32>, vector<16xi32>], vector<16xf32>,
        tpu.vector_store_idx %arg7[%add3A_2235, %add3A_2211], %gather3A_2236 masked %ge3A_2204 : memref<48x384xf32, #tpu.memory_space<vmem>>[vector<16xi32>, vector<16xi32>], vector<16xf32>, vector<16xi1>
        %add3A_2237 = arith.constant 48 : i32
        %add3A_2238 = vector.broadcast %add3A_2237 : i32 to vector<16xi32>
        %add3A_2239 = arith.addi %add3A_2232, %add3A_2238 : vector<16xi32>
        %add3A_2240 = arith.constant 1 : i32
        %add3A_2241 = vector.broadcast %add3A_2240 : i32 to vector<16xi32>
        %add3A_2242 = arith.addi %add3A_2235, %add3A_2241 : vector<16xi32>
        %gather3A_2243 = tpu.vector_load_idx %arg9[%broadcast_in_dim3A_2207, %add3A_2239] : memref<24x768xf32, #tpu.memory_space<vmem>>[vector<16xi32>, vector<16xi32>], vector<16xf32>,
        tpu.vector_store_idx %arg7[%add3A_2242, %add3A_2211], %gather3A_2243 masked %ge3A_2204 : memref<48x384xf32, #tpu.memory_space<vmem>>[vector<16xi32>, vector<16xi32>], vector<16xf32>, vector<16xi1>
        %add3A_2244 = arith.constant 48 : i32
        %add3A_2245 = vector.broadcast %add3A_2244 : i32 to vector<16xi32>
        %add3A_2246 = arith.addi %add3A_2239, %add3A_2245 : vector<16xi32>
        %add3A_2247 = arith.constant 1 : i32
        %add3A_2248 = vector.broadcast %add3A_2247 : i32 to vector<16xi32>
        %add3A_2249 = arith.addi %add3A_2242, %add3A_2248 : vector<16xi32>
        %gather3A_2250 = tpu.vector_load_idx %arg9[%broadcast_in_dim3A_2207, %add3A_2246] : memref<24x768xf32, #tpu.memory_space<vmem>>[vector<16xi32>, vector<16xi32>], vector<16xf32>,
        tpu.vector_store_idx %arg7[%add3A_2249, %add3A_2211], %gather3A_2250 masked %ge3A_2204 : memref<48x384xf32, #tpu.memory_space<vmem>>[vector<16xi32>, vector<16xi32>], vector<16xf32>, vector<16xi1>
        %add3A_2251 = arith.constant 48 : i32
        %add3A_2252 = vector.broadcast %add3A_2251 : i32 to vector<16xi32>
        %add3A_2253 = arith.addi %add3A_2246, %add3A_2252 : vector<16xi32>
        %add3A_2254 = arith.constant 1 : i32
        %add3A_2255 = vector.broadcast %add3A_2254 : i32 to vector<16xi32>
        %add3A_2256 = arith.addi %add3A_2249, %add3A_2255 : vector<16xi32>
        %gather3A_2257 = tpu.vector_load_idx %arg9[%broadcast_in_dim3A_2207, %add3A_2253] : memref<24x768xf32, #tpu.memory_space<vmem>>[vector<16xi32>, vector<16xi32>], vector<16xf32>,
        tpu.vector_store_idx %arg7[%add3A_2256, %add3A_2211], %gather3A_2257 masked %ge3A_2204 : memref<48x384xf32, #tpu.memory_space<vmem>>[vector<16xi32>, vector<16xi32>], vector<16xf32>, vector<16xi1>
        %add3A_2258 = arith.constant 48 : i32
        %add3A_2259 = vector.broadcast %add3A_2258 : i32 to vector<16xi32>
        %add3A_2260 = arith.addi %add3A_2253, %add3A_2259 : vector<16xi32>
        %add3A_2261 = arith.constant 1 : i32
        %add3A_2262 = vector.broadcast %add3A_2261 : i32 to vector<16xi32>
        %add3A_2263 = arith.addi %add3A_2256, %add3A_2262 : vector<16xi32>
        %gather3A_2264 = tpu.vector_load_idx %arg9[%broadcast_in_dim3A_2207, %add3A_2260] : memref<24x768xf32, #tpu.memory_space<vmem>>[vector<16xi32>, vector<16xi32>], vector<16xf32>,
        tpu.vector_store_idx %arg7[%add3A_2263, %add3A_2211], %gather3A_2264 masked %ge3A_2204 : memref<48x384xf32, #tpu.memory_space<vmem>>[vector<16xi32>, vector<16xi32>], vector<16xf32>, vector<16xi1>
        %add3A_2265 = arith.constant 48 : i32
        %add3A_2266 = vector.broadcast %add3A_2265 : i32 to vector<16xi32>
        %add3A_2267 = arith.addi %add3A_2260, %add3A_2266 : vector<16xi32>
        %add3A_2268 = arith.constant 1 : i32
        %add3A_2269 = vector.broadcast %add3A_2268 : i32 to vector<16xi32>
        %add3A_2270 = arith.addi %add3A_2263, %add3A_2269 : vector<16xi32>
        %gather3A_2271 = tpu.vector_load_idx %arg9[%broadcast_in_dim3A_2207, %add3A_2267] : memref<24x768xf32, #tpu.memory_space<vmem>>[vector<16xi32>, vector<16xi32>], vector<16xf32>,
        tpu.vector_store_idx %arg7[%add3A_2270, %add3A_2211], %gather3A_2271 masked %ge3A_2204 : memref<48x384xf32, #tpu.memory_space<vmem>>[vector<16xi32>, vector<16xi32>], vector<16xf32>, vector<16xi1>
        %add3A_2272 = arith.constant 48 : i32
        %add3A_2273 = vector.broadcast %add3A_2272 : i32 to vector<16xi32>
        %add3A_2274 = arith.addi %add3A_2267, %add3A_2273 : vector<16xi32>
        %add3A_2275 = arith.constant 1 : i32
        %add3A_2276 = vector.broadcast %add3A_2275 : i32 to vector<16xi32>
        %add3A_2277 = arith.addi %add3A_2270, %add3A_2276 : vector<16xi32>
        %gather3A_2278 = tpu.vector_load_idx %arg9[%broadcast_in_dim3A_2207, %add3A_2274] : memref<24x768xf32, #tpu.memory_space<vmem>>[vector<16xi32>, vector<16xi32>], vector<16xf32>,
        tpu.vector_store_idx %arg7[%add3A_2277, %add3A_2211], %gather3A_2278 masked %ge3A_2204 : memref<48x384xf32, #tpu.memory_space<vmem>>[vector<16xi32>, vector<16xi32>], vector<16xf32>, vector<16xi1>
        %add3A_2279 = arith.constant 48 : i32
        %add3A_2280 = vector.broadcast %add3A_2279 : i32 to vector<16xi32>
        %add3A_2281 = arith.addi %add3A_2274, %add3A_2280 : vector<16xi32>
        %add3A_2282 = arith.constant 1 : i32
        %add3A_2283 = vector.broadcast %add3A_2282 : i32 to vector<16xi32>
        %add3A_2284 = arith.addi %add3A_2277, %add3A_2283 : vector<16xi32>
        %gather3A_2285 = tpu.vector_load_idx %arg9[%broadcast_in_dim3A_2207, %add3A_2281] : memref<24x768xf32, #tpu.memory_space<vmem>>[vector<16xi32>, vector<16xi32>], vector<16xf32>,
        tpu.vector_store_idx %arg7[%add3A_2284, %add3A_2211], %gather3A_2285 masked %ge3A_2204 : memref<48x384xf32, #tpu.memory_space<vmem>>[vector<16xi32>, vector<16xi32>], vector<16xf32>, vector<16xi1>
        %add3A_2286 = arith.constant 48 : i32
        %add3A_2287 = vector.broadcast %add3A_2286 : i32 to vector<16xi32>
        %add3A_2288 = arith.addi %add3A_2281, %add3A_2287 : vector<16xi32>
        %add3A_2289 = arith.constant 1 : i32
        %add3A_2290 = vector.broadcast %add3A_2289 : i32 to vector<16xi32>
        %add3A_2291 = arith.addi %add3A_2284, %add3A_2290 : vector<16xi32>
        %gather3A_2292 = tpu.vector_load_idx %arg9[%broadcast_in_dim3A_2207, %add3A_2288] : memref<24x768xf32, #tpu.memory_space<vmem>>[vector<16xi32>, vector<16xi32>], vector<16xf32>,
        tpu.vector_store_idx %arg7[%add3A_2291, %add3A_2211], %gather3A_2292 masked %ge3A_2204 : memref<48x384xf32, #tpu.memory_space<vmem>>[vector<16xi32>, vector<16xi32>], vector<16xf32>, vector<16xi1>
        %add3A_2293 = arith.constant 48 : i32
        %add3A_2294 = vector.broadcast %add3A_2293 : i32 to vector<16xi32>
        %add3A_2295 = arith.addi %add3A_2288, %add3A_2294 : vector<16xi32>
        %add3A_2296 = arith.constant 1 : i32
        %add3A_2297 = vector.broadcast %add3A_2296 : i32 to vector<16xi32>
        %add3A_2298 = arith.addi %add3A_2291, %add3A_2297 : vector<16xi32>
        %gather3A_2299 = tpu.vector_load_idx %arg9[%broadcast_in_dim3A_2207, %add3A_2295] : memref<24x768xf32, #tpu.memory_space<vmem>>[vector<16xi32>, vector<16xi32>], vector<16xf32>,
        tpu.vector_store_idx %arg7[%add3A_2298, %add3A_2211], %gather3A_2299 masked %ge3A_2204 : memref<48x384xf32, #tpu.memory_space<vmem>>[vector<16xi32>, vector<16xi32>], vector<16xf32>, vector<16xi1>
        %add3A_2300 = arith.constant 48 : i32
        %add3A_2301 = vector.broadcast %add3A_2300 : i32 to vector<16xi32>
        %add3A_2302 = arith.addi %add3A_2295, %add3A_2301 : vector<16xi32>
        %add3A_2303 = arith.constant 1 : i32
        %add3A_2304 = vector.broadcast %add3A_2303 : i32 to vector<16xi32>
        %add3A_2305 = arith.addi %add3A_2298, %add3A_2304 : vector<16xi32>
        %gather3A_2306 = tpu.vector_load_idx %arg9[%broadcast_in_dim3A_2207, %add3A_2302] : memref<24x768xf32, #tpu.memory_space<vmem>>[vector<16xi32>, vector<16xi32>], vector<16xf32>,
        tpu.vector_store_idx %arg7[%add3A_2305, %add3A_2211], %gather3A_2306 masked %ge3A_2204 : memref<48x384xf32, #tpu.memory_space<vmem>>[vector<16xi32>, vector<16xi32>], vector<16xf32>, vector<16xi1>
        %add3A_2307 = arith.constant 48 : i32
        %add3A_2308 = vector.broadcast %add3A_2307 : i32 to vector<16xi32>
        %add3A_2309 = arith.addi %add3A_2302, %add3A_2308 : vector<16xi32>
        %add3A_2310 = arith.constant 1 : i32
        %add3A_2311 = vector.broadcast %add3A_2310 : i32 to vector<16xi32>
        %add3A_2312 = arith.addi %add3A_2305, %add3A_2311 : vector<16xi32>
        %gather3A_2313 = tpu.vector_load_idx %arg9[%broadcast_in_dim3A_2207, %add3A_2309] : memref<24x768xf32, #tpu.memory_space<vmem>>[vector<16xi32>, vector<16xi32>], vector<16xf32>,
        tpu.vector_store_idx %arg7[%add3A_2312, %add3A_2211], %gather3A_2313 masked %ge3A_2204 : memref<48x384xf32, #tpu.memory_space<vmem>>[vector<16xi32>, vector<16xi32>], vector<16xf32>, vector<16xi1>
        %add3A_2314 = arith.constant 48 : i32
        %add3A_2315 = vector.broadcast %add3A_2314 : i32 to vector<16xi32>
        %add3A_2316 = arith.addi %add3A_2309, %add3A_2315 : vector<16xi32>
        %add3A_2317 = arith.constant 1 : i32
        %add3A_2318 = vector.broadcast %add3A_2317 : i32 to vector<16xi32>
        %add3A_2319 = arith.addi %add3A_2312, %add3A_2318 : vector<16xi32>
        %gather3A_2320 = tpu.vector_load_idx %arg9[%broadcast_in_dim3A_2207, %add3A_2316] : memref<24x768xf32, #tpu.memory_space<vmem>>[vector<16xi32>, vector<16xi32>], vector<16xf32>,
        tpu.vector_store_idx %arg7[%add3A_2319, %add3A_2211], %gather3A_2320 masked %ge3A_2204 : memref<48x384xf32, #tpu.memory_space<vmem>>[vector<16xi32>, vector<16xi32>], vector<16xf32>, vector<16xi1>
        %add3A_2321 = arith.constant 48 : i32
        %add3A_2322 = vector.broadcast %add3A_2321 : i32 to vector<16xi32>
        %add3A_2323 = arith.addi %add3A_2316, %add3A_2322 : vector<16xi32>
        %add3A_2324 = arith.constant 1 : i32
        %add3A_2325 = vector.broadcast %add3A_2324 : i32 to vector<16xi32>
        %add3A_2326 = arith.addi %add3A_2319, %add3A_2325 : vector<16xi32>
        %gather3A_2327 = tpu.vector_load_idx %arg9[%broadcast_in_dim3A_2207, %add3A_2323] : memref<24x768xf32, #tpu.memory_space<vmem>>[vector<16xi32>, vector<16xi32>], vector<16xf32>,
        tpu.vector_store_idx %arg7[%add3A_2326, %add3A_2211], %gather3A_2327 masked %ge3A_2204 : memref<48x384xf32, #tpu.memory_space<vmem>>[vector<16xi32>, vector<16xi32>], vector<16xf32>, vector<16xi1>
        %mul3A_2328 = arith.constant 3 : i32
        %mul3A_2329 = vector.broadcast %mul3A_2328 : i32 to vector<16xi32>
        %mul3A_2330 = arith.muli %iota3A, %mul3A_2329 : vector<16xi32>
        %add3A_2331 = arith.constant 1 : i32
        %add3A_2332 = vector.broadcast %add3A_2331 : i32 to vector<16xi32>
        %add3A_2333 = arith.addi %mul3A_2330, %add3A_2332 : vector<16xi32>
        %add3A_2334 = arith.addi %add3A_2333, %min3A_2206 : vector<16xi32>
        %broadcast_in_dim3A_2335 = arith.constant 16 : i32
        %broadcast_in_dim3A_2336 = vector.broadcast %broadcast_in_dim3A_2335 : i32 to vector<16xi32>
        %add3A_2337 = arith.addi %broadcast_in_dim3A_2336, %min3A_2206 : vector<16xi32>
        %gather3A_2338 = tpu.vector_load_idx %arg9[%broadcast_in_dim3A_2207, %add3A_2334] : memref<24x768xf32, #tpu.memory_space<vmem>>[vector<16xi32>, vector<16xi32>], vector<16xf32>,
        tpu.vector_store_idx %arg7[%add3A_2337, %add3A_2211], %gather3A_2338 masked %ge3A_2204 : memref<48x384xf32, #tpu.memory_space<vmem>>[vector<16xi32>, vector<16xi32>], vector<16xf32>, vector<16xi1>
        %add3A_2339 = arith.constant 48 : i32
        %add3A_2340 = vector.broadcast %add3A_2339 : i32 to vector<16xi32>
        %add3A_2341 = arith.addi %add3A_2334, %add3A_2340 : vector<16xi32>
        %add3A_2342 = arith.constant 1 : i32
        %add3A_2343 = vector.broadcast %add3A_2342 : i32 to vector<16xi32>
        %add3A_2344 = arith.addi %add3A_2337, %add3A_2343 : vector<16xi32>
        %gather3A_2345 = tpu.vector_load_idx %arg9[%broadcast_in_dim3A_2207, %add3A_2341] : memref<24x768xf32, #tpu.memory_space<vmem>>[vector<16xi32>, vector<16xi32>], vector<16xf32>,
        tpu.vector_store_idx %arg7[%add3A_2344, %add3A_2211], %gather3A_2345 masked %ge3A_2204 : memref<48x384xf32, #tpu.memory_space<vmem>>[vector<16xi32>, vector<16xi32>], vector<16xf32>, vector<16xi1>
        %add3A_2346 = arith.constant 48 : i32
        %add3A_2347 = vector.broadcast %add3A_2346 : i32 to vector<16xi32>
        %add3A_2348 = arith.addi %add3A_2341, %add3A_2347 : vector<16xi32>
        %add3A_2349 = arith.constant 1 : i32
        %add3A_2350 = vector.broadcast %add3A_2349 : i32 to vector<16xi32>
        %add3A_2351 = arith.addi %add3A_2344, %add3A_2350 : vector<16xi32>
        %gather3A_2352 = tpu.vector_load_idx %arg9[%broadcast_in_dim3A_2207, %add3A_2348] : memref<24x768xf32, #tpu.memory_space<vmem>>[vector<16xi32>, vector<16xi32>], vector<16xf32>,
        tpu.vector_store_idx %arg7[%add3A_2351, %add3A_2211], %gather3A_2352 masked %ge3A_2204 : memref<48x384xf32, #tpu.memory_space<vmem>>[vector<16xi32>, vector<16xi32>], vector<16xf32>, vector<16xi1>
        %add3A_2353 = arith.constant 48 : i32
        %add3A_2354 = vector.broadcast %add3A_2353 : i32 to vector<16xi32>
        %add3A_2355 = arith.addi %add3A_2348, %add3A_2354 : vector<16xi32>
        %add3A_2356 = arith.constant 1 : i32
        %add3A_2357 = vector.broadcast %add3A_2356 : i32 to vector<16xi32>
        %add3A_2358 = arith.addi %add3A_2351, %add3A_2357 : vector<16xi32>
        %gather3A_2359 = tpu.vector_load_idx %arg9[%broadcast_in_dim3A_2207, %add3A_2355] : memref<24x768xf32, #tpu.memory_space<vmem>>[vector<16xi32>, vector<16xi32>], vector<16xf32>,
        tpu.vector_store_idx %arg7[%add3A_2358, %add3A_2211], %gather3A_2359 masked %ge3A_2204 : memref<48x384xf32, #tpu.memory_space<vmem>>[vector<16xi32>, vector<16xi32>], vector<16xf32>, vector<16xi1>
        %add3A_2360 = arith.constant 48 : i32
        %add3A_2361 = vector.broadcast %add3A_2360 : i32 to vector<16xi32>
        %add3A_2362 = arith.addi %add3A_2355, %add3A_2361 : vector<16xi32>
        %add3A_2363 = arith.constant 1 : i32
        %add3A_2364 = vector.broadcast %add3A_2363 : i32 to vector<16xi32>
        %add3A_2365 = arith.addi %add3A_2358, %add3A_2364 : vector<16xi32>
        %gather3A_2366 = tpu.vector_load_idx %arg9[%broadcast_in_dim3A_2207, %add3A_2362] : memref<24x768xf32, #tpu.memory_space<vmem>>[vector<16xi32>, vector<16xi32>], vector<16xf32>,
        tpu.vector_store_idx %arg7[%add3A_2365, %add3A_2211], %gather3A_2366 masked %ge3A_2204 : memref<48x384xf32, #tpu.memory_space<vmem>>[vector<16xi32>, vector<16xi32>], vector<16xf32>, vector<16xi1>
        %add3A_2367 = arith.constant 48 : i32
        %add3A_2368 = vector.broadcast %add3A_2367 : i32 to vector<16xi32>
        %add3A_2369 = arith.addi %add3A_2362, %add3A_2368 : vector<16xi32>
        %add3A_2370 = arith.constant 1 : i32
        %add3A_2371 = vector.broadcast %add3A_2370 : i32 to vector<16xi32>
        %add3A_2372 = arith.addi %add3A_2365, %add3A_2371 : vector<16xi32>
        %gather3A_2373 = tpu.vector_load_idx %arg9[%broadcast_in_dim3A_2207, %add3A_2369] : memref<24x768xf32, #tpu.memory_space<vmem>>[vector<16xi32>, vector<16xi32>], vector<16xf32>,
        tpu.vector_store_idx %arg7[%add3A_2372, %add3A_2211], %gather3A_2373 masked %ge3A_2204 : memref<48x384xf32, #tpu.memory_space<vmem>>[vector<16xi32>, vector<16xi32>], vector<16xf32>, vector<16xi1>
        %add3A_2374 = arith.constant 48 : i32
        %add3A_2375 = vector.broadcast %add3A_2374 : i32 to vector<16xi32>
        %add3A_2376 = arith.addi %add3A_2369, %add3A_2375 : vector<16xi32>
        %add3A_2377 = arith.constant 1 : i32
        %add3A_2378 = vector.broadcast %add3A_2377 : i32 to vector<16xi32>
        %add3A_2379 = arith.addi %add3A_2372, %add3A_2378 : vector<16xi32>
        %gather3A_2380 = tpu.vector_load_idx %arg9[%broadcast_in_dim3A_2207, %add3A_2376] : memref<24x768xf32, #tpu.memory_space<vmem>>[vector<16xi32>, vector<16xi32>], vector<16xf32>,
        tpu.vector_store_idx %arg7[%add3A_2379, %add3A_2211], %gather3A_2380 masked %ge3A_2204 : memref<48x384xf32, #tpu.memory_space<vmem>>[vector<16xi32>, vector<16xi32>], vector<16xf32>, vector<16xi1>
        %add3A_2381 = arith.constant 48 : i32
        %add3A_2382 = vector.broadcast %add3A_2381 : i32 to vector<16xi32>
        %add3A_2383 = arith.addi %add3A_2376, %add3A_2382 : vector<16xi32>
        %add3A_2384 = arith.constant 1 : i32
        %add3A_2385 = vector.broadcast %add3A_2384 : i32 to vector<16xi32>
        %add3A_2386 = arith.addi %add3A_2379, %add3A_2385 : vector<16xi32>
        %gather3A_2387 = tpu.vector_load_idx %arg9[%broadcast_in_dim3A_2207, %add3A_2383] : memref<24x768xf32, #tpu.memory_space<vmem>>[vector<16xi32>, vector<16xi32>], vector<16xf32>,
        tpu.vector_store_idx %arg7[%add3A_2386, %add3A_2211], %gather3A_2387 masked %ge3A_2204 : memref<48x384xf32, #tpu.memory_space<vmem>>[vector<16xi32>, vector<16xi32>], vector<16xf32>, vector<16xi1>
        %add3A_2388 = arith.constant 48 : i32
        %add3A_2389 = vector.broadcast %add3A_2388 : i32 to vector<16xi32>
        %add3A_2390 = arith.addi %add3A_2383, %add3A_2389 : vector<16xi32>
        %add3A_2391 = arith.constant 1 : i32
        %add3A_2392 = vector.broadcast %add3A_2391 : i32 to vector<16xi32>
        %add3A_2393 = arith.addi %add3A_2386, %add3A_2392 : vector<16xi32>
        %gather3A_2394 = tpu.vector_load_idx %arg9[%broadcast_in_dim3A_2207, %add3A_2390] : memref<24x768xf32, #tpu.memory_space<vmem>>[vector<16xi32>, vector<16xi32>], vector<16xf32>,
        tpu.vector_store_idx %arg7[%add3A_2393, %add3A_2211], %gather3A_2394 masked %ge3A_2204 : memref<48x384xf32, #tpu.memory_space<vmem>>[vector<16xi32>, vector<16xi32>], vector<16xf32>, vector<16xi1>
        %add3A_2395 = arith.constant 48 : i32
        %add3A_2396 = vector.broadcast %add3A_2395 : i32 to vector<16xi32>
        %add3A_2397 = arith.addi %add3A_2390, %add3A_2396 : vector<16xi32>
        %add3A_2398 = arith.constant 1 : i32
        %add3A_2399 = vector.broadcast %add3A_2398 : i32 to vector<16xi32>
        %add3A_2400 = arith.addi %add3A_2393, %add3A_2399 : vector<16xi32>
        %gather3A_2401 = tpu.vector_load_idx %arg9[%broadcast_in_dim3A_2207, %add3A_2397] : memref<24x768xf32, #tpu.memory_space<vmem>>[vector<16xi32>, vector<16xi32>], vector<16xf32>,
        tpu.vector_store_idx %arg7[%add3A_2400, %add3A_2211], %gather3A_2401 masked %ge3A_2204 : memref<48x384xf32, #tpu.memory_space<vmem>>[vector<16xi32>, vector<16xi32>], vector<16xf32>, vector<16xi1>
        %add3A_2402 = arith.constant 48 : i32
        %add3A_2403 = vector.broadcast %add3A_2402 : i32 to vector<16xi32>
        %add3A_2404 = arith.addi %add3A_2397, %add3A_2403 : vector<16xi32>
        %add3A_2405 = arith.constant 1 : i32
        %add3A_2406 = vector.broadcast %add3A_2405 : i32 to vector<16xi32>
        %add3A_2407 = arith.addi %add3A_2400, %add3A_2406 : vector<16xi32>
        %gather3A_2408 = tpu.vector_load_idx %arg9[%broadcast_in_dim3A_2207, %add3A_2404] : memref<24x768xf32, #tpu.memory_space<vmem>>[vector<16xi32>, vector<16xi32>], vector<16xf32>,
        tpu.vector_store_idx %arg7[%add3A_2407, %add3A_2211], %gather3A_2408 masked %ge3A_2204 : memref<48x384xf32, #tpu.memory_space<vmem>>[vector<16xi32>, vector<16xi32>], vector<16xf32>, vector<16xi1>
        %add3A_2409 = arith.constant 48 : i32
        %add3A_2410 = vector.broadcast %add3A_2409 : i32 to vector<16xi32>
        %add3A_2411 = arith.addi %add3A_2404, %add3A_2410 : vector<16xi32>
        %add3A_2412 = arith.constant 1 : i32
        %add3A_2413 = vector.broadcast %add3A_2412 : i32 to vector<16xi32>
        %add3A_2414 = arith.addi %add3A_2407, %add3A_2413 : vector<16xi32>
        %gather3A_2415 = tpu.vector_load_idx %arg9[%broadcast_in_dim3A_2207, %add3A_2411] : memref<24x768xf32, #tpu.memory_space<vmem>>[vector<16xi32>, vector<16xi32>], vector<16xf32>,
        tpu.vector_store_idx %arg7[%add3A_2414, %add3A_2211], %gather3A_2415 masked %ge3A_2204 : memref<48x384xf32, #tpu.memory_space<vmem>>[vector<16xi32>, vector<16xi32>], vector<16xf32>, vector<16xi1>
        %add3A_2416 = arith.constant 48 : i32
        %add3A_2417 = vector.broadcast %add3A_2416 : i32 to vector<16xi32>
        %add3A_2418 = arith.addi %add3A_2411, %add3A_2417 : vector<16xi32>
        %add3A_2419 = arith.constant 1 : i32
        %add3A_2420 = vector.broadcast %add3A_2419 : i32 to vector<16xi32>
        %add3A_2421 = arith.addi %add3A_2414, %add3A_2420 : vector<16xi32>
        %gather3A_2422 = tpu.vector_load_idx %arg9[%broadcast_in_dim3A_2207, %add3A_2418] : memref<24x768xf32, #tpu.memory_space<vmem>>[vector<16xi32>, vector<16xi32>], vector<16xf32>,
        tpu.vector_store_idx %arg7[%add3A_2421, %add3A_2211], %gather3A_2422 masked %ge3A_2204 : memref<48x384xf32, #tpu.memory_space<vmem>>[vector<16xi32>, vector<16xi32>], vector<16xf32>, vector<16xi1>
        %add3A_2423 = arith.constant 48 : i32
        %add3A_2424 = vector.broadcast %add3A_2423 : i32 to vector<16xi32>
        %add3A_2425 = arith.addi %add3A_2418, %add3A_2424 : vector<16xi32>
        %add3A_2426 = arith.constant 1 : i32
        %add3A_2427 = vector.broadcast %add3A_2426 : i32 to vector<16xi32>
        %add3A_2428 = arith.addi %add3A_2421, %add3A_2427 : vector<16xi32>
        %gather3A_2429 = tpu.vector_load_idx %arg9[%broadcast_in_dim3A_2207, %add3A_2425] : memref<24x768xf32, #tpu.memory_space<vmem>>[vector<16xi32>, vector<16xi32>], vector<16xf32>,
        tpu.vector_store_idx %arg7[%add3A_2428, %add3A_2211], %gather3A_2429 masked %ge3A_2204 : memref<48x384xf32, #tpu.memory_space<vmem>>[vector<16xi32>, vector<16xi32>], vector<16xf32>, vector<16xi1>
        %add3A_2430 = arith.constant 48 : i32
        %add3A_2431 = vector.broadcast %add3A_2430 : i32 to vector<16xi32>
        %add3A_2432 = arith.addi %add3A_2425, %add3A_2431 : vector<16xi32>
        %add3A_2433 = arith.constant 1 : i32
        %add3A_2434 = vector.broadcast %add3A_2433 : i32 to vector<16xi32>
        %add3A_2435 = arith.addi %add3A_2428, %add3A_2434 : vector<16xi32>
        %gather3A_2436 = tpu.vector_load_idx %arg9[%broadcast_in_dim3A_2207, %add3A_2432] : memref<24x768xf32, #tpu.memory_space<vmem>>[vector<16xi32>, vector<16xi32>], vector<16xf32>,
        tpu.vector_store_idx %arg7[%add3A_2435, %add3A_2211], %gather3A_2436 masked %ge3A_2204 : memref<48x384xf32, #tpu.memory_space<vmem>>[vector<16xi32>, vector<16xi32>], vector<16xf32>, vector<16xi1>
        %add3A_2437 = arith.constant 48 : i32
        %add3A_2438 = vector.broadcast %add3A_2437 : i32 to vector<16xi32>
        %add3A_2439 = arith.addi %add3A_2432, %add3A_2438 : vector<16xi32>
        %add3A_2440 = arith.constant 1 : i32
        %add3A_2441 = vector.broadcast %add3A_2440 : i32 to vector<16xi32>
        %add3A_2442 = arith.addi %add3A_2435, %add3A_2441 : vector<16xi32>
        %gather3A_2443 = tpu.vector_load_idx %arg9[%broadcast_in_dim3A_2207, %add3A_2439] : memref<24x768xf32, #tpu.memory_space<vmem>>[vector<16xi32>, vector<16xi32>], vector<16xf32>,
        tpu.vector_store_idx %arg7[%add3A_2442, %add3A_2211], %gather3A_2443 masked %ge3A_2204 : memref<48x384xf32, #tpu.memory_space<vmem>>[vector<16xi32>, vector<16xi32>], vector<16xf32>, vector<16xi1>
        %mul3A_2444 = arith.constant 3 : i32
        %mul3A_2445 = vector.broadcast %mul3A_2444 : i32 to vector<16xi32>
        %mul3A_2446 = arith.muli %iota3A, %mul3A_2445 : vector<16xi32>
        %add3A_2447 = arith.constant 2 : i32
        %add3A_2448 = vector.broadcast %add3A_2447 : i32 to vector<16xi32>
        %add3A_2449 = arith.addi %mul3A_2446, %add3A_2448 : vector<16xi32>
        %add3A_2450 = arith.addi %add3A_2449, %min3A_2206 : vector<16xi32>
        %broadcast_in_dim3A_2451 = arith.constant 32 : i32
        %broadcast_in_dim3A_2452 = vector.broadcast %broadcast_in_dim3A_2451 : i32 to vector<16xi32>
        %add3A_2453 = arith.addi %broadcast_in_dim3A_2452, %min3A_2206 : vector<16xi32>
        %gather3A_2454 = tpu.vector_load_idx %arg9[%broadcast_in_dim3A_2207, %add3A_2450] : memref<24x768xf32, #tpu.memory_space<vmem>>[vector<16xi32>, vector<16xi32>], vector<16xf32>,
        tpu.vector_store_idx %arg7[%add3A_2453, %add3A_2211], %gather3A_2454 masked %ge3A_2204 : memref<48x384xf32, #tpu.memory_space<vmem>>[vector<16xi32>, vector<16xi32>], vector<16xf32>, vector<16xi1>
        %add3A_2455 = arith.constant 48 : i32
        %add3A_2456 = vector.broadcast %add3A_2455 : i32 to vector<16xi32>
        %add3A_2457 = arith.addi %add3A_2450, %add3A_2456 : vector<16xi32>
        %add3A_2458 = arith.constant 1 : i32
        %add3A_2459 = vector.broadcast %add3A_2458 : i32 to vector<16xi32>
        %add3A_2460 = arith.addi %add3A_2453, %add3A_2459 : vector<16xi32>
        %gather3A_2461 = tpu.vector_load_idx %arg9[%broadcast_in_dim3A_2207, %add3A_2457] : memref<24x768xf32, #tpu.memory_space<vmem>>[vector<16xi32>, vector<16xi32>], vector<16xf32>,
        tpu.vector_store_idx %arg7[%add3A_2460, %add3A_2211], %gather3A_2461 masked %ge3A_2204 : memref<48x384xf32, #tpu.memory_space<vmem>>[vector<16xi32>, vector<16xi32>], vector<16xf32>, vector<16xi1>
        %add3A_2462 = arith.constant 48 : i32
        %add3A_2463 = vector.broadcast %add3A_2462 : i32 to vector<16xi32>
        %add3A_2464 = arith.addi %add3A_2457, %add3A_2463 : vector<16xi32>
        %add3A_2465 = arith.constant 1 : i32
        %add3A_2466 = vector.broadcast %add3A_2465 : i32 to vector<16xi32>
        %add3A_2467 = arith.addi %add3A_2460, %add3A_2466 : vector<16xi32>
        %gather3A_2468 = tpu.vector_load_idx %arg9[%broadcast_in_dim3A_2207, %add3A_2464] : memref<24x768xf32, #tpu.memory_space<vmem>>[vector<16xi32>, vector<16xi32>], vector<16xf32>,
        tpu.vector_store_idx %arg7[%add3A_2467, %add3A_2211], %gather3A_2468 masked %ge3A_2204 : memref<48x384xf32, #tpu.memory_space<vmem>>[vector<16xi32>, vector<16xi32>], vector<16xf32>, vector<16xi1>
        %add3A_2469 = arith.constant 48 : i32
        %add3A_2470 = vector.broadcast %add3A_2469 : i32 to vector<16xi32>
        %add3A_2471 = arith.addi %add3A_2464, %add3A_2470 : vector<16xi32>
        %add3A_2472 = arith.constant 1 : i32
        %add3A_2473 = vector.broadcast %add3A_2472 : i32 to vector<16xi32>
        %add3A_2474 = arith.addi %add3A_2467, %add3A_2473 : vector<16xi32>
        %gather3A_2475 = tpu.vector_load_idx %arg9[%broadcast_in_dim3A_2207, %add3A_2471] : memref<24x768xf32, #tpu.memory_space<vmem>>[vector<16xi32>, vector<16xi32>], vector<16xf32>,
        tpu.vector_store_idx %arg7[%add3A_2474, %add3A_2211], %gather3A_2475 masked %ge3A_2204 : memref<48x384xf32, #tpu.memory_space<vmem>>[vector<16xi32>, vector<16xi32>], vector<16xf32>, vector<16xi1>
        %add3A_2476 = arith.constant 48 : i32
        %add3A_2477 = vector.broadcast %add3A_2476 : i32 to vector<16xi32>
        %add3A_2478 = arith.addi %add3A_2471, %add3A_2477 : vector<16xi32>
        %add3A_2479 = arith.constant 1 : i32
        %add3A_2480 = vector.broadcast %add3A_2479 : i32 to vector<16xi32>
        %add3A_2481 = arith.addi %add3A_2474, %add3A_2480 : vector<16xi32>
        %gather3A_2482 = tpu.vector_load_idx %arg9[%broadcast_in_dim3A_2207, %add3A_2478] : memref<24x768xf32, #tpu.memory_space<vmem>>[vector<16xi32>, vector<16xi32>], vector<16xf32>,
        tpu.vector_store_idx %arg7[%add3A_2481, %add3A_2211], %gather3A_2482 masked %ge3A_2204 : memref<48x384xf32, #tpu.memory_space<vmem>>[vector<16xi32>, vector<16xi32>], vector<16xf32>, vector<16xi1>
        %add3A_2483 = arith.constant 48 : i32
        %add3A_2484 = vector.broadcast %add3A_2483 : i32 to vector<16xi32>
        %add3A_2485 = arith.addi %add3A_2478, %add3A_2484 : vector<16xi32>
        %add3A_2486 = arith.constant 1 : i32
        %add3A_2487 = vector.broadcast %add3A_2486 : i32 to vector<16xi32>
        %add3A_2488 = arith.addi %add3A_2481, %add3A_2487 : vector<16xi32>
        %gather3A_2489 = tpu.vector_load_idx %arg9[%broadcast_in_dim3A_2207, %add3A_2485] : memref<24x768xf32, #tpu.memory_space<vmem>>[vector<16xi32>, vector<16xi32>], vector<16xf32>,
        tpu.vector_store_idx %arg7[%add3A_2488, %add3A_2211], %gather3A_2489 masked %ge3A_2204 : memref<48x384xf32, #tpu.memory_space<vmem>>[vector<16xi32>, vector<16xi32>], vector<16xf32>, vector<16xi1>
        %add3A_2490 = arith.constant 48 : i32
        %add3A_2491 = vector.broadcast %add3A_2490 : i32 to vector<16xi32>
        %add3A_2492 = arith.addi %add3A_2485, %add3A_2491 : vector<16xi32>
        %add3A_2493 = arith.constant 1 : i32
        %add3A_2494 = vector.broadcast %add3A_2493 : i32 to vector<16xi32>
        %add3A_2495 = arith.addi %add3A_2488, %add3A_2494 : vector<16xi32>
        %gather3A_2496 = tpu.vector_load_idx %arg9[%broadcast_in_dim3A_2207, %add3A_2492] : memref<24x768xf32, #tpu.memory_space<vmem>>[vector<16xi32>, vector<16xi32>], vector<16xf32>,
        tpu.vector_store_idx %arg7[%add3A_2495, %add3A_2211], %gather3A_2496 masked %ge3A_2204 : memref<48x384xf32, #tpu.memory_space<vmem>>[vector<16xi32>, vector<16xi32>], vector<16xf32>, vector<16xi1>
        %add3A_2497 = arith.constant 48 : i32
        %add3A_2498 = vector.broadcast %add3A_2497 : i32 to vector<16xi32>
        %add3A_2499 = arith.addi %add3A_2492, %add3A_2498 : vector<16xi32>
        %add3A_2500 = arith.constant 1 : i32
        %add3A_2501 = vector.broadcast %add3A_2500 : i32 to vector<16xi32>
        %add3A_2502 = arith.addi %add3A_2495, %add3A_2501 : vector<16xi32>
        %gather3A_2503 = tpu.vector_load_idx %arg9[%broadcast_in_dim3A_2207, %add3A_2499] : memref<24x768xf32, #tpu.memory_space<vmem>>[vector<16xi32>, vector<16xi32>], vector<16xf32>,
        tpu.vector_store_idx %arg7[%add3A_2502, %add3A_2211], %gather3A_2503 masked %ge3A_2204 : memref<48x384xf32, #tpu.memory_space<vmem>>[vector<16xi32>, vector<16xi32>], vector<16xf32>, vector<16xi1>
        %add3A_2504 = arith.constant 48 : i32
        %add3A_2505 = vector.broadcast %add3A_2504 : i32 to vector<16xi32>
        %add3A_2506 = arith.addi %add3A_2499, %add3A_2505 : vector<16xi32>
        %add3A_2507 = arith.constant 1 : i32
        %add3A_2508 = vector.broadcast %add3A_2507 : i32 to vector<16xi32>
        %add3A_2509 = arith.addi %add3A_2502, %add3A_2508 : vector<16xi32>
        %gather3A_2510 = tpu.vector_load_idx %arg9[%broadcast_in_dim3A_2207, %add3A_2506] : memref<24x768xf32, #tpu.memory_space<vmem>>[vector<16xi32>, vector<16xi32>], vector<16xf32>,
        tpu.vector_store_idx %arg7[%add3A_2509, %add3A_2211], %gather3A_2510 masked %ge3A_2204 : memref<48x384xf32, #tpu.memory_space<vmem>>[vector<16xi32>, vector<16xi32>], vector<16xf32>, vector<16xi1>
        %add3A_2511 = arith.constant 48 : i32
        %add3A_2512 = vector.broadcast %add3A_2511 : i32 to vector<16xi32>
        %add3A_2513 = arith.addi %add3A_2506, %add3A_2512 : vector<16xi32>
        %add3A_2514 = arith.constant 1 : i32
        %add3A_2515 = vector.broadcast %add3A_2514 : i32 to vector<16xi32>
        %add3A_2516 = arith.addi %add3A_2509, %add3A_2515 : vector<16xi32>
        %gather3A_2517 = tpu.vector_load_idx %arg9[%broadcast_in_dim3A_2207, %add3A_2513] : memref<24x768xf32, #tpu.memory_space<vmem>>[vector<16xi32>, vector<16xi32>], vector<16xf32>,
        tpu.vector_store_idx %arg7[%add3A_2516, %add3A_2211], %gather3A_2517 masked %ge3A_2204 : memref<48x384xf32, #tpu.memory_space<vmem>>[vector<16xi32>, vector<16xi32>], vector<16xf32>, vector<16xi1>
        %add3A_2518 = arith.constant 48 : i32
        %add3A_2519 = vector.broadcast %add3A_2518 : i32 to vector<16xi32>
        %add3A_2520 = arith.addi %add3A_2513, %add3A_2519 : vector<16xi32>
        %add3A_2521 = arith.constant 1 : i32
        %add3A_2522 = vector.broadcast %add3A_2521 : i32 to vector<16xi32>
        %add3A_2523 = arith.addi %add3A_2516, %add3A_2522 : vector<16xi32>
        %gather3A_2524 = tpu.vector_load_idx %arg9[%broadcast_in_dim3A_2207, %add3A_2520] : memref<24x768xf32, #tpu.memory_space<vmem>>[vector<16xi32>, vector<16xi32>], vector<16xf32>,
        tpu.vector_store_idx %arg7[%add3A_2523, %add3A_2211], %gather3A_2524 masked %ge3A_2204 : memref<48x384xf32, #tpu.memory_space<vmem>>[vector<16xi32>, vector<16xi32>], vector<16xf32>, vector<16xi1>
        %add3A_2525 = arith.constant 48 : i32
        %add3A_2526 = vector.broadcast %add3A_2525 : i32 to vector<16xi32>
        %add3A_2527 = arith.addi %add3A_2520, %add3A_2526 : vector<16xi32>
        %add3A_2528 = arith.constant 1 : i32
        %add3A_2529 = vector.broadcast %add3A_2528 : i32 to vector<16xi32>
        %add3A_2530 = arith.addi %add3A_2523, %add3A_2529 : vector<16xi32>
        %gather3A_2531 = tpu.vector_load_idx %arg9[%broadcast_in_dim3A_2207, %add3A_2527] : memref<24x768xf32, #tpu.memory_space<vmem>>[vector<16xi32>, vector<16xi32>], vector<16xf32>,
        tpu.vector_store_idx %arg7[%add3A_2530, %add3A_2211], %gather3A_2531 masked %ge3A_2204 : memref<48x384xf32, #tpu.memory_space<vmem>>[vector<16xi32>, vector<16xi32>], vector<16xf32>, vector<16xi1>
        %add3A_2532 = arith.constant 48 : i32
        %add3A_2533 = vector.broadcast %add3A_2532 : i32 to vector<16xi32>
        %add3A_2534 = arith.addi %add3A_2527, %add3A_2533 : vector<16xi32>
        %add3A_2535 = arith.constant 1 : i32
        %add3A_2536 = vector.broadcast %add3A_2535 : i32 to vector<16xi32>
        %add3A_2537 = arith.addi %add3A_2530, %add3A_2536 : vector<16xi32>
        %gather3A_2538 = tpu.vector_load_idx %arg9[%broadcast_in_dim3A_2207, %add3A_2534] : memref<24x768xf32, #tpu.memory_space<vmem>>[vector<16xi32>, vector<16xi32>], vector<16xf32>,
        tpu.vector_store_idx %arg7[%add3A_2537, %add3A_2211], %gather3A_2538 masked %ge3A_2204 : memref<48x384xf32, #tpu.memory_space<vmem>>[vector<16xi32>, vector<16xi32>], vector<16xf32>, vector<16xi1>
        %add3A_2539 = arith.constant 48 : i32
        %add3A_2540 = vector.broadcast %add3A_2539 : i32 to vector<16xi32>
        %add3A_2541 = arith.addi %add3A_2534, %add3A_2540 : vector<16xi32>
        %add3A_2542 = arith.constant 1 : i32
        %add3A_2543 = vector.broadcast %add3A_2542 : i32 to vector<16xi32>
        %add3A_2544 = arith.addi %add3A_2537, %add3A_2543 : vector<16xi32>
        %gather3A_2545 = tpu.vector_load_idx %arg9[%broadcast_in_dim3A_2207, %add3A_2541] : memref<24x768xf32, #tpu.memory_space<vmem>>[vector<16xi32>, vector<16xi32>], vector<16xf32>,
        tpu.vector_store_idx %arg7[%add3A_2544, %add3A_2211], %gather3A_2545 masked %ge3A_2204 : memref<48x384xf32, #tpu.memory_space<vmem>>[vector<16xi32>, vector<16xi32>], vector<16xf32>, vector<16xi1>
        %add3A_2546 = arith.constant 48 : i32
        %add3A_2547 = vector.broadcast %add3A_2546 : i32 to vector<16xi32>
        %add3A_2548 = arith.addi %add3A_2541, %add3A_2547 : vector<16xi32>
        %add3A_2549 = arith.constant 1 : i32
        %add3A_2550 = vector.broadcast %add3A_2549 : i32 to vector<16xi32>
        %add3A_2551 = arith.addi %add3A_2544, %add3A_2550 : vector<16xi32>
        %gather3A_2552 = tpu.vector_load_idx %arg9[%broadcast_in_dim3A_2207, %add3A_2548] : memref<24x768xf32, #tpu.memory_space<vmem>>[vector<16xi32>, vector<16xi32>], vector<16xf32>,
        tpu.vector_store_idx %arg7[%add3A_2551, %add3A_2211], %gather3A_2552 masked %ge3A_2204 : memref<48x384xf32, #tpu.memory_space<vmem>>[vector<16xi32>, vector<16xi32>], vector<16xf32>, vector<16xi1>
        %add3A_2553 = arith.constant 48 : i32
        %add3A_2554 = vector.broadcast %add3A_2553 : i32 to vector<16xi32>
        %add3A_2555 = arith.addi %add3A_2548, %add3A_2554 : vector<16xi32>
        %add3A_2556 = arith.constant 1 : i32
        %add3A_2557 = vector.broadcast %add3A_2556 : i32 to vector<16xi32>
        %add3A_2558 = arith.addi %add3A_2551, %add3A_2557 : vector<16xi32>
        %gather3A_2559 = tpu.vector_load_idx %arg9[%broadcast_in_dim3A_2207, %add3A_2555] : memref<24x768xf32, #tpu.memory_space<vmem>>[vector<16xi32>, vector<16xi32>], vector<16xf32>,
        tpu.vector_store_idx %arg7[%add3A_2558, %add3A_2211], %gather3A_2559 masked %ge3A_2204 : memref<48x384xf32, #tpu.memory_space<vmem>>[vector<16xi32>, vector<16xi32>], vector<16xf32>, vector<16xi1>
      }
      %scan3A_2111 = arith.constant 24 : i32
      %jit3A_2112 = arith.constant 24 : i32
      %div3A_2113 = arith.divsi %add3A_1748, %jit3A_2112 : i32
      %sign3A_2114 = arith.constant 0 : i32
      %sign3A_2115 = arith.cmpi sgt, %add3A_1748, %sign3A_2114 : i32
      %sign3A_2116 = arith.extui %sign3A_2115 : i1 to i32
      %sign3A_2117 = arith.constant 0 : i32
      %sign3A_2118 = arith.cmpi slt, %add3A_1748, %sign3A_2117 : i32
      %sign3A_2119 = arith.extui %sign3A_2118 : i1 to i32
      %sign3A_2120 = arith.subi %sign3A_2116, %sign3A_2119 : i32
      %sign3A_2121 = arith.constant 0 : i32
      %sign3A_2122 = arith.cmpi sgt, %jit3A_2112, %sign3A_2121 : i32
      %sign3A_2123 = arith.extui %sign3A_2122 : i1 to i32
      %sign3A_2124 = arith.constant 0 : i32
      %sign3A_2125 = arith.cmpi slt, %jit3A_2112, %sign3A_2124 : i32
      %sign3A_2126 = arith.extui %sign3A_2125 : i1 to i32
      %sign3A_2127 = arith.subi %sign3A_2123, %sign3A_2126 : i32
      %ne3A_2128 = arith.cmpi ne, %sign3A_2120, %sign3A_2127 : i32
      %rem3A_2129 = arith.remsi %add3A_1748, %jit3A_2112 : i32
      %ne3A_2130 = arith.constant 0 : i32
      %ne3A_2131 = arith.cmpi ne, %rem3A_2129, %ne3A_2130 : i32
      %and3A_2132 = arith.andi %ne3A_2128, %ne3A_2131 : i1
      %sub3A_2133 = arith.constant 1 : i32
      %sub3A_2134 = arith.subi %div3A_2113, %sub3A_2133 : i32
      %select_n3A_2135 = arith.select %and3A_2132, %sub3A_2134, %div3A_2113 : i32
      %add3A_2136 = arith.addi %mul3A_2, %select_n3A_2135 : i32
      %jit3A_2137 = arith.constant 24 : i32
      %eq3A_2138 = arith.constant 0 : i32
      %eq3A_2139 = arith.cmpi eq, %jit3A_2137, %eq3A_2138 : i32
      %jit3A_2140 = arith.constant 1 : i32
      %select_n3A_2141 = arith.select %eq3A_2139, %jit3A_2140, %jit3A_2137 : i32
      %rem3A_2142 = arith.remsi %add3A_1748, %select_n3A_2141 : i32
      %ne3A_2143 = arith.constant 0 : i32
      %ne3A_2144 = arith.cmpi ne, %rem3A_2142, %ne3A_2143 : i32
      %lt3A_2145 = arith.constant 0 : i32
      %lt3A_2146 = arith.cmpi slt, %rem3A_2142, %lt3A_2145 : i32
      %lt3A_2147 = arith.constant 0 : i32
      %lt3A_2148 = arith.cmpi slt, %select_n3A_2141, %lt3A_2147 : i32
      %ne3A_2149 = arith.xori %lt3A_2146, %lt3A_2148 : i1
      %and3A_2150 = arith.andi %ne3A_2149, %ne3A_2144 : i1
      %add3A_2151 = arith.addi %rem3A_2142, %select_n3A_2141 : i32
      %select_n3A_2152 = arith.select %and3A_2150, %add3A_2151, %rem3A_2142 : i32
      %mul3A_2153 = arith.constant 16 : i32
      %mul3A_2154 = arith.muli %select_n3A_2152, %mul3A_2153 : i32
      %mul3A_2155 = arith.constant 16 : i32
      %mul3A_2156 = arith.muli %select_n3A_2152, %mul3A_2155 : i32
      %mul3A_2157 = arith.constant 16 : i32
      %mul3A_2158 = arith.muli %select_n3A_2152, %mul3A_2157 : i32
      %dma_start3A_2159 = arith.constant 0 : i32
      %dma_start3A_2160 = arith.constant 0 : i32
      %dma_start3A_2161 = arith.constant 0 : i32
      %dma_start3A_2162 = tpu.memref_slice %arg7[%dma_start3A_2160, %dma_start3A_2161] : memref<48x384xf32, #tpu.memory_space<vmem>> -> memref<16x384xf32, #tpu.memory_space<vmem>>
      %dma_start3A_2163 = arith.constant 0 : i32
      %dma_start3A_2164 = tpu.memref_slice %arg5[%add3A_2136, %dma_start3A_2159, %mul3A_2154, %dma_start3A_2163] : memref<64x3x384x384xf32, #tpu.memory_space<hbm>> -> memref<1x1x16x384xf32, #tpu.memory_space<hbm>>
      %dma_start3A_2165 = tpu.memref_squeeze %dma_start3A_2164 : memref<1x1x16x384xf32, #tpu.memory_space<hbm>> -> memref<16x384xf32, #tpu.memory_space<hbm>>
      %dma_start3A_2166 = arith.constant 0 : i32
      %dma_start3A_2167 = tpu.memref_slice %arg5[%add3A_2136, %dma_start3A_2159, %mul3A_2154, %dma_start3A_2166] : memref<64x3x384x384xf32, #tpu.memory_space<hbm>> -> memref<1x1x16x384xf32, #tpu.memory_space<hbm>>
      %dma_start3A_2168 = tpu.memref_squeeze %dma_start3A_2167 : memref<1x1x16x384xf32, #tpu.memory_space<hbm>> -> memref<16x384xf32, #tpu.memory_space<hbm>>
      %dma_start3A_2169 = arith.constant 0 : i32
      %dma_start3A_2170 = arith.constant 0 : i32
      %dma_start3A_2171 = tpu.memref_slice %arg7[%dma_start3A_2169, %dma_start3A_2170] : memref<48x384xf32, #tpu.memory_space<vmem>> -> memref<16x384xf32, #tpu.memory_space<vmem>>
      tpu.enqueue_dma source(%dma_start3A_2171 : memref<16x384xf32, #tpu.memory_space<vmem>>) target(%dma_start3A_2168 : memref<16x384xf32, #tpu.memory_space<hbm>>) target_semaphore(%arg17 : memref<!tpu.dma_semaphore, #tpu.memory_space<semaphore_mem>>)
      %dma_start3A_2172 = arith.constant 1 : i32
      %dma_start3A_2173 = arith.constant 16 : i32
      %dma_start3A_2174 = arith.constant 0 : i32
      %dma_start3A_2175 = tpu.memref_slice %arg7[%dma_start3A_2173, %dma_start3A_2174] : memref<48x384xf32, #tpu.memory_space<vmem>> -> memref<16x384xf32, #tpu.memory_space<vmem>>
      %dma_start3A_2176 = arith.constant 0 : i32
      %dma_start3A_2177 = tpu.memref_slice %arg5[%add3A_2136, %dma_start3A_2172, %mul3A_2156, %dma_start3A_2176] : memref<64x3x384x384xf32, #tpu.memory_space<hbm>> -> memref<1x1x16x384xf32, #tpu.memory_space<hbm>>
      %dma_start3A_2178 = tpu.memref_squeeze %dma_start3A_2177 : memref<1x1x16x384xf32, #tpu.memory_space<hbm>> -> memref<16x384xf32, #tpu.memory_space<hbm>>
      %dma_start3A_2179 = arith.constant 0 : i32
      %dma_start3A_2180 = tpu.memref_slice %arg5[%add3A_2136, %dma_start3A_2172, %mul3A_2156, %dma_start3A_2179] : memref<64x3x384x384xf32, #tpu.memory_space<hbm>> -> memref<1x1x16x384xf32, #tpu.memory_space<hbm>>
      %dma_start3A_2181 = tpu.memref_squeeze %dma_start3A_2180 : memref<1x1x16x384xf32, #tpu.memory_space<hbm>> -> memref<16x384xf32, #tpu.memory_space<hbm>>
      %dma_start3A_2182 = arith.constant 16 : i32
      %dma_start3A_2183 = arith.constant 0 : i32
      %dma_start3A_2184 = tpu.memref_slice %arg7[%dma_start3A_2182, %dma_start3A_2183] : memref<48x384xf32, #tpu.memory_space<vmem>> -> memref<16x384xf32, #tpu.memory_space<vmem>>
      tpu.enqueue_dma source(%dma_start3A_2184 : memref<16x384xf32, #tpu.memory_space<vmem>>) target(%dma_start3A_2181 : memref<16x384xf32, #tpu.memory_space<hbm>>) target_semaphore(%arg17 : memref<!tpu.dma_semaphore, #tpu.memory_space<semaphore_mem>>)
      %dma_start3A_2185 = arith.constant 2 : i32
      %dma_start3A_2186 = arith.constant 32 : i32
      %dma_start3A_2187 = arith.constant 0 : i32
      %dma_start3A_2188 = tpu.memref_slice %arg7[%dma_start3A_2186, %dma_start3A_2187] : memref<48x384xf32, #tpu.memory_space<vmem>> -> memref<16x384xf32, #tpu.memory_space<vmem>>
      %dma_start3A_2189 = arith.constant 0 : i32
      %dma_start3A_2190 = tpu.memref_slice %arg5[%add3A_2136, %dma_start3A_2185, %mul3A_2158, %dma_start3A_2189] : memref<64x3x384x384xf32, #tpu.memory_space<hbm>> -> memref<1x1x16x384xf32, #tpu.memory_space<hbm>>
      %dma_start3A_2191 = tpu.memref_squeeze %dma_start3A_2190 : memref<1x1x16x384xf32, #tpu.memory_space<hbm>> -> memref<16x384xf32, #tpu.memory_space<hbm>>
      %dma_start3A_2192 = arith.constant 0 : i32
      %dma_start3A_2193 = tpu.memref_slice %arg5[%add3A_2136, %dma_start3A_2185, %mul3A_2158, %dma_start3A_2192] : memref<64x3x384x384xf32, #tpu.memory_space<hbm>> -> memref<1x1x16x384xf32, #tpu.memory_space<hbm>>
      %dma_start3A_2194 = tpu.memref_squeeze %dma_start3A_2193 : memref<1x1x16x384xf32, #tpu.memory_space<hbm>> -> memref<16x384xf32, #tpu.memory_space<hbm>>
      %dma_start3A_2195 = arith.constant 32 : i32
      %dma_start3A_2196 = arith.constant 0 : i32
      %dma_start3A_2197 = tpu.memref_slice %arg7[%dma_start3A_2195, %dma_start3A_2196] : memref<48x384xf32, #tpu.memory_space<vmem>> -> memref<16x384xf32, #tpu.memory_space<vmem>>
      tpu.enqueue_dma source(%dma_start3A_2197 : memref<16x384xf32, #tpu.memory_space<vmem>>) target(%dma_start3A_2194 : memref<16x384xf32, #tpu.memory_space<hbm>>) target_semaphore(%arg17 : memref<!tpu.dma_semaphore, #tpu.memory_space<semaphore_mem>>)
      %lt3A_2198 = arith.constant 23 : i32
      %lt3A_2199 = arith.cmpi slt, %scan3A_1742, %lt3A_2198 : i32
      %convert_element_type3A = arith.extui %lt3A_2199 : i1 to i32
      %cond3A = arith.constant 0 : i32
      %cond3A_2200 = arith.cmpi ne, %convert_element_type3A, %cond3A : i32
      scf.if %cond3A_2200 {
        %jit3A_2201 = arith.constant 24 : i32
        %div3A_2202 = arith.divsi %mul3A_1744, %jit3A_2201 : i32
        %sign3A_2203 = arith.constant 0 : i32
        %sign3A_2204 = arith.cmpi sgt, %mul3A_1744, %sign3A_2203 : i32
        %sign3A_2205 = arith.extui %sign3A_2204 : i1 to i32
        %sign3A_2206 = arith.constant 0 : i32
        %sign3A_2207 = arith.cmpi slt, %mul3A_1744, %sign3A_2206 : i32
        %sign3A_2208 = arith.extui %sign3A_2207 : i1 to i32
        %sign3A_2209 = arith.subi %sign3A_2205, %sign3A_2208 : i32
        %sign3A_2210 = arith.constant 0 : i32
        %sign3A_2211 = arith.cmpi sgt, %jit3A_2201, %sign3A_2210 : i32
        %sign3A_2212 = arith.extui %sign3A_2211 : i1 to i32
        %sign3A_2213 = arith.constant 0 : i32
        %sign3A_2214 = arith.cmpi slt, %jit3A_2201, %sign3A_2213 : i32
        %sign3A_2215 = arith.extui %sign3A_2214 : i1 to i32
        %sign3A_2216 = arith.subi %sign3A_2212, %sign3A_2215 : i32
        %ne3A_2217 = arith.cmpi ne, %sign3A_2209, %sign3A_2216 : i32
        %rem3A_2218 = arith.remsi %mul3A_1744, %jit3A_2201 : i32
        %ne3A_2219 = arith.constant 0 : i32
        %ne3A_2220 = arith.cmpi ne, %rem3A_2218, %ne3A_2219 : i32
        %and3A_2221 = arith.andi %ne3A_2217, %ne3A_2220 : i1
        %sub3A_2222 = arith.constant 1 : i32
        %sub3A_2223 = arith.subi %div3A_2202, %sub3A_2222 : i32
        %select_n3A_2224 = arith.select %and3A_2221, %sub3A_2223, %div3A_2202 : i32
        %add3A_2225 = arith.addi %mul3A_2, %select_n3A_2224 : i32
        %jit3A_2226 = arith.constant 24 : i32
        %eq3A_2227 = arith.constant 0 : i32
        %eq3A_2228 = arith.cmpi eq, %jit3A_2226, %eq3A_2227 : i32
        %jit3A_2229 = arith.constant 1 : i32
        %select_n3A_2230 = arith.select %eq3A_2228, %jit3A_2229, %jit3A_2226 : i32
        %rem3A_2231 = arith.remsi %mul3A_1744, %select_n3A_2230 : i32
        %ne3A_2232 = arith.constant 0 : i32
        %ne3A_2233 = arith.cmpi ne, %rem3A_2231, %ne3A_2232 : i32
        %lt3A_2234 = arith.constant 0 : i32
        %lt3A_2235 = arith.cmpi slt, %rem3A_2231, %lt3A_2234 : i32
        %lt3A_2236 = arith.constant 0 : i32
        %lt3A_2237 = arith.cmpi slt, %select_n3A_2230, %lt3A_2236 : i32
        %ne3A_2238 = arith.xori %lt3A_2235, %lt3A_2237 : i1
        %and3A_2239 = arith.andi %ne3A_2238, %ne3A_2233 : i1
        %add3A_2240 = arith.addi %rem3A_2231, %select_n3A_2230 : i32
        %select_n3A_2241 = arith.select %and3A_2239, %add3A_2240, %rem3A_2231 : i32
        %mul3A_2242 = arith.constant 16 : i32
        %mul3A_2243 = arith.muli %select_n3A_2241, %mul3A_2242 : i32
        %mul3A_2244 = arith.constant 16 : i32
        %mul3A_2245 = arith.muli %select_n3A_2241, %mul3A_2244 : i32
        %mul3A_2246 = arith.constant 16 : i32
        %mul3A_2247 = arith.muli %select_n3A_2241, %mul3A_2246 : i32
        %dma_wait3A_2248 = arith.constant 0 : i32
        %dma_wait3A_2249 = arith.constant 0 : i32
        %dma_wait3A_2250 = arith.constant 0 : i32
        %dma_wait3A_2251 = tpu.memref_slice %arg6[%dma_wait3A_2249, %dma_wait3A_2250] : memref<48x384xf32, #tpu.memory_space<vmem>> -> memref<16x384xf32, #tpu.memory_space<vmem>>
        %dma_wait3A_2252 = arith.constant 0 : i32
        %dma_wait3A_2253 = tpu.memref_slice %arg5[%add3A_2225, %dma_wait3A_2248, %mul3A_2243, %dma_wait3A_2252] : memref<64x3x384x384xf32, #tpu.memory_space<hbm>> -> memref<1x1x16x384xf32, #tpu.memory_space<hbm>>
        %dma_wait3A_2254 = tpu.memref_squeeze %dma_wait3A_2253 : memref<1x1x16x384xf32, #tpu.memory_space<hbm>> -> memref<16x384xf32, #tpu.memory_space<hbm>>
        %dma_wait3A_2255 = arith.constant 0 : i32
        %dma_wait3A_2256 = tpu.memref_slice %arg5[%add3A_2225, %dma_wait3A_2248, %mul3A_2243, %dma_wait3A_2255] : memref<64x3x384x384xf32, #tpu.memory_space<hbm>> -> memref<1x1x16x384xf32, #tpu.memory_space<hbm>>
        %dma_wait3A_2257 = tpu.memref_squeeze %dma_wait3A_2256 : memref<1x1x16x384xf32, #tpu.memory_space<hbm>> -> memref<16x384xf32, #tpu.memory_space<hbm>>
        %dma_wait3A_2258 = arith.constant 0 : i32
        %dma_wait3A_2259 = arith.constant 0 : i32
        %dma_wait3A_2260 = tpu.memref_slice %arg6[%dma_wait3A_2258, %dma_wait3A_2259] : memref<48x384xf32, #tpu.memory_space<vmem>> -> memref<16x384xf32, #tpu.memory_space<vmem>>
        tpu.wait_dma2 semaphore(%arg16 : memref<!tpu.dma_semaphore, #tpu.memory_space<semaphore_mem>>) src(%dma_wait3A_2260 : memref<16x384xf32, #tpu.memory_space<vmem>>) dst(%dma_wait3A_2257 : memref<16x384xf32, #tpu.memory_space<hbm>>)
        %dma_wait3A_2261 = arith.constant 1 : i32
        %dma_wait3A_2262 = arith.constant 16 : i32
        %dma_wait3A_2263 = arith.constant 0 : i32
        %dma_wait3A_2264 = tpu.memref_slice %arg6[%dma_wait3A_2262, %dma_wait3A_2263] : memref<48x384xf32, #tpu.memory_space<vmem>> -> memref<16x384xf32, #tpu.memory_space<vmem>>
        %dma_wait3A_2265 = arith.constant 0 : i32
        %dma_wait3A_2266 = tpu.memref_slice %arg5[%add3A_2225, %dma_wait3A_2261, %mul3A_2245, %dma_wait3A_2265] : memref<64x3x384x384xf32, #tpu.memory_space<hbm>> -> memref<1x1x16x384xf32, #tpu.memory_space<hbm>>
        %dma_wait3A_2267 = tpu.memref_squeeze %dma_wait3A_2266 : memref<1x1x16x384xf32, #tpu.memory_space<hbm>> -> memref<16x384xf32, #tpu.memory_space<hbm>>
        %dma_wait3A_2268 = arith.constant 0 : i32
        %dma_wait3A_2269 = tpu.memref_slice %arg5[%add3A_2225, %dma_wait3A_2261, %mul3A_2245, %dma_wait3A_2268] : memref<64x3x384x384xf32, #tpu.memory_space<hbm>> -> memref<1x1x16x384xf32, #tpu.memory_space<hbm>>
        %dma_wait3A_2270 = tpu.memref_squeeze %dma_wait3A_2269 : memref<1x1x16x384xf32, #tpu.memory_space<hbm>> -> memref<16x384xf32, #tpu.memory_space<hbm>>
        %dma_wait3A_2271 = arith.constant 16 : i32
        %dma_wait3A_2272 = arith.constant 0 : i32
        %dma_wait3A_2273 = tpu.memref_slice %arg6[%dma_wait3A_2271, %dma_wait3A_2272] : memref<48x384xf32, #tpu.memory_space<vmem>> -> memref<16x384xf32, #tpu.memory_space<vmem>>
        tpu.wait_dma2 semaphore(%arg16 : memref<!tpu.dma_semaphore, #tpu.memory_space<semaphore_mem>>) src(%dma_wait3A_2273 : memref<16x384xf32, #tpu.memory_space<vmem>>) dst(%dma_wait3A_2270 : memref<16x384xf32, #tpu.memory_space<hbm>>)
        %dma_wait3A_2274 = arith.constant 2 : i32
        %dma_wait3A_2275 = arith.constant 32 : i32
        %dma_wait3A_2276 = arith.constant 0 : i32
        %dma_wait3A_2277 = tpu.memref_slice %arg6[%dma_wait3A_2275, %dma_wait3A_2276] : memref<48x384xf32, #tpu.memory_space<vmem>> -> memref<16x384xf32, #tpu.memory_space<vmem>>
        %dma_wait3A_2278 = arith.constant 0 : i32
        %dma_wait3A_2279 = tpu.memref_slice %arg5[%add3A_2225, %dma_wait3A_2274, %mul3A_2247, %dma_wait3A_2278] : memref<64x3x384x384xf32, #tpu.memory_space<hbm>> -> memref<1x1x16x384xf32, #tpu.memory_space<hbm>>
        %dma_wait3A_2280 = tpu.memref_squeeze %dma_wait3A_2279 : memref<1x1x16x384xf32, #tpu.memory_space<hbm>> -> memref<16x384xf32, #tpu.memory_space<hbm>>
        %dma_wait3A_2281 = arith.constant 0 : i32
        %dma_wait3A_2282 = tpu.memref_slice %arg5[%add3A_2225, %dma_wait3A_2274, %mul3A_2247, %dma_wait3A_2281] : memref<64x3x384x384xf32, #tpu.memory_space<hbm>> -> memref<1x1x16x384xf32, #tpu.memory_space<hbm>>
        %dma_wait3A_2283 = tpu.memref_squeeze %dma_wait3A_2282 : memref<1x1x16x384xf32, #tpu.memory_space<hbm>> -> memref<16x384xf32, #tpu.memory_space<hbm>>
        %dma_wait3A_2284 = arith.constant 32 : i32
        %dma_wait3A_2285 = arith.constant 0 : i32
        %dma_wait3A_2286 = tpu.memref_slice %arg6[%dma_wait3A_2284, %dma_wait3A_2285] : memref<48x384xf32, #tpu.memory_space<vmem>> -> memref<16x384xf32, #tpu.memory_space<vmem>>
        tpu.wait_dma2 semaphore(%arg16 : memref<!tpu.dma_semaphore, #tpu.memory_space<semaphore_mem>>) src(%dma_wait3A_2286 : memref<16x384xf32, #tpu.memory_space<vmem>>) dst(%dma_wait3A_2283 : memref<16x384xf32, #tpu.memory_space<hbm>>)
        %add3A_2287 = arith.constant 2 : i32
        %add3A_2288 = arith.addi %mul3A_1744, %add3A_2287 : i32
        %jit3A_2289 = arith.constant 24 : i32
        %div3A_2290 = arith.divsi %add3A_2288, %jit3A_2289 : i32
        %sign3A_2291 = arith.constant 0 : i32
        %sign3A_2292 = arith.cmpi sgt, %add3A_2288, %sign3A_2291 : i32
        %sign3A_2293 = arith.extui %sign3A_2292 : i1 to i32
        %sign3A_2294 = arith.constant 0 : i32
        %sign3A_2295 = arith.cmpi slt, %add3A_2288, %sign3A_2294 : i32
        %sign3A_2296 = arith.extui %sign3A_2295 : i1 to i32
        %sign3A_2297 = arith.subi %sign3A_2293, %sign3A_2296 : i32
        %sign3A_2298 = arith.constant 0 : i32
        %sign3A_2299 = arith.cmpi sgt, %jit3A_2289, %sign3A_2298 : i32
        %sign3A_2300 = arith.extui %sign3A_2299 : i1 to i32
        %sign3A_2301 = arith.constant 0 : i32
        %sign3A_2302 = arith.cmpi slt, %jit3A_2289, %sign3A_2301 : i32
        %sign3A_2303 = arith.extui %sign3A_2302 : i1 to i32
        %sign3A_2304 = arith.subi %sign3A_2300, %sign3A_2303 : i32
        %ne3A_2305 = arith.cmpi ne, %sign3A_2297, %sign3A_2304 : i32
        %rem3A_2306 = arith.remsi %add3A_2288, %jit3A_2289 : i32
        %ne3A_2307 = arith.constant 0 : i32
        %ne3A_2308 = arith.cmpi ne, %rem3A_2306, %ne3A_2307 : i32
        %and3A_2309 = arith.andi %ne3A_2305, %ne3A_2308 : i1
        %sub3A_2310 = arith.constant 1 : i32
        %sub3A_2311 = arith.subi %div3A_2290, %sub3A_2310 : i32
        %select_n3A_2312 = arith.select %and3A_2309, %sub3A_2311, %div3A_2290 : i32
        %add3A_2313 = arith.addi %mul3A_2, %select_n3A_2312 : i32
        %jit3A_2314 = arith.constant 24 : i32
        %eq3A_2315 = arith.constant 0 : i32
        %eq3A_2316 = arith.cmpi eq, %jit3A_2314, %eq3A_2315 : i32
        %jit3A_2317 = arith.constant 1 : i32
        %select_n3A_2318 = arith.select %eq3A_2316, %jit3A_2317, %jit3A_2314 : i32
        %rem3A_2319 = arith.remsi %add3A_2288, %select_n3A_2318 : i32
        %ne3A_2320 = arith.constant 0 : i32
        %ne3A_2321 = arith.cmpi ne, %rem3A_2319, %ne3A_2320 : i32
        %lt3A_2322 = arith.constant 0 : i32
        %lt3A_2323 = arith.cmpi slt, %rem3A_2319, %lt3A_2322 : i32
        %lt3A_2324 = arith.constant 0 : i32
        %lt3A_2325 = arith.cmpi slt, %select_n3A_2318, %lt3A_2324 : i32
        %ne3A_2326 = arith.xori %lt3A_2323, %lt3A_2325 : i1
        %and3A_2327 = arith.andi %ne3A_2326, %ne3A_2321 : i1
        %add3A_2328 = arith.addi %rem3A_2319, %select_n3A_2318 : i32
        %select_n3A_2329 = arith.select %and3A_2327, %add3A_2328, %rem3A_2319 : i32
        %mul3A_2330 = arith.constant 16 : i32
        %mul3A_2331 = arith.muli %select_n3A_2329, %mul3A_2330 : i32
        %mul3A_2332 = arith.constant 16 : i32
        %mul3A_2333 = arith.muli %select_n3A_2329, %mul3A_2332 : i32
        %mul3A_2334 = arith.constant 16 : i32
        %mul3A_2335 = arith.muli %select_n3A_2329, %mul3A_2334 : i32
        %dma_start3A_2336 = arith.constant 0 : i32
        %dma_start3A_2337 = arith.constant 0 : i32
        %dma_start3A_2338 = arith.constant 0 : i32
        %dma_start3A_2339 = tpu.memref_slice %arg6[%dma_start3A_2337, %dma_start3A_2338] : memref<48x384xf32, #tpu.memory_space<vmem>> -> memref<16x384xf32, #tpu.memory_space<vmem>>
        %dma_start3A_2340 = arith.constant 0 : i32
        %dma_start3A_2341 = tpu.memref_slice %arg2[%add3A_2313, %dma_start3A_2336, %mul3A_2331, %dma_start3A_2340] : memref<64x3x384x384xf32, #tpu.memory_space<hbm>> -> memref<1x1x16x384xf32, #tpu.memory_space<hbm>>
        %dma_start3A_2342 = tpu.memref_squeeze %dma_start3A_2341 : memref<1x1x16x384xf32, #tpu.memory_space<hbm>> -> memref<16x384xf32, #tpu.memory_space<hbm>>
        %dma_start3A_2343 = arith.constant 0 : i32
        %dma_start3A_2344 = arith.constant 0 : i32
        %dma_start3A_2345 = tpu.memref_slice %arg6[%dma_start3A_2343, %dma_start3A_2344] : memref<48x384xf32, #tpu.memory_space<vmem>> -> memref<16x384xf32, #tpu.memory_space<vmem>>
        %dma_start3A_2346 = arith.constant 0 : i32
        %dma_start3A_2347 = tpu.memref_slice %arg2[%add3A_2313, %dma_start3A_2336, %mul3A_2331, %dma_start3A_2346] : memref<64x3x384x384xf32, #tpu.memory_space<hbm>> -> memref<1x1x16x384xf32, #tpu.memory_space<hbm>>
        %dma_start3A_2348 = tpu.memref_squeeze %dma_start3A_2347 : memref<1x1x16x384xf32, #tpu.memory_space<hbm>> -> memref<16x384xf32, #tpu.memory_space<hbm>>
        tpu.enqueue_dma source(%dma_start3A_2348 : memref<16x384xf32, #tpu.memory_space<hbm>>) target(%dma_start3A_2345 : memref<16x384xf32, #tpu.memory_space<vmem>>) target_semaphore(%arg12 : memref<!tpu.dma_semaphore, #tpu.memory_space<semaphore_mem>>)
        %dma_start3A_2349 = arith.constant 1 : i32
        %dma_start3A_2350 = arith.constant 16 : i32
        %dma_start3A_2351 = arith.constant 0 : i32
        %dma_start3A_2352 = tpu.memref_slice %arg6[%dma_start3A_2350, %dma_start3A_2351] : memref<48x384xf32, #tpu.memory_space<vmem>> -> memref<16x384xf32, #tpu.memory_space<vmem>>
        %dma_start3A_2353 = arith.constant 0 : i32
        %dma_start3A_2354 = tpu.memref_slice %arg2[%add3A_2313, %dma_start3A_2349, %mul3A_2333, %dma_start3A_2353] : memref<64x3x384x384xf32, #tpu.memory_space<hbm>> -> memref<1x1x16x384xf32, #tpu.memory_space<hbm>>
        %dma_start3A_2355 = tpu.memref_squeeze %dma_start3A_2354 : memref<1x1x16x384xf32, #tpu.memory_space<hbm>> -> memref<16x384xf32, #tpu.memory_space<hbm>>
        %dma_start3A_2356 = arith.constant 16 : i32
        %dma_start3A_2357 = arith.constant 0 : i32
        %dma_start3A_2358 = tpu.memref_slice %arg6[%dma_start3A_2356, %dma_start3A_2357] : memref<48x384xf32, #tpu.memory_space<vmem>> -> memref<16x384xf32, #tpu.memory_space<vmem>>
        %dma_start3A_2359 = arith.constant 0 : i32
        %dma_start3A_2360 = tpu.memref_slice %arg2[%add3A_2313, %dma_start3A_2349, %mul3A_2333, %dma_start3A_2359] : memref<64x3x384x384xf32, #tpu.memory_space<hbm>> -> memref<1x1x16x384xf32, #tpu.memory_space<hbm>>
        %dma_start3A_2361 = tpu.memref_squeeze %dma_start3A_2360 : memref<1x1x16x384xf32, #tpu.memory_space<hbm>> -> memref<16x384xf32, #tpu.memory_space<hbm>>
        tpu.enqueue_dma source(%dma_start3A_2361 : memref<16x384xf32, #tpu.memory_space<hbm>>) target(%dma_start3A_2358 : memref<16x384xf32, #tpu.memory_space<vmem>>) target_semaphore(%arg12 : memref<!tpu.dma_semaphore, #tpu.memory_space<semaphore_mem>>)
        %dma_start3A_2362 = arith.constant 2 : i32
        %dma_start3A_2363 = arith.constant 32 : i32
        %dma_start3A_2364 = arith.constant 0 : i32
        %dma_start3A_2365 = tpu.memref_slice %arg6[%dma_start3A_2363, %dma_start3A_2364] : memref<48x384xf32, #tpu.memory_space<vmem>> -> memref<16x384xf32, #tpu.memory_space<vmem>>
        %dma_start3A_2366 = arith.constant 0 : i32
        %dma_start3A_2367 = tpu.memref_slice %arg2[%add3A_2313, %dma_start3A_2362, %mul3A_2335, %dma_start3A_2366] : memref<64x3x384x384xf32, #tpu.memory_space<hbm>> -> memref<1x1x16x384xf32, #tpu.memory_space<hbm>>
        %dma_start3A_2368 = tpu.memref_squeeze %dma_start3A_2367 : memref<1x1x16x384xf32, #tpu.memory_space<hbm>> -> memref<16x384xf32, #tpu.memory_space<hbm>>
        %dma_start3A_2369 = arith.constant 32 : i32
        %dma_start3A_2370 = arith.constant 0 : i32
        %dma_start3A_2371 = tpu.memref_slice %arg6[%dma_start3A_2369, %dma_start3A_2370] : memref<48x384xf32, #tpu.memory_space<vmem>> -> memref<16x384xf32, #tpu.memory_space<vmem>>
        %dma_start3A_2372 = arith.constant 0 : i32
        %dma_start3A_2373 = tpu.memref_slice %arg2[%add3A_2313, %dma_start3A_2362, %mul3A_2335, %dma_start3A_2372] : memref<64x3x384x384xf32, #tpu.memory_space<hbm>> -> memref<1x1x16x384xf32, #tpu.memory_space<hbm>>
        %dma_start3A_2374 = tpu.memref_squeeze %dma_start3A_2373 : memref<1x1x16x384xf32, #tpu.memory_space<hbm>> -> memref<16x384xf32, #tpu.memory_space<hbm>>
        tpu.enqueue_dma source(%dma_start3A_2374 : memref<16x384xf32, #tpu.memory_space<hbm>>) target(%dma_start3A_2371 : memref<16x384xf32, #tpu.memory_space<vmem>>) target_semaphore(%arg12 : memref<!tpu.dma_semaphore, #tpu.memory_space<semaphore_mem>>)
        %dma_start3A_2375 = arith.constant 0 : i32
        %dma_start3A_2376 = tpu.memref_slice %arg11[%add3A_2288, %dma_start3A_2375] : memref<48x24xi32, #tpu.memory_space<vmem>> -> memref<1x24xi32, #tpu.memory_space<vmem>>
        %dma_start3A_2377 = tpu.memref_squeeze %dma_start3A_2376 : memref<1x24xi32, #tpu.memory_space<vmem>> -> memref<24xi32, #tpu.memory_space<vmem>>
        %dma_start3A_2378 = arith.constant 0 : i32
        %dma_start3A_2379 = arith.constant 0 : i32
        %dma_start3A_2380 = tpu.memref_slice %arg3[%dma_start3A_2378, %dma_start3A_2379] : memref<27648x768xf32, #tpu.memory_space<hbm>> -> memref<27648x768xf32, #tpu.memory_space<hbm>>
        tpu.enqueue_indirect_dma source(%dma_start3A_2380 : memref<27648x768xf32, #tpu.memory_space<hbm>>) target(%arg8 : memref<24x768xf32, #tpu.memory_space<vmem>>) offsets(%dma_start3A_2377 : memref<24xi32, #tpu.memory_space<vmem>>) semaphore(%arg14 : memref<!tpu.dma_semaphore, #tpu.memory_space<semaphore_mem>>)
        %jit3A_2381 = arith.constant 24 : i32
        %div3A_2382 = arith.divsi %add3A_1748, %jit3A_2381 : i32
        %sign3A_2383 = arith.constant 0 : i32
        %sign3A_2384 = arith.cmpi sgt, %add3A_1748, %sign3A_2383 : i32
        %sign3A_2385 = arith.extui %sign3A_2384 : i1 to i32
        %sign3A_2386 = arith.constant 0 : i32
        %sign3A_2387 = arith.cmpi slt, %add3A_1748, %sign3A_2386 : i32
        %sign3A_2388 = arith.extui %sign3A_2387 : i1 to i32
        %sign3A_2389 = arith.subi %sign3A_2385, %sign3A_2388 : i32
        %sign3A_2390 = arith.constant 0 : i32
        %sign3A_2391 = arith.cmpi sgt, %jit3A_2381, %sign3A_2390 : i32
        %sign3A_2392 = arith.extui %sign3A_2391 : i1 to i32
        %sign3A_2393 = arith.constant 0 : i32
        %sign3A_2394 = arith.cmpi slt, %jit3A_2381, %sign3A_2393 : i32
        %sign3A_2395 = arith.extui %sign3A_2394 : i1 to i32
        %sign3A_2396 = arith.subi %sign3A_2392, %sign3A_2395 : i32
        %ne3A_2397 = arith.cmpi ne, %sign3A_2389, %sign3A_2396 : i32
        %rem3A_2398 = arith.remsi %add3A_1748, %jit3A_2381 : i32
        %ne3A_2399 = arith.constant 0 : i32
        %ne3A_2400 = arith.cmpi ne, %rem3A_2398, %ne3A_2399 : i32
        %and3A_2401 = arith.andi %ne3A_2397, %ne3A_2400 : i1
        %sub3A_2402 = arith.constant 1 : i32
        %sub3A_2403 = arith.subi %div3A_2382, %sub3A_2402 : i32
        %select_n3A_2404 = arith.select %and3A_2401, %sub3A_2403, %div3A_2382 : i32
        %add3A_2405 = arith.addi %mul3A_2, %select_n3A_2404 : i32
        %jit3A_2406 = arith.constant 24 : i32
        %eq3A_2407 = arith.constant 0 : i32
        %eq3A_2408 = arith.cmpi eq, %jit3A_2406, %eq3A_2407 : i32
        %jit3A_2409 = arith.constant 1 : i32
        %select_n3A_2410 = arith.select %eq3A_2408, %jit3A_2409, %jit3A_2406 : i32
        %rem3A_2411 = arith.remsi %add3A_1748, %select_n3A_2410 : i32
        %ne3A_2412 = arith.constant 0 : i32
        %ne3A_2413 = arith.cmpi ne, %rem3A_2411, %ne3A_2412 : i32
        %lt3A_2414 = arith.constant 0 : i32
        %lt3A_2415 = arith.cmpi slt, %rem3A_2411, %lt3A_2414 : i32
        %lt3A_2416 = arith.constant 0 : i32
        %lt3A_2417 = arith.cmpi slt, %select_n3A_2410, %lt3A_2416 : i32
        %ne3A_2418 = arith.xori %lt3A_2415, %lt3A_2417 : i1
        %and3A_2419 = arith.andi %ne3A_2418, %ne3A_2413 : i1
        %add3A_2420 = arith.addi %rem3A_2411, %select_n3A_2410 : i32
        %select_n3A_2421 = arith.select %and3A_2419, %add3A_2420, %rem3A_2411 : i32
        %mul3A_2422 = arith.constant 16 : i32
        %mul3A_2423 = arith.muli %select_n3A_2421, %mul3A_2422 : i32
        %mul3A_2424 = arith.constant 16 : i32
        %mul3A_2425 = arith.muli %select_n3A_2421, %mul3A_2424 : i32
        %mul3A_2426 = arith.constant 16 : i32
        %mul3A_2427 = arith.muli %select_n3A_2421, %mul3A_2426 : i32
        %dma_wait3A_2428 = arith.constant 0 : i32
        %dma_wait3A_2429 = arith.constant 0 : i32
        %dma_wait3A_2430 = arith.constant 0 : i32
        %dma_wait3A_2431 = tpu.memref_slice %arg7[%dma_wait3A_2429, %dma_wait3A_2430] : memref<48x384xf32, #tpu.memory_space<vmem>> -> memref<16x384xf32, #tpu.memory_space<vmem>>
        %dma_wait3A_2432 = arith.constant 0 : i32
        %dma_wait3A_2433 = tpu.memref_slice %arg5[%add3A_2405, %dma_wait3A_2428, %mul3A_2423, %dma_wait3A_2432] : memref<64x3x384x384xf32, #tpu.memory_space<hbm>> -> memref<1x1x16x384xf32, #tpu.memory_space<hbm>>
        %dma_wait3A_2434 = tpu.memref_squeeze %dma_wait3A_2433 : memref<1x1x16x384xf32, #tpu.memory_space<hbm>> -> memref<16x384xf32, #tpu.memory_space<hbm>>
        %dma_wait3A_2435 = arith.constant 0 : i32
        %dma_wait3A_2436 = tpu.memref_slice %arg5[%add3A_2405, %dma_wait3A_2428, %mul3A_2423, %dma_wait3A_2435] : memref<64x3x384x384xf32, #tpu.memory_space<hbm>> -> memref<1x1x16x384xf32, #tpu.memory_space<hbm>>
        %dma_wait3A_2437 = tpu.memref_squeeze %dma_wait3A_2436 : memref<1x1x16x384xf32, #tpu.memory_space<hbm>> -> memref<16x384xf32, #tpu.memory_space<hbm>>
        %dma_wait3A_2438 = arith.constant 0 : i32
        %dma_wait3A_2439 = arith.constant 0 : i32
        %dma_wait3A_2440 = tpu.memref_slice %arg7[%dma_wait3A_2438, %dma_wait3A_2439] : memref<48x384xf32, #tpu.memory_space<vmem>> -> memref<16x384xf32, #tpu.memory_space<vmem>>
        tpu.wait_dma2 semaphore(%arg17 : memref<!tpu.dma_semaphore, #tpu.memory_space<semaphore_mem>>) src(%dma_wait3A_2440 : memref<16x384xf32, #tpu.memory_space<vmem>>) dst(%dma_wait3A_2437 : memref<16x384xf32, #tpu.memory_space<hbm>>)
        %dma_wait3A_2441 = arith.constant 1 : i32
        %dma_wait3A_2442 = arith.constant 16 : i32
        %dma_wait3A_2443 = arith.constant 0 : i32
        %dma_wait3A_2444 = tpu.memref_slice %arg7[%dma_wait3A_2442, %dma_wait3A_2443] : memref<48x384xf32, #tpu.memory_space<vmem>> -> memref<16x384xf32, #tpu.memory_space<vmem>>
        %dma_wait3A_2445 = arith.constant 0 : i32
        %dma_wait3A_2446 = tpu.memref_slice %arg5[%add3A_2405, %dma_wait3A_2441, %mul3A_2425, %dma_wait3A_2445] : memref<64x3x384x384xf32, #tpu.memory_space<hbm>> -> memref<1x1x16x384xf32, #tpu.memory_space<hbm>>
        %dma_wait3A_2447 = tpu.memref_squeeze %dma_wait3A_2446 : memref<1x1x16x384xf32, #tpu.memory_space<hbm>> -> memref<16x384xf32, #tpu.memory_space<hbm>>
        %dma_wait3A_2448 = arith.constant 0 : i32
        %dma_wait3A_2449 = tpu.memref_slice %arg5[%add3A_2405, %dma_wait3A_2441, %mul3A_2425, %dma_wait3A_2448] : memref<64x3x384x384xf32, #tpu.memory_space<hbm>> -> memref<1x1x16x384xf32, #tpu.memory_space<hbm>>
        %dma_wait3A_2450 = tpu.memref_squeeze %dma_wait3A_2449 : memref<1x1x16x384xf32, #tpu.memory_space<hbm>> -> memref<16x384xf32, #tpu.memory_space<hbm>>
        %dma_wait3A_2451 = arith.constant 16 : i32
        %dma_wait3A_2452 = arith.constant 0 : i32
        %dma_wait3A_2453 = tpu.memref_slice %arg7[%dma_wait3A_2451, %dma_wait3A_2452] : memref<48x384xf32, #tpu.memory_space<vmem>> -> memref<16x384xf32, #tpu.memory_space<vmem>>
        tpu.wait_dma2 semaphore(%arg17 : memref<!tpu.dma_semaphore, #tpu.memory_space<semaphore_mem>>) src(%dma_wait3A_2453 : memref<16x384xf32, #tpu.memory_space<vmem>>) dst(%dma_wait3A_2450 : memref<16x384xf32, #tpu.memory_space<hbm>>)
        %dma_wait3A_2454 = arith.constant 2 : i32
        %dma_wait3A_2455 = arith.constant 32 : i32
        %dma_wait3A_2456 = arith.constant 0 : i32
        %dma_wait3A_2457 = tpu.memref_slice %arg7[%dma_wait3A_2455, %dma_wait3A_2456] : memref<48x384xf32, #tpu.memory_space<vmem>> -> memref<16x384xf32, #tpu.memory_space<vmem>>
        %dma_wait3A_2458 = arith.constant 0 : i32
        %dma_wait3A_2459 = tpu.memref_slice %arg5[%add3A_2405, %dma_wait3A_2454, %mul3A_2427, %dma_wait3A_2458] : memref<64x3x384x384xf32, #tpu.memory_space<hbm>> -> memref<1x1x16x384xf32, #tpu.memory_space<hbm>>
        %dma_wait3A_2460 = tpu.memref_squeeze %dma_wait3A_2459 : memref<1x1x16x384xf32, #tpu.memory_space<hbm>> -> memref<16x384xf32, #tpu.memory_space<hbm>>
        %dma_wait3A_2461 = arith.constant 0 : i32
        %dma_wait3A_2462 = tpu.memref_slice %arg5[%add3A_2405, %dma_wait3A_2454, %mul3A_2427, %dma_wait3A_2461] : memref<64x3x384x384xf32, #tpu.memory_space<hbm>> -> memref<1x1x16x384xf32, #tpu.memory_space<hbm>>
        %dma_wait3A_2463 = tpu.memref_squeeze %dma_wait3A_2462 : memref<1x1x16x384xf32, #tpu.memory_space<hbm>> -> memref<16x384xf32, #tpu.memory_space<hbm>>
        %dma_wait3A_2464 = arith.constant 32 : i32
        %dma_wait3A_2465 = arith.constant 0 : i32
        %dma_wait3A_2466 = tpu.memref_slice %arg7[%dma_wait3A_2464, %dma_wait3A_2465] : memref<48x384xf32, #tpu.memory_space<vmem>> -> memref<16x384xf32, #tpu.memory_space<vmem>>
        tpu.wait_dma2 semaphore(%arg17 : memref<!tpu.dma_semaphore, #tpu.memory_space<semaphore_mem>>) src(%dma_wait3A_2466 : memref<16x384xf32, #tpu.memory_space<vmem>>) dst(%dma_wait3A_2463 : memref<16x384xf32, #tpu.memory_space<hbm>>)
        %add3A_2467 = arith.constant 2 : i32
        %add3A_2468 = arith.addi %add3A_1748, %add3A_2467 : i32
        %jit3A_2469 = arith.constant 24 : i32
        %div3A_2470 = arith.divsi %add3A_2468, %jit3A_2469 : i32
        %sign3A_2471 = arith.constant 0 : i32
        %sign3A_2472 = arith.cmpi sgt, %add3A_2468, %sign3A_2471 : i32
        %sign3A_2473 = arith.extui %sign3A_2472 : i1 to i32
        %sign3A_2474 = arith.constant 0 : i32
        %sign3A_2475 = arith.cmpi slt, %add3A_2468, %sign3A_2474 : i32
        %sign3A_2476 = arith.extui %sign3A_2475 : i1 to i32
        %sign3A_2477 = arith.subi %sign3A_2473, %sign3A_2476 : i32
        %sign3A_2478 = arith.constant 0 : i32
        %sign3A_2479 = arith.cmpi sgt, %jit3A_2469, %sign3A_2478 : i32
        %sign3A_2480 = arith.extui %sign3A_2479 : i1 to i32
        %sign3A_2481 = arith.constant 0 : i32
        %sign3A_2482 = arith.cmpi slt, %jit3A_2469, %sign3A_2481 : i32
        %sign3A_2483 = arith.extui %sign3A_2482 : i1 to i32
        %sign3A_2484 = arith.subi %sign3A_2480, %sign3A_2483 : i32
        %ne3A_2485 = arith.cmpi ne, %sign3A_2477, %sign3A_2484 : i32
        %rem3A_2486 = arith.remsi %add3A_2468, %jit3A_2469 : i32
        %ne3A_2487 = arith.constant 0 : i32
        %ne3A_2488 = arith.cmpi ne, %rem3A_2486, %ne3A_2487 : i32
        %and3A_2489 = arith.andi %ne3A_2485, %ne3A_2488 : i1
        %sub3A_2490 = arith.constant 1 : i32
        %sub3A_2491 = arith.subi %div3A_2470, %sub3A_2490 : i32
        %select_n3A_2492 = arith.select %and3A_2489, %sub3A_2491, %div3A_2470 : i32
        %add3A_2493 = arith.addi %mul3A_2, %select_n3A_2492 : i32
        %jit3A_2494 = arith.constant 24 : i32
        %eq3A_2495 = arith.constant 0 : i32
        %eq3A_2496 = arith.cmpi eq, %jit3A_2494, %eq3A_2495 : i32
        %jit3A_2497 = arith.constant 1 : i32
        %select_n3A_2498 = arith.select %eq3A_2496, %jit3A_2497, %jit3A_2494 : i32
        %rem3A_2499 = arith.remsi %add3A_2468, %select_n3A_2498 : i32
        %ne3A_2500 = arith.constant 0 : i32
        %ne3A_2501 = arith.cmpi ne, %rem3A_2499, %ne3A_2500 : i32
        %lt3A_2502 = arith.constant 0 : i32
        %lt3A_2503 = arith.cmpi slt, %rem3A_2499, %lt3A_2502 : i32
        %lt3A_2504 = arith.constant 0 : i32
        %lt3A_2505 = arith.cmpi slt, %select_n3A_2498, %lt3A_2504 : i32
        %ne3A_2506 = arith.xori %lt3A_2503, %lt3A_2505 : i1
        %and3A_2507 = arith.andi %ne3A_2506, %ne3A_2501 : i1
        %add3A_2508 = arith.addi %rem3A_2499, %select_n3A_2498 : i32
        %select_n3A_2509 = arith.select %and3A_2507, %add3A_2508, %rem3A_2499 : i32
        %mul3A_2510 = arith.constant 16 : i32
        %mul3A_2511 = arith.muli %select_n3A_2509, %mul3A_2510 : i32
        %mul3A_2512 = arith.constant 16 : i32
        %mul3A_2513 = arith.muli %select_n3A_2509, %mul3A_2512 : i32
        %mul3A_2514 = arith.constant 16 : i32
        %mul3A_2515 = arith.muli %select_n3A_2509, %mul3A_2514 : i32
        %dma_start3A_2516 = arith.constant 0 : i32
        %dma_start3A_2517 = arith.constant 0 : i32
        %dma_start3A_2518 = arith.constant 0 : i32
        %dma_start3A_2519 = tpu.memref_slice %arg7[%dma_start3A_2517, %dma_start3A_2518] : memref<48x384xf32, #tpu.memory_space<vmem>> -> memref<16x384xf32, #tpu.memory_space<vmem>>
        %dma_start3A_2520 = arith.constant 0 : i32
        %dma_start3A_2521 = tpu.memref_slice %arg2[%add3A_2493, %dma_start3A_2516, %mul3A_2511, %dma_start3A_2520] : memref<64x3x384x384xf32, #tpu.memory_space<hbm>> -> memref<1x1x16x384xf32, #tpu.memory_space<hbm>>
        %dma_start3A_2522 = tpu.memref_squeeze %dma_start3A_2521 : memref<1x1x16x384xf32, #tpu.memory_space<hbm>> -> memref<16x384xf32, #tpu.memory_space<hbm>>
        %dma_start3A_2523 = arith.constant 0 : i32
        %dma_start3A_2524 = arith.constant 0 : i32
        %dma_start3A_2525 = tpu.memref_slice %arg7[%dma_start3A_2523, %dma_start3A_2524] : memref<48x384xf32, #tpu.memory_space<vmem>> -> memref<16x384xf32, #tpu.memory_space<vmem>>
        %dma_start3A_2526 = arith.constant 0 : i32
        %dma_start3A_2527 = tpu.memref_slice %arg2[%add3A_2493, %dma_start3A_2516, %mul3A_2511, %dma_start3A_2526] : memref<64x3x384x384xf32, #tpu.memory_space<hbm>> -> memref<1x1x16x384xf32, #tpu.memory_space<hbm>>
        %dma_start3A_2528 = tpu.memref_squeeze %dma_start3A_2527 : memref<1x1x16x384xf32, #tpu.memory_space<hbm>> -> memref<16x384xf32, #tpu.memory_space<hbm>>
        tpu.enqueue_dma source(%dma_start3A_2528 : memref<16x384xf32, #tpu.memory_space<hbm>>) target(%dma_start3A_2525 : memref<16x384xf32, #tpu.memory_space<vmem>>) target_semaphore(%arg13 : memref<!tpu.dma_semaphore, #tpu.memory_space<semaphore_mem>>)
        %dma_start3A_2529 = arith.constant 1 : i32
        %dma_start3A_2530 = arith.constant 16 : i32
        %dma_start3A_2531 = arith.constant 0 : i32
        %dma_start3A_2532 = tpu.memref_slice %arg7[%dma_start3A_2530, %dma_start3A_2531] : memref<48x384xf32, #tpu.memory_space<vmem>> -> memref<16x384xf32, #tpu.memory_space<vmem>>
        %dma_start3A_2533 = arith.constant 0 : i32
        %dma_start3A_2534 = tpu.memref_slice %arg2[%add3A_2493, %dma_start3A_2529, %mul3A_2513, %dma_start3A_2533] : memref<64x3x384x384xf32, #tpu.memory_space<hbm>> -> memref<1x1x16x384xf32, #tpu.memory_space<hbm>>
        %dma_start3A_2535 = tpu.memref_squeeze %dma_start3A_2534 : memref<1x1x16x384xf32, #tpu.memory_space<hbm>> -> memref<16x384xf32, #tpu.memory_space<hbm>>
        %dma_start3A_2536 = arith.constant 16 : i32
        %dma_start3A_2537 = arith.constant 0 : i32
        %dma_start3A_2538 = tpu.memref_slice %arg7[%dma_start3A_2536, %dma_start3A_2537] : memref<48x384xf32, #tpu.memory_space<vmem>> -> memref<16x384xf32, #tpu.memory_space<vmem>>
        %dma_start3A_2539 = arith.constant 0 : i32
        %dma_start3A_2540 = tpu.memref_slice %arg2[%add3A_2493, %dma_start3A_2529, %mul3A_2513, %dma_start3A_2539] : memref<64x3x384x384xf32, #tpu.memory_space<hbm>> -> memref<1x1x16x384xf32, #tpu.memory_space<hbm>>
        %dma_start3A_2541 = tpu.memref_squeeze %dma_start3A_2540 : memref<1x1x16x384xf32, #tpu.memory_space<hbm>> -> memref<16x384xf32, #tpu.memory_space<hbm>>
        tpu.enqueue_dma source(%dma_start3A_2541 : memref<16x384xf32, #tpu.memory_space<hbm>>) target(%dma_start3A_2538 : memref<16x384xf32, #tpu.memory_space<vmem>>) target_semaphore(%arg13 : memref<!tpu.dma_semaphore, #tpu.memory_space<semaphore_mem>>)
        %dma_start3A_2542 = arith.constant 2 : i32
        %dma_start3A_2543 = arith.constant 32 : i32
        %dma_start3A_2544 = arith.constant 0 : i32
        %dma_start3A_2545 = tpu.memref_slice %arg7[%dma_start3A_2543, %dma_start3A_2544] : memref<48x384xf32, #tpu.memory_space<vmem>> -> memref<16x384xf32, #tpu.memory_space<vmem>>
        %dma_start3A_2546 = arith.constant 0 : i32
        %dma_start3A_2547 = tpu.memref_slice %arg2[%add3A_2493, %dma_start3A_2542, %mul3A_2515, %dma_start3A_2546] : memref<64x3x384x384xf32, #tpu.memory_space<hbm>> -> memref<1x1x16x384xf32, #tpu.memory_space<hbm>>
        %dma_start3A_2548 = tpu.memref_squeeze %dma_start3A_2547 : memref<1x1x16x384xf32, #tpu.memory_space<hbm>> -> memref<16x384xf32, #tpu.memory_space<hbm>>
        %dma_start3A_2549 = arith.constant 32 : i32
        %dma_start3A_2550 = arith.constant 0 : i32
        %dma_start3A_2551 = tpu.memref_slice %arg7[%dma_start3A_2549, %dma_start3A_2550] : memref<48x384xf32, #tpu.memory_space<vmem>> -> memref<16x384xf32, #tpu.memory_space<vmem>>
        %dma_start3A_2552 = arith.constant 0 : i32
        %dma_start3A_2553 = tpu.memref_slice %arg2[%add3A_2493, %dma_start3A_2542, %mul3A_2515, %dma_start3A_2552] : memref<64x3x384x384xf32, #tpu.memory_space<hbm>> -> memref<1x1x16x384xf32, #tpu.memory_space<hbm>>
        %dma_start3A_2554 = tpu.memref_squeeze %dma_start3A_2553 : memref<1x1x16x384xf32, #tpu.memory_space<hbm>> -> memref<16x384xf32, #tpu.memory_space<hbm>>
        tpu.enqueue_dma source(%dma_start3A_2554 : memref<16x384xf32, #tpu.memory_space<hbm>>) target(%dma_start3A_2551 : memref<16x384xf32, #tpu.memory_space<vmem>>) target_semaphore(%arg13 : memref<!tpu.dma_semaphore, #tpu.memory_space<semaphore_mem>>)
        %dma_start3A_2555 = arith.constant 0 : i32
        %dma_start3A_2556 = tpu.memref_slice %arg11[%add3A_2468, %dma_start3A_2555] : memref<48x24xi32, #tpu.memory_space<vmem>> -> memref<1x24xi32, #tpu.memory_space<vmem>>
        %dma_start3A_2557 = tpu.memref_squeeze %dma_start3A_2556 : memref<1x24xi32, #tpu.memory_space<vmem>> -> memref<24xi32, #tpu.memory_space<vmem>>
        %dma_start3A_2558 = arith.constant 0 : i32
        %dma_start3A_2559 = arith.constant 0 : i32
        %dma_start3A_2560 = tpu.memref_slice %arg3[%dma_start3A_2558, %dma_start3A_2559] : memref<27648x768xf32, #tpu.memory_space<hbm>> -> memref<27648x768xf32, #tpu.memory_space<hbm>>
        tpu.enqueue_indirect_dma source(%dma_start3A_2560 : memref<27648x768xf32, #tpu.memory_space<hbm>>) target(%arg9 : memref<24x768xf32, #tpu.memory_space<vmem>>) offsets(%dma_start3A_2557 : memref<24xi32, #tpu.memory_space<vmem>>) semaphore(%arg15 : memref<!tpu.dma_semaphore, #tpu.memory_space<semaphore_mem>>)
      } else {
      }
    }
    %scan3A_1648 = arith.constant 24 : i32
    %add3A_1649 = arith.constant 1 : i32
    %add3A_1650 = arith.addi %mul3A_2, %add3A_1649 : i32
    %dma_wait3A = arith.constant 0 : i32
    %dma_wait3A_1651 = arith.constant 0 : i32
    %dma_wait3A_1652 = arith.constant 0 : i32
    %dma_wait3A_1653 = tpu.memref_slice %arg6[%dma_wait3A_1651, %dma_wait3A_1652] : memref<48x384xf32, #tpu.memory_space<vmem>> -> memref<16x384xf32, #tpu.memory_space<vmem>>
    %dma_wait3A_1654 = arith.constant 352 : i32
    %dma_wait3A_1655 = arith.constant 0 : i32
    %dma_wait3A_1656 = tpu.memref_slice %arg5[%add3A_1650, %dma_wait3A, %dma_wait3A_1654, %dma_wait3A_1655] : memref<64x3x384x384xf32, #tpu.memory_space<hbm>> -> memref<1x1x16x384xf32, #tpu.memory_space<hbm>>
    %dma_wait3A_1657 = tpu.memref_squeeze %dma_wait3A_1656 : memref<1x1x16x384xf32, #tpu.memory_space<hbm>> -> memref<16x384xf32, #tpu.memory_space<hbm>>
    %dma_wait3A_1658 = arith.constant 352 : i32
    %dma_wait3A_1659 = arith.constant 0 : i32
    %dma_wait3A_1660 = tpu.memref_slice %arg5[%add3A_1650, %dma_wait3A, %dma_wait3A_1658, %dma_wait3A_1659] : memref<64x3x384x384xf32, #tpu.memory_space<hbm>> -> memref<1x1x16x384xf32, #tpu.memory_space<hbm>>
    %dma_wait3A_1661 = tpu.memref_squeeze %dma_wait3A_1660 : memref<1x1x16x384xf32, #tpu.memory_space<hbm>> -> memref<16x384xf32, #tpu.memory_space<hbm>>
    %dma_wait3A_1662 = arith.constant 0 : i32
    %dma_wait3A_1663 = arith.constant 0 : i32
    %dma_wait3A_1664 = tpu.memref_slice %arg6[%dma_wait3A_1662, %dma_wait3A_1663] : memref<48x384xf32, #tpu.memory_space<vmem>> -> memref<16x384xf32, #tpu.memory_space<vmem>>
    tpu.wait_dma2 semaphore(%arg16 : memref<!tpu.dma_semaphore, #tpu.memory_space<semaphore_mem>>) src(%dma_wait3A_1664 : memref<16x384xf32, #tpu.memory_space<vmem>>) dst(%dma_wait3A_1661 : memref<16x384xf32, #tpu.memory_space<hbm>>)
    %dma_wait3A_1665 = arith.constant 1 : i32
    %dma_wait3A_1666 = arith.constant 16 : i32
    %dma_wait3A_1667 = arith.constant 0 : i32
    %dma_wait3A_1668 = tpu.memref_slice %arg6[%dma_wait3A_1666, %dma_wait3A_1667] : memref<48x384xf32, #tpu.memory_space<vmem>> -> memref<16x384xf32, #tpu.memory_space<vmem>>
    %dma_wait3A_1669 = arith.constant 352 : i32
    %dma_wait3A_1670 = arith.constant 0 : i32
    %dma_wait3A_1671 = tpu.memref_slice %arg5[%add3A_1650, %dma_wait3A_1665, %dma_wait3A_1669, %dma_wait3A_1670] : memref<64x3x384x384xf32, #tpu.memory_space<hbm>> -> memref<1x1x16x384xf32, #tpu.memory_space<hbm>>
    %dma_wait3A_1672 = tpu.memref_squeeze %dma_wait3A_1671 : memref<1x1x16x384xf32, #tpu.memory_space<hbm>> -> memref<16x384xf32, #tpu.memory_space<hbm>>
    %dma_wait3A_1673 = arith.constant 352 : i32
    %dma_wait3A_1674 = arith.constant 0 : i32
    %dma_wait3A_1675 = tpu.memref_slice %arg5[%add3A_1650, %dma_wait3A_1665, %dma_wait3A_1673, %dma_wait3A_1674] : memref<64x3x384x384xf32, #tpu.memory_space<hbm>> -> memref<1x1x16x384xf32, #tpu.memory_space<hbm>>
    %dma_wait3A_1676 = tpu.memref_squeeze %dma_wait3A_1675 : memref<1x1x16x384xf32, #tpu.memory_space<hbm>> -> memref<16x384xf32, #tpu.memory_space<hbm>>
    %dma_wait3A_1677 = arith.constant 16 : i32
    %dma_wait3A_1678 = arith.constant 0 : i32
    %dma_wait3A_1679 = tpu.memref_slice %arg6[%dma_wait3A_1677, %dma_wait3A_1678] : memref<48x384xf32, #tpu.memory_space<vmem>> -> memref<16x384xf32, #tpu.memory_space<vmem>>
    tpu.wait_dma2 semaphore(%arg16 : memref<!tpu.dma_semaphore, #tpu.memory_space<semaphore_mem>>) src(%dma_wait3A_1679 : memref<16x384xf32, #tpu.memory_space<vmem>>) dst(%dma_wait3A_1676 : memref<16x384xf32, #tpu.memory_space<hbm>>)
    %dma_wait3A_1680 = arith.constant 2 : i32
    %dma_wait3A_1681 = arith.constant 32 : i32
    %dma_wait3A_1682 = arith.constant 0 : i32
    %dma_wait3A_1683 = tpu.memref_slice %arg6[%dma_wait3A_1681, %dma_wait3A_1682] : memref<48x384xf32, #tpu.memory_space<vmem>> -> memref<16x384xf32, #tpu.memory_space<vmem>>
    %dma_wait3A_1684 = arith.constant 352 : i32
    %dma_wait3A_1685 = arith.constant 0 : i32
    %dma_wait3A_1686 = tpu.memref_slice %arg5[%add3A_1650, %dma_wait3A_1680, %dma_wait3A_1684, %dma_wait3A_1685] : memref<64x3x384x384xf32, #tpu.memory_space<hbm>> -> memref<1x1x16x384xf32, #tpu.memory_space<hbm>>
    %dma_wait3A_1687 = tpu.memref_squeeze %dma_wait3A_1686 : memref<1x1x16x384xf32, #tpu.memory_space<hbm>> -> memref<16x384xf32, #tpu.memory_space<hbm>>
    %dma_wait3A_1688 = arith.constant 352 : i32
    %dma_wait3A_1689 = arith.constant 0 : i32
    %dma_wait3A_1690 = tpu.memref_slice %arg5[%add3A_1650, %dma_wait3A_1680, %dma_wait3A_1688, %dma_wait3A_1689] : memref<64x3x384x384xf32, #tpu.memory_space<hbm>> -> memref<1x1x16x384xf32, #tpu.memory_space<hbm>>
    %dma_wait3A_1691 = tpu.memref_squeeze %dma_wait3A_1690 : memref<1x1x16x384xf32, #tpu.memory_space<hbm>> -> memref<16x384xf32, #tpu.memory_space<hbm>>
    %dma_wait3A_1692 = arith.constant 32 : i32
    %dma_wait3A_1693 = arith.constant 0 : i32
    %dma_wait3A_1694 = tpu.memref_slice %arg6[%dma_wait3A_1692, %dma_wait3A_1693] : memref<48x384xf32, #tpu.memory_space<vmem>> -> memref<16x384xf32, #tpu.memory_space<vmem>>
    tpu.wait_dma2 semaphore(%arg16 : memref<!tpu.dma_semaphore, #tpu.memory_space<semaphore_mem>>) src(%dma_wait3A_1694 : memref<16x384xf32, #tpu.memory_space<vmem>>) dst(%dma_wait3A_1691 : memref<16x384xf32, #tpu.memory_space<hbm>>)
    %add3A_1695 = arith.constant 1 : i32
    %add3A_1696 = arith.addi %mul3A_2, %add3A_1695 : i32
    %dma_wait3A_1697 = arith.constant 0 : i32
    %dma_wait3A_1698 = arith.constant 0 : i32
    %dma_wait3A_1699 = arith.constant 0 : i32
    %dma_wait3A_1700 = tpu.memref_slice %arg7[%dma_wait3A_1698, %dma_wait3A_1699] : memref<48x384xf32, #tpu.memory_space<vmem>> -> memref<16x384xf32, #tpu.memory_space<vmem>>
    %dma_wait3A_1701 = arith.constant 368 : i32
    %dma_wait3A_1702 = arith.constant 0 : i32
    %dma_wait3A_1703 = tpu.memref_slice %arg5[%add3A_1696, %dma_wait3A_1697, %dma_wait3A_1701, %dma_wait3A_1702] : memref<64x3x384x384xf32, #tpu.memory_space<hbm>> -> memref<1x1x16x384xf32, #tpu.memory_space<hbm>>
    %dma_wait3A_1704 = tpu.memref_squeeze %dma_wait3A_1703 : memref<1x1x16x384xf32, #tpu.memory_space<hbm>> -> memref<16x384xf32, #tpu.memory_space<hbm>>
    %dma_wait3A_1705 = arith.constant 368 : i32
    %dma_wait3A_1706 = arith.constant 0 : i32
    %dma_wait3A_1707 = tpu.memref_slice %arg5[%add3A_1696, %dma_wait3A_1697, %dma_wait3A_1705, %dma_wait3A_1706] : memref<64x3x384x384xf32, #tpu.memory_space<hbm>> -> memref<1x1x16x384xf32, #tpu.memory_space<hbm>>
    %dma_wait3A_1708 = tpu.memref_squeeze %dma_wait3A_1707 : memref<1x1x16x384xf32, #tpu.memory_space<hbm>> -> memref<16x384xf32, #tpu.memory_space<hbm>>
    %dma_wait3A_1709 = arith.constant 0 : i32
    %dma_wait3A_1710 = arith.constant 0 : i32
    %dma_wait3A_1711 = tpu.memref_slice %arg7[%dma_wait3A_1709, %dma_wait3A_1710] : memref<48x384xf32, #tpu.memory_space<vmem>> -> memref<16x384xf32, #tpu.memory_space<vmem>>
    tpu.wait_dma2 semaphore(%arg17 : memref<!tpu.dma_semaphore, #tpu.memory_space<semaphore_mem>>) src(%dma_wait3A_1711 : memref<16x384xf32, #tpu.memory_space<vmem>>) dst(%dma_wait3A_1708 : memref<16x384xf32, #tpu.memory_space<hbm>>)
    %dma_wait3A_1712 = arith.constant 1 : i32
    %dma_wait3A_1713 = arith.constant 16 : i32
    %dma_wait3A_1714 = arith.constant 0 : i32
    %dma_wait3A_1715 = tpu.memref_slice %arg7[%dma_wait3A_1713, %dma_wait3A_1714] : memref<48x384xf32, #tpu.memory_space<vmem>> -> memref<16x384xf32, #tpu.memory_space<vmem>>
    %dma_wait3A_1716 = arith.constant 368 : i32
    %dma_wait3A_1717 = arith.constant 0 : i32
    %dma_wait3A_1718 = tpu.memref_slice %arg5[%add3A_1696, %dma_wait3A_1712, %dma_wait3A_1716, %dma_wait3A_1717] : memref<64x3x384x384xf32, #tpu.memory_space<hbm>> -> memref<1x1x16x384xf32, #tpu.memory_space<hbm>>
    %dma_wait3A_1719 = tpu.memref_squeeze %dma_wait3A_1718 : memref<1x1x16x384xf32, #tpu.memory_space<hbm>> -> memref<16x384xf32, #tpu.memory_space<hbm>>
    %dma_wait3A_1720 = arith.constant 368 : i32
    %dma_wait3A_1721 = arith.constant 0 : i32
    %dma_wait3A_1722 = tpu.memref_slice %arg5[%add3A_1696, %dma_wait3A_1712, %dma_wait3A_1720, %dma_wait3A_1721] : memref<64x3x384x384xf32, #tpu.memory_space<hbm>> -> memref<1x1x16x384xf32, #tpu.memory_space<hbm>>
    %dma_wait3A_1723 = tpu.memref_squeeze %dma_wait3A_1722 : memref<1x1x16x384xf32, #tpu.memory_space<hbm>> -> memref<16x384xf32, #tpu.memory_space<hbm>>
    %dma_wait3A_1724 = arith.constant 16 : i32
    %dma_wait3A_1725 = arith.constant 0 : i32
    %dma_wait3A_1726 = tpu.memref_slice %arg7[%dma_wait3A_1724, %dma_wait3A_1725] : memref<48x384xf32, #tpu.memory_space<vmem>> -> memref<16x384xf32, #tpu.memory_space<vmem>>
    tpu.wait_dma2 semaphore(%arg17 : memref<!tpu.dma_semaphore, #tpu.memory_space<semaphore_mem>>) src(%dma_wait3A_1726 : memref<16x384xf32, #tpu.memory_space<vmem>>) dst(%dma_wait3A_1723 : memref<16x384xf32, #tpu.memory_space<hbm>>)
    %dma_wait3A_1727 = arith.constant 2 : i32
    %dma_wait3A_1728 = arith.constant 32 : i32
    %dma_wait3A_1729 = arith.constant 0 : i32
    %dma_wait3A_1730 = tpu.memref_slice %arg7[%dma_wait3A_1728, %dma_wait3A_1729] : memref<48x384xf32, #tpu.memory_space<vmem>> -> memref<16x384xf32, #tpu.memory_space<vmem>>
    %dma_wait3A_1731 = arith.constant 368 : i32
    %dma_wait3A_1732 = arith.constant 0 : i32
    %dma_wait3A_1733 = tpu.memref_slice %arg5[%add3A_1696, %dma_wait3A_1727, %dma_wait3A_1731, %dma_wait3A_1732] : memref<64x3x384x384xf32, #tpu.memory_space<hbm>> -> memref<1x1x16x384xf32, #tpu.memory_space<hbm>>
    %dma_wait3A_1734 = tpu.memref_squeeze %dma_wait3A_1733 : memref<1x1x16x384xf32, #tpu.memory_space<hbm>> -> memref<16x384xf32, #tpu.memory_space<hbm>>
    %dma_wait3A_1735 = arith.constant 368 : i32
    %dma_wait3A_1736 = arith.constant 0 : i32
    %dma_wait3A_1737 = tpu.memref_slice %arg5[%add3A_1696, %dma_wait3A_1727, %dma_wait3A_1735, %dma_wait3A_1736] : memref<64x3x384x384xf32, #tpu.memory_space<hbm>> -> memref<1x1x16x384xf32, #tpu.memory_space<hbm>>
    %dma_wait3A_1738 = tpu.memref_squeeze %dma_wait3A_1737 : memref<1x1x16x384xf32, #tpu.memory_space<hbm>> -> memref<16x384xf32, #tpu.memory_space<hbm>>
    %dma_wait3A_1739 = arith.constant 32 : i32
    %dma_wait3A_1740 = arith.constant 0 : i32
    %dma_wait3A_1741 = tpu.memref_slice %arg7[%dma_wait3A_1739, %dma_wait3A_1740] : memref<48x384xf32, #tpu.memory_space<vmem>> -> memref<16x384xf32, #tpu.memory_space<vmem>>
    tpu.wait_dma2 semaphore(%arg17 : memref<!tpu.dma_semaphore, #tpu.memory_space<semaphore_mem>>) src(%dma_wait3A_1741 : memref<16x384xf32, #tpu.memory_space<vmem>>) dst(%dma_wait3A_1738 : memref<16x384xf32, #tpu.memory_space<hbm>>)
    return
  }
}

module attributes {stable_mosaic.version = 14 : i64} {
  func.func @_rank_body(%arg0: i32, %arg1: memref<1x1x576xf32, #tpu.memory_space<vmem>>, %arg2: memref<1x1x576xi32, #tpu.memory_space<vmem>>, %arg3: memref<1x1x576xf32, #tpu.memory_space<vmem>>) attributes {dimension_semantics = [#tpu.dimension_semantics<arbitrary>], iteration_bounds = array<i64: 64>, scalar_prefetch = 0 : i64, scratch_operands = 0 : i64, tpu.core_type = #tpu.core_type<tc>, window_params = [{transform_indices = @transform_0, window_bounds = array<i64: 1, 1, 576>}, {transform_indices = @transform_1, window_bounds = array<i64: 1, 1, 576>}, {transform_indices = @transform_2, window_bounds = array<i64: 1, 1, 576>}]} {
    %get3A = arith.constant 0 : index
    %get3A_0 = arith.constant 0 : index
    %get3A_1 = arith.constant 0 : index
    %get3A_2 = vector.load %arg1[%get3A, %get3A_0, %get3A_1] : memref<1x1x576xf32, #tpu.memory_space<vmem>>, vector<1x1x576xf32>
    %get3A_3 = vector.shape_cast %get3A_2 : vector<1x1x576xf32> to vector<576xf32>
    %broadcast_in_dim3A = vector.shape_cast %get3A_3 : vector<576xf32> to vector<576x1xf32>
    %broadcast_in_dim3A_4 = vector.shape_cast %get3A_3 : vector<576xf32> to vector<1x576xf32>
    %iota3A = tpu.iota {dimensions = array<i32: 0>} : vector<576x576xi32>
    %iota3A_5 = tpu.iota {dimensions = array<i32: 1>} : vector<576x576xi32>
    %lt3A = vector.broadcast %broadcast_in_dim3A_4 : vector<1x576xf32> to vector<576x576xf32>
    %lt3A_6 = vector.broadcast %broadcast_in_dim3A : vector<576x1xf32> to vector<576x576xf32>
    %lt3A_7 = arith.cmpf olt, %lt3A, %lt3A_6 : vector<576x576xf32>
    %eq3A = vector.broadcast %broadcast_in_dim3A_4 : vector<1x576xf32> to vector<576x576xf32>
    %eq3A_8 = vector.broadcast %broadcast_in_dim3A : vector<576x1xf32> to vector<576x576xf32>
    %eq3A_9 = arith.cmpf oeq, %eq3A, %eq3A_8 : vector<576x576xf32>
    %lt3A_10 = arith.cmpi slt, %iota3A_5, %iota3A : vector<576x576xi32>
    %and3A = arith.andi %eq3A_9, %lt3A_10 : vector<576x576xi1>
    %or3A = arith.ori %lt3A_7, %and3A : vector<576x576xi1>
    %convert_element_type3A = arith.extui %or3A : vector<576x576xi1> to vector<576x576xi32>
    %reduce_sum3A = arith.constant dense<0> : vector<576xi32>
    %reduce_sum3A_11 = vector.multi_reduction <add>, %convert_element_type3A, %reduce_sum3A [1] : vector<576x576xi32> to vector<576xi32>
    %swap3A = arith.constant 0 : index
    %swap3A_12 = arith.constant 0 : index
    %swap3A_13 = arith.constant 0 : index
    %swap3A_14 = vector.load %arg2[%swap3A, %swap3A_12, %swap3A_13] : memref<1x1x576xi32, #tpu.memory_space<vmem>>, vector<1x1x576xi32>
    %swap3A_15 = vector.shape_cast %swap3A_14 : vector<1x1x576xi32> to vector<576xi32>
    %swap3A_16 = vector.shape_cast %reduce_sum3A_11 : vector<576xi32> to vector<1x1x576xi32>
    tpu.vector_store %arg2[%swap3A, %swap3A_12, %swap3A_13], %swap3A_16 {strides = array<i32>} : memref<1x1x576xi32, #tpu.memory_space<vmem>>, vector<1x1x576xi32>,
    %ge3A = arith.constant 144 : i32
    %ge3A_17 = vector.broadcast %ge3A : i32 to vector<576xi32>
    %ge3A_18 = arith.cmpi sge, %reduce_sum3A_11, %ge3A_17 : vector<576xi32>
    %convert_element_type3A_19 = arith.extui %ge3A_18 : vector<576xi1> to vector<576xi32>
    %convert_element_type3A_20 = arith.sitofp %convert_element_type3A_19 : vector<576xi32> to vector<576xf32>
    %swap3A_21 = arith.constant 0 : index
    %swap3A_22 = arith.constant 0 : index
    %swap3A_23 = arith.constant 0 : index
    %swap3A_24 = vector.load %arg3[%swap3A_21, %swap3A_22, %swap3A_23] : memref<1x1x576xf32, #tpu.memory_space<vmem>>, vector<1x1x576xf32>
    %swap3A_25 = vector.shape_cast %swap3A_24 : vector<1x1x576xf32> to vector<576xf32>
    %swap3A_26 = vector.shape_cast %convert_element_type3A_20 : vector<576xf32> to vector<1x1x576xf32>
    tpu.vector_store %arg3[%swap3A_21, %swap3A_22, %swap3A_23], %swap3A_26 {strides = array<i32>} : memref<1x1x576xf32, #tpu.memory_space<vmem>>, vector<1x1x576xf32>,
    return
  }
  func.func @transform_0(%arg0: i32) -> (i32, i32, i32) {
    %c0_i32 = arith.constant 0 : i32
    %c0_i32_0 = arith.constant 0 : i32
    %c0_i32_1 = arith.constant 0 : i32
    return %arg0, %c0_i32, %c0_i32_0 : i32, i32, i32
  }
  func.func @transform_1(%arg0: i32) -> (i32, i32, i32) {
    %c0_i32 = arith.constant 0 : i32
    %c0_i32_0 = arith.constant 0 : i32
    %c0_i32_1 = arith.constant 0 : i32
    return %arg0, %c0_i32, %c0_i32_0 : i32, i32, i32
  }
  func.func @transform_2(%arg0: i32) -> (i32, i32, i32) {
    %c0_i32 = arith.constant 0 : i32
    %c0_i32_0 = arith.constant 0 : i32
    %c0_i32_1 = arith.constant 0 : i32
    return %arg0, %c0_i32, %c0_i32_0 : i32, i32, i32
  }
}

</mosaic_0001>

<sc_bundles>
// kernel: kernel.4.cloned.1.call-start
scs
__scs_entry_jumppad:
0x0: {  	(pc) =	sbr.rel $0x88, $3  }
0x1: {  	(tag) =	ssettag $0x0;
	lr =	simm.s32 $0x1  }
0x2: {  	[smem:$0x3F9E] =	sst lr;
	_ =	strace $0xD0000000  }
0x3: {  	_ = 	snop  }
0x4: {  	_ = 	snop  }
0x5: {  	_ = 	snop  }
0x6: {  	_ = 	snop  }
0x7: {  	_ = 	snop  }
__scs_overlays_trampoline_lowered:
0x8: {  	[smem:$0x3FAD] =	sst s0  }
0x9: {  	[smem:$0x3FAE] =	sst s1  }
0xa: {  	[smem:$0x3FAF] =	sst s2  }
0xb: {  	[smem:$0x3FB0] =	sst s3  }
0xc: {  	[smem:$0x3FB1] =	sst s4  }
0xd: {  	[smem:$0x3FB2] =	sst s5  }
0xe: {  	[smem:$0x3FB3] =	sst s6  }
0xf: {  	[smem:$0x3FB4] =	sst s7  }
0x10: {  	[smem:$0x3FB5] =	sst s8  }
0x11: {  	[smem:$0x3FB6] =	sst s9;
	s0 =	simm.s32 @!p0 $0x0  }
0x12: {  	s1 =	sld [smem:$0x3F9C];
	s0 =	simm.s32 @p0 $0x1  }
0x13: {  	[smem:$0x3FB7] =	sst s0;
	s0 =	simm.s32 @!p1 $0x0  }
0x14: {  	s2 =	sld [smem:$0x3F9B];
	s0 =	simm.s32 @p1 $0x1  }
0x15: {  	[smem:$0x3FB8] =	sst s0;
	s0 =	simm.s32 @!p2 $0x0  }
0x16: {  	s3 =	sld [smem:$0x3FDB];
	s0 =	simm.s32 @p2 $0x1  }
0x17: {  	s4 =	simm.s32 $0x1BF5;
	[smem:$0x3FBA] =	sst s0  }
0x18: {  	s0 =	sld [smem:$0x3F9D];
	_ =	swait.ge [sflag:s4], $0x0  }
0x19: {  	s7 =	sld [smem:$0x3F9E]  }
0x1a: {  	s8 =	sadd.s32 $0xFFFFE003, lr  }
0x1b: {  	s9 =	sadd.s32 $0xFFFFFEF7, lr;
	s5 =	simm.s32 $0xFFFFFFFF;
	p2 =	slt.u32 s8, $0xFFFFF086  }
0x1c: {  	p1 =	slt.u32 s9, $0xF7A;
	s5 =	simm.s32 @!p2 $0x0  }
0x1d: {  	s5 =	simm.s32 @p1 $0x1;
	p0 =	seq.s32 s7, s2  }
0x1e: {  	s7 =	smul.u32 @!p0 $0xF7A, s2;
	p2 =	seq.s32 @!p0 s5, $0x0  }
0x1f: {  	s9 =	smul.u32 $0xF7A, s1;
	s8 =	simm.s32 @!p0 $0x1BF5;
	p2 =	por !p2, p0  }
0x20: {  	[sflag:s8] =	ssyncset.s32 @!p0 $0xFFFFF086;
	s6 =	sadd.s32 @!p0 s3, s7;
	s7 =	simm.s32 @!p0 $0x108  }
0x21: {  	s3 =	sadd.s32 s3, s9;
	s6 =	sadd.s32 @!p0 $0x88, s6;
	s7 =	simm.s32 @p2 $0x1082  }
0x22: {  	[simem:s7], [sflag:s8] =	dma.local @!p0 [hbm:s6], $0xF7A  }
0x23: {  	s9 =	sor.u32 $0xD0000000, s2;
	s6 =	simm.s32 $0x108;
	_ =	swait.ge @!p0 [sflag:s8], $0x0  }
0x24: {  	s3 =	sadd.s32 $0x88, s3;
	s6 =	simm.s32 @!p1 $0x1082;
	[sflag:s4] =	ssyncset.s32 $0xFFFFF086  }
0x25: {  	[simem:s6], [sflag:s4] =	dma.local [hbm:s3], $0xF7A  }
0x26: {  	[smem:$0x3F9E] =	sst s1;
	(tag) =	ssettag s2;
	_ =	strace s9  }
0x27: {  	s1 =	sld [smem:$0x3FAE]  }
0x28: {  	s2 =	sld [smem:$0x3FAF]  }
0x29: {  	s4 =	sld [smem:$0x3FB1]  }
0x2a: {  	p0 =	seq.s32 s5, $0x0;
	s5 =	sld [smem:$0x3FB2]  }
0x2b: {  	s6 =	sld [smem:$0x3FB3]  }
0x2c: {  	s7 =	sld [smem:$0x3FB4]  }
0x2d: {  	s3 =	simm.s32 $0x108;
	s8 =	sld [smem:$0x3FB5]  }
0x2e: {  	s3 =	simm.s32 @!p0 $0x1082;
	s9 =	sld [smem:$0x3FB6]  }
0x2f: {  	lr =	sadd.s32 s0, s3;
	s0 =	sld [smem:$0x3FAD]  }
0x30: {  	s3 =	sld [smem:$0x3FB0]  }
0x31: {  	[smem:$0x3FB9] =	sst s10  }
0x32: {  	s10 =	sld [smem:$0x3FB7];
	_ =	sdelay $0x3  }
0x33: {  	p0 =	seq.s32 s10, $0x1;
	s10 =	sld [smem:$0x3FB9];
	_ =	sdelay $0x3  }
0x34: {  	[smem:$0x3FB9] =	sst s10  }
0x35: {  	s10 =	sld [smem:$0x3FB8];
	_ =	sdelay $0x3  }
0x36: {  	p1 =	seq.s32 s10, $0x1;
	s10 =	sld [smem:$0x3FB9];
	_ =	sdelay $0x3  }
0x37: {  	[smem:$0x3FB9] =	sst s10  }
0x38: {  	s10 =	sld [smem:$0x3FBA]  }
0x39: {  	_ = 	snop;
	(pc) =	sbr.ind lr, $3  }
0x3a: {  	_ = 	snop  }
0x3b: {  	_ = 	snop  }
0x3c: {  	p2 =	seq.s32 s10, $0x1;
	s10 =	sld [smem:$0x3FB9]  }
0x3d: {  	_ =	shalt  }
0x3e: {  	_ =	shalt  }
0x3f: {  	_ =	shalt  }
0x40: {  	_ =	shalt  }
0x41: {  	_ =	shalt  }
0x42: {  	_ =	shalt  }
0x43: {  	_ =	shalt  }
0x44: {  	_ =	shalt  }
0x45: {  	_ =	shalt  }
0x46: {  	_ =	shalt  }
0x47: {  	_ =	shalt  }
0x48: {  	_ =	shalt  }
0x49: {  	_ =	shalt  }
0x4a: {  	_ =	shalt  }
0x4b: {  	_ =	shalt  }
0x4c: {  	_ =	shalt  }
0x4d: {  	_ =	shalt  }
0x4e: {  	_ =	shalt  }
0x4f: {  	_ =	shalt  }
0x50: {  	_ =	shalt  }
0x51: {  	_ =	shalt  }
0x52: {  	_ =	shalt  }
0x53: {  	_ =	shalt  }
0x54: {  	_ =	shalt  }
0x55: {  	_ =	shalt  }
0x56: {  	_ =	shalt  }
0x57: {  	_ =	shalt  }
0x58: {  	_ =	shalt  }
0x59: {  	_ =	shalt  }
0x5a: {  	_ =	shalt  }
0x5b: {  	_ =	shalt  }
0x5c: {  	_ =	shalt  }
0x5d: {  	_ =	shalt  }
0x5e: {  	_ =	shalt  }
0x5f: {  	_ =	shalt  }
0x60: {  	_ =	shalt  }
0x61: {  	_ =	shalt  }
0x62: {  	_ =	shalt  }
0x63: {  	_ =	shalt  }
0x64: {  	_ =	shalt  }
0x65: {  	_ =	shalt  }
0x66: {  	_ =	shalt  }
0x67: {  	_ =	shalt  }
0x68: {  	_ =	shalt  }
0x69: {  	_ =	shalt  }
0x6a: {  	_ =	shalt  }
0x6b: {  	_ =	shalt  }
0x6c: {  	_ =	shalt  }
0x6d: {  	_ =	shalt  }
0x6e: {  	_ =	shalt  }
0x6f: {  	_ =	shalt  }
0x70: {  	_ =	shalt  }
0x71: {  	_ =	shalt  }
0x72: {  	_ =	shalt  }
0x73: {  	_ =	shalt  }
0x74: {  	_ =	shalt  }
0x75: {  	_ =	shalt  }
0x76: {  	_ =	shalt  }
0x77: {  	_ =	shalt  }
0x78: {  	_ =	shalt  }
0x79: {  	_ =	shalt  }
0x7a: {  	_ =	shalt  }
0x7b: {  	_ =	shalt  }
0x7c: {  	_ =	shalt  }
0x7d: {  	_ =	shalt  }
0x7e: {  	_ =	shalt  }
0x7f: {  	_ =	shalt  }
0x80: {  	_ =	shalt  }
0x81: {  	_ =	shalt  }
0x82: {  	_ =	shalt  }
0x83: {  	_ =	shalt  }
0x84: {  	_ =	shalt  }
0x85: {  	_ =	shalt  }
0x86: {  	_ =	shalt  }
0x87: {  	_ =	shalt  }
.Lfunc_end0:
.L_simem_size_0:
called_computation_lowered:
.L_overlay_start_0:
0x88: {  	s2 =	sld [smem:$0x3FD9]  }
0x89: {  	s3 =	sld [smem:$0x3FFE];
	_ =	sdelay $0x1  }
0x8a: {  	s1 =	srdreg.scid  }
0x8b: {  	s0 =	sand.u32 $0x1, s1  }
0x8c: {  	s14 =	sshll.u32 s0, $0xA;
	s2 =	sadd.s32 s3, s2  }
0x8d: {  	s2 =	sadd.s32 s2, s14  }
0x8e: {  	[smem:$0x3FC5] =	sst s2  }
0x8f: {  	_ = 	snop  }
0x90: {  	s2 =	sld [smem:$0x3FD0];
	_ =	sdelay $0x1  }
0x91: {  	s15 =	sld [smem:$0x3FC9]  }
0x92: {  	s5 =	simm.s32 $0xA;
	s6 =	simm.s32 $0x10;
	s4 =	sld [smem:$0x3FC7]  }
0x93: {  	[smem:s6], [sflag:s5] =	dma.local [hbm:s2], $0x1  }
0x94: {  	_ =	swait.eq [sflag:s5], $0x1  }
0x95: {  	[sflag:s5] =	ssyncset.done $0x0  }
0x96: {  	[sflag:s5] =	ssyncadd.s32 $0xFFFFFFFF  }
0x97: {  	s16 =	sld [smem:$0x10];
	(tm) =	ssettm $0x1  }
0x98: {  	s17 =	sld [smem:$0x3FFB];
	_ =	sdelay $0x3  }
0x99: {  	_ =	strace s17  }
0x9a: {  	s5 =	sld [smem:$0x3FFC];
	_ =	sdelay $0x3  }
0x9b: {  	_ =	strace s5  }
0x9c: {  	s5 =	sld [smem:$0x3FFD];
	_ =	sdelay $0x3  }
0x9d: {  	_ =	strace s5  }
0x9e: {  	_ =	strace $0x8FFFFFFF  }
0x9f: {  	s18 =	sld [smem:$0x3FDB];
	_ =	sdelay $0x1  }
0xa0: {  	s19 =	simm.s32 $_scs_section_size  }
0xa1: {  	s7 =	simm.s32 $_size__tile_overlayer_lowered;
	s8 =	simm.s32 $_tile_overlayer_lowered  }
0xa2: {  	s22 =	simm.s32 $0x1BFF;
	s21 =	sshll.u32 s8, $0x1;
	s5 =	sadd.s32 s19, s18  }
0xa3: {  	s9 =	simm.s32 $0x0;
	s20 =	sshll.u32 s7, $0x1;
	s7 =	sadd.s32 s21, s5  }
0xa4: {  	[timem:s9], [sflag:s22] =	dma.local [hbm:s7], s20  }
0xa5: {  	_ =	swait.ge [sflag:s22], s20  }
0xa6: {  	s6 =	ssub.s32 $0x0, s20;
	[sflag:s22] =	ssyncset.done $0x0  }
0xa7: {  	[sflag:s22] =	ssyncadd.s32 s6;
	_ =	sdelay $0x1  }
0xa8: {  	s23 =	simm.s32 $0x1B8B  }
0xa9: {  	_ =	swait.ge [sflag:s23], $0x1  }
0xaa: {  	[sflag:s23] =	ssyncset.done $0x0  }
0xab: {  	s25 =	simm.s32 $0x1B8E;
	s24 =	sld [smem:$0x3FFE];
	[sflag:s23] =	ssyncadd.s32 $0xFFFFFFFF  }
0xac: {  	s26 =	simm.s32 $execute0_lowered;
	[smem:$0x3FD2] =	sst s25  }
0xad: {  	s7 =	sshll.u32 s26, $0x1;
	_ =	strace $0x80000046;
	[dreg:$0x1] =	wrdreg $0xFFFFFFFF  }
0xae: {  	s28 =	simm.s32 $_size_execute0_lowered;
	s5 =	sadd.s32 s5, s7;
	[dreg:$0x0] =	wrdreg $0x0  }
0xaf: {  	s7 =	sshll.u32 s28, $0x1;
	[dreg:$0x2] =	wrdreg s5  }
0xb0: {  	[dreg:$0x3] =	wrdreg s7  }
0xb1: {  	[dreg:$0x4] =	wrdreg $0xC0  }
0xb2: {  	_ =	task [dreg:s9], $0x5FFFF  }
0xb3: {  	[dreg:$0x1] =	wrdreg $0xFFFFFFFF  }
0xb4: {  	[dreg:$0x0] =	wrdreg $0x60  }
0xb5: {  	[dreg:$0x2] =	wrdreg s15  }
0xb6: {  	[dreg:$0x3] =	wrdreg s4  }
0xb7: {  	[dreg:$0x4] =	wrdreg s24  }
0xb8: {  	[dreg:$0x5] =	wrdreg s16  }
0xb9: {  	[dreg:$0x6] =	wrdreg $0x9  }
0xba: {  	_ =	task.clear_ibuf [dreg:s9], $0x7FFFF;
	_ =	strace $0x90000046  }
0xbb: {  	s29 =	simm.s32 $0x9;
	_ =	strace $0x80000048  }
0xbc: {  	_ =	swait.ge [sflag:s29], $0x1  }
0xbd: {  	[sflag:s29] =	ssyncadd.s32 $0xFFFFFFFF  }
0xbe: {  	_ =	strace $0x90000048  }
0xbf: {  	_ =	sfence  }
0xc0: {  	s30 =	sld [smem:$0x0];
	_ =	sdelay $0x2  }
0xc1: {  	s31 =	sshll.u32 s1, $0xD;
	s1 =	sshrl.u32 s1, $0x2  }
0xc2: {  	s3 =	sand.u32 $0x4000, s31;
	s1 =	sadd.s32 s1, s30  }
0xc3: {  	s0 =	sor.u32 s3, s0;
	s1 =	sshll.u32 s1, $0x11  }
0xc4: {  	s0 =	sor.u32 s1, s0  }
0xc5: {  	s0 =	sadd.s32 $0x8F2B, s0  }
0xc6: {  	[sflag:s0] =	ssyncadd.remote.s32 $0x1  }
0xc7: {  	_ =	sfence.sel $0xFFFF  }
0xc8: {  	[dreg:$0x0] =	wrdreg $0xFFFFFFFF;
	(pc) =	sbr.abs _section_cstart, $3  }
0xc9: {  	[dreg:$0x1] =	wrdreg $0xFFFFFFFF  }
0xca: {  	_ =	task.clear_ibuf [dreg:s9], $0x2FFFF;
	_ =	strace $0x9FFFFFFF  }
0xcb: {  	(tm) =	ssettm $0x7FFFFFFF  }
tec
execute0_lowered:
.L_overlay_start_1:
0x0: {  	(tag) =	ssettag $0x1  }
0x1: {  	s10 =	rddreg [dreg:$0x0]  }
0x2: {  	s2 =	rddreg [dreg:$0x1];
	s0 =	srdreg.scid  }
0x3: {  	s1 =	stileid.u32;
	s3 =	rddreg [dreg:$0x2]  }
0x4: {  	s4 =	rddreg [dreg:$0x3];
	s17 =	simm.s32 $0x12000;
	s19 =	simm.s32 $0x1800  }
0x5: {  	s20 =	simm.s32 $0x3000;
	s21 =	simm.s32 $0x9000;
	s31 =	simm.s32 $0x4800  }
0x6: {  	s28 =	simm.s32 $0x6;
	s0 =	sand.u32 $0x1, s0;
	s5 =	sshll.u32 s1, $0x1  }
0x7: {  	s11 =	sadd.s32 $0x100, s2;
	s12 =	sadd.s32 $0x200, s2;
	s6 =	sor.u32 s0, s5  }
0x8: {  	s5 =	simm.s32 $0x0;
	s0 =	ssub.s32 $0x2, s0;
	s7 =	smul.u32 $0xA0, s6  }
0x9: {  	[smem:$0x7FF] =	sst s5;
	s8 =	smul.u32 $0xD8000, s6;
	s22 =	sshrl.u32 s0, $0x1  }
0xa: {  	s9 =	smul.u32 $0x360, s6;
	s6 =	sshll.u32 s6, $0x1;
	_ =	strace $0x80000047  }
0xb: {  	s0 =	ssub.s32 s0, s22;
	s22 =	simm.s32 $0x1;
	s3 =	sadd.s32 s7, s3  }
0xc: {  	s8 =	sshrl.u32 s8, $0x3;
	s24 =	sadd.s32 $0x1B0, s9;
	s0 =	smax.u32 s0, $0x1  }
0xd: {  	s7 =	simm.s32 $0x0;
	s3 =	sadd.s32 $0x1E00, s3;
	[dreg:$0xc] =	wrdreg s0  }
0xe: {  	s23 =	sadd.s32 s10, s8;
	s0 =	simm.s32 $0x7800;
	[dreg:$0x6] =	wrdreg s3  }
0xf: {  	s8 =	simm.s32 $0xD800;
	s25 =	sadd.s32 $0x4800, s23;
	[dreg:$0x5] =	wrdreg s23  }
.Ltmp0:
0x10: {  	v0 =	vmov s9;
	s26 =	sadd.s32 $0x9000, s23;
	[dreg:$0x7] =	wrdreg s25;
	(pc) =	sbr.rel .LBB2_1-.Ltmp0, $4  }
0x11: {  	[tilespmem:$0x1FFD0] =	vst v0;
	v0 =	vmov s24;
	s24 =	simm.s32 $0x2;
	s29 =	sadd.s32 $0x300, s23;
	[dreg:$0x8] =	wrdreg s26  }
0x12: {  	v1 =	vlaneseq.u32;
	s30 =	sadd.s32 $0x4B00, s23;
	s1 =	sadd.s32 $0x9300, s23;
	[dreg:$0x9] =	wrdreg s29  }
0x13: {  	v4 =	vshrl.u32 v1, $0x3;
	s3 =	simm.s32 $0x6000;
	[tilespmem:$0x1FFE0] =	vst v0;
	s23 =	simm.s32 $0x3;
	v0 =	vor.u32 $0x8, v1;
	[dreg:$0xa] =	wrdreg s30  }
0x14: {  	vm0 =	vmmov $0xffff;
	v3 =	vand.u32 $0x7, v1;
	v4 =	vmul.u32 $0x8, v4;
	[dreg:$0xb] =	wrdreg s1;
	s25 =	simm.s32 $0x4;
	[tilespmem:$0x1FFF0] =	vst v0;
	s26 =	simm.s32 $0x5  }
.LBB2_8:
0x15: {  	_ =	swait.ge [sflag:s28], $0x1800  }
0x16: {  	[sflag:s28] =	ssyncset.done $0x0  }
0x17: {  	[sflag:s28] =	ssyncadd.s32 $0xFFFFE800  }
0x18: {  	_ =	swait.ge [sflag:s28], $0x1800  }
0x19: {  	[sflag:s28] =	ssyncset.done $0x0  }
0x1a: {  	[sflag:s28] =	ssyncadd.s32 $0xFFFFE800  }
0x1b: {  	_ =	swait.ge [sflag:s28], $0x1800  }
0x1c: {  	s7 =	rddreg [dreg:$0xd]  }
0x1d: {  	s1 =	rddreg [dreg:$0xc];
	s7 =	sadd.s32 $0x1, s7  }
0x1e: {  	p0 =	sne.s32 s7, s1  }
.Ltmp1:
0x1f: {  	_ = 	snop;
	(pc) =	sbr.rel @!p0 .LBB2_9-.Ltmp1, $3  }
0x20: {  	_ =	sdelay $0x1  }
0x21: {  	[sflag:s28] =	ssyncset.done $0x0  }
0x22: {  	[sflag:s28] =	ssyncadd.s32 $0xFFFFE800  }
.LBB2_1:
0x23: {  	[dreg:$0xd] =	wrdreg s7  }
0x24: {  	s1 =	rddreg [dreg:$0x6];
	s9 =	simm.s32 $0x7  }
0x25: {  	[tilespmem:s17], [sflag:$0x7] =	stream.linear.gather [hbm4b:s1+s5], $0x500, $0x38;
	[tilespmem:$0x13D00] =	vst v63  }
0x26: {  	_ =	swait.ge [sflag:s9], $0x500  }
0x27: {  	[sflag:s9] =	ssyncset.done $0x0  }
0x28: {  	[sflag:s9] =	ssyncadd.s32 $0xFFFFFB00  }
0x29: {  	v6 =	vld [tilespmem:$0x12000]  }
0x2a: {  	v7 =	vld [tilespmem:$0x12008]  }
0x2b: {  	v8 =	vld [tilespmem:$0x12018]  }
0x2c: {  	v9 =	vld [tilespmem:$0x12020]  }
0x2d: {  	v10 =	vld [tilespmem:$0x12030]  }
0x2e: {  	v11 =	vld [tilespmem:$0x12038]  }
0x2f: {  	v12 =	vld [tilespmem:$0x12048]  }
0x30: {  	v13 =	vld [tilespmem:$0x12050]  }
0x31: {  	v14 =	vld [tilespmem:$0x12060]  }
0x32: {  	v15 =	vld [tilespmem:$0x12068]  }
0x33: {  	v16 =	vld [tilespmem:$0x12078]  }
0x34: {  	v17 =	vld [tilespmem:$0x12080]  }
0x35: {  	v18 =	vld [tilespmem:$0x12090]  }
0x36: {  	v19 =	vld [tilespmem:$0x12098]  }
0x37: {  	v20 =	vld [tilespmem:$0x120A8]  }
0x38: {  	v21 =	vld [tilespmem:$0x120B0]  }
0x39: {  	v22 =	vld [tilespmem:$0x120C0]  }
0x3a: {  	v23 =	vld [tilespmem:$0x120C8]  }
0x3b: {  	v24 =	vld [tilespmem:$0x120D8]  }
0x3c: {  	v25 =	vld [tilespmem:$0x120E0]  }
0x3d: {  	v26 =	vld [tilespmem:$0x120F0]  }
0x3e: {  	v27 =	vld [tilespmem:$0x120F8]  }
0x3f: {  	v28 =	vld [tilespmem:$0x12108]  }
0x40: {  	v29 =	vld [tilespmem:$0x12110]  }
0x41: {  	v30 =	vld [tilespmem:$0x12120]  }
0x42: {  	v31 =	vld [tilespmem:$0x12128]  }
0x43: {  	v32 =	vld [tilespmem:$0x12138]  }
0x44: {  	v33 =	vld [tilespmem:$0x12140]  }
0x45: {  	v34 =	vld [tilespmem:$0x12150];
	v6 =	vadd.s32 $0xFFFFFF70, v6;
	v7 =	vadd.s32 $0xFFFFFF70, v7;
	v8 =	vadd.s32 $0xFFFFFF70, v8  }
0x46: {  	v35 =	vld [tilespmem:$0x12158];
	v9 =	vadd.s32 $0xFFFFFF70, v9;
	v10 =	vadd.s32 $0xFFFFFF70, v10;
	v11 =	vadd.s32 $0xFFFFFF70, v11  }
0x47: {  	v46 =	vld [tilespmem:$0x12170];
	v12 =	vadd.s32 $0xFFFFFF70, v12;
	v13 =	vadd.s32 $0xFFFFFF70, v13;
	v14 =	vadd.s32 $0xFFFFFF70, v14  }
0x48: {  	v48 =	vld [tilespmem:$0x12180];
	v15 =	vadd.s32 $0xFFFFFF70, v15;
	v16 =	vadd.s32 $0xFFFFFF70, v16;
	v17 =	vadd.s32 $0xFFFFFF70, v17  }
0x49: {  	v54 =	vld [tilespmem:$0x12198];
	v18 =	vadd.s32 $0xFFFFFF70, v18;
	v19 =	vadd.s32 $0xFFFFFF70, v19;
	v20 =	vadd.s32 $0xFFFFFF70, v20  }
0x4a: {  	v56 =	vld [tilespmem:$0x121A0];
	v21 =	vadd.s32 $0xFFFFFF70, v21;
	v22 =	vadd.s32 $0xFFFFFF70, v22;
	v23 =	vadd.s32 $0xFFFFFF70, v23  }
0x4b: {  	v61 =	vld [tilespmem:$0x121B8];
	v24 =	vadd.s32 $0xFFFFFF70, v24;
	v25 =	vadd.s32 $0xFFFFFF70, v25;
	v26 =	vadd.s32 $0xFFFFFF70, v26  }
0x4c: {  	v40 =	vld [tilespmem:$0x121E0];
	v27 =	vadd.s32 $0xFFFFFF70, v27;
	v28 =	vadd.s32 $0xFFFFFF70, v28;
	v29 =	vadd.s32 $0xFFFFFF70, v29  }
0x4d: {  	v0 =	vld [tilespmem:$0x1FFD0];
	v30 =	vadd.s32 $0xFFFFFF70, v30;
	v31 =	vadd.s32 $0xFFFFFF70, v31;
	v32 =	vadd.s32 $0xFFFFFF70, v32  }
0x4e: {  	v45 =	vadd.s32 $0xFFFFFF70, v33;
	v47 =	vadd.s32 $0xFFFFFF70, v34;
	v50 =	vadd.s32 $0xFFFFFF70, v35  }
0x4f: {  	v55 =	vadd.s32 $0xFFFFFF70, v46;
	v58 =	vadd.s32 $0xFFFFFF70, v48;
	v62 =	vadd.s32 $0xFFFFFF70, v54  }
0x50: {  	v37 =	vadd.s32 $0xFFFFFF70, v56;
	v41 =	vadd.s32 $0xFFFFFF70, v61;
	v56 =	vld [tilespmem:$0x12288];
	vm1 =	vgt.s32 v6, $0x0  }
0x51: {  	v46 =	vadd.s32 $0xFFFFFF70, v40;
	v6 =	vnsel vm1, $0x0, v6;
	vm1 =	vgt.s32 v7, $0x0  }
0x52: {  	v6 =	vadd.s32 v0, v6;
	v7 =	vnsel vm1, $0x0, v7;
	vm1 =	vgt.s32 v8, $0x0  }
0x53: {  	v7 =	vadd.s32 v0, v7;
	v8 =	vnsel vm1, $0x0, v8;
	vm1 =	vgt.s32 v9, $0x0  }
0x54: {  	v8 =	vadd.s32 v0, v8;
	v9 =	vnsel vm1, $0x0, v9;
	vm1 =	vgt.s32 v10, $0x0  }
0x55: {  	v33 =	vadd.s32 $0xFFFFFF70, v56;
	v10 =	vnsel vm1, $0x0, v10;
	vm1 =	vgt.s32 v11, $0x0  }
0x56: {  	v9 =	vadd.s32 v0, v9;
	v11 =	vnsel vm1, $0x0, v11;
	vm1 =	vgt.s32 v12, $0x0  }
0x57: {  	v10 =	vadd.s32 v0, v10;
	v12 =	vnsel vm1, $0x0, v12;
	vm1 =	vgt.s32 v13, $0x0  }
0x58: {  	v59 =	vld [tilespmem:$0x121B0];
	v11 =	vadd.s32 v0, v11;
	v13 =	vnsel vm1, $0x0, v13;
	vm1 =	vgt.s32 v14, $0x0  }
0x59: {  	v12 =	vadd.s32 v0, v12;
	v14 =	vnsel vm1, $0x0, v14;
	vm1 =	vgt.s32 v15, $0x0  }
0x5a: {  	v13 =	vadd.s32 v0, v13;
	v15 =	vnsel vm1, $0x0, v15;
	vm1 =	vgt.s32 v16, $0x0  }
0x5b: {  	v38 =	vld [tilespmem:$0x121D0];
	v14 =	vadd.s32 v0, v14;
	v16 =	vnsel vm1, $0x0, v16;
	vm1 =	vgt.s32 v17, $0x0  }
0x5c: {  	v15 =	vadd.s32 v0, v15;
	v17 =	vnsel vm1, $0x0, v17;
	vm1 =	vgt.s32 v18, $0x0  }
0x5d: {  	[tilespmem:$0x12700] =	vst v14;
	v14 =	vadd.s32 $0xFFFFFF70, v59;
	v18 =	vnsel vm1, $0x0, v18;
	vm1 =	vgt.s32 v19, $0x0  }
0x5e: {  	v16 =	vadd.s32 v0, v16;
	v17 =	vadd.s32 v0, v17;
	v19 =	vnsel vm1, $0x0, v19  }
0x5f: {  	v18 =	vadd.s32 v0, v18;
	vm1 =	vgt.s32 v20, $0x0;
	v19 =	vadd.s32 v0, v19  }
0x60: {  	v20 =	vnsel vm1, $0x0, v20;
	vm1 =	vgt.s32 v21, $0x0;
	[tilespmem:$0x12800] =	vst v18;
	v18 =	vadd.s32 $0xFFFFFF70, v38  }
0x61: {  	v20 =	vadd.s32 v0, v20;
	v21 =	vnsel vm1, $0x0, v21;
	vm1 =	vgt.s32 v22, $0x0  }
0x62: {  	v21 =	vadd.s32 v0, v21;
	v22 =	vnsel vm1, $0x0, v22;
	vm1 =	vgt.s32 v23, $0x0  }
0x63: {  	v22 =	vadd.s32 v0, v22;
	v23 =	vnsel vm1, $0x0, v23;
	vm1 =	vgt.s32 v24, $0x0  }
0x64: {  	v23 =	vadd.s32 v0, v23;
	v24 =	vnsel vm1, $0x0, v24;
	vm1 =	vgt.s32 v25, $0x0  }
0x65: {  	v43 =	vld [tilespmem:$0x12168];
	v24 =	vadd.s32 v0, v24;
	v25 =	vnsel vm1, $0x0, v25;
	vm1 =	vgt.s32 v26, $0x0  }
0x66: {  	v52 =	vld [tilespmem:$0x12188];
	v25 =	vadd.s32 v0, v25;
	v26 =	vnsel vm1, $0x0, v26;
	vm1 =	vgt.s32 v27, $0x0  }
0x67: {  	v63 =	vld [tilespmem:$0x121C8];
	v26 =	vadd.s32 v0, v26;
	v27 =	vnsel vm1, $0x0, v27;
	vm1 =	vgt.s32 v28, $0x0  }
0x68: {  	v27 =	vadd.s32 v0, v27;
	v28 =	vnsel vm1, $0x0, v28;
	vm1 =	vgt.s32 v29, $0x0  }
0x69: {  	[tilespmem:$0x12500] =	vst v6;
	v28 =	vadd.s32 v0, v28;
	v29 =	vnsel vm1, $0x0, v29;
	vm1 =	vgt.s32 v30, $0x0  }
0x6a: {  	[tilespmem:$0x12508] =	vst v7;
	v29 =	vadd.s32 v0, v29;
	v30 =	vnsel vm1, $0x0, v30;
	vm1 =	vgt.s32 v31, $0x0  }
0x6b: {  	v34 =	vld [tilespmem:$0x122B8];
	[tilespmem:$0x12580] =	vst v8;
	v6 =	vadd.s32 v0, v30;
	v42 =	vnsel vm1, $0x0, v31;
	vm1 =	vgt.s32 v32, $0x0  }
0x6c: {  	[tilespmem:$0x12588] =	vst v9;
	v59 =	vld [tilespmem:$0x12298];
	v31 =	vadd.s32 $0xFFFFFF70, v43;
	v30 =	vadd.s32 $0xFFFFFF70, v52;
	v43 =	vadd.s32 $0xFFFFFF70, v63  }
0x6d: {  	[tilespmem:$0x12600] =	vst v10;
	v7 =	vadd.s32 v0, v42;
	v44 =	vnsel vm1, $0x0, v32;
	vm1 =	vgt.s32 v45, $0x0;
	v42 =	vld [tilespmem:$0x121E8]  }
0x6e: {  	[tilespmem:$0x12608] =	vst v11;
	v8 =	vadd.s32 v0, v44;
	v49 =	vnsel vm1, $0x0, v45;
	vm1 =	vgt.s32 v47, $0x0;
	v44 =	vld [tilespmem:$0x121F8]  }
0x6f: {  	[tilespmem:$0x12680] =	vst v12;
	v45 =	vld [tilespmem:$0x12200];
	v9 =	vadd.s32 v0, v49;
	v51 =	vnsel vm1, $0x0, v47;
	vm1 =	vgt.s32 v50, $0x0  }
0x70: {  	[tilespmem:$0x12688] =	vst v13;
	v47 =	vld [tilespmem:$0x12210];
	v10 =	vadd.s32 v0, v51;
	v53 =	vnsel vm1, $0x0, v50;
	vm1 =	vgt.s32 v31, $0x0  }
0x71: {  	[tilespmem:$0x12708] =	vst v15;
	v49 =	vld [tilespmem:$0x12218];
	v11 =	vadd.s32 v0, v53;
	v57 =	vnsel vm1, $0x0, v31;
	vm1 =	vgt.s32 v55, $0x0  }
0x72: {  	[tilespmem:$0x12780] =	vst v16;
	v50 =	vld [tilespmem:$0x12228];
	v13 =	vadd.s32 v0, v57;
	v12 =	vnsel vm1, $0x0, v55;
	vm1 =	vgt.s32 v58, $0x0  }
0x73: {  	[tilespmem:$0x12900] =	vst v22;
	v51 =	vld [tilespmem:$0x12230];
	v48 =	vadd.s32 $0xFFFFFF70, v42;
	v12 =	vadd.s32 v0, v12;
	v60 =	vnsel vm1, $0x0, v58  }
0x74: {  	[tilespmem:$0x12908] =	vst v23;
	vm1 =	vgt.s32 v30, $0x0;
	v22 =	vadd.s32 $0xFFFFFF70, v44;
	v23 =	vadd.s32 $0xFFFFFF70, v45  }
0x75: {  	[tilespmem:$0x12788] =	vst v17;
	v44 =	vadd.s32 $0xFFFFFF70, v34;
	v15 =	vadd.s32 v0, v60;
	v36 =	vnsel vm1, $0x0, v30  }
0x76: {  	[tilespmem:$0x12A00] =	vst v26;
	v42 =	vld [tilespmem:$0x122E0];
	vm1 =	vgt.s32 v62, $0x0;
	v52 =	vadd.s32 $0xFFFFFF70, v47;
	v26 =	vadd.s32 $0xFFFFFF70, v49  }
0x77: {  	[tilespmem:$0x12808] =	vst v19;
	v32 =	vld [tilespmem:$0x122B0];
	v17 =	vadd.s32 v0, v36;
	v16 =	vnsel vm1, $0x0, v62;
	vm1 =	vgt.s32 v37, $0x0  }
0x78: {  	[tilespmem:$0x12880] =	vst v20;
	v58 =	vadd.s32 $0xFFFFFF70, v50;
	v61 =	vadd.s32 $0xFFFFFF70, v51;
	v36 =	vadd.s32 $0xFFFFFF70, v59  }
0x79: {  	[tilespmem:$0x12A80] =	vst v28;
	v50 =	vld [tilespmem:$0x12300];
	v16 =	vadd.s32 v0, v16;
	v39 =	vnsel vm1, $0x0, v37;
	vm1 =	vgt.s32 v14, $0x0  }
0x7a: {  	[tilespmem:$0x12A88] =	vst v29;
	v29 =	vld [tilespmem:$0x12360];
	v19 =	vadd.s32 v0, v39;
	v14 =	vnsel vm1, $0x0, v14;
	vm1 =	vgt.s32 v41, $0x0  }
0x7b: {  	[tilespmem:$0x12888] =	vst v21;
	v37 =	vld [tilespmem:$0x122C8];
	v51 =	vadd.s32 $0xFFFFFF70, v42;
	v20 =	vnsel vm1, $0x0, v41;
	vm1 =	vgt.s32 v43, $0x0  }
0x7c: {  	[tilespmem:$0x12980] =	vst v24;
	v39 =	vld [tilespmem:$0x122D0];
	v14 =	vadd.s32 v0, v14;
	v41 =	vadd.s32 $0xFFFFFF70, v32;
	v21 =	vnsel vm1, $0x0, v43  }
0x7d: {  	[tilespmem:$0x12988] =	vst v25;
	v20 =	vadd.s32 v0, v20;
	vm1 =	vgt.s32 v18, $0x0;
	v21 =	vadd.s32 v0, v21  }
0x7e: {  	v54 =	vld [tilespmem:$0x12280];
	[tilespmem:$0x12A08] =	vst v27;
	v18 =	vnsel vm1, $0x0, v18;
	vm1 =	vgt.s32 v46, $0x0;
	v56 =	vadd.s32 $0xFFFFFF70, v50  }
0x7f: {  	v63 =	vld [tilespmem:$0x122A0];
	[tilespmem:$0x12B00] =	vst v6;
	v18 =	vadd.s32 v0, v18;
	v24 =	vnsel vm1, $0x0, v46;
	vm1 =	vgt.s32 v48, $0x0  }
0x80: {  	[tilespmem:$0x12D00] =	vst v15;
	v15 =	vadd.s32 $0xFFFFFF70, v37;
	v37 =	vadd.s32 $0xFFFFFF70, v29;
	v24 =	vadd.s32 v0, v24  }
0x81: {  	[tilespmem:$0x12B08] =	vst v7;
	v46 =	vld [tilespmem:$0x122E8];
	v25 =	vnsel vm1, $0x0, v48;
	vm1 =	vgt.s32 v22, $0x0;
	v49 =	vadd.s32 $0xFFFFFF70, v39  }
0x82: {  	[tilespmem:$0x12B80] =	vst v8;
	v25 =	vadd.s32 v0, v25;
	v22 =	vnsel vm1, $0x0, v22;
	vm1 =	vgt.s32 v23, $0x0  }
0x83: {  	[tilespmem:$0x12B88] =	vst v9;
	v48 =	vld [tilespmem:$0x122F8];
	v6 =	vadd.s32 v0, v22;
	v53 =	vnsel vm1, $0x0, v23;
	vm1 =	vgt.s32 v52, $0x0  }
0x84: {  	[tilespmem:$0x12C00] =	vst v10;
	v23 =	vadd.s32 $0xFFFFFF70, v54;
	v22 =	vadd.s32 $0xFFFFFF70, v63;
	v63 =	vld [tilespmem:$0x12348];
	v55 =	vnsel vm1, $0x0, v52  }
0x85: {  	[tilespmem:$0x12D80] =	vst v16;
	v7 =	vadd.s32 v0, v53;
	vm1 =	vgt.s32 v26, $0x0;
	v52 =	vld [tilespmem:$0x12310];
	v57 =	vadd.s32 v0, v55  }
0x86: {  	[tilespmem:$0x12D88] =	vst v19;
	v53 =	vld [tilespmem:$0x12318];
	v60 =	vnsel vm1, $0x0, v26;
	vm1 =	vgt.s32 v58, $0x0;
	v19 =	vadd.s32 $0xFFFFFF70, v46  }
0x87: {  	[tilespmem:$0x12C08] =	vst v11;
	v55 =	vld [tilespmem:$0x12328];
	v9 =	vadd.s32 v0, v60;
	v62 =	vnsel vm1, $0x0, v58;
	vm1 =	vgt.s32 v61, $0x0  }
0x88: {  	[tilespmem:$0x12C80] =	vst v13;
	v10 =	vadd.s32 v0, v62;
	v31 =	vnsel vm1, $0x0, v61;
	vm1 =	vgt.s32 v23, $0x0;
	v61 =	vld [tilespmem:$0x12340]  }
0x89: {  	[tilespmem:$0x12C88] =	vst v12;
	v11 =	vadd.s32 v0, v31;
	v35 =	vnsel vm1, $0x0, v23;
	vm1 =	vgt.s32 v33, $0x0;
	v0 =	vld [tilespmem:$0x1FFE0]  }
0x8a: {  	[tilespmem:$0x12D08] =	vst v17;
	v54 =	vadd.s32 $0xFFFFFF70, v48;
	v13 =	vnsel vm1, $0x0, v33;
	vm1 =	vgt.s32 v36, $0x0  }
0x8b: {  	v27 =	vld [tilespmem:$0x12358];
	[tilespmem:$0x12E00] =	vst v14;
	v60 =	vadd.s32 $0xFFFFFF70, v52;
	v38 =	vnsel vm1, $0x0, v36;
	vm1 =	vgt.s32 v22, $0x0  }
0x8c: {  	[tilespmem:$0x12E08] =	vst v20;
	v31 =	vld [tilespmem:$0x12370];
	v62 =	vadd.s32 $0xFFFFFF70, v53;
	v43 =	vnsel vm1, $0x0, v22;
	vm1 =	vgt.s32 v41, $0x0  }
0x8d: {  	v34 =	vld [tilespmem:$0x12378];
	[tilespmem:$0x12E80] =	vst v21;
	v33 =	vadd.s32 $0xFFFFFF70, v63;
	v26 =	vadd.s32 $0xFFFFFF70, v55;
	v17 =	vnsel vm1, $0x0, v41  }
0x8e: {  	[tilespmem:$0x12E88] =	vst v18;
	v46 =	vld [tilespmem:$0x123B8];
	vm1 =	vgt.s32 v44, $0x0;
	v30 =	vadd.s32 $0xFFFFFF70, v61;
	v12 =	vadd.s32 v0, v35  }
0x8f: {  	[tilespmem:$0x12F00] =	vst v24;
	v58 =	vld [tilespmem:$0x12330];
	v13 =	vadd.s32 v0, v13;
	v40 =	vadd.s32 v0, v38;
	v45 =	vadd.s32 v0, v43  }
0x90: {  	[tilespmem:$0x12F08] =	vst v25;
	v41 =	vld [tilespmem:$0x123A0];
	v17 =	vadd.s32 v0, v17;
	v47 =	vnsel vm1, $0x0, v44;
	vm1 =	vgt.s32 v15, $0x0  }
0x91: {  	v35 =	vld [tilespmem:$0x12388];
	v39 =	vadd.s32 $0xFFFFFF70, v31;
	v20 =	vadd.s32 v0, v47;
	v15 =	vnsel vm1, $0x0, v15;
	[tilespmem:$0x13100] =	vst v12  }
0x92: {  	v38 =	vld [tilespmem:$0x12390];
	vm1 =	vgt.s32 v49, $0x0;
	[tilespmem:$0x13200] =	vst v17;
	v12 =	vadd.s32 $0xFFFFFF70, v27;
	v17 =	vadd.s32 $0xFFFFFF70, v34  }
0x93: {  	[tilespmem:$0x12F80] =	vst v6;
	v43 =	vld [tilespmem:$0x123A8];
	v15 =	vadd.s32 v0, v15;
	v21 =	vnsel vm1, $0x0, v49;
	vm1 =	vgt.s32 v51, $0x0  }
0x94: {  	v29 =	vld [tilespmem:$0x12430];
	[tilespmem:$0x12F88] =	vst v7;
	v21 =	vadd.s32 v0, v21;
	v18 =	vnsel vm1, $0x0, v51;
	vm1 =	vgt.s32 v19, $0x0  }
0x95: {  	[tilespmem:$0x13000] =	vst v57;
	v6 =	vadd.s32 v0, v18;
	v7 =	vnsel vm1, $0x0, v19;
	vm1 =	vgt.s32 v54, $0x0  }
0x96: {  	[tilespmem:$0x13008] =	vst v9;
	v18 =	vadd.s32 $0xFFFFFF70, v58;
	v53 =	vadd.s32 $0xFFFFFF70, v41;
	v58 =	vadd.s32 $0xFFFFFF70, v46  }
0x97: {  	v61 =	vld [tilespmem:$0x123F0];
	[tilespmem:$0x13180] =	vst v40;
	v7 =	vadd.s32 v0, v7;
	v57 =	vnsel vm1, $0x0, v54;
	vm1 =	vgt.s32 v56, $0x0  }
0x98: {  	v63 =	vld [tilespmem:$0x12400];
	[tilespmem:$0x13188] =	vst v45;
	v45 =	vadd.s32 $0xFFFFFF70, v35;
	v48 =	vadd.s32 $0xFFFFFF70, v38;
	v55 =	vadd.s32 $0xFFFFFF70, v43  }
0x99: {  	[tilespmem:$0x13280] =	vst v15;
	v54 =	vld [tilespmem:$0x123D0];
	v38 =	vadd.s32 $0xFFFFFF70, v29;
	v59 =	vnsel vm1, $0x0, v56;
	vm1 =	vgt.s32 v60, $0x0  }
0x9a: {  	[tilespmem:$0x13288] =	vst v21;
	v21 =	vld [tilespmem:$0x12408];
	v8 =	vadd.s32 v0, v57;
	v25 =	vnsel vm1, $0x0, v60;
	vm1 =	vgt.s32 v62, $0x0  }
0x9b: {  	[tilespmem:$0x13080] =	vst v10;
	v56 =	vld [tilespmem:$0x123D8];
	v9 =	vadd.s32 v0, v59;
	v10 =	vnsel vm1, $0x0, v62;
	vm1 =	vgt.s32 v26, $0x0  }
0x9c: {  	v24 =	vld [tilespmem:$0x12418];
	[tilespmem:$0x13088] =	vst v11;
	v11 =	vadd.s32 v0, v25;
	v25 =	vadd.s32 $0xFFFFFF70, v61;
	v28 =	vnsel vm1, $0x0, v26  }
0x9d: {  	[tilespmem:$0x13108] =	vst v13;
	v59 =	vld [tilespmem:$0x123E8];
	v10 =	vadd.s32 v0, v10;
	vm1 =	vgt.s32 v18, $0x0;
	v13 =	vadd.s32 v0, v28  }
0x9e: {  	v50 =	vld [tilespmem:$0x123C0];
	[tilespmem:$0x13208] =	vst v20;
	v32 =	vnsel vm1, $0x0, v18;
	vm1 =	vgt.s32 v30, $0x0;
	v62 =	vadd.s32 $0xFFFFFF70, v54  }
0x9f: {  	v31 =	vld [tilespmem:$0x12438];
	[tilespmem:$0x13300] =	vst v6;
	v28 =	vadd.s32 $0xFFFFFF70, v63;
	v14 =	vadd.s32 v0, v32;
	v16 =	vnsel vm1, $0x0, v30  }
0xa0: {  	[tilespmem:$0x13308] =	vst v7;
	v26 =	vld [tilespmem:$0x12420];
	vm1 =	vgt.s32 v33, $0x0;
	v19 =	vadd.s32 $0xFFFFFF70, v56;
	v30 =	vadd.s32 $0xFFFFFF70, v21  }
0xa1: {  	[tilespmem:$0x13380] =	vst v8;
	v54 =	vld [tilespmem:$0x12498];
	v32 =	vadd.s32 $0xFFFFFF70, v24;
	v18 =	vnsel vm1, $0x0, v33;
	vm1 =	vgt.s32 v12, $0x0  }
0xa2: {  	[tilespmem:$0x13388] =	vst v9;
	v16 =	vadd.s32 v0, v16;
	v23 =	vadd.s32 $0xFFFFFF70, v59;
	v12 =	vnsel vm1, $0x0, v12  }
0xa3: {  	[tilespmem:$0x13400] =	vst v11;
	v36 =	vadd.s32 v0, v18;
	vm1 =	vgt.s32 v37, $0x0;
	v6 =	vadd.s32 v0, v12  }
0xa4: {  	[tilespmem:$0x13408] =	vst v10;
	v33 =	vld [tilespmem:$0x12448];
	v40 =	vnsel vm1, $0x0, v37;
	vm1 =	vgt.s32 v39, $0x0;
	v12 =	vadd.s32 $0xFFFFFF70, v50  }
0xa5: {  	[tilespmem:$0x13480] =	vst v13;
	v34 =	vadd.s32 $0xFFFFFF70, v26;
	v7 =	vadd.s32 v0, v40;
	v42 =	vnsel vm1, $0x0, v39  }
0xa6: {  	v41 =	vld [tilespmem:$0x12468];
	[tilespmem:$0x13488] =	vst v14;
	vm1 =	vgt.s32 v17, $0x0;
	v40 =	vadd.s32 $0xFFFFFF70, v31;
	v61 =	vadd.s32 $0xFFFFFF70, v54  }
0xa7: {  	[tilespmem:$0x13500] =	vst v16;
	v39 =	vld [tilespmem:$0x12460];
	v44 =	vadd.s32 v0, v42;
	v47 =	vnsel vm1, $0x0, v17;
	vm1 =	vgt.s32 v45, $0x0  }
0xa8: {  	[tilespmem:$0x13508] =	vst v36;
	v9 =	vadd.s32 v0, v47;
	v49 =	vnsel vm1, $0x0, v45;
	vm1 =	vgt.s32 v48, $0x0  }
0xa9: {  	v46 =	vld [tilespmem:$0x12480];
	[tilespmem:$0x13580] =	vst v6;
	v43 =	vadd.s32 $0xFFFFFF70, v33;
	v52 =	vnsel vm1, $0x0, v48;
	vm1 =	vgt.s32 v53, $0x0  }
0xaa: {  	[tilespmem:$0x13600] =	vst v44;
	v44 =	vld [tilespmem:$0x12478];
	v51 =	vadd.s32 v0, v49;
	v11 =	vadd.s32 v0, v52;
	v57 =	vnsel vm1, $0x0, v53  }
0xab: {  	[tilespmem:$0x13588] =	vst v7;
	v48 =	vld [tilespmem:$0x12490];
	vm1 =	vgt.s32 v55, $0x0;
	v52 =	vadd.s32 $0xFFFFFF70, v41;
	v14 =	vadd.s32 v0, v57  }
0xac: {  	[tilespmem:$0x13608] =	vst v9;
	v13 =	vnsel vm1, $0x0, v55;
	vm1 =	vgt.s32 v58, $0x0;
	v50 =	vadd.s32 $0xFFFFFF70, v39  }
0xad: {  	[tilespmem:$0x13680] =	vst v51;
	v13 =	vadd.s32 v0, v13;
	v60 =	vnsel vm1, $0x0, v58;
	vm1 =	vgt.s32 v12, $0x0  }
0xae: {  	[tilespmem:$0x13688] =	vst v11;
	v58 =	vadd.s32 $0xFFFFFF70, v46;
	v6 =	vadd.s32 v0, v60;
	v7 =	vnsel vm1, $0x0, v12  }
0xaf: {  	[tilespmem:$0x13700] =	vst v14;
	vm1 =	vgt.s32 v62, $0x0;
	v56 =	vadd.s32 $0xFFFFFF70, v44;
	v7 =	vadd.s32 v0, v7  }
0xb0: {  	[tilespmem:$0x13708] =	vst v13;
	v20 =	vnsel vm1, $0x0, v62;
	vm1 =	vgt.s32 v19, $0x0;
	v59 =	vadd.s32 $0xFFFFFF70, v48  }
0xb1: {  	v36 =	vld [tilespmem:$0x12450];
	[tilespmem:$0x13780] =	vst v6;
	v8 =	vadd.s32 v0, v20;
	v22 =	vnsel vm1, $0x0, v19;
	vm1 =	vgt.s32 v23, $0x0  }
0xb2: {  	[tilespmem:$0x13788] =	vst v7;
	v9 =	vadd.s32 v0, v22;
	v27 =	vnsel vm1, $0x0, v23;
	vm1 =	vgt.s32 v25, $0x0  }
0xb3: {  	[tilespmem:$0x13800] =	vst v8;
	v11 =	vadd.s32 v0, v27;
	v10 =	vnsel vm1, $0x0, v25;
	vm1 =	vgt.s32 v28, $0x0  }
0xb4: {  	[tilespmem:$0x13808] =	vst v9;
	v10 =	vadd.s32 v0, v10;
	v12 =	vnsel vm1, $0x0, v28;
	vm1 =	vgt.s32 v30, $0x0  }
0xb5: {  	[tilespmem:$0x13880] =	vst v11;
	v6 =	vadd.s32 v0, v12;
	v7 =	vnsel vm1, $0x0, v30;
	vm1 =	vgt.s32 v32, $0x0  }
0xb6: {  	[tilespmem:$0x13888] =	vst v10;
	v12 =	vadd.s32 $0xFFFFFF70, v36;
	v35 =	vnsel vm1, $0x0, v32;
	vm1 =	vgt.s32 v34, $0x0  }
0xb7: {  	v7 =	vadd.s32 v0, v7;
	[tilespmem:$0x13900] =	vst v6;
	v37 =	vnsel vm1, $0x0, v34;
	vm1 =	vgt.s32 v38, $0x0  }
0xb8: {  	v8 =	vadd.s32 v0, v35;
	[tilespmem:$0x13908] =	vst v7;
	v42 =	vnsel vm1, $0x0, v38;
	vm1 =	vgt.s32 v40, $0x0  }
0xb9: {  	v9 =	vadd.s32 v0, v37;
	[tilespmem:$0x13980] =	vst v8;
	v45 =	vnsel vm1, $0x0, v40;
	vm1 =	vgt.s32 v43, $0x0  }
0xba: {  	v6 =	vadd.s32 v0, v42;
	[tilespmem:$0x13988] =	vst v9;
	v47 =	vnsel vm1, $0x0, v43;
	vm1 =	vgt.s32 v12, $0x0  }
0xbb: {  	v7 =	vadd.s32 v0, v45;
	[tilespmem:$0x13A00] =	vst v6;
	v51 =	vnsel vm1, $0x0, v12;
	vm1 =	vgt.s32 v50, $0x0  }
0xbc: {  	v57 =	vld [tilespmem:$0x124A8];
	v49 =	vadd.s32 v0, v47;
	[tilespmem:$0x13A08] =	vst v7;
	v53 =	vnsel vm1, $0x0, v50;
	vm1 =	vgt.s32 v52, $0x0  }
0xbd: {  	v60 =	vld [tilespmem:$0x124B0];
	v6 =	vadd.s32 v0, v51;
	[tilespmem:$0x13A80] =	vst v49;
	v55 =	vnsel vm1, $0x0, v52;
	vm1 =	vgt.s32 v56, $0x0  }
0xbe: {  	vm2 =	vgt.s32 v59, $0x0;
	v7 =	vadd.s32 v0, v53;
	[tilespmem:$0x13A88] =	vst v6;
	v6 =	vnsel vm1, $0x0, v56  }
0xbf: {  	vm1 =	vgt.s32 v58, $0x0;
	[tilespmem:$0x13B00] =	vst v7;
	v7 =	vnsel vm2, $0x0, v59;
	v9 =	vadd.s32 v0, v55  }
0xc0: {  	v8 =	vnsel vm1, $0x0, v58;
	[tilespmem:$0x13B08] =	vst v9;
	v6 =	vadd.s32 v0, v6;
	vm1 =	vgt.s32 v61, $0x0  }
0xc1: {  	v8 =	vadd.s32 v0, v8;
	[tilespmem:$0x13B80] =	vst v6;
	v6 =	vadd.s32 v0, v7;
	v7 =	vadd.s32 $0xFFFFFF70, v57  }
0xc2: {  	v63 =	vadd.s32 $0xFFFFFF70, v60;
	v62 =	vnsel vm1, $0x0, v61;
	[tilespmem:$0x13B88] =	vst v8;
	vm1 =	vgt.s32 v7, $0x0  }
0xc3: {  	[tilespmem:$0x13C00] =	vst v6;
	v6 =	vadd.s32 v0, v62;
	v7 =	vnsel vm1, $0x0, v7;
	vm1 =	vgt.s32 v63, $0x0  }
0xc4: {  	[tilespmem:$0x13C08] =	vst v6;
	v6 =	vadd.s32 v0, v7;
	v7 =	vnsel vm1, $0x0, v63  }
0xc5: {  	[tilespmem:$0x13C80] =	vst v6;
	v6 =	vadd.s32 v0, v7  }
0xc6: {  	s10 =	rddreg [dreg:$0x5];
	[tilespmem:$0x13C88] =	vst v6  }
0xc7: {  	[tilespmem:s5], [sflag:$0x1] =	stream.linear.gather [hbm4b:s10+s5], $0x1800, $0x38;
	[tilespmem:$0x13D00] =	vst v63  }
0xc8: {  	s13 =	rddreg [dreg:$0x7]  }
0xc9: {  	[tilespmem:s19], [sflag:$0x1] =	stream.linear.gather [hbm4b:s13+s5], $0x1800, $0x38;
	[tilespmem:$0x13D00] =	vst v63  }
0xca: {  	s14 =	rddreg [dreg:$0x8]  }
0xcb: {  	[tilespmem:s20], [sflag:$0x1] =	stream.linear.gather [hbm4b:s14+s5], $0x1800, $0x38;
	[tilespmem:$0x13D00] =	vst v63  }
0xcc: {  	v6 =	vld [tilespmem:$0x12500];
	_ =	sdelay $0x4  }
0xcd: {  	v7 =	vshrl.u32 v6, $0x3  }
0xce: {  	v7 =	vmul.u32 $0x30, v7  }
0xcf: {  	v6 =	vand.u32 $0x7, v6  }
0xd0: {  	v6 =	vor.u32 v6, v7  }
0xd1: {  	v7 =	vperm.xlane v6, v3  }
0xd2: {  	v0 =	vld [tilespmem:$0x1FFF0]  }
0xd3: {  	v7 =	vadd.s32 v4, v7;
	_ =	sdelay $0x3  }
0xd4: {  	v6 =	vperm.xlane v6, v0  }
0xd5: {  	[tilespmem:s21], [sflag:$0x3] =	stream.indirect_vreg.gather [hbm4b:s2+s5], $0x80, v7, vm0, $0xb8;
	[tilespmem:$0x13D00] =	vst v63  }
0xd6: {  	s15 =	simm.s32 $0x9800;
	v6 =	vadd.s32 v4, v6  }
0xd7: {  	[tilespmem:s15], [sflag:$0x3] =	stream.indirect_vreg.gather [hbm4b:s11+s5], $0x80, v7, vm0, $0xb8;
	[tilespmem:$0x13D00] =	vst v63  }
0xd8: {  	s16 =	simm.s32 $0xA000  }
0xd9: {  	[tilespmem:s16], [sflag:$0x3] =	stream.indirect_vreg.gather [hbm4b:s12+s5], $0x80, v7, vm0, $0xb8;
	[tilespmem:$0x13D00] =	vst v63  }
0xda: {  	s18 =	simm.s32 $0xA800  }
0xdb: {  	[tilespmem:s18], [sflag:$0x3] =	stream.indirect_vreg.gather [hbm4b:s2+s5], $0x80, v6, vm0, $0xb8;
	[tilespmem:$0x13D00] =	vst v63  }
0xdc: {  	s7 =	simm.s32 $0xB000  }
0xdd: {  	[tilespmem:s7], [sflag:$0x3] =	stream.indirect_vreg.gather [hbm4b:s11+s5], $0x80, v6, vm0, $0xb8;
	[tilespmem:$0x13D00] =	vst v63  }
0xde: {  	s9 =	simm.s32 $0xB800  }
0xdf: {  	[tilespmem:s9], [sflag:$0x3] =	stream.indirect_vreg.gather [hbm4b:s12+s5], $0x80, v6, vm0, $0xb8;
	[tilespmem:$0x13D00] =	vst v63  }
0xe0: {  	v6 =	vld.msk [tilespmem:$0x12510], $0xff;
	_ =	sdelay $0x4  }
0xe1: {  	v7 =	vshrl.u32 v6, $0x3  }
0xe2: {  	v7 =	vmul.u32 $0x30, v7  }
0xe3: {  	v6 =	vand.u32 $0x7, v6  }
0xe4: {  	v6 =	vor.u32 v6, v7  }
0xe5: {  	v6 =	vperm.xlane v6, v3;
	_ =	sdelay $0x1  }
0xe6: {  	v6 =	vadd.s32 v4, v6;
	_ =	sdelay $0x3  }
0xe7: {  	s10 =	simm.s32 $0xC000  }
0xe8: {  	[tilespmem:s10], [sflag:$0x3] =	stream.indirect_vreg.gather [hbm4b:s2+s5], $0x80, v6, vm0, $0xb8;
	[tilespmem:$0x13D00] =	vst v63  }
0xe9: {  	s13 =	simm.s32 $0xC800  }
0xea: {  	[tilespmem:s13], [sflag:$0x3] =	stream.indirect_vreg.gather [hbm4b:s11+s5], $0x80, v6, vm0, $0xb8;
	[tilespmem:$0x13D00] =	vst v63  }
0xeb: {  	s14 =	simm.s32 $0xD000  }
0xec: {  	[tilespmem:s14], [sflag:$0x3] =	stream.indirect_vreg.gather [hbm4b:s12+s5], $0x80, v6, vm0, $0xb8;
	[tilespmem:$0x13D00] =	vst v63  }
0xed: {  	s15 =	rddreg [dreg:$0x9]  }
0xee: {  	[tilespmem:s31], [sflag:$0x2] =	stream.linear.gather [hbm4b:s15+s5], $0x1800, $0x38;
	[tilespmem:$0x13D00] =	vst v63  }
0xef: {  	s16 =	rddreg [dreg:$0xa]  }
0xf0: {  	[tilespmem:s3], [sflag:$0x2] =	stream.linear.gather [hbm4b:s16+s5], $0x1800, $0x38;
	[tilespmem:$0x13D00] =	vst v63  }
0xf1: {  	s18 =	rddreg [dreg:$0xb]  }
0xf2: {  	[tilespmem:s0], [sflag:$0x2] =	stream.linear.gather [hbm4b:s18+s5], $0x1800, $0x38;
	[tilespmem:$0x13D00] =	vst v63  }
0xf3: {  	v6 =	vld [tilespmem:$0x12580];
	_ =	sdelay $0x4  }
0xf4: {  	v7 =	vshrl.u32 v6, $0x3  }
0xf5: {  	v7 =	vmul.u32 $0x30, v7  }
0xf6: {  	v6 =	vand.u32 $0x7, v6  }
0xf7: {  	v6 =	vor.u32 v6, v7  }
0xf8: {  	v7 =	vperm.xlane v6, v3;
	_ =	sdelay $0x1  }
0xf9: {  	v7 =	vadd.s32 v4, v7;
	_ =	sdelay $0x3  }
0xfa: {  	v6 =	vperm.xlane v6, v0  }
0xfb: {  	[tilespmem:s8], [sflag:$0x4] =	stream.indirect_vreg.gather [hbm4b:s2+s5], $0x80, v7, vm0, $0xb8;
	[tilespmem:$0x13D00] =	vst v63  }
0xfc: {  	s7 =	simm.s32 $0xE000;
	v6 =	vadd.s32 v4, v6  }
0xfd: {  	[tilespmem:s7], [sflag:$0x4] =	stream.indirect_vreg.gather [hbm4b:s11+s5], $0x80, v7, vm0, $0xb8;
	[tilespmem:$0x13D00] =	vst v63  }
0xfe: {  	s9 =	simm.s32 $0xE800  }
0xff: {  	[tilespmem:s9], [sflag:$0x4] =	stream.indirect_vreg.gather [hbm4b:s12+s5], $0x80, v7, vm0, $0xb8;
	[tilespmem:$0x13D00] =	vst v63  }
0x100: {  	s10 =	simm.s32 $0xF000  }
0x101: {  	[tilespmem:s10], [sflag:$0x4] =	stream.indirect_vreg.gather [hbm4b:s2+s5], $0x80, v6, vm0, $0xb8;
	[tilespmem:$0x13D00] =	vst v63  }
0x102: {  	s13 =	simm.s32 $0xF800  }
0x103: {  	[tilespmem:s13], [sflag:$0x4] =	stream.indirect_vreg.gather [hbm4b:s11+s5], $0x80, v6, vm0, $0xb8;
	[tilespmem:$0x13D00] =	vst v63  }
0x104: {  	s14 =	simm.s32 $0x10000  }
0x105: {  	[tilespmem:s14], [sflag:$0x4] =	stream.indirect_vreg.gather [hbm4b:s12+s5], $0x80, v6, vm0, $0xb8;
	[tilespmem:$0x13D00] =	vst v63  }
0x106: {  	v6 =	vld.msk [tilespmem:$0x12590], $0xff;
	_ =	sdelay $0x4  }
0x107: {  	v7 =	vshrl.u32 v6, $0x3  }
0x108: {  	v7 =	vmul.u32 $0x30, v7  }
0x109: {  	v6 =	vand.u32 $0x7, v6  }
0x10a: {  	v6 =	vor.u32 v6, v7  }
0x10b: {  	v6 =	vperm.xlane v6, v3;
	_ =	sdelay $0x1  }
0x10c: {  	v6 =	vadd.s32 v4, v6;
	_ =	sdelay $0x3  }
0x10d: {  	s15 =	simm.s32 $0x10800  }
0x10e: {  	[tilespmem:s15], [sflag:$0x4] =	stream.indirect_vreg.gather [hbm4b:s2+s5], $0x80, v6, vm0, $0xb8;
	[tilespmem:$0x13D00] =	vst v63  }
0x10f: {  	s29 =	simm.s32 $0x18;
	s16 =	simm.s32 $0x11000  }
0x110: {  	[tilespmem:s16], [sflag:$0x4] =	stream.indirect_vreg.gather [hbm4b:s11+s5], $0x80, v6, vm0, $0xb8;
	[tilespmem:$0x13D00] =	vst v63  }
0x111: {  	s30 =	simm.s32 $0x0;
	s18 =	simm.s32 $0x11800;
	s9 =	simm.s32 $0x0  }
0x112: {  	[tilespmem:s18], [sflag:$0x4] =	stream.indirect_vreg.gather [hbm4b:s12+s5], $0x80, v6, vm0, $0xb8;
	[tilespmem:$0x13D00] =	vst v63  }
.LBB2_2:
0x113: {  	_ =	swait.ge [sflag:s22], $0x1800  }
0x114: {  	[sflag:s22] =	ssyncset.done $0x0  }
0x115: {  	[sflag:s22] =	ssyncadd.s32 $0xFFFFE800  }
0x116: {  	_ =	swait.ge [sflag:s22], $0x1800  }
0x117: {  	[sflag:s22] =	ssyncset.done $0x0  }
0x118: {  	s7 =	smulhi.u32 $0xAAAAAAAB, s30;
	s10 =	sshll.u32 s9, $0x1;
	[sflag:s22] =	ssyncadd.s32 $0xFFFFE800  }
0x119: {  	p1 =	slt.u32 s9, $0xC;
	p0 =	sgt.u32 s9, $0xB;
	_ =	swait.ge [sflag:s22], $0x1800  }
0x11a: {  	s14 =	simm.s32 $0x280;
	s15 =	sadd.s32 $0xFFFFFFE8, s10;
	[sflag:s22] =	ssyncset.done $0x0  }
0x11b: {  	s18 =	simm.s32 $0x0;
	s15 =	smov.u32 @p1 s10;
	[sflag:s22] =	ssyncadd.s32 $0xFFFFE800  }
0x11c: {  	s7 =	sshrl.u32 s7, $0x4;
	s16 =	smul.u32 $0x18, s15;
	_ =	swait.ge [sflag:s23], $0x4800  }
0x11d: {  	s14 =	simm.s32 @!p0 $0x0;
	s13 =	smul.u32 $0x240, s7;
	[sflag:s23] =	ssyncset.done $0x0  }
0x11e: {  	s7 =	simm.s32 $0x0;
	s16 =	sadd.s32 s16, s14;
	[sflag:s23] =	ssyncadd.s32 $0xFFFFB800  }
.LBB2_3:
0x11f: {  	s1 =	sadd.s32 s18, s16  }
0x120: {  	v6 =	vmov s1;
	_ =	sdelay $0x4  }
0x121: {  	v7 =	vld.idx.msk [tilespmem:v6+s17+$0x0], $0xffff;
	_ =	sdelay $0x4  }
0x122: {  	v6 =	vmul.u32 $0x3, v1;
	v8 =	vshra.s32 v7, $0x1F  }
0x123: {  	v54 =	vand.u32 v8, v7;
	v8 =	vmov s18  }
0x124: {  	v9 =	vadd.s32 v6, v54;
	v10 =	vshrl.u32 v8, $0x3  }
0x125: {  	vm1 =	vgt.s32 v7, $0x8F;
	v56 =	vmul.u32 $0x1800, v10;
	v10 =	vshll.u32 v9, $0x3  }
0x126: {  	v8 =	vshll.u32 v8, $0x7;
	v9 =	vand.u32 $0x7F, v9;
	v10 =	vand.u32 $0xFFFFFC00, v10  }
0x127: {  	v57 =	vand.u32 $0x380, v8;
	v8 =	vmov s7;
	v10 =	vadd.s32 v56, v10  }
0x128: {  	v11 =	vshrl.u32 v54, $0x3;
	v8 =	vshll.u32 v8, $0x3;
	v7 =	vor.u32 v9, v10  }
0x129: {  	v9 =	vor.u32 s7, v1;
	v10 =	vor.u32 v57, v7;
	v7 =	vadd.s32 $0x30, v6  }
0x12a: {  	v55 =	vand.u32 $0x7F, v9;
	v9 =	vmul.u32 $0xC00, v11;
	v11 =	vadd.s32 v7, v54  }
0x12b: {  	v58 =	vand.u32 $0xC00, v8;
	v8 =	vshll.u32 v54, $0x7;
	v12 =	vshll.u32 v11, $0x3  }
0x12c: {  	v48 =	vand.u32 $0x380, v8;
	v9 =	vadd.s32 v58, v9;
	v8 =	vand.u32 $0xFFFFFC00, v12  }
0x12d: {  	v11 =	vand.u32 $0x7F, v11;
	v9 =	vor.u32 v48, v9;
	v8 =	vadd.s32 v56, v8  }
0x12e: {  	v12 =	vadd.s32 $0x1, v54;
	v9 =	vor.u32 v55, v9;
	v10 =	vld.idx.msk [tilespmem:v10+s21+$0x0], $0xffff;
	v8 =	vor.u32 v11, v8  }
0x12f: {  	v13 =	vshrl.u32 v12, $0x3;
	v11 =	vor.u32 v57, v8;
	v8 =	vadd.s32 $0x60, v6  }
0x130: {  	v13 =	vmul.u32 $0xC00, v13;
	v14 =	vadd.s32 v8, v54  }
0x131: {  	v12 =	vshll.u32 v12, $0x7;
	v15 =	vshll.u32 v14, $0x3  }
0x132: {  	v12 =	vand.u32 $0x380, v12;
	v13 =	vadd.s32 v58, v13;
	v15 =	vand.u32 $0xFFFFFC00, v15  }
0x133: {  	[tilespmem:v9+s5+$0x0] =	vst.idx.msk vm1, v10;
	v9 =	vor.u32 v12, v13;
	v10 =	vand.u32 $0x7F, v14;
	v12 =	vadd.s32 v56, v15  }
0x134: {  	v14 =	vadd.s32 $0x2, v54;
	v11 =	vld.idx.msk [tilespmem:v11+s21+$0x0], $0xffff;
	v13 =	vor.u32 v55, v9;
	v9 =	vor.u32 v10, v12  }
0x135: {  	v12 =	vshrl.u32 v14, $0x3;
	v10 =	vor.u32 v57, v9;
	v9 =	vadd.s32 $0x90, v6  }
0x136: {  	v12 =	vmul.u32 $0xC00, v12;
	v15 =	vadd.s32 v9, v54  }
0x137: {  	v14 =	vshll.u32 v14, $0x7;
	v16 =	vshll.u32 v15, $0x3  }
0x138: {  	v14 =	vand.u32 $0x380, v14;
	v12 =	vadd.s32 v58, v12;
	v16 =	vand.u32 $0xFFFFFC00, v16  }
0x139: {  	[tilespmem:v13+s5+$0x0] =	vst.idx.msk vm1, v11;
	v11 =	vor.u32 v14, v12;
	v12 =	vand.u32 $0x7F, v15;
	v13 =	vadd.s32 v56, v16  }
0x13a: {  	v15 =	vadd.s32 $0x3, v54;
	v14 =	vld.idx.msk [tilespmem:v10+s21+$0x0], $0xffff;
	v11 =	vor.u32 v55, v11;
	v10 =	vor.u32 v12, v13  }
0x13b: {  	v13 =	vshrl.u32 v15, $0x3;
	v12 =	vor.u32 v57, v10;
	v10 =	vor.u32 $0xC0, v6  }
0x13c: {  	v13 =	vmul.u32 $0xC00, v13;
	v16 =	vadd.s32 v10, v54  }
0x13d: {  	v15 =	vshll.u32 v15, $0x7;
	v17 =	vshll.u32 v16, $0x3  }
0x13e: {  	v15 =	vand.u32 $0x380, v15;
	v13 =	vadd.s32 v58, v13;
	v17 =	vand.u32 $0xFFFFFC00, v17  }
0x13f: {  	[tilespmem:v11+s5+$0x0] =	vst.idx.msk vm1, v14;
	v11 =	vor.u32 v15, v13;
	v13 =	vand.u32 $0x7F, v16;
	v14 =	vadd.s32 v56, v17  }
0x140: {  	v16 =	vadd.s32 $0x4, v54;
	v12 =	vld.idx.msk [tilespmem:v12+s21+$0x0], $0xffff;
	v15 =	vor.u32 v55, v11;
	v11 =	vor.u32 v13, v14  }
0x141: {  	v14 =	vshrl.u32 v16, $0x3;
	v13 =	vor.u32 v57, v11;
	v11 =	vadd.s32 $0xF0, v6  }
0x142: {  	v14 =	vmul.u32 $0xC00, v14;
	v17 =	vadd.s32 v11, v54  }
0x143: {  	v16 =	vshll.u32 v16, $0x7;
	v18 =	vshll.u32 v17, $0x3  }
0x144: {  	v16 =	vand.u32 $0x380, v16;
	v14 =	vadd.s32 v58, v14;
	v18 =	vand.u32 $0xFFFFFC00, v18  }
0x145: {  	[tilespmem:v15+s5+$0x0] =	vst.idx.msk vm1, v12;
	v12 =	vor.u32 v16, v14;
	v14 =	vand.u32 $0x7F, v17;
	v15 =	vadd.s32 v56, v18  }
0x146: {  	v17 =	vadd.s32 $0x5, v54;
	v13 =	vld.idx.msk [tilespmem:v13+s21+$0x0], $0xffff;
	v16 =	vor.u32 v55, v12;
	v12 =	vor.u32 v14, v15  }
0x147: {  	v15 =	vshrl.u32 v17, $0x3;
	v14 =	vor.u32 v57, v12;
	v12 =	vadd.s32 $0x120, v6  }
0x148: {  	v15 =	vmul.u32 $0xC00, v15;
	v18 =	vadd.s32 v12, v54  }
0x149: {  	v17 =	vshll.u32 v17, $0x7;
	v19 =	vshll.u32 v18, $0x3  }
0x14a: {  	v17 =	vand.u32 $0x380, v17;
	v15 =	vadd.s32 v58, v15;
	v19 =	vand.u32 $0xFFFFFC00, v19  }
0x14b: {  	[tilespmem:v16+s5+$0x0] =	vst.idx.msk vm1, v13;
	v13 =	vor.u32 v17, v15;
	v15 =	vand.u32 $0x7F, v18;
	v16 =	vadd.s32 v56, v19  }
0x14c: {  	v18 =	vadd.s32 $0x6, v54;
	v14 =	vld.idx.msk [tilespmem:v14+s21+$0x0], $0xffff;
	v17 =	vor.u32 v55, v13;
	v13 =	vor.u32 v15, v16  }
0x14d: {  	v16 =	vshrl.u32 v18, $0x3;
	v15 =	vor.u32 v57, v13;
	v13 =	vadd.s32 $0x150, v6  }
0x14e: {  	v16 =	vmul.u32 $0xC00, v16;
	v19 =	vadd.s32 v13, v54  }
0x14f: {  	v18 =	vshll.u32 v18, $0x7;
	v20 =	vshll.u32 v19, $0x3  }
0x150: {  	v18 =	vand.u32 $0x380, v18;
	v16 =	vadd.s32 v58, v16;
	v20 =	vand.u32 $0xFFFFFC00, v20  }
0x151: {  	[tilespmem:v17+s5+$0x0] =	vst.idx.msk vm1, v14;
	v14 =	vor.u32 v18, v16;
	v16 =	vand.u32 $0x7F, v19;
	v17 =	vadd.s32 v56, v20  }
0x152: {  	v19 =	vadd.s32 $0x7, v54;
	v15 =	vld.idx.msk [tilespmem:v15+s21+$0x0], $0xffff;
	v18 =	vor.u32 v55, v14;
	v14 =	vor.u32 v16, v17  }
0x153: {  	v17 =	vshrl.u32 v19, $0x3;
	v16 =	vor.u32 v57, v14;
	v14 =	vor.u32 $0x180, v6  }
0x154: {  	v17 =	vmul.u32 $0xC00, v17;
	v20 =	vadd.s32 v14, v54  }
0x155: {  	v19 =	vshll.u32 v19, $0x7;
	v21 =	vshll.u32 v20, $0x3  }
0x156: {  	v19 =	vand.u32 $0x380, v19;
	v17 =	vadd.s32 v58, v17;
	v21 =	vand.u32 $0xFFFFFC00, v21  }
0x157: {  	[tilespmem:v18+s5+$0x0] =	vst.idx.msk vm1, v15;
	v15 =	vor.u32 v19, v17;
	v17 =	vand.u32 $0x7F, v20;
	v18 =	vadd.s32 v56, v21  }
0x158: {  	v16 =	vld.idx.msk [tilespmem:v16+s21+$0x0], $0xffff;
	v19 =	vor.u32 v55, v15;
	v15 =	vadd.s32 $0x8, v54;
	v17 =	vor.u32 v17, v18  }
0x159: {  	v17 =	vor.u32 v57, v17;
	v18 =	vshrl.u32 v15, $0x3;
	v15 =	vadd.s32 $0x1B0, v6  }
0x15a: {  	v18 =	vmul.u32 $0xC00, v18;
	v20 =	vadd.s32 v15, v54  }
0x15b: {  	v21 =	vshll.u32 v20, $0x3  }
0x15c: {  	v18 =	vadd.s32 v58, v18;
	v21 =	vand.u32 $0xFFFFFC00, v21  }
0x15d: {  	[tilespmem:v19+s5+$0x0] =	vst.idx.msk vm1, v16;
	v16 =	vor.u32 v48, v18;
	v18 =	vand.u32 $0x7F, v20;
	v19 =	vadd.s32 v56, v21  }
0x15e: {  	v21 =	vadd.s32 $0x9, v54;
	v17 =	vld.idx.msk [tilespmem:v17+s21+$0x0], $0xffff;
	v20 =	vor.u32 v55, v16;
	v16 =	vor.u32 v18, v19  }
0x15f: {  	v19 =	vshrl.u32 v21, $0x3;
	v18 =	vor.u32 v57, v16;
	v16 =	vadd.s32 $0x1E0, v6  }
0x160: {  	v19 =	vmul.u32 $0xC00, v19;
	v22 =	vadd.s32 v16, v54  }
0x161: {  	v21 =	vshll.u32 v21, $0x7;
	v23 =	vshll.u32 v22, $0x3  }
0x162: {  	v21 =	vand.u32 $0x380, v21;
	v19 =	vadd.s32 v58, v19;
	v23 =	vand.u32 $0xFFFFFC00, v23  }
0x163: {  	[tilespmem:v20+s5+$0x0] =	vst.idx.msk vm1, v17;
	v17 =	vor.u32 v21, v19;
	v19 =	vand.u32 $0x7F, v22;
	v20 =	vadd.s32 v56, v23  }
0x164: {  	v22 =	vadd.s32 $0xA, v54;
	v18 =	vld.idx.msk [tilespmem:v18+s21+$0x0], $0xffff;
	v21 =	vor.u32 v55, v17;
	v17 =	vor.u32 v19, v20  }
0x165: {  	v20 =	vshrl.u32 v22, $0x3;
	v19 =	vor.u32 v57, v17;
	v17 =	vadd.s32 $0x210, v6  }
0x166: {  	v20 =	vmul.u32 $0xC00, v20;
	v23 =	vadd.s32 v17, v54  }
0x167: {  	v22 =	vshll.u32 v22, $0x7;
	v24 =	vshll.u32 v23, $0x3  }
0x168: {  	v22 =	vand.u32 $0x380, v22;
	v20 =	vadd.s32 v58, v20;
	v24 =	vand.u32 $0xFFFFFC00, v24  }
0x169: {  	[tilespmem:v21+s5+$0x0] =	vst.idx.msk vm1, v18;
	v18 =	vor.u32 v22, v20;
	v20 =	vand.u32 $0x7F, v23;
	v21 =	vadd.s32 v56, v24  }
0x16a: {  	v23 =	vadd.s32 $0xB, v54;
	v19 =	vld.idx.msk [tilespmem:v19+s21+$0x0], $0xffff;
	v22 =	vor.u32 v55, v18;
	v18 =	vor.u32 v20, v21  }
0x16b: {  	v21 =	vshrl.u32 v23, $0x3;
	v20 =	vor.u32 v57, v18;
	v18 =	vor.u32 $0x240, v6  }
0x16c: {  	v21 =	vmul.u32 $0xC00, v21;
	v24 =	vadd.s32 v18, v54  }
0x16d: {  	v23 =	vshll.u32 v23, $0x7;
	v25 =	vshll.u32 v24, $0x3  }
0x16e: {  	v23 =	vand.u32 $0x380, v23;
	v21 =	vadd.s32 v58, v21;
	v25 =	vand.u32 $0xFFFFFC00, v25  }
0x16f: {  	[tilespmem:v22+s5+$0x0] =	vst.idx.msk vm1, v19;
	v19 =	vor.u32 v23, v21;
	v21 =	vand.u32 $0x7F, v24;
	v22 =	vadd.s32 v56, v25  }
0x170: {  	v24 =	vadd.s32 $0xC, v54;
	v20 =	vld.idx.msk [tilespmem:v20+s21+$0x0], $0xffff;
	v23 =	vor.u32 v55, v19;
	v19 =	vor.u32 v21, v22  }
0x171: {  	v22 =	vshrl.u32 v24, $0x3;
	v21 =	vor.u32 v57, v19;
	v19 =	vadd.s32 $0x270, v6  }
0x172: {  	v22 =	vmul.u32 $0xC00, v22;
	v25 =	vadd.s32 v19, v54  }
0x173: {  	v24 =	vshll.u32 v24, $0x7;
	v26 =	vshll.u32 v25, $0x3  }
0x174: {  	v24 =	vand.u32 $0x380, v24;
	v22 =	vadd.s32 v58, v22;
	v26 =	vand.u32 $0xFFFFFC00, v26  }
0x175: {  	[tilespmem:v23+s5+$0x0] =	vst.idx.msk vm1, v20;
	v20 =	vor.u32 v24, v22;
	v22 =	vand.u32 $0x7F, v25;
	v23 =	vadd.s32 v56, v26  }
0x176: {  	v25 =	vadd.s32 $0xD, v54;
	v21 =	vld.idx.msk [tilespmem:v21+s21+$0x0], $0xffff;
	v24 =	vor.u32 v55, v20;
	v20 =	vor.u32 v22, v23  }
0x177: {  	v23 =	vshrl.u32 v25, $0x3;
	v22 =	vor.u32 v57, v20;
	v20 =	vadd.s32 $0x2A0, v6  }
0x178: {  	v23 =	vmul.u32 $0xC00, v23;
	v26 =	vadd.s32 v20, v54  }
0x179: {  	v25 =	vshll.u32 v25, $0x7;
	v27 =	vshll.u32 v26, $0x3  }
0x17a: {  	v25 =	vand.u32 $0x380, v25;
	v23 =	vadd.s32 v58, v23;
	v27 =	vand.u32 $0xFFFFFC00, v27  }
0x17b: {  	[tilespmem:v24+s5+$0x0] =	vst.idx.msk vm1, v21;
	v21 =	vor.u32 v25, v23;
	v23 =	vand.u32 $0x7F, v26;
	v24 =	vadd.s32 v56, v27  }
0x17c: {  	v26 =	vadd.s32 $0xE, v54;
	v22 =	vld.idx.msk [tilespmem:v22+s21+$0x0], $0xffff;
	v25 =	vor.u32 v55, v21;
	v21 =	vor.u32 v23, v24  }
0x17d: {  	v24 =	vshrl.u32 v26, $0x3;
	v23 =	vor.u32 v57, v21;
	v21 =	vadd.s32 $0x2D0, v6  }
0x17e: {  	v24 =	vmul.u32 $0xC00, v24;
	v27 =	vadd.s32 v21, v54  }
0x17f: {  	v26 =	vshll.u32 v26, $0x7;
	v28 =	vshll.u32 v27, $0x3  }
0x180: {  	v26 =	vand.u32 $0x380, v26;
	v24 =	vadd.s32 v58, v24;
	v28 =	vand.u32 $0xFFFFFC00, v28  }
0x181: {  	[tilespmem:v25+s5+$0x0] =	vst.idx.msk vm1, v22;
	v22 =	vor.u32 v26, v24;
	v24 =	vand.u32 $0x7F, v27;
	v25 =	vadd.s32 v56, v28  }
0x182: {  	v27 =	vadd.s32 $0xF, v54;
	v23 =	vld.idx.msk [tilespmem:v23+s21+$0x0], $0xffff;
	v26 =	vor.u32 v55, v22;
	v22 =	vor.u32 v24, v25  }
0x183: {  	v25 =	vshrl.u32 v27, $0x3;
	v24 =	vor.u32 v57, v22;
	v22 =	vadd.s32 $0x1, v6  }
0x184: {  	v25 =	vmul.u32 $0xC00, v25;
	v28 =	vadd.s32 v22, v54  }
0x185: {  	v27 =	vshll.u32 v27, $0x7;
	v29 =	vshll.u32 v28, $0x3  }
0x186: {  	v27 =	vand.u32 $0x380, v27;
	v25 =	vadd.s32 v58, v25;
	v29 =	vand.u32 $0xFFFFFC00, v29  }
0x187: {  	[tilespmem:v26+s5+$0x0] =	vst.idx.msk vm1, v23;
	v23 =	vor.u32 v27, v25;
	v25 =	vand.u32 $0x7F, v28;
	v26 =	vadd.s32 v56, v29  }
0x188: {  	v24 =	vld.idx.msk [tilespmem:v24+s21+$0x0], $0xffff;
	v27 =	vor.u32 v55, v23;
	v23 =	vadd.s32 $0x10, v54;
	v25 =	vor.u32 v25, v26  }
0x189: {  	v25 =	vor.u32 v57, v25;
	v26 =	vshrl.u32 v23, $0x3;
	v23 =	vadd.s32 $0x31, v6  }
0x18a: {  	v26 =	vmul.u32 $0xC00, v26;
	v28 =	vadd.s32 v23, v54  }
0x18b: {  	v29 =	vshll.u32 v28, $0x3  }
0x18c: {  	v26 =	vadd.s32 v58, v26;
	v29 =	vand.u32 $0xFFFFFC00, v29  }
0x18d: {  	[tilespmem:v27+s5+$0x0] =	vst.idx.msk vm1, v24;
	v24 =	vor.u32 v48, v26;
	v26 =	vand.u32 $0x7F, v28;
	v27 =	vadd.s32 v56, v29  }
0x18e: {  	v29 =	vadd.s32 $0x11, v54;
	v25 =	vld.idx.msk [tilespmem:v25+s21+$0x0], $0xffff;
	v28 =	vor.u32 v55, v24;
	v24 =	vor.u32 v26, v27  }
0x18f: {  	v27 =	vshrl.u32 v29, $0x3;
	v26 =	vor.u32 v57, v24;
	v24 =	vadd.s32 $0x61, v6  }
0x190: {  	v27 =	vmul.u32 $0xC00, v27;
	v30 =	vadd.s32 v24, v54  }
0x191: {  	v29 =	vshll.u32 v29, $0x7;
	v31 =	vshll.u32 v30, $0x3  }
0x192: {  	v29 =	vand.u32 $0x380, v29;
	v27 =	vadd.s32 v58, v27;
	v31 =	vand.u32 $0xFFFFFC00, v31  }
0x193: {  	[tilespmem:v28+s5+$0x0] =	vst.idx.msk vm1, v25;
	v25 =	vor.u32 v29, v27;
	v27 =	vand.u32 $0x7F, v30;
	v28 =	vadd.s32 v56, v31  }
0x194: {  	v30 =	vadd.s32 $0x12, v54;
	v26 =	vld.idx.msk [tilespmem:v26+s21+$0x0], $0xffff;
	v29 =	vor.u32 v55, v25;
	v25 =	vor.u32 v27, v28  }
0x195: {  	v28 =	vshrl.u32 v30, $0x3;
	v27 =	vor.u32 v57, v25;
	v25 =	vadd.s32 $0x91, v6  }
0x196: {  	v28 =	vmul.u32 $0xC00, v28;
	v31 =	vadd.s32 v25, v54  }
0x197: {  	v30 =	vshll.u32 v30, $0x7;
	v32 =	vshll.u32 v31, $0x3  }
0x198: {  	v30 =	vand.u32 $0x380, v30;
	v28 =	vadd.s32 v58, v28;
	v32 =	vand.u32 $0xFFFFFC00, v32  }
0x199: {  	[tilespmem:v29+s5+$0x0] =	vst.idx.msk vm1, v26;
	v26 =	vor.u32 v30, v28;
	v28 =	vand.u32 $0x7F, v31;
	v29 =	vadd.s32 v56, v32  }
0x19a: {  	v31 =	vadd.s32 $0x13, v54;
	v27 =	vld.idx.msk [tilespmem:v27+s21+$0x0], $0xffff;
	v30 =	vor.u32 v55, v26;
	v26 =	vor.u32 v28, v29  }
0x19b: {  	v29 =	vshrl.u32 v31, $0x3;
	v28 =	vor.u32 v57, v26;
	v26 =	vadd.s32 $0xC1, v6  }
0x19c: {  	v29 =	vmul.u32 $0xC00, v29;
	v62 =	vadd.s32 v26, v54  }
0x19d: {  	v31 =	vshll.u32 v31, $0x7;
	v33 =	vshll.u32 v62, $0x3  }
0x19e: {  	v31 =	vand.u32 $0x380, v31;
	v29 =	vadd.s32 v58, v29;
	v33 =	vand.u32 $0xFFFFFC00, v33  }
0x19f: {  	[tilespmem:v30+s5+$0x0] =	vst.idx.msk vm1, v27;
	v27 =	vor.u32 v31, v29;
	v29 =	vand.u32 $0x7F, v62;
	v30 =	vadd.s32 v56, v33  }
0x1a0: {  	v63 =	vadd.s32 $0x14, v54;
	v28 =	vld.idx.msk [tilespmem:v28+s21+$0x0], $0xffff;
	v31 =	vor.u32 v55, v27;
	v27 =	vor.u32 v29, v30  }
0x1a1: {  	v30 =	vshrl.u32 v63, $0x3;
	v29 =	vor.u32 v57, v27;
	v27 =	vadd.s32 $0xF1, v6  }
0x1a2: {  	v30 =	vmul.u32 $0xC00, v30;
	v36 =	vadd.s32 v27, v54  }
0x1a3: {  	v32 =	vshll.u32 v63, $0x7;
	v34 =	vshll.u32 v36, $0x3  }
0x1a4: {  	v32 =	vand.u32 $0x380, v32;
	v30 =	vadd.s32 v58, v30;
	v34 =	vand.u32 $0xFFFFFC00, v34  }
0x1a5: {  	[tilespmem:v31+s5+$0x0] =	vst.idx.msk vm1, v28;
	v28 =	vor.u32 v32, v30;
	v30 =	vand.u32 $0x7F, v36;
	v31 =	vadd.s32 v56, v34  }
0x1a6: {  	v37 =	vadd.s32 $0x15, v54;
	v29 =	vld.idx.msk [tilespmem:v29+s21+$0x0], $0xffff;
	v32 =	vor.u32 v55, v28;
	v28 =	vor.u32 v30, v31  }
0x1a7: {  	v31 =	vshrl.u32 v37, $0x3;
	v30 =	vor.u32 v57, v28;
	v28 =	vadd.s32 $0x121, v6  }
0x1a8: {  	v31 =	vmul.u32 $0xC00, v31;
	v38 =	vadd.s32 v28, v54  }
0x1a9: {  	v33 =	vshll.u32 v37, $0x7;
	v35 =	vshll.u32 v38, $0x3  }
0x1aa: {  	v33 =	vand.u32 $0x380, v33;
	v31 =	vadd.s32 v58, v31;
	v35 =	vand.u32 $0xFFFFFC00, v35  }
0x1ab: {  	[tilespmem:v32+s5+$0x0] =	vst.idx.msk vm1, v29;
	v29 =	vor.u32 v33, v31;
	v31 =	vand.u32 $0x7F, v38;
	v39 =	vadd.s32 v56, v35  }
0x1ac: {  	v40 =	vadd.s32 $0x16, v54;
	v30 =	vld.idx.msk [tilespmem:v30+s21+$0x0], $0xffff;
	v33 =	vor.u32 v55, v29;
	v29 =	vor.u32 v31, v39  }
0x1ad: {  	v41 =	vshrl.u32 v40, $0x3;
	v31 =	vor.u32 v57, v29;
	v29 =	vadd.s32 $0x151, v6  }
0x1ae: {  	v32 =	vmul.u32 $0xC00, v41;
	v42 =	vadd.s32 v29, v54  }
0x1af: {  	v34 =	vshll.u32 v40, $0x7;
	v36 =	vshll.u32 v42, $0x3  }
0x1b0: {  	v34 =	vand.u32 $0x380, v34;
	v32 =	vadd.s32 v58, v32;
	v36 =	vand.u32 $0xFFFFFC00, v36  }
0x1b1: {  	v43 =	vand.u32 $0x7F, v42;
	[tilespmem:v33+s5+$0x0] =	vst.idx.msk vm1, v30;
	v30 =	vor.u32 v34, v32;
	v44 =	vadd.s32 v56, v36  }
0x1b2: {  	v45 =	vadd.s32 $0x17, v54;
	v31 =	vld.idx.msk [tilespmem:v31+s21+$0x0], $0xffff;
	v34 =	vor.u32 v55, v30;
	v30 =	vor.u32 v43, v44  }
0x1b3: {  	v46 =	vshrl.u32 v45, $0x3;
	v32 =	vor.u32 v57, v30;
	v30 =	vadd.s32 $0x181, v6  }
0x1b4: {  	v33 =	vmul.u32 $0xC00, v46;
	v47 =	vadd.s32 v30, v54  }
0x1b5: {  	v35 =	vshll.u32 v45, $0x7;
	v37 =	vshll.u32 v47, $0x3  }
0x1b6: {  	v35 =	vand.u32 $0x380, v35;
	v33 =	vadd.s32 v58, v33;
	v37 =	vand.u32 $0xFFFFFC00, v37  }
0x1b7: {  	v49 =	vand.u32 $0x7F, v47;
	[tilespmem:v34+s5+$0x0] =	vst.idx.msk vm1, v31;
	v31 =	vor.u32 v35, v33;
	v50 =	vadd.s32 v56, v37  }
0x1b8: {  	v32 =	vld.idx.msk [tilespmem:v32+s21+$0x0], $0xffff;
	v35 =	vor.u32 v55, v31;
	v31 =	vadd.s32 $0x18, v54;
	v33 =	vor.u32 v49, v50  }
0x1b9: {  	v33 =	vor.u32 v57, v33;
	v51 =	vshrl.u32 v31, $0x3;
	v31 =	vadd.s32 $0x1B1, v6  }
0x1ba: {  	v34 =	vmul.u32 $0xC00, v51;
	v52 =	vadd.s32 v31, v54  }
0x1bb: {  	v53 =	vshll.u32 v52, $0x3  }
0x1bc: {  	v34 =	vadd.s32 v58, v34;
	v37 =	vand.u32 $0xFFFFFC00, v53  }
0x1bd: {  	v60 =	vand.u32 $0x7F, v52;
	[tilespmem:v35+s5+$0x0] =	vst.idx.msk vm1, v32;
	v59 =	vor.u32 v48, v34;
	v61 =	vadd.s32 v56, v37  }
0x1be: {  	v63 =	vadd.s32 $0x19, v54;
	v33 =	vld.idx.msk [tilespmem:v33+s21+$0x0], $0xffff;
	v62 =	vor.u32 v55, v59;
	v39 =	vor.u32 v60, v61  }
0x1bf: {  	v40 =	vshrl.u32 v63, $0x3;
	v32 =	vadd.s32 $0x1E1, v6;
	v34 =	vor.u32 v57, v39  }
0x1c0: {  	v35 =	vmul.u32 $0xC00, v40;
	v38 =	vadd.s32 v32, v54  }
0x1c1: {  	v37 =	vshll.u32 v63, $0x7;
	v39 =	vshll.u32 v38, $0x3  }
0x1c2: {  	v37 =	vand.u32 $0x380, v37;
	v35 =	vadd.s32 v58, v35;
	v39 =	vand.u32 $0xFFFFFC00, v39  }
0x1c3: {  	v42 =	vand.u32 $0x7F, v38;
	v41 =	vor.u32 v37, v35;
	v43 =	vadd.s32 v56, v39;
	[tilespmem:v62+s5+$0x0] =	vst.idx.msk vm1, v33  }
0x1c4: {  	v44 =	vadd.s32 $0x1A, v54;
	v37 =	vor.u32 v55, v41;
	v45 =	vor.u32 v42, v43;
	v34 =	vld.idx.msk [tilespmem:v34+s21+$0x0], $0xffff  }
0x1c5: {  	v46 =	vshrl.u32 v44, $0x3;
	v35 =	vor.u32 v57, v45;
	v33 =	vadd.s32 $0x211, v6  }
0x1c6: {  	v36 =	vmul.u32 $0xC00, v46;
	v47 =	vadd.s32 v33, v54  }
0x1c7: {  	v38 =	vshll.u32 v44, $0x7;
	v40 =	vshll.u32 v47, $0x3  }
0x1c8: {  	v36 =	vadd.s32 v58, v36;
	v38 =	vand.u32 $0x380, v38;
	v40 =	vand.u32 $0xFFFFFC00, v40  }
0x1c9: {  	v49 =	vor.u32 v38, v36;
	v50 =	vand.u32 $0x7F, v47;
	v51 =	vadd.s32 v56, v40;
	[tilespmem:v37+s5+$0x0] =	vst.idx.msk vm1, v34  }
0x1ca: {  	v52 =	vadd.s32 $0x1B, v54;
	v38 =	vor.u32 v55, v49;
	v53 =	vor.u32 v50, v51;
	v35 =	vld.idx.msk [tilespmem:v35+s21+$0x0], $0xffff  }
0x1cb: {  	v59 =	vshrl.u32 v52, $0x3;
	v36 =	vor.u32 v57, v53;
	v34 =	vadd.s32 $0x241, v6  }
0x1cc: {  	v37 =	vmul.u32 $0xC00, v59;
	v60 =	vadd.s32 v34, v54  }
0x1cd: {  	v39 =	vshll.u32 v52, $0x7;
	v41 =	vshll.u32 v60, $0x3  }
0x1ce: {  	v39 =	vand.u32 $0x380, v39;
	v37 =	vadd.s32 v58, v37;
	v41 =	vand.u32 $0xFFFFFC00, v41  }
0x1cf: {  	v62 =	vand.u32 $0x7F, v60;
	v61 =	vor.u32 v39, v37;
	v63 =	vadd.s32 v56, v41;
	[tilespmem:v38+s5+$0x0] =	vst.idx.msk vm1, v35  }
0x1d0: {  	v44 =	vadd.s32 $0x1C, v54;
	v39 =	vor.u32 v55, v61;
	v45 =	vor.u32 v62, v63;
	v36 =	vld.idx.msk [tilespmem:v36+s21+$0x0], $0xffff  }
0x1d1: {  	v46 =	vshrl.u32 v44, $0x3;
	v37 =	vor.u32 v57, v45;
	v35 =	vadd.s32 $0x271, v6  }
0x1d2: {  	v38 =	vmul.u32 $0xC00, v46;
	v47 =	vadd.s32 v35, v54  }
0x1d3: {  	v40 =	vshll.u32 v44, $0x7;
	v42 =	vshll.u32 v47, $0x3  }
0x1d4: {  	v40 =	vand.u32 $0x380, v40;
	v38 =	vadd.s32 v58, v38;
	v42 =	vand.u32 $0xFFFFFC00, v42  }
0x1d5: {  	v50 =	vand.u32 $0x7F, v47;
	v49 =	vor.u32 v40, v38;
	v51 =	vadd.s32 v56, v42;
	[tilespmem:v39+s5+$0x0] =	vst.idx.msk vm1, v36  }
0x1d6: {  	v52 =	vadd.s32 $0x1D, v54;
	v40 =	vor.u32 v55, v49;
	v53 =	vor.u32 v50, v51;
	v37 =	vld.idx.msk [tilespmem:v37+s21+$0x0], $0xffff  }
0x1d7: {  	v59 =	vshrl.u32 v52, $0x3;
	v38 =	vor.u32 v57, v53;
	v36 =	vadd.s32 $0x2A1, v6  }
0x1d8: {  	v39 =	vmul.u32 $0xC00, v59;
	v60 =	vadd.s32 v36, v54  }
0x1d9: {  	v41 =	vshll.u32 v52, $0x7;
	v43 =	vshll.u32 v60, $0x3  }
0x1da: {  	v41 =	vand.u32 $0x380, v41;
	v39 =	vadd.s32 v58, v39;
	v43 =	vand.u32 $0xFFFFFC00, v43  }
0x1db: {  	v62 =	vand.u32 $0x7F, v60;
	v61 =	vor.u32 v41, v39;
	v63 =	vadd.s32 v56, v43;
	[tilespmem:v40+s5+$0x0] =	vst.idx.msk vm1, v37  }
0x1dc: {  	v45 =	vadd.s32 $0x1E, v54;
	v41 =	vor.u32 v55, v61;
	v46 =	vor.u32 v62, v63;
	v38 =	vld.idx.msk [tilespmem:v38+s21+$0x0], $0xffff  }
0x1dd: {  	v47 =	vshrl.u32 v45, $0x3;
	v39 =	vor.u32 v57, v46;
	v37 =	vadd.s32 $0x2D1, v6  }
0x1de: {  	v40 =	vmul.u32 $0xC00, v47;
	v49 =	vadd.s32 v37, v54  }
0x1df: {  	v42 =	vshll.u32 v45, $0x7;
	v44 =	vshll.u32 v49, $0x3  }
0x1e0: {  	v42 =	vand.u32 $0x380, v42;
	v40 =	vadd.s32 v58, v40;
	v44 =	vand.u32 $0xFFFFFC00, v44  }
0x1e1: {  	v51 =	vand.u32 $0x7F, v49;
	v50 =	vor.u32 v42, v40;
	v52 =	vadd.s32 v56, v44;
	[tilespmem:v41+s5+$0x0] =	vst.idx.msk vm1, v38  }
0x1e2: {  	v53 =	vadd.s32 $0x1F, v54;
	v42 =	vor.u32 v55, v50;
	v59 =	vor.u32 v51, v52;
	v39 =	vld.idx.msk [tilespmem:v39+s21+$0x0], $0xffff  }
0x1e3: {  	v60 =	vshrl.u32 v53, $0x3;
	v40 =	vor.u32 v57, v59;
	v38 =	vadd.s32 $0x2, v6  }
0x1e4: {  	v41 =	vmul.u32 $0xC00, v60;
	v61 =	vadd.s32 v38, v54  }
0x1e5: {  	v43 =	vshll.u32 v53, $0x7;
	v45 =	vshll.u32 v61, $0x3  }
0x1e6: {  	v43 =	vand.u32 $0x380, v43;
	v41 =	vadd.s32 v58, v41;
	v45 =	vand.u32 $0xFFFFFC00, v45  }
0x1e7: {  	v63 =	vand.u32 $0x7F, v61;
	v62 =	vor.u32 v43, v41;
	v45 =	vadd.s32 v56, v45;
	[tilespmem:v42+s5+$0x0] =	vst.idx.msk vm1, v39  }
0x1e8: {  	v46 =	vadd.s32 $0x20, v54;
	v43 =	vor.u32 v55, v62;
	v41 =	vor.u32 v63, v45;
	v40 =	vld.idx.msk [tilespmem:v40+s21+$0x0], $0xffff  }
0x1e9: {  	v47 =	vshrl.u32 v46, $0x3;
	v41 =	vor.u32 v57, v41;
	v39 =	vadd.s32 $0x32, v6  }
0x1ea: {  	v42 =	vmul.u32 $0xC00, v47;
	v49 =	vadd.s32 v39, v54  }
0x1eb: {  	v50 =	vshll.u32 v49, $0x3  }
0x1ec: {  	v42 =	vadd.s32 v58, v42;
	v45 =	vand.u32 $0xFFFFFC00, v50  }
0x1ed: {  	v52 =	vand.u32 $0x7F, v49;
	v51 =	vor.u32 v48, v42;
	v53 =	vadd.s32 v56, v45;
	[tilespmem:v43+s5+$0x0] =	vst.idx.msk vm1, v40  }
0x1ee: {  	v60 =	vadd.s32 $0x21, v54;
	v59 =	vor.u32 v55, v51;
	v61 =	vor.u32 v52, v53;
	v41 =	vld.idx.msk [tilespmem:v41+s21+$0x0], $0xffff  }
0x1ef: {  	v62 =	vshrl.u32 v60, $0x3;
	v42 =	vor.u32 v57, v61;
	v40 =	vadd.s32 $0x62, v6  }
0x1f0: {  	v43 =	vmul.u32 $0xC00, v62;
	v46 =	vadd.s32 v40, v54  }
0x1f1: {  	v45 =	vshll.u32 v60, $0x7;
	v47 =	vshll.u32 v46, $0x3  }
0x1f2: {  	v45 =	vand.u32 $0x380, v45;
	v43 =	vadd.s32 v58, v43;
	v47 =	vand.u32 $0xFFFFFC00, v47  }
0x1f3: {  	v49 =	vand.u32 $0x7F, v46;
	v63 =	vor.u32 v45, v43;
	v50 =	vadd.s32 v56, v47;
	[tilespmem:v59+s5+$0x0] =	vst.idx.msk vm1, v41  }
0x1f4: {  	v51 =	vadd.s32 $0x22, v54;
	v45 =	vor.u32 v55, v63;
	v52 =	vor.u32 v49, v50;
	v42 =	vld.idx.msk [tilespmem:v42+s21+$0x0], $0xffff  }
0x1f5: {  	v53 =	vshrl.u32 v51, $0x3;
	v43 =	vor.u32 v57, v52;
	v41 =	vadd.s32 $0x92, v6  }
0x1f6: {  	v44 =	vmul.u32 $0xC00, v53;
	v59 =	vadd.s32 v41, v54  }
0x1f7: {  	v46 =	vshll.u32 v51, $0x7;
	v49 =	vshll.u32 v59, $0x3  }
0x1f8: {  	v44 =	vadd.s32 v58, v44;
	v46 =	vand.u32 $0x380, v46;
	v49 =	vand.u32 $0xFFFFFC00, v49  }
0x1f9: {  	v60 =	vor.u32 v46, v44;
	v61 =	vand.u32 $0x7F, v59;
	v62 =	vadd.s32 v56, v49;
	[tilespmem:v45+s5+$0x0] =	vst.idx.msk vm1, v42  }
0x1fa: {  	v63 =	vadd.s32 $0x23, v54;
	v46 =	vor.u32 v55, v60;
	v52 =	vor.u32 v61, v62;
	v43 =	vld.idx.msk [tilespmem:v43+s21+$0x0], $0xffff  }
0x1fb: {  	v53 =	vshrl.u32 v63, $0x3;
	v44 =	vor.u32 v57, v52;
	v42 =	vadd.s32 $0xC2, v6  }
0x1fc: {  	v45 =	vmul.u32 $0xC00, v53;
	v59 =	vadd.s32 v42, v54  }
0x1fd: {  	v47 =	vshll.u32 v63, $0x7;
	v50 =	vshll.u32 v59, $0x3  }
0x1fe: {  	v47 =	vand.u32 $0x380, v47;
	v45 =	vadd.s32 v58, v45;
	v50 =	vand.u32 $0xFFFFFC00, v50  }
0x1ff: {  	v61 =	vand.u32 $0x7F, v59;
	v60 =	vor.u32 v47, v45;
	v62 =	vadd.s32 v56, v50;
	[tilespmem:v46+s5+$0x0] =	vst.idx.msk vm1, v43  }
0x200: {  	v63 =	vadd.s32 $0x24, v54;
	v47 =	vor.u32 v55, v60;
	v52 =	vor.u32 v61, v62;
	v44 =	vld.idx.msk [tilespmem:v44+s21+$0x0], $0xffff  }
0x201: {  	v53 =	vshrl.u32 v63, $0x3;
	v45 =	vor.u32 v57, v52;
	v43 =	vadd.s32 $0xF2, v6  }
0x202: {  	v46 =	vmul.u32 $0xC00, v53;
	v59 =	vadd.s32 v43, v54  }
0x203: {  	v49 =	vshll.u32 v63, $0x7;
	v51 =	vshll.u32 v59, $0x3  }
0x204: {  	v49 =	vand.u32 $0x380, v49;
	v46 =	vadd.s32 v58, v46;
	v51 =	vand.u32 $0xFFFFFC00, v51  }
0x205: {  	v61 =	vand.u32 $0x7F, v59;
	v60 =	vor.u32 v49, v46;
	v62 =	vadd.s32 v56, v51;
	[tilespmem:v47+s5+$0x0] =	vst.idx.msk vm1, v44  }
0x206: {  	v63 =	vadd.s32 $0x25, v54;
	v49 =	vor.u32 v55, v60;
	v52 =	vor.u32 v61, v62;
	v45 =	vld.idx.msk [tilespmem:v45+s21+$0x0], $0xffff  }
0x207: {  	v53 =	vshrl.u32 v63, $0x3;
	v46 =	vor.u32 v57, v52;
	v44 =	vadd.s32 $0x122, v6  }
0x208: {  	v47 =	vmul.u32 $0xC00, v53;
	v59 =	vadd.s32 v44, v54  }
0x209: {  	v50 =	vshll.u32 v63, $0x7;
	v52 =	vshll.u32 v59, $0x3  }
0x20a: {  	v50 =	vand.u32 $0x380, v50;
	v47 =	vadd.s32 v58, v47;
	v52 =	vand.u32 $0xFFFFFC00, v52  }
0x20b: {  	v61 =	vand.u32 $0x7F, v59;
	v60 =	vor.u32 v50, v47;
	v62 =	vadd.s32 v56, v52;
	[tilespmem:v49+s5+$0x0] =	vst.idx.msk vm1, v45  }
0x20c: {  	v63 =	vadd.s32 $0x26, v54;
	v50 =	vor.u32 v55, v60;
	v52 =	vor.u32 v61, v62;
	v46 =	vld.idx.msk [tilespmem:v46+s21+$0x0], $0xffff  }
0x20d: {  	v53 =	vshrl.u32 v63, $0x3;
	v47 =	vor.u32 v57, v52;
	v45 =	vadd.s32 $0x152, v6  }
0x20e: {  	v49 =	vmul.u32 $0xC00, v53;
	v59 =	vadd.s32 v45, v54  }
0x20f: {  	v51 =	vshll.u32 v63, $0x7;
	v53 =	vshll.u32 v59, $0x3  }
0x210: {  	v51 =	vand.u32 $0x380, v51;
	v49 =	vadd.s32 v58, v49;
	v53 =	vand.u32 $0xFFFFFC00, v53  }
0x211: {  	v61 =	vand.u32 $0x7F, v59;
	v60 =	vor.u32 v51, v49;
	v62 =	vadd.s32 v56, v53;
	[tilespmem:v50+s5+$0x0] =	vst.idx.msk vm1, v46  }
0x212: {  	v63 =	vadd.s32 $0x27, v54;
	v51 =	vor.u32 v55, v60;
	v59 =	vor.u32 v61, v62;
	v47 =	vld.idx.msk [tilespmem:v47+s21+$0x0], $0xffff  }
0x213: {  	v60 =	vshrl.u32 v63, $0x3;
	v49 =	vor.u32 v57, v59;
	v46 =	vadd.s32 $0x182, v6  }
0x214: {  	v50 =	vmul.u32 $0xC00, v60;
	v61 =	vadd.s32 v46, v54  }
0x215: {  	v52 =	vshll.u32 v63, $0x7;
	v59 =	vshll.u32 v61, $0x3  }
0x216: {  	v52 =	vand.u32 $0x380, v52;
	v50 =	vadd.s32 v58, v50;
	v59 =	vand.u32 $0xFFFFFC00, v59  }
0x217: {  	v63 =	vand.u32 $0x7F, v61;
	v62 =	vor.u32 v52, v50;
	v60 =	vadd.s32 v56, v59;
	[tilespmem:v51+s5+$0x0] =	vst.idx.msk vm1, v47  }
0x218: {  	v61 =	vadd.s32 $0x28, v54;
	v52 =	vor.u32 v55, v62;
	v50 =	vor.u32 v63, v60;
	v49 =	vld.idx.msk [tilespmem:v49+s21+$0x0], $0xffff  }
0x219: {  	v62 =	vshrl.u32 v61, $0x3;
	v50 =	vor.u32 v57, v50;
	v47 =	vadd.s32 $0x1B2, v6  }
0x21a: {  	v51 =	vmul.u32 $0xC00, v62;
	v63 =	vadd.s32 v47, v54  }
0x21b: {  	v60 =	vshll.u32 v63, $0x3  }
0x21c: {  	v51 =	vadd.s32 v58, v51;
	v59 =	vand.u32 $0xFFFFFC00, v60  }
0x21d: {  	v61 =	vand.u32 $0x7F, v63;
	v48 =	vor.u32 v48, v51;
	v62 =	vadd.s32 v56, v59;
	[tilespmem:v52+s5+$0x0] =	vst.idx.msk vm1, v49  }
0x21e: {  	v63 =	vadd.s32 $0x29, v54;
	v60 =	vor.u32 v61, v62;
	v52 =	vor.u32 v55, v48;
	v50 =	vld.idx.msk [tilespmem:v50+s21+$0x0], $0xffff  }
0x21f: {  	v61 =	vshrl.u32 v63, $0x3;
	v49 =	vor.u32 v57, v60;
	v48 =	vadd.s32 $0x1E2, v6  }
0x220: {  	v51 =	vmul.u32 $0xC00, v61;
	v59 =	vadd.s32 v48, v54  }
0x221: {  	v53 =	vshll.u32 v63, $0x7;
	v60 =	vshll.u32 v59, $0x3  }
0x222: {  	v53 =	vand.u32 $0x380, v53;
	v51 =	vadd.s32 v58, v51;
	v60 =	vand.u32 $0xFFFFFC00, v60  }
0x223: {  	v63 =	vand.u32 $0x7F, v59;
	v62 =	vor.u32 v53, v51;
	v61 =	vadd.s32 v56, v60;
	[tilespmem:v52+s5+$0x0] =	vst.idx.msk vm1, v50  }
0x224: {  	v59 =	vadd.s32 $0x2A, v54;
	v50 =	vor.u32 v55, v62;
	v62 =	vor.u32 v63, v61;
	v53 =	vld.idx.msk [tilespmem:v49+s21+$0x0], $0xffff  }
0x225: {  	v63 =	vshrl.u32 v59, $0x3;
	v51 =	vor.u32 v57, v62;
	v49 =	vadd.s32 $0x212, v6  }
0x226: {  	v52 =	vmul.u32 $0xC00, v63;
	v60 =	vadd.s32 v49, v54  }
0x227: {  	v59 =	vshll.u32 v59, $0x7;
	v61 =	vshll.u32 v60, $0x3  }
0x228: {  	v59 =	vand.u32 $0x380, v59;
	v52 =	vadd.s32 v58, v52;
	v61 =	vand.u32 $0xFFFFFC00, v61  }
0x229: {  	v59 =	vor.u32 v59, v52;
	v52 =	vand.u32 $0x7F, v60;
	[tilespmem:v50+s5+$0x0] =	vst.idx.msk vm1, v53;
	v53 =	vadd.s32 v56, v61  }
0x22a: {  	v60 =	vadd.s32 $0x2B, v54;
	v59 =	vor.u32 v55, v59;
	v51 =	vld.idx.msk [tilespmem:v51+s21+$0x0], $0xffff;
	v62 =	vor.u32 v52, v53  }
0x22b: {  	v63 =	vshrl.u32 v60, $0x3;
	v50 =	vadd.s32 $0x242, v6;
	v52 =	vor.u32 v57, v62  }
0x22c: {  	v53 =	vmul.u32 $0xC00, v63;
	v61 =	vadd.s32 v50, v54  }
0x22d: {  	v60 =	vshll.u32 v60, $0x7;
	v62 =	vshll.u32 v61, $0x3  }
0x22e: {  	v60 =	vand.u32 $0x380, v60;
	v53 =	vadd.s32 v58, v53;
	v62 =	vand.u32 $0xFFFFFC00, v62  }
0x22f: {  	v60 =	vor.u32 v60, v53;
	v53 =	vand.u32 $0x7F, v61;
	[tilespmem:v59+s5+$0x0] =	vst.idx.msk vm1, v51;
	v59 =	vadd.s32 v56, v62  }
0x230: {  	v61 =	vadd.s32 $0x2C, v54;
	v60 =	vor.u32 v55, v60;
	v52 =	vld.idx.msk [tilespmem:v52+s21+$0x0], $0xffff;
	v62 =	vor.u32 v53, v59  }
0x231: {  	v63 =	vshrl.u32 v61, $0x3;
	v51 =	vadd.s32 $0x272, v6;
	v53 =	vor.u32 v57, v62  }
0x232: {  	v59 =	vmul.u32 $0xC00, v63;
	v62 =	vadd.s32 v51, v54  }
0x233: {  	v61 =	vshll.u32 v61, $0x7;
	v63 =	vshll.u32 v62, $0x3  }
0x234: {  	v61 =	vand.u32 $0x380, v61;
	v59 =	vadd.s32 v58, v59;
	v63 =	vand.u32 $0xFFFFFC00, v63  }
0x235: {  	[tilespmem:v60+s5+$0x0] =	vst.idx.msk vm1, v52;
	v52 =	vor.u32 v61, v59;
	v59 =	vand.u32 $0x7F, v62;
	v60 =	vadd.s32 v56, v63  }
0x236: {  	v62 =	vadd.s32 $0x2D, v54;
	v53 =	vld.idx.msk [tilespmem:v53+s21+$0x0], $0xffff;
	v61 =	vor.u32 v55, v52;
	v59 =	vor.u32 v59, v60  }
0x237: {  	v60 =	vshrl.u32 v62, $0x3;
	v52 =	vadd.s32 $0x2A2, v6;
	v59 =	vor.u32 v57, v59  }
0x238: {  	v60 =	vmul.u32 $0xC00, v60;
	v63 =	vadd.s32 v52, v54  }
0x239: {  	v62 =	vshll.u32 v62, $0x7;
	v0 =	vshll.u32 v63, $0x3  }
0x23a: {  	v62 =	vand.u32 $0x380, v62;
	v60 =	vadd.s32 v58, v60;
	v0 =	vand.u32 $0xFFFFFC00, v0  }
0x23b: {  	v0 =	vadd.s32 v56, v0;
	[tilespmem:v61+s5+$0x0] =	vst.idx.msk vm1, v53;
	v53 =	vor.u32 v62, v60;
	v60 =	vand.u32 $0x7F, v63  }
0x23c: {  	v62 =	vadd.s32 $0x2E, v54;
	v59 =	vld.idx.msk [tilespmem:v59+s21+$0x0], $0xffff;
	v61 =	vor.u32 v55, v53;
	v0 =	vor.u32 v60, v0  }
0x23d: {  	v60 =	vshrl.u32 v62, $0x3;
	v53 =	vadd.s32 $0x2D2, v6;
	v0 =	vor.u32 v57, v0  }
0x23e: {  	v60 =	vmul.u32 $0xC00, v60;
	v63 =	vadd.s32 v53, v54  }
0x23f: {  	v62 =	vshll.u32 v62, $0x7;
	v2 =	vshll.u32 v63, $0x3  }
0x240: {  	v62 =	vand.u32 $0x380, v62;
	v60 =	vadd.s32 v58, v60;
	v2 =	vand.u32 $0xFFFFFC00, v2  }
0x241: {  	v60 =	vor.u32 v62, v60;
	v2 =	vadd.s32 v56, v2;
	[tilespmem:v61+s5+$0x0] =	vst.idx.msk vm1, v59;
	v61 =	vand.u32 $0x7F, v63  }
0x242: {  	v54 =	vadd.s32 $0x2F, v54;
	v62 =	vor.u32 v55, v60;
	v2 =	vor.u32 v61, v2;
	v0 =	vld.idx.msk [tilespmem:v0+s21+$0x0], $0xffff  }
0x243: {  	v63 =	vshrl.u32 v54, $0x3;
	v2 =	vor.u32 v57, v2  }
0x244: {  	v57 =	vmul.u32 $0xC00, v63  }
0x245: {  	v54 =	vshll.u32 v54, $0x7  }
0x246: {  	v54 =	vand.u32 $0x380, v54;
	v57 =	vadd.s32 v58, v57  }
0x247: {  	[tilespmem:v62+s5+$0x0] =	vst.idx.msk vm1, v0;
	v0 =	vor.u32 v54, v57  }
0x248: {  	p1 =	sne.s32 s18, $0x17;
	v2 =	vld.idx.msk [tilespmem:v2+s21+$0x0], $0xffff;
	v0 =	vor.u32 v55, v0  }
.Ltmp2:
0x249: {  	_ = 	snop;
	(pc) =	sbr.rel @p1 .LBB2_3-.Ltmp2, $2  }
0x24a: {  	_ =	sdelay $0x2  }
0x24b: {  	s18 =	sadd.s32 $0x1, s18;
	s7 =	sadd.s32 $0x10, s7;
	[tilespmem:v0+s5+$0x0] =	vst.idx.msk vm1, v2  }
0x24c: {  	s1 =	simm.s32 $0x1  }
0x24d: {  	s1 =	simm.s32 @!p0 $0x0  }
0x24e: {  	s16 =	smul.u32 $0x1800, s15;
	s1 =	sor.u32 s1, s6  }
0x24f: {  	s7 =	smul.u32 $0x6C000, s1;
	_ =	sdelay $0x1  }
0x250: {  	s1 =	sadd.s32 s16, s7  }
0x251: {  	s1 =	sshrl.u32 s1, $0x3  }
0x252: {  	s15 =	simm.s32 $0x0;
	s1 =	sadd.s32 s4, s1  }
0x253: {  	[hbm4b:s1+s15] =	stream.linear.scatter [tilespmem:s15], [sflag:$0x5], $0x1800, $0x38;
	[tilespmem:$0x13D00] =	vst v63  }
0x254: {  	s16 =	sadd.s32 $0x4800, s1  }
0x255: {  	[hbm4b:s16+s15] =	stream.linear.scatter [tilespmem:s19], [sflag:$0x5], $0x1800, $0x38;
	[tilespmem:$0x13D00] =	vst v63  }
0x256: {  	s1 =	sadd.s32 $0x9000, s1  }
0x257: {  	[hbm4b:s1+s15] =	stream.linear.scatter [tilespmem:s20], [sflag:$0x5], $0x1800, $0x38;
	[tilespmem:$0x13D00] =	vst v63  }
0x258: {  	_ =	swait.ge [sflag:s24], $0x1800  }
0x259: {  	[sflag:s24] =	ssyncset.done $0x0  }
0x25a: {  	[sflag:s24] =	ssyncadd.s32 $0xFFFFE800  }
0x25b: {  	_ =	swait.ge [sflag:s24], $0x1800  }
0x25c: {  	[sflag:s24] =	ssyncset.done $0x0  }
0x25d: {  	s1 =	sor.u32 $0x1, s10;
	[sflag:s24] =	ssyncadd.s32 $0xFFFFE800  }
0x25e: {  	s18 =	smulhi.u32 $0x2AAAAAAB, s1;
	_ =	swait.ge [sflag:s24], $0x1800  }
0x25f: {  	[sflag:s24] =	ssyncset.done $0x0  }
0x260: {  	s16 =	sshrl.u32 s18, $0x2;
	[sflag:s24] =	ssyncadd.s32 $0xFFFFE800  }
0x261: {  	s16 =	smul.u32 $0x18, s16;
	_ =	swait.ge [sflag:s25], $0x4800  }
0x262: {  	s18 =	sadd.s32 s29, s14;
	s14 =	simm.s32 $0x0;
	[sflag:s25] =	ssyncset.done $0x0  }
0x263: {  	s13 =	ssub.s32 s18, s13;
	s16 =	ssub.s32 s1, s16;
	[sflag:s25] =	ssyncadd.s32 $0xFFFFB800  }
.LBB2_5:
0x264: {  	s1 =	sadd.s32 s14, s13  }
0x265: {  	v0 =	vmov s1;
	_ =	sdelay $0x4  }
0x266: {  	v0 =	vld.idx.msk [tilespmem:v0+s17+$0x0], $0xffff;
	_ =	sdelay $0x4  }
0x267: {  	v2 =	vshra.s32 v0, $0x1F  }
0x268: {  	v54 =	vand.u32 v2, v0;
	v2 =	vmov s14  }
0x269: {  	v55 =	vadd.s32 v6, v54;
	v56 =	vshrl.u32 v2, $0x3  }
0x26a: {  	v56 =	vmul.u32 $0x1800, v56;
	v57 =	vshll.u32 v55, $0x3  }
0x26b: {  	v59 =	vor.u32 s15, v1;
	vm1 =	vgt.s32 v0, $0x8F;
	v57 =	vand.u32 $0xFFFFFC00, v57  }
0x26c: {  	v2 =	vshll.u32 v2, $0x7;
	v55 =	vand.u32 $0x7F, v55;
	v58 =	vadd.s32 v56, v57  }
0x26d: {  	v0 =	vmov s15;
	v57 =	vand.u32 $0x380, v2;
	v2 =	vor.u32 v55, v58  }
0x26e: {  	v62 =	vshrl.u32 v54, $0x3;
	v0 =	vshll.u32 v0, $0x3;
	v2 =	vor.u32 v57, v2  }
0x26f: {  	v60 =	vadd.s32 v7, v54;
	v55 =	vand.u32 $0x7F, v59;
	v59 =	vmul.u32 $0xC00, v62  }
0x270: {  	v61 =	vshll.u32 v60, $0x3;
	v58 =	vand.u32 $0xC00, v0;
	v0 =	vshll.u32 v54, $0x7  }
0x271: {  	v62 =	vadd.s32 v58, v59;
	v59 =	vand.u32 $0x380, v0;
	v0 =	vand.u32 $0xFFFFFC00, v61  }
0x272: {  	v60 =	vand.u32 $0x7F, v60;
	v61 =	vor.u32 v59, v62;
	v0 =	vadd.s32 v56, v0  }
0x273: {  	v62 =	vadd.s32 $0x1, v54;
	v61 =	vor.u32 v55, v61;
	v0 =	vor.u32 v60, v0;
	v2 =	vld.idx.msk [tilespmem:v2+s8+$0x0], $0xffff  }
0x274: {  	v60 =	vshrl.u32 v62, $0x3;
	v0 =	vor.u32 v57, v0  }
0x275: {  	v63 =	vadd.s32 v8, v54;
	v60 =	vmul.u32 $0xC00, v60  }
0x276: {  	v5 =	vshll.u32 v63, $0x3;
	v62 =	vshll.u32 v62, $0x7  }
0x277: {  	v5 =	vand.u32 $0xFFFFFC00, v5;
	v62 =	vand.u32 $0x380, v62;
	v60 =	vadd.s32 v58, v60  }
0x278: {  	v5 =	vadd.s32 v56, v5;
	[tilespmem:v61+s31+$0x0] =	vst.idx.msk vm1, v2;
	v2 =	vor.u32 v62, v60;
	v60 =	vand.u32 $0x7F, v63  }
0x279: {  	v61 =	vadd.s32 $0x2, v54;
	v0 =	vld.idx.msk [tilespmem:v0+s8+$0x0], $0xffff;
	v2 =	vor.u32 v55, v2;
	v5 =	vor.u32 v60, v5  }
0x27a: {  	v60 =	vshrl.u32 v61, $0x3;
	v5 =	vor.u32 v57, v5  }
0x27b: {  	v62 =	vadd.s32 v9, v54;
	v60 =	vmul.u32 $0xC00, v60  }
0x27c: {  	v61 =	vshll.u32 v61, $0x7;
	v63 =	vshll.u32 v62, $0x3  }
0x27d: {  	v61 =	vand.u32 $0x380, v61;
	v63 =	vand.u32 $0xFFFFFC00, v63;
	v60 =	vadd.s32 v58, v60  }
0x27e: {  	[tilespmem:v2+s31+$0x0] =	vst.idx.msk vm1, v0;
	v0 =	vor.u32 v61, v60;
	v2 =	vand.u32 $0x7F, v62;
	v60 =	vadd.s32 v56, v63  }
0x27f: {  	v61 =	vadd.s32 $0x3, v54;
	v5 =	vld.idx.msk [tilespmem:v5+s8+$0x0], $0xffff;
	v0 =	vor.u32 v55, v0;
	v2 =	vor.u32 v2, v60  }
0x280: {  	v60 =	vshrl.u32 v61, $0x3;
	v2 =	vor.u32 v57, v2  }
0x281: {  	v62 =	vadd.s32 v10, v54;
	v60 =	vmul.u32 $0xC00, v60  }
0x282: {  	v61 =	vshll.u32 v61, $0x7;
	v63 =	vshll.u32 v62, $0x3  }
0x283: {  	v61 =	vand.u32 $0x380, v61;
	v63 =	vand.u32 $0xFFFFFC00, v63;
	v60 =	vadd.s32 v58, v60  }
0x284: {  	[tilespmem:v0+s31+$0x0] =	vst.idx.msk vm1, v5;
	v0 =	vor.u32 v61, v60;
	v5 =	vand.u32 $0x7F, v62;
	v60 =	vadd.s32 v56, v63  }
0x285: {  	v61 =	vadd.s32 $0x4, v54;
	v2 =	vld.idx.msk [tilespmem:v2+s8+$0x0], $0xffff;
	v0 =	vor.u32 v55, v0;
	v5 =	vor.u32 v5, v60  }
0x286: {  	v60 =	vshrl.u32 v61, $0x3;
	v5 =	vor.u32 v57, v5  }
0x287: {  	v62 =	vadd.s32 v11, v54;
	v60 =	vmul.u32 $0xC00, v60  }
0x288: {  	v61 =	vshll.u32 v61, $0x7;
	v63 =	vshll.u32 v62, $0x3  }
0x289: {  	v61 =	vand.u32 $0x380, v61;
	v63 =	vand.u32 $0xFFFFFC00, v63;
	v60 =	vadd.s32 v58, v60  }
0x28a: {  	[tilespmem:v0+s31+$0x0] =	vst.idx.msk vm1, v2;
	v0 =	vor.u32 v61, v60;
	v2 =	vand.u32 $0x7F, v62;
	v60 =	vadd.s32 v56, v63  }
0x28b: {  	v61 =	vadd.s32 $0x5, v54;
	v5 =	vld.idx.msk [tilespmem:v5+s8+$0x0], $0xffff;
	v0 =	vor.u32 v55, v0;
	v2 =	vor.u32 v2, v60  }
0x28c: {  	v60 =	vshrl.u32 v61, $0x3;
	v2 =	vor.u32 v57, v2  }
0x28d: {  	v62 =	vadd.s32 v12, v54;
	v60 =	vmul.u32 $0xC00, v60  }
0x28e: {  	v61 =	vshll.u32 v61, $0x7;
	v63 =	vshll.u32 v62, $0x3  }
0x28f: {  	v61 =	vand.u32 $0x380, v61;
	v63 =	vand.u32 $0xFFFFFC00, v63;
	v60 =	vadd.s32 v58, v60  }
0x290: {  	[tilespmem:v0+s31+$0x0] =	vst.idx.msk vm1, v5;
	v0 =	vor.u32 v61, v60;
	v5 =	vand.u32 $0x7F, v62;
	v60 =	vadd.s32 v56, v63  }
0x291: {  	v61 =	vadd.s32 $0x6, v54;
	v2 =	vld.idx.msk [tilespmem:v2+s8+$0x0], $0xffff;
	v0 =	vor.u32 v55, v0;
	v5 =	vor.u32 v5, v60  }
0x292: {  	v60 =	vshrl.u32 v61, $0x3;
	v5 =	vor.u32 v57, v5  }
0x293: {  	v62 =	vadd.s32 v13, v54;
	v60 =	vmul.u32 $0xC00, v60  }
0x294: {  	v61 =	vshll.u32 v61, $0x7;
	v63 =	vshll.u32 v62, $0x3  }
0x295: {  	v61 =	vand.u32 $0x380, v61;
	v63 =	vand.u32 $0xFFFFFC00, v63;
	v60 =	vadd.s32 v58, v60  }
0x296: {  	[tilespmem:v0+s31+$0x0] =	vst.idx.msk vm1, v2;
	v0 =	vor.u32 v61, v60;
	v2 =	vand.u32 $0x7F, v62;
	v60 =	vadd.s32 v56, v63  }
0x297: {  	v61 =	vadd.s32 $0x7, v54;
	v5 =	vld.idx.msk [tilespmem:v5+s8+$0x0], $0xffff;
	v0 =	vor.u32 v55, v0;
	v2 =	vor.u32 v2, v60  }
0x298: {  	v60 =	vshrl.u32 v61, $0x3;
	v2 =	vor.u32 v57, v2  }
0x299: {  	v62 =	vadd.s32 v14, v54;
	v60 =	vmul.u32 $0xC00, v60  }
0x29a: {  	v61 =	vshll.u32 v61, $0x7;
	v63 =	vshll.u32 v62, $0x3  }
0x29b: {  	v61 =	vand.u32 $0x380, v61;
	v63 =	vand.u32 $0xFFFFFC00, v63;
	v60 =	vadd.s32 v58, v60  }
0x29c: {  	[tilespmem:v0+s31+$0x0] =	vst.idx.msk vm1, v5;
	v0 =	vor.u32 v61, v60;
	v5 =	vand.u32 $0x7F, v62;
	v60 =	vadd.s32 v56, v63  }
0x29d: {  	v61 =	vadd.s32 $0x8, v54;
	v2 =	vld.idx.msk [tilespmem:v2+s8+$0x0], $0xffff;
	v0 =	vor.u32 v55, v0;
	v5 =	vor.u32 v5, v60  }
0x29e: {  	v60 =	vshrl.u32 v61, $0x3;
	v5 =	vor.u32 v57, v5  }
0x29f: {  	v61 =	vadd.s32 v15, v54;
	v60 =	vmul.u32 $0xC00, v60  }
0x2a0: {  	v62 =	vshll.u32 v61, $0x3  }
0x2a1: {  	v62 =	vand.u32 $0xFFFFFC00, v62;
	v60 =	vadd.s32 v58, v60  }
0x2a2: {  	[tilespmem:v0+s31+$0x0] =	vst.idx.msk vm1, v2;
	v0 =	vor.u32 v59, v60;
	v2 =	vand.u32 $0x7F, v61;
	v60 =	vadd.s32 v56, v62  }
0x2a3: {  	v61 =	vadd.s32 $0x9, v54;
	v5 =	vld.idx.msk [tilespmem:v5+s8+$0x0], $0xffff;
	v0 =	vor.u32 v55, v0;
	v2 =	vor.u32 v2, v60  }
0x2a4: {  	v60 =	vshrl.u32 v61, $0x3;
	v2 =	vor.u32 v57, v2  }
0x2a5: {  	v62 =	vadd.s32 v16, v54;
	v60 =	vmul.u32 $0xC00, v60  }
0x2a6: {  	v61 =	vshll.u32 v61, $0x7;
	v63 =	vshll.u32 v62, $0x3  }
0x2a7: {  	v61 =	vand.u32 $0x380, v61;
	v63 =	vand.u32 $0xFFFFFC00, v63;
	v60 =	vadd.s32 v58, v60  }
0x2a8: {  	[tilespmem:v0+s31+$0x0] =	vst.idx.msk vm1, v5;
	v0 =	vor.u32 v61, v60;
	v5 =	vand.u32 $0x7F, v62;
	v60 =	vadd.s32 v56, v63  }
0x2a9: {  	v61 =	vadd.s32 $0xA, v54;
	v2 =	vld.idx.msk [tilespmem:v2+s8+$0x0], $0xffff;
	v0 =	vor.u32 v55, v0;
	v5 =	vor.u32 v5, v60  }
0x2aa: {  	v60 =	vshrl.u32 v61, $0x3;
	v5 =	vor.u32 v57, v5  }
0x2ab: {  	v62 =	vadd.s32 v17, v54;
	v60 =	vmul.u32 $0xC00, v60  }
0x2ac: {  	v61 =	vshll.u32 v61, $0x7;
	v63 =	vshll.u32 v62, $0x3  }
0x2ad: {  	v61 =	vand.u32 $0x380, v61;
	v63 =	vand.u32 $0xFFFFFC00, v63;
	v60 =	vadd.s32 v58, v60  }
0x2ae: {  	[tilespmem:v0+s31+$0x0] =	vst.idx.msk vm1, v2;
	v0 =	vor.u32 v61, v60;
	v2 =	vand.u32 $0x7F, v62;
	v60 =	vadd.s32 v56, v63  }
0x2af: {  	v61 =	vadd.s32 $0xB, v54;
	v5 =	vld.idx.msk [tilespmem:v5+s8+$0x0], $0xffff;
	v0 =	vor.u32 v55, v0;
	v2 =	vor.u32 v2, v60  }
0x2b0: {  	v60 =	vshrl.u32 v61, $0x3;
	v2 =	vor.u32 v57, v2  }
0x2b1: {  	v62 =	vadd.s32 v18, v54;
	v60 =	vmul.u32 $0xC00, v60  }
0x2b2: {  	v61 =	vshll.u32 v61, $0x7;
	v63 =	vshll.u32 v62, $0x3  }
0x2b3: {  	v61 =	vand.u32 $0x380, v61;
	v63 =	vand.u32 $0xFFFFFC00, v63;
	v60 =	vadd.s32 v58, v60  }
0x2b4: {  	[tilespmem:v0+s31+$0x0] =	vst.idx.msk vm1, v5;
	v0 =	vor.u32 v61, v60;
	v5 =	vand.u32 $0x7F, v62;
	v60 =	vadd.s32 v56, v63  }
0x2b5: {  	v61 =	vadd.s32 $0xC, v54;
	v2 =	vld.idx.msk [tilespmem:v2+s8+$0x0], $0xffff;
	v0 =	vor.u32 v55, v0;
	v5 =	vor.u32 v5, v60  }
0x2b6: {  	v60 =	vshrl.u32 v61, $0x3;
	v5 =	vor.u32 v57, v5  }
0x2b7: {  	v62 =	vadd.s32 v19, v54;
	v60 =	vmul.u32 $0xC00, v60  }
0x2b8: {  	v61 =	vshll.u32 v61, $0x7;
	v63 =	vshll.u32 v62, $0x3  }
0x2b9: {  	v61 =	vand.u32 $0x380, v61;
	v63 =	vand.u32 $0xFFFFFC00, v63;
	v60 =	vadd.s32 v58, v60  }
0x2ba: {  	[tilespmem:v0+s31+$0x0] =	vst.idx.msk vm1, v2;
	v0 =	vor.u32 v61, v60;
	v2 =	vand.u32 $0x7F, v62;
	v60 =	vadd.s32 v56, v63  }
0x2bb: {  	v61 =	vadd.s32 $0xD, v54;
	v5 =	vld.idx.msk [tilespmem:v5+s8+$0x0], $0xffff;
	v0 =	vor.u32 v55, v0;
	v2 =	vor.u32 v2, v60  }
0x2bc: {  	v60 =	vshrl.u32 v61, $0x3;
	v2 =	vor.u32 v57, v2  }
0x2bd: {  	v62 =	vadd.s32 v20, v54;
	v60 =	vmul.u32 $0xC00, v60  }
0x2be: {  	v61 =	vshll.u32 v61, $0x7;
	v63 =	vshll.u32 v62, $0x3  }
0x2bf: {  	v61 =	vand.u32 $0x380, v61;
	v63 =	vand.u32 $0xFFFFFC00, v63;
	v60 =	vadd.s32 v58, v60  }
0x2c0: {  	[tilespmem:v0+s31+$0x0] =	vst.idx.msk vm1, v5;
	v0 =	vor.u32 v61, v60;
	v5 =	vand.u32 $0x7F, v62;
	v60 =	vadd.s32 v56, v63  }
0x2c1: {  	v61 =	vadd.s32 $0xE, v54;
	v2 =	vld.idx.msk [tilespmem:v2+s8+$0x0], $0xffff;
	v0 =	vor.u32 v55, v0;
	v5 =	vor.u32 v5, v60  }
0x2c2: {  	v60 =	vshrl.u32 v61, $0x3;
	v5 =	vor.u32 v57, v5  }
0x2c3: {  	v62 =	vadd.s32 v21, v54;
	v60 =	vmul.u32 $0xC00, v60  }
0x2c4: {  	v61 =	vshll.u32 v61, $0x7;
	v63 =	vshll.u32 v62, $0x3  }
0x2c5: {  	v61 =	vand.u32 $0x380, v61;
	v63 =	vand.u32 $0xFFFFFC00, v63;
	v60 =	vadd.s32 v58, v60  }
0x2c6: {  	[tilespmem:v0+s31+$0x0] =	vst.idx.msk vm1, v2;
	v0 =	vor.u32 v61, v60;
	v2 =	vand.u32 $0x7F, v62;
	v60 =	vadd.s32 v56, v63  }
0x2c7: {  	v61 =	vadd.s32 $0xF, v54;
	v5 =	vld.idx.msk [tilespmem:v5+s8+$0x0], $0xffff;
	v0 =	vor.u32 v55, v0;
	v2 =	vor.u32 v2, v60  }
0x2c8: {  	v60 =	vshrl.u32 v61, $0x3;
	v2 =	vor.u32 v57, v2  }
0x2c9: {  	v62 =	vadd.s32 v22, v54;
	v60 =	vmul.u32 $0xC00, v60  }
0x2ca: {  	v61 =	vshll.u32 v61, $0x7;
	v63 =	vshll.u32 v62, $0x3  }
0x2cb: {  	v61 =	vand.u32 $0x380, v61;
	v63 =	vand.u32 $0xFFFFFC00, v63;
	v60 =	vadd.s32 v58, v60  }
0x2cc: {  	[tilespmem:v0+s31+$0x0] =	vst.idx.msk vm1, v5;
	v0 =	vor.u32 v61, v60;
	v5 =	vand.u32 $0x7F, v62;
	v60 =	vadd.s32 v56, v63  }
0x2cd: {  	v61 =	vadd.s32 $0x10, v54;
	v2 =	vld.idx.msk [tilespmem:v2+s8+$0x0], $0xffff;
	v0 =	vor.u32 v55, v0;
	v5 =	vor.u32 v5, v60  }
0x2ce: {  	v60 =	vshrl.u32 v61, $0x3;
	v5 =	vor.u32 v57, v5  }
0x2cf: {  	v61 =	vadd.s32 v23, v54;
	v60 =	vmul.u32 $0xC00, v60  }
0x2d0: {  	v62 =	vshll.u32 v61, $0x3  }
0x2d1: {  	v62 =	vand.u32 $0xFFFFFC00, v62;
	v60 =	vadd.s32 v58, v60  }
0x2d2: {  	[tilespmem:v0+s31+$0x0] =	vst.idx.msk vm1, v2;
	v0 =	vor.u32 v59, v60;
	v2 =	vand.u32 $0x7F, v61;
	v60 =	vadd.s32 v56, v62  }
0x2d3: {  	v61 =	vadd.s32 $0x11, v54;
	v5 =	vld.idx.msk [tilespmem:v5+s8+$0x0], $0xffff;
	v0 =	vor.u32 v55, v0;
	v2 =	vor.u32 v2, v60  }
0x2d4: {  	v60 =	vshrl.u32 v61, $0x3;
	v2 =	vor.u32 v57, v2  }
0x2d5: {  	v62 =	vadd.s32 v24, v54;
	v60 =	vmul.u32 $0xC00, v60  }
0x2d6: {  	v61 =	vshll.u32 v61, $0x7;
	v63 =	vshll.u32 v62, $0x3  }
0x2d7: {  	v61 =	vand.u32 $0x380, v61;
	v63 =	vand.u32 $0xFFFFFC00, v63;
	v60 =	vadd.s32 v58, v60  }
0x2d8: {  	[tilespmem:v0+s31+$0x0] =	vst.idx.msk vm1, v5;
	v0 =	vor.u32 v61, v60;
	v5 =	vand.u32 $0x7F, v62;
	v60 =	vadd.s32 v56, v63  }
0x2d9: {  	v61 =	vadd.s32 $0x12, v54;
	v2 =	vld.idx.msk [tilespmem:v2+s8+$0x0], $0xffff;
	v0 =	vor.u32 v55, v0;
	v5 =	vor.u32 v5, v60  }
0x2da: {  	v60 =	vshrl.u32 v61, $0x3;
	v5 =	vor.u32 v57, v5  }
0x2db: {  	v62 =	vadd.s32 v25, v54;
	v60 =	vmul.u32 $0xC00, v60  }
0x2dc: {  	v61 =	vshll.u32 v61, $0x7;
	v63 =	vshll.u32 v62, $0x3  }
0x2dd: {  	v61 =	vand.u32 $0x380, v61;
	v63 =	vand.u32 $0xFFFFFC00, v63;
	v60 =	vadd.s32 v58, v60  }
0x2de: {  	[tilespmem:v0+s31+$0x0] =	vst.idx.msk vm1, v2;
	v0 =	vor.u32 v61, v60;
	v2 =	vand.u32 $0x7F, v62;
	v60 =	vadd.s32 v56, v63  }
0x2df: {  	v61 =	vadd.s32 $0x13, v54;
	v5 =	vld.idx.msk [tilespmem:v5+s8+$0x0], $0xffff;
	v0 =	vor.u32 v55, v0;
	v2 =	vor.u32 v2, v60  }
0x2e0: {  	v60 =	vshrl.u32 v61, $0x3;
	v2 =	vor.u32 v57, v2  }
0x2e1: {  	v62 =	vadd.s32 v26, v54;
	v60 =	vmul.u32 $0xC00, v60  }
0x2e2: {  	v61 =	vshll.u32 v61, $0x7;
	v63 =	vshll.u32 v62, $0x3  }
0x2e3: {  	v61 =	vand.u32 $0x380, v61;
	v63 =	vand.u32 $0xFFFFFC00, v63;
	v60 =	vadd.s32 v58, v60  }
0x2e4: {  	[tilespmem:v0+s31+$0x0] =	vst.idx.msk vm1, v5;
	v0 =	vor.u32 v61, v60;
	v5 =	vand.u32 $0x7F, v62;
	v60 =	vadd.s32 v56, v63  }
0x2e5: {  	v61 =	vadd.s32 $0x14, v54;
	v2 =	vld.idx.msk [tilespmem:v2+s8+$0x0], $0xffff;
	v0 =	vor.u32 v55, v0;
	v5 =	vor.u32 v5, v60  }
0x2e6: {  	v60 =	vshrl.u32 v61, $0x3;
	v5 =	vor.u32 v57, v5  }
0x2e7: {  	v62 =	vadd.s32 v27, v54;
	v60 =	vmul.u32 $0xC00, v60  }
0x2e8: {  	v61 =	vshll.u32 v61, $0x7;
	v63 =	vshll.u32 v62, $0x3  }
0x2e9: {  	v61 =	vand.u32 $0x380, v61;
	v63 =	vand.u32 $0xFFFFFC00, v63;
	v60 =	vadd.s32 v58, v60  }
0x2ea: {  	[tilespmem:v0+s31+$0x0] =	vst.idx.msk vm1, v2;
	v0 =	vor.u32 v61, v60;
	v2 =	vand.u32 $0x7F, v62;
	v60 =	vadd.s32 v56, v63  }
0x2eb: {  	v61 =	vadd.s32 $0x15, v54;
	v5 =	vld.idx.msk [tilespmem:v5+s8+$0x0], $0xffff;
	v0 =	vor.u32 v55, v0;
	v2 =	vor.u32 v2, v60  }
0x2ec: {  	v60 =	vshrl.u32 v61, $0x3;
	v2 =	vor.u32 v57, v2  }
0x2ed: {  	v62 =	vadd.s32 v28, v54;
	v60 =	vmul.u32 $0xC00, v60  }
0x2ee: {  	v61 =	vshll.u32 v61, $0x7;
	v63 =	vshll.u32 v62, $0x3  }
0x2ef: {  	v61 =	vand.u32 $0x380, v61;
	v63 =	vand.u32 $0xFFFFFC00, v63;
	v60 =	vadd.s32 v58, v60  }
0x2f0: {  	[tilespmem:v0+s31+$0x0] =	vst.idx.msk vm1, v5;
	v0 =	vor.u32 v61, v60;
	v5 =	vand.u32 $0x7F, v62;
	v60 =	vadd.s32 v56, v63  }
0x2f1: {  	v61 =	vadd.s32 $0x16, v54;
	v2 =	vld.idx.msk [tilespmem:v2+s8+$0x0], $0xffff;
	v0 =	vor.u32 v55, v0;
	v5 =	vor.u32 v5, v60  }
0x2f2: {  	v60 =	vshrl.u32 v61, $0x3;
	v5 =	vor.u32 v57, v5  }
0x2f3: {  	v62 =	vadd.s32 v29, v54;
	v60 =	vmul.u32 $0xC00, v60  }
0x2f4: {  	v61 =	vshll.u32 v61, $0x7;
	v63 =	vshll.u32 v62, $0x3  }
0x2f5: {  	v61 =	vand.u32 $0x380, v61;
	v63 =	vand.u32 $0xFFFFFC00, v63;
	v60 =	vadd.s32 v58, v60  }
0x2f6: {  	[tilespmem:v0+s31+$0x0] =	vst.idx.msk vm1, v2;
	v0 =	vor.u32 v61, v60;
	v2 =	vand.u32 $0x7F, v62;
	v60 =	vadd.s32 v56, v63  }
0x2f7: {  	v61 =	vadd.s32 $0x17, v54;
	v5 =	vld.idx.msk [tilespmem:v5+s8+$0x0], $0xffff;
	v0 =	vor.u32 v55, v0;
	v2 =	vor.u32 v2, v60  }
0x2f8: {  	v60 =	vshrl.u32 v61, $0x3;
	v2 =	vor.u32 v57, v2  }
0x2f9: {  	v62 =	vadd.s32 v30, v54;
	v60 =	vmul.u32 $0xC00, v60  }
0x2fa: {  	v61 =	vshll.u32 v61, $0x7;
	v63 =	vshll.u32 v62, $0x3  }
0x2fb: {  	v61 =	vand.u32 $0x380, v61;
	v63 =	vand.u32 $0xFFFFFC00, v63;
	v60 =	vadd.s32 v58, v60  }
0x2fc: {  	[tilespmem:v0+s31+$0x0] =	vst.idx.msk vm1, v5;
	v0 =	vor.u32 v61, v60;
	v5 =	vand.u32 $0x7F, v62;
	v60 =	vadd.s32 v56, v63  }
0x2fd: {  	v61 =	vadd.s32 $0x18, v54;
	v2 =	vld.idx.msk [tilespmem:v2+s8+$0x0], $0xffff;
	v0 =	vor.u32 v55, v0;
	v5 =	vor.u32 v5, v60  }
0x2fe: {  	v60 =	vshrl.u32 v61, $0x3;
	v5 =	vor.u32 v57, v5  }
0x2ff: {  	v61 =	vadd.s32 v31, v54;
	v60 =	vmul.u32 $0xC00, v60  }
0x300: {  	v62 =	vshll.u32 v61, $0x3  }
0x301: {  	v62 =	vand.u32 $0xFFFFFC00, v62;
	v60 =	vadd.s32 v58, v60  }
0x302: {  	[tilespmem:v0+s31+$0x0] =	vst.idx.msk vm1, v2;
	v0 =	vor.u32 v59, v60;
	v2 =	vand.u32 $0x7F, v61;
	v60 =	vadd.s32 v56, v62  }
0x303: {  	v61 =	vadd.s32 $0x19, v54;
	v5 =	vld.idx.msk [tilespmem:v5+s8+$0x0], $0xffff;
	v0 =	vor.u32 v55, v0;
	v2 =	vor.u32 v2, v60  }
0x304: {  	v60 =	vshrl.u32 v61, $0x3;
	v2 =	vor.u32 v57, v2  }
0x305: {  	v62 =	vadd.s32 v32, v54;
	v60 =	vmul.u32 $0xC00, v60  }
0x306: {  	v61 =	vshll.u32 v61, $0x7;
	v63 =	vshll.u32 v62, $0x3  }
0x307: {  	v61 =	vand.u32 $0x380, v61;
	v63 =	vand.u32 $0xFFFFFC00, v63;
	v60 =	vadd.s32 v58, v60  }
0x308: {  	[tilespmem:v0+s31+$0x0] =	vst.idx.msk vm1, v5;
	v0 =	vor.u32 v61, v60;
	v5 =	vand.u32 $0x7F, v62;
	v60 =	vadd.s32 v56, v63  }
0x309: {  	v61 =	vadd.s32 $0x1A, v54;
	v2 =	vld.idx.msk [tilespmem:v2+s8+$0x0], $0xffff;
	v0 =	vor.u32 v55, v0;
	v5 =	vor.u32 v5, v60  }
0x30a: {  	v60 =	vshrl.u32 v61, $0x3;
	v5 =	vor.u32 v57, v5  }
0x30b: {  	v62 =	vadd.s32 v33, v54;
	v60 =	vmul.u32 $0xC00, v60  }
0x30c: {  	v61 =	vshll.u32 v61, $0x7;
	v63 =	vshll.u32 v62, $0x3  }
0x30d: {  	v61 =	vand.u32 $0x380, v61;
	v63 =	vand.u32 $0xFFFFFC00, v63;
	v60 =	vadd.s32 v58, v60  }
0x30e: {  	[tilespmem:v0+s31+$0x0] =	vst.idx.msk vm1, v2;
	v0 =	vor.u32 v61, v60;
	v2 =	vand.u32 $0x7F, v62;
	v60 =	vadd.s32 v56, v63  }
0x30f: {  	v61 =	vadd.s32 $0x1B, v54;
	v5 =	vld.idx.msk [tilespmem:v5+s8+$0x0], $0xffff;
	v0 =	vor.u32 v55, v0;
	v2 =	vor.u32 v2, v60  }
0x310: {  	v60 =	vshrl.u32 v61, $0x3;
	v2 =	vor.u32 v57, v2  }
0x311: {  	v62 =	vadd.s32 v34, v54;
	v60 =	vmul.u32 $0xC00, v60  }
0x312: {  	v61 =	vshll.u32 v61, $0x7;
	v63 =	vshll.u32 v62, $0x3  }
0x313: {  	v61 =	vand.u32 $0x380, v61;
	v63 =	vand.u32 $0xFFFFFC00, v63;
	v60 =	vadd.s32 v58, v60  }
0x314: {  	[tilespmem:v0+s31+$0x0] =	vst.idx.msk vm1, v5;
	v0 =	vor.u32 v61, v60;
	v5 =	vand.u32 $0x7F, v62;
	v60 =	vadd.s32 v56, v63  }
0x315: {  	v61 =	vadd.s32 $0x1C, v54;
	v2 =	vld.idx.msk [tilespmem:v2+s8+$0x0], $0xffff;
	v0 =	vor.u32 v55, v0;
	v5 =	vor.u32 v5, v60  }
0x316: {  	v60 =	vshrl.u32 v61, $0x3;
	v5 =	vor.u32 v57, v5  }
0x317: {  	v62 =	vadd.s32 v35, v54;
	v60 =	vmul.u32 $0xC00, v60  }
0x318: {  	v61 =	vshll.u32 v61, $0x7;
	v63 =	vshll.u32 v62, $0x3  }
0x319: {  	v61 =	vand.u32 $0x380, v61;
	v63 =	vand.u32 $0xFFFFFC00, v63;
	v60 =	vadd.s32 v58, v60  }
0x31a: {  	[tilespmem:v0+s31+$0x0] =	vst.idx.msk vm1, v2;
	v0 =	vor.u32 v61, v60;
	v2 =	vand.u32 $0x7F, v62;
	v60 =	vadd.s32 v56, v63  }
0x31b: {  	v61 =	vadd.s32 $0x1D, v54;
	v5 =	vld.idx.msk [tilespmem:v5+s8+$0x0], $0xffff;
	v0 =	vor.u32 v55, v0;
	v2 =	vor.u32 v2, v60  }
0x31c: {  	v60 =	vshrl.u32 v61, $0x3;
	v2 =	vor.u32 v57, v2  }
0x31d: {  	v62 =	vadd.s32 v36, v54;
	v60 =	vmul.u32 $0xC00, v60  }
0x31e: {  	v61 =	vshll.u32 v61, $0x7;
	v63 =	vshll.u32 v62, $0x3  }
0x31f: {  	v61 =	vand.u32 $0x380, v61;
	v63 =	vand.u32 $0xFFFFFC00, v63;
	v60 =	vadd.s32 v58, v60  }
0x320: {  	[tilespmem:v0+s31+$0x0] =	vst.idx.msk vm1, v5;
	v0 =	vor.u32 v61, v60;
	v5 =	vand.u32 $0x7F, v62;
	v60 =	vadd.s32 v56, v63  }
0x321: {  	v61 =	vadd.s32 $0x1E, v54;
	v2 =	vld.idx.msk [tilespmem:v2+s8+$0x0], $0xffff;
	v0 =	vor.u32 v55, v0;
	v5 =	vor.u32 v5, v60  }
0x322: {  	v60 =	vshrl.u32 v61, $0x3;
	v5 =	vor.u32 v57, v5  }
0x323: {  	v62 =	vadd.s32 v37, v54;
	v60 =	vmul.u32 $0xC00, v60  }
0x324: {  	v61 =	vshll.u32 v61, $0x7;
	v63 =	vshll.u32 v62, $0x3  }
0x325: {  	v61 =	vand.u32 $0x380, v61;
	v63 =	vand.u32 $0xFFFFFC00, v63;
	v60 =	vadd.s32 v58, v60  }
0x326: {  	[tilespmem:v0+s31+$0x0] =	vst.idx.msk vm1, v2;
	v0 =	vor.u32 v61, v60;
	v2 =	vand.u32 $0x7F, v62;
	v60 =	vadd.s32 v56, v63  }
0x327: {  	v61 =	vadd.s32 $0x1F, v54;
	v5 =	vld.idx.msk [tilespmem:v5+s8+$0x0], $0xffff;
	v0 =	vor.u32 v55, v0;
	v2 =	vor.u32 v2, v60  }
0x328: {  	v60 =	vshrl.u32 v61, $0x3;
	v2 =	vor.u32 v57, v2  }
0x329: {  	v62 =	vadd.s32 v38, v54;
	v60 =	vmul.u32 $0xC00, v60  }
0x32a: {  	v61 =	vshll.u32 v61, $0x7;
	v63 =	vshll.u32 v62, $0x3  }
0x32b: {  	v61 =	vand.u32 $0x380, v61;
	v63 =	vand.u32 $0xFFFFFC00, v63;
	v60 =	vadd.s32 v58, v60  }
0x32c: {  	[tilespmem:v0+s31+$0x0] =	vst.idx.msk vm1, v5;
	v0 =	vor.u32 v61, v60;
	v5 =	vand.u32 $0x7F, v62;
	v60 =	vadd.s32 v56, v63  }
0x32d: {  	v61 =	vadd.s32 $0x20, v54;
	v2 =	vld.idx.msk [tilespmem:v2+s8+$0x0], $0xffff;
	v0 =	vor.u32 v55, v0;
	v5 =	vor.u32 v5, v60  }
0x32e: {  	v60 =	vshrl.u32 v61, $0x3;
	v5 =	vor.u32 v57, v5  }
0x32f: {  	v61 =	vadd.s32 v39, v54;
	v60 =	vmul.u32 $0xC00, v60  }
0x330: {  	v62 =	vshll.u32 v61, $0x3  }
0x331: {  	v62 =	vand.u32 $0xFFFFFC00, v62;
	v60 =	vadd.s32 v58, v60  }
0x332: {  	[tilespmem:v0+s31+$0x0] =	vst.idx.msk vm1, v2;
	v0 =	vor.u32 v59, v60;
	v2 =	vand.u32 $0x7F, v61;
	v60 =	vadd.s32 v56, v62  }
0x333: {  	v61 =	vadd.s32 $0x21, v54;
	v5 =	vld.idx.msk [tilespmem:v5+s8+$0x0], $0xffff;
	v0 =	vor.u32 v55, v0;
	v2 =	vor.u32 v2, v60  }
0x334: {  	v60 =	vshrl.u32 v61, $0x3;
	v2 =	vor.u32 v57, v2  }
0x335: {  	v62 =	vadd.s32 v40, v54;
	v60 =	vmul.u32 $0xC00, v60  }
0x336: {  	v61 =	vshll.u32 v61, $0x7;
	v63 =	vshll.u32 v62, $0x3  }
0x337: {  	v61 =	vand.u32 $0x380, v61;
	v63 =	vand.u32 $0xFFFFFC00, v63;
	v60 =	vadd.s32 v58, v60  }
0x338: {  	[tilespmem:v0+s31+$0x0] =	vst.idx.msk vm1, v5;
	v0 =	vor.u32 v61, v60;
	v5 =	vand.u32 $0x7F, v62;
	v60 =	vadd.s32 v56, v63  }
0x339: {  	v61 =	vadd.s32 $0x22, v54;
	v2 =	vld.idx.msk [tilespmem:v2+s8+$0x0], $0xffff;
	v0 =	vor.u32 v55, v0;
	v5 =	vor.u32 v5, v60  }
0x33a: {  	v60 =	vshrl.u32 v61, $0x3;
	v5 =	vor.u32 v57, v5  }
0x33b: {  	v62 =	vadd.s32 v41, v54;
	v60 =	vmul.u32 $0xC00, v60  }
0x33c: {  	v61 =	vshll.u32 v61, $0x7;
	v63 =	vshll.u32 v62, $0x3  }
0x33d: {  	v61 =	vand.u32 $0x380, v61;
	v63 =	vand.u32 $0xFFFFFC00, v63;
	v60 =	vadd.s32 v58, v60  }
0x33e: {  	[tilespmem:v0+s31+$0x0] =	vst.idx.msk vm1, v2;
	v0 =	vor.u32 v61, v60;
	v2 =	vand.u32 $0x7F, v62;
	v60 =	vadd.s32 v56, v63  }
0x33f: {  	v61 =	vadd.s32 $0x23, v54;
	v5 =	vld.idx.msk [tilespmem:v5+s8+$0x0], $0xffff;
	v0 =	vor.u32 v55, v0;
	v2 =	vor.u32 v2, v60  }
0x340: {  	v60 =	vshrl.u32 v61, $0x3;
	v2 =	vor.u32 v57, v2  }
0x341: {  	v62 =	vadd.s32 v42, v54;
	v60 =	vmul.u32 $0xC00, v60  }
0x342: {  	v61 =	vshll.u32 v61, $0x7;
	v63 =	vshll.u32 v62, $0x3  }
0x343: {  	v61 =	vand.u32 $0x380, v61;
	v63 =	vand.u32 $0xFFFFFC00, v63;
	v60 =	vadd.s32 v58, v60  }
0x344: {  	[tilespmem:v0+s31+$0x0] =	vst.idx.msk vm1, v5;
	v0 =	vor.u32 v61, v60;
	v5 =	vand.u32 $0x7F, v62;
	v60 =	vadd.s32 v56, v63  }
0x345: {  	v61 =	vadd.s32 $0x24, v54;
	v2 =	vld.idx.msk [tilespmem:v2+s8+$0x0], $0xffff;
	v0 =	vor.u32 v55, v0;
	v5 =	vor.u32 v5, v60  }
0x346: {  	v60 =	vshrl.u32 v61, $0x3;
	v5 =	vor.u32 v57, v5  }
0x347: {  	v62 =	vadd.s32 v43, v54;
	v60 =	vmul.u32 $0xC00, v60  }
0x348: {  	v61 =	vshll.u32 v61, $0x7;
	v63 =	vshll.u32 v62, $0x3  }
0x349: {  	v61 =	vand.u32 $0x380, v61;
	v63 =	vand.u32 $0xFFFFFC00, v63;
	v60 =	vadd.s32 v58, v60  }
0x34a: {  	[tilespmem:v0+s31+$0x0] =	vst.idx.msk vm1, v2;
	v0 =	vor.u32 v61, v60;
	v2 =	vand.u32 $0x7F, v62;
	v60 =	vadd.s32 v56, v63  }
0x34b: {  	v61 =	vadd.s32 $0x25, v54;
	v5 =	vld.idx.msk [tilespmem:v5+s8+$0x0], $0xffff;
	v0 =	vor.u32 v55, v0;
	v2 =	vor.u32 v2, v60  }
0x34c: {  	v60 =	vshrl.u32 v61, $0x3;
	v2 =	vor.u32 v57, v2  }
0x34d: {  	v62 =	vadd.s32 v44, v54;
	v60 =	vmul.u32 $0xC00, v60  }
0x34e: {  	v61 =	vshll.u32 v61, $0x7;
	v63 =	vshll.u32 v62, $0x3  }
0x34f: {  	v61 =	vand.u32 $0x380, v61;
	v63 =	vand.u32 $0xFFFFFC00, v63;
	v60 =	vadd.s32 v58, v60  }
0x350: {  	[tilespmem:v0+s31+$0x0] =	vst.idx.msk vm1, v5;
	v0 =	vor.u32 v61, v60;
	v5 =	vand.u32 $0x7F, v62;
	v60 =	vadd.s32 v56, v63  }
0x351: {  	v61 =	vadd.s32 $0x26, v54;
	v2 =	vld.idx.msk [tilespmem:v2+s8+$0x0], $0xffff;
	v0 =	vor.u32 v55, v0;
	v5 =	vor.u32 v5, v60  }
0x352: {  	v60 =	vshrl.u32 v61, $0x3;
	v5 =	vor.u32 v57, v5  }
0x353: {  	v62 =	vadd.s32 v45, v54;
	v60 =	vmul.u32 $0xC00, v60  }
0x354: {  	v61 =	vshll.u32 v61, $0x7;
	v63 =	vshll.u32 v62, $0x3  }
0x355: {  	v61 =	vand.u32 $0x380, v61;
	v63 =	vand.u32 $0xFFFFFC00, v63;
	v60 =	vadd.s32 v58, v60  }
0x356: {  	[tilespmem:v0+s31+$0x0] =	vst.idx.msk vm1, v2;
	v0 =	vor.u32 v61, v60;
	v2 =	vand.u32 $0x7F, v62;
	v60 =	vadd.s32 v56, v63  }
0x357: {  	v61 =	vadd.s32 $0x27, v54;
	v5 =	vld.idx.msk [tilespmem:v5+s8+$0x0], $0xffff;
	v0 =	vor.u32 v55, v0;
	v2 =	vor.u32 v2, v60  }
0x358: {  	v60 =	vshrl.u32 v61, $0x3;
	v2 =	vor.u32 v57, v2  }
0x359: {  	v62 =	vadd.s32 v46, v54;
	v60 =	vmul.u32 $0xC00, v60  }
0x35a: {  	v61 =	vshll.u32 v61, $0x7;
	v63 =	vshll.u32 v62, $0x3  }
0x35b: {  	v61 =	vand.u32 $0x380, v61;
	v63 =	vand.u32 $0xFFFFFC00, v63;
	v60 =	vadd.s32 v58, v60  }
0x35c: {  	[tilespmem:v0+s31+$0x0] =	vst.idx.msk vm1, v5;
	v0 =	vor.u32 v61, v60;
	v5 =	vand.u32 $0x7F, v62;
	v60 =	vadd.s32 v56, v63  }
0x35d: {  	v61 =	vadd.s32 $0x28, v54;
	v2 =	vld.idx.msk [tilespmem:v2+s8+$0x0], $0xffff;
	v0 =	vor.u32 v55, v0;
	v5 =	vor.u32 v5, v60  }
0x35e: {  	v60 =	vshrl.u32 v61, $0x3;
	v5 =	vor.u32 v57, v5  }
0x35f: {  	v61 =	vadd.s32 v47, v54;
	v60 =	vmul.u32 $0xC00, v60  }
0x360: {  	v62 =	vshll.u32 v61, $0x3  }
0x361: {  	v62 =	vand.u32 $0xFFFFFC00, v62;
	v60 =	vadd.s32 v58, v60  }
0x362: {  	[tilespmem:v0+s31+$0x0] =	vst.idx.msk vm1, v2;
	v0 =	vor.u32 v59, v60;
	v2 =	vand.u32 $0x7F, v61;
	v59 =	vadd.s32 v56, v62  }
0x363: {  	v60 =	vadd.s32 $0x29, v54;
	v5 =	vld.idx.msk [tilespmem:v5+s8+$0x0], $0xffff;
	v0 =	vor.u32 v55, v0;
	v2 =	vor.u32 v2, v59  }
0x364: {  	v63 =	vshrl.u32 v60, $0x3;
	v2 =	vor.u32 v57, v2  }
0x365: {  	v61 =	vadd.s32 v48, v54;
	v59 =	vmul.u32 $0xC00, v63  }
0x366: {  	v60 =	vshll.u32 v60, $0x7;
	v62 =	vshll.u32 v61, $0x3  }
0x367: {  	v60 =	vand.u32 $0x380, v60;
	v62 =	vand.u32 $0xFFFFFC00, v62;
	v59 =	vadd.s32 v58, v59  }
0x368: {  	[tilespmem:v0+s31+$0x0] =	vst.idx.msk vm1, v5;
	v0 =	vor.u32 v60, v59;
	v5 =	vand.u32 $0x7F, v61;
	v59 =	vadd.s32 v56, v62  }
0x369: {  	v60 =	vadd.s32 $0x2A, v54;
	v2 =	vld.idx.msk [tilespmem:v2+s8+$0x0], $0xffff;
	v0 =	vor.u32 v55, v0;
	v5 =	vor.u32 v5, v59  }
0x36a: {  	v61 =	vshrl.u32 v60, $0x3;
	v5 =	vor.u32 v57, v5  }
0x36b: {  	v59 =	vmul.u32 $0xC00, v61;
	v61 =	vadd.s32 v49, v54  }
0x36c: {  	v60 =	vshll.u32 v60, $0x7;
	v62 =	vshll.u32 v61, $0x3  }
0x36d: {  	v60 =	vand.u32 $0x380, v60;
	v59 =	vadd.s32 v58, v59;
	v62 =	vand.u32 $0xFFFFFC00, v62  }
0x36e: {  	[tilespmem:v0+s31+$0x0] =	vst.idx.msk vm1, v2;
	v0 =	vor.u32 v60, v59;
	v2 =	vand.u32 $0x7F, v61;
	v59 =	vadd.s32 v56, v62  }
0x36f: {  	v60 =	vadd.s32 $0x2B, v54;
	v5 =	vld.idx.msk [tilespmem:v5+s8+$0x0], $0xffff;
	v0 =	vor.u32 v55, v0;
	v2 =	vor.u32 v2, v59  }
0x370: {  	v62 =	vshrl.u32 v60, $0x3;
	v2 =	vor.u32 v57, v2  }
0x371: {  	v61 =	vadd.s32 v50, v54;
	v59 =	vmul.u32 $0xC00, v62  }
0x372: {  	v60 =	vshll.u32 v60, $0x7;
	v62 =	vshll.u32 v61, $0x3  }
0x373: {  	v60 =	vand.u32 $0x380, v60;
	v62 =	vand.u32 $0xFFFFFC00, v62;
	v59 =	vadd.s32 v58, v59  }
0x374: {  	[tilespmem:v0+s31+$0x0] =	vst.idx.msk vm1, v5;
	v0 =	vor.u32 v60, v59;
	v5 =	vand.u32 $0x7F, v61;
	v59 =	vadd.s32 v56, v62  }
0x375: {  	v60 =	vadd.s32 $0x2C, v54;
	v2 =	vld.idx.msk [tilespmem:v2+s8+$0x0], $0xffff;
	v0 =	vor.u32 v55, v0;
	v5 =	vor.u32 v5, v59  }
0x376: {  	v63 =	vshrl.u32 v60, $0x3;
	v5 =	vor.u32 v57, v5  }
0x377: {  	v61 =	vadd.s32 v51, v54;
	v59 =	vmul.u32 $0xC00, v63  }
0x378: {  	v60 =	vshll.u32 v60, $0x7;
	v62 =	vshll.u32 v61, $0x3  }
0x379: {  	v60 =	vand.u32 $0x380, v60;
	v62 =	vand.u32 $0xFFFFFC00, v62;
	v59 =	vadd.s32 v58, v59  }
0x37a: {  	[tilespmem:v0+s31+$0x0] =	vst.idx.msk vm1, v2;
	v0 =	vor.u32 v60, v59;
	v2 =	vand.u32 $0x7F, v61;
	v59 =	vadd.s32 v56, v62  }
0x37b: {  	v60 =	vadd.s32 $0x2D, v54;
	v5 =	vld.idx.msk [tilespmem:v5+s8+$0x0], $0xffff;
	v0 =	vor.u32 v55, v0;
	v2 =	vor.u32 v2, v59  }
0x37c: {  	v61 =	vshrl.u32 v60, $0x3;
	v2 =	vor.u32 v57, v2  }
0x37d: {  	v59 =	vmul.u32 $0xC00, v61;
	v61 =	vadd.s32 v52, v54  }
0x37e: {  	v60 =	vshll.u32 v60, $0x7;
	v62 =	vshll.u32 v61, $0x3  }
0x37f: {  	v60 =	vand.u32 $0x380, v60;
	v59 =	vadd.s32 v58, v59;
	v62 =	vand.u32 $0xFFFFFC00, v62  }
0x380: {  	[tilespmem:v0+s31+$0x0] =	vst.idx.msk vm1, v5;
	v0 =	vor.u32 v60, v59;
	v5 =	vand.u32 $0x7F, v61;
	v59 =	vadd.s32 v56, v62  }
0x381: {  	v60 =	vadd.s32 $0x2E, v54;
	v2 =	vld.idx.msk [tilespmem:v2+s8+$0x0], $0xffff;
	v0 =	vor.u32 v55, v0;
	v5 =	vor.u32 v5, v59  }
0x382: {  	v62 =	vshrl.u32 v60, $0x3;
	v5 =	vor.u32 v57, v5  }
0x383: {  	v61 =	vadd.s32 v53, v54;
	v59 =	vmul.u32 $0xC00, v62  }
0x384: {  	v60 =	vshll.u32 v60, $0x7;
	v62 =	vshll.u32 v61, $0x3  }
0x385: {  	v60 =	vand.u32 $0x380, v60;
	v62 =	vand.u32 $0xFFFFFC00, v62;
	v59 =	vadd.s32 v58, v59  }
0x386: {  	v56 =	vadd.s32 v56, v62;
	[tilespmem:v0+s31+$0x0] =	vst.idx.msk vm1, v2;
	v0 =	vor.u32 v60, v59;
	v2 =	vand.u32 $0x7F, v61  }
0x387: {  	v54 =	vadd.s32 $0x2F, v54;
	v5 =	vld.idx.msk [tilespmem:v5+s8+$0x0], $0xffff;
	v0 =	vor.u32 v55, v0;
	v2 =	vor.u32 v2, v56  }
0x388: {  	v63 =	vshrl.u32 v54, $0x3;
	v2 =	vor.u32 v57, v2  }
0x389: {  	v56 =	vmul.u32 $0xC00, v63  }
0x38a: {  	v54 =	vshll.u32 v54, $0x7  }
0x38b: {  	v54 =	vand.u32 $0x380, v54;
	v56 =	vadd.s32 v58, v56  }
0x38c: {  	[tilespmem:v0+s31+$0x0] =	vst.idx.msk vm1, v5;
	v0 =	vor.u32 v54, v56  }
0x38d: {  	p0 =	sne.s32 s14, $0x17;
	v2 =	vld.idx.msk [tilespmem:v2+s8+$0x0], $0xffff;
	v0 =	vor.u32 v55, v0  }
.Ltmp3:
0x38e: {  	_ = 	snop;
	(pc) =	sbr.rel @p0 .LBB2_5-.Ltmp3, $2  }
0x38f: {  	_ =	sdelay $0x2  }
0x390: {  	s15 =	sadd.s32 $0x10, s15;
	s14 =	sadd.s32 $0x1, s14;
	[tilespmem:v0+s31+$0x0] =	vst.idx.msk vm1, v2  }
0x391: {  	s1 =	smul.u32 $0x1800, s16;
	_ =	sdelay $0x1  }
0x392: {  	s1 =	sadd.s32 s1, s7  }
0x393: {  	s1 =	sshrl.u32 s1, $0x3  }
0x394: {  	s1 =	sadd.s32 s4, s1  }
0x395: {  	[hbm4b:s1+s5] =	stream.linear.scatter [tilespmem:s31], [sflag:$0x6], $0x1800, $0x38;
	[tilespmem:$0x13D00] =	vst v63  }
0x396: {  	s18 =	sadd.s32 $0x4800, s1  }
0x397: {  	[hbm4b:s18+s5] =	stream.linear.scatter [tilespmem:s3], [sflag:$0x6], $0x1800, $0x38;
	[tilespmem:$0x13D00] =	vst v63  }
0x398: {  	s1 =	sadd.s32 $0x9000, s1  }
0x399: {  	[hbm4b:s1+s5] =	stream.linear.scatter [tilespmem:s0], [sflag:$0x6], $0x1800, $0x38;
	[tilespmem:$0x13D00] =	vst v63  }
0x39a: {  	_ =	swait.ge [sflag:s26], $0x1800  }
0x39b: {  	[sflag:s26] =	ssyncset.done $0x0  }
0x39c: {  	[sflag:s26] =	ssyncadd.s32 $0xFFFFE800  }
0x39d: {  	p0 =	seq.s32 s9, $0x17;
	_ =	swait.ge [sflag:s26], $0x1800  }
.Ltmp4:
0x39e: {  	[sflag:s26] =	ssyncset.done $0x0;
	(pc) =	sbr.rel @p0 .LBB2_8-.Ltmp4, $4  }
0x39f: {  	[sflag:s26] =	ssyncadd.s32 $0xFFFFE800  }
0x3a0: {  	_ =	swait.ge [sflag:s26], $0x1800  }
0x3a1: {  	[sflag:s26] =	ssyncset.done $0x0  }
0x3a2: {  	[sflag:s26] =	ssyncadd.s32 $0xFFFFE800  }
0x3a3: {  	s1 =	sadd.s32 $0x2, s10  }
0x3a4: {  	s7 =	smulhi.u32 $0x2AAAAAAB, s1;
	_ =	sdelay $0x1  }
0x3a5: {  	s7 =	sshrl.u32 s7, $0x2  }
0x3a6: {  	s13 =	smul.u32 $0x18, s7  }
0x3a7: {  	s7 =	sadd.s32 s6, s7  }
0x3a8: {  	s7 =	smul.u32 $0x6C000, s7;
	s13 =	ssub.s32 s1, s13  }
0x3a9: {  	s13 =	smul.u32 $0x1800, s13;
	_ =	sdelay $0x1  }
0x3aa: {  	s7 =	sadd.s32 s13, s7  }
0x3ab: {  	s14 =	rddreg [dreg:$0x0];
	s7 =	sshrl.u32 s7, $0x3  }
0x3ac: {  	s7 =	sadd.s32 s14, s7  }
0x3ad: {  	[tilespmem:s5], [sflag:$0x1] =	stream.linear.gather [hbm4b:s7+s5], $0x1800, $0x38;
	[tilespmem:$0x13D00] =	vst v63  }
0x3ae: {  	s1 =	sshll.u32 s1, $0x7;
	s16 =	sadd.s32 $0x4800, s7  }
0x3af: {  	[tilespmem:s19], [sflag:$0x1] =	stream.linear.gather [hbm4b:s16+s5], $0x1800, $0x38;
	[tilespmem:$0x13D00] =	vst v63  }
0x3b0: {  	s1 =	sand.u32 $0x3FFFFF80, s1;
	s7 =	sadd.s32 $0x9000, s7  }
0x3b1: {  	[tilespmem:s20], [sflag:$0x1] =	stream.linear.gather [hbm4b:s7+s5], $0x1800, $0x38;
	[tilespmem:$0x13D00] =	vst v63  }
0x3b2: {  	v0 =	vld [tilespmem:s1+$0x12500];
	_ =	sdelay $0x4  }
0x3b3: {  	v2 =	vshrl.u32 v0, $0x3  }
0x3b4: {  	v2 =	vmul.u32 $0x30, v2  }
0x3b5: {  	v0 =	vand.u32 $0x7, v0  }
0x3b6: {  	v0 =	vor.u32 v0, v2  }
0x3b7: {  	v2 =	vperm.xlane v0, v3  }
0x3b8: {  	v5 =	vld [tilespmem:$0x1FFF0]  }
0x3b9: {  	v2 =	vadd.s32 v4, v2;
	_ =	sdelay $0x3  }
0x3ba: {  	v0 =	vperm.xlane v0, v5  }
0x3bb: {  	[tilespmem:s21], [sflag:$0x3] =	stream.indirect_vreg.gather [hbm4b:s2+s5], $0x80, v2, vm0, $0xb8;
	[tilespmem:$0x13D00] =	vst v63  }
0x3bc: {  	s18 =	simm.s32 $0x9800;
	v0 =	vadd.s32 v4, v0  }
0x3bd: {  	[tilespmem:s18], [sflag:$0x3] =	stream.indirect_vreg.gather [hbm4b:s11+s5], $0x80, v2, vm0, $0xb8;
	[tilespmem:$0x13D00] =	vst v63  }
0x3be: {  	s13 =	simm.s32 $0xA000  }
0x3bf: {  	[tilespmem:s13], [sflag:$0x3] =	stream.indirect_vreg.gather [hbm4b:s12+s5], $0x80, v2, vm0, $0xb8;
	[tilespmem:$0x13D00] =	vst v63  }
0x3c0: {  	s15 =	simm.s32 $0xA800  }
0x3c1: {  	[tilespmem:s15], [sflag:$0x3] =	stream.indirect_vreg.gather [hbm4b:s2+s5], $0x80, v0, vm0, $0xb8;
	[tilespmem:$0x13D00] =	vst v63  }
0x3c2: {  	s16 =	simm.s32 $0xB000  }
0x3c3: {  	[tilespmem:s16], [sflag:$0x3] =	stream.indirect_vreg.gather [hbm4b:s11+s5], $0x80, v0, vm0, $0xb8;
	[tilespmem:$0x13D00] =	vst v63  }
0x3c4: {  	s18 =	simm.s32 $0xB800  }
0x3c5: {  	[tilespmem:s18], [sflag:$0x3] =	stream.indirect_vreg.gather [hbm4b:s12+s5], $0x80, v0, vm0, $0xb8;
	[tilespmem:$0x13D00] =	vst v63  }
0x3c6: {  	v0 =	vld.msk [tilespmem:s1+$0x12510], $0xff;
	_ =	sdelay $0x4  }
0x3c7: {  	v2 =	vshrl.u32 v0, $0x3  }
0x3c8: {  	v2 =	vmul.u32 $0x30, v2  }
0x3c9: {  	v0 =	vand.u32 $0x7, v0  }
0x3ca: {  	v0 =	vor.u32 v0, v2  }
0x3cb: {  	v0 =	vperm.xlane v0, v3;
	_ =	sdelay $0x1  }
0x3cc: {  	v0 =	vadd.s32 v4, v0;
	_ =	sdelay $0x3  }
0x3cd: {  	s13 =	simm.s32 $0xC000  }
0x3ce: {  	[tilespmem:s13], [sflag:$0x3] =	stream.indirect_vreg.gather [hbm4b:s2+s5], $0x80, v0, vm0, $0xb8;
	[tilespmem:$0x13D00] =	vst v63  }
0x3cf: {  	s15 =	simm.s32 $0xC800;
	s1 =	sadd.s32 $0x3, s10  }
0x3d0: {  	[tilespmem:s15], [sflag:$0x3] =	stream.indirect_vreg.gather [hbm4b:s11+s5], $0x80, v0, vm0, $0xb8;
	[tilespmem:$0x13D00] =	vst v63  }
0x3d1: {  	s18 =	simm.s32 $0xD000;
	s16 =	smulhi.u32 $0x2AAAAAAB, s1  }
0x3d2: {  	[tilespmem:s18], [sflag:$0x3] =	stream.indirect_vreg.gather [hbm4b:s12+s5], $0x80, v0, vm0, $0xb8;
	[tilespmem:$0x13D00] =	vst v63  }
0x3d3: {  	s7 =	sshrl.u32 s16, $0x2;
	_ =	swait.ge [sflag:s28], $0x1800  }
0x3d4: {  	s13 =	smul.u32 $0x18, s7;
	[sflag:s28] =	ssyncset.done $0x0  }
0x3d5: {  	s7 =	sadd.s32 s6, s7;
	[sflag:s28] =	ssyncadd.s32 $0xFFFFE800  }
0x3d6: {  	s7 =	smul.u32 $0x6C000, s7;
	s10 =	ssub.s32 s1, s13;
	_ =	swait.ge [sflag:s28], $0x1800  }
0x3d7: {  	s10 =	smul.u32 $0x1800, s10;
	[sflag:s28] =	ssyncset.done $0x0  }
0x3d8: {  	[sflag:s28] =	ssyncadd.s32 $0xFFFFE800  }
0x3d9: {  	s7 =	sadd.s32 s10, s7;
	_ =	swait.ge [sflag:s28], $0x1800  }
0x3da: {  	s7 =	sshrl.u32 s7, $0x3;
	[sflag:s28] =	ssyncset.done $0x0  }
0x3db: {  	s7 =	sadd.s32 s14, s7;
	[sflag:s28] =	ssyncadd.s32 $0xFFFFE800  }
0x3dc: {  	[tilespmem:s31], [sflag:$0x2] =	stream.linear.gather [hbm4b:s7+s5], $0x1800, $0x38;
	[tilespmem:$0x13D00] =	vst v63  }
0x3dd: {  	s1 =	sshll.u32 s1, $0x7;
	s15 =	sadd.s32 $0x4800, s7  }
0x3de: {  	[tilespmem:s3], [sflag:$0x2] =	stream.linear.gather [hbm4b:s15+s5], $0x1800, $0x38;
	[tilespmem:$0x13D00] =	vst v63  }
0x3df: {  	s1 =	sand.u32 $0x3FFFFF80, s1;
	s7 =	sadd.s32 $0x9000, s7  }
0x3e0: {  	[tilespmem:s0], [sflag:$0x2] =	stream.linear.gather [hbm4b:s7+s5], $0x1800, $0x38;
	[tilespmem:$0x13D00] =	vst v63  }
0x3e1: {  	v0 =	vld [tilespmem:s1+$0x12500];
	_ =	sdelay $0x4  }
0x3e2: {  	v2 =	vshrl.u32 v0, $0x3  }
0x3e3: {  	v2 =	vmul.u32 $0x30, v2  }
0x3e4: {  	v0 =	vand.u32 $0x7, v0  }
0x3e5: {  	v0 =	vor.u32 v0, v2  }
0x3e6: {  	v2 =	vperm.xlane v0, v3;
	_ =	sdelay $0x1  }
0x3e7: {  	v2 =	vadd.s32 v4, v2;
	_ =	sdelay $0x3  }
0x3e8: {  	v0 =	vperm.xlane v0, v5  }
0x3e9: {  	[tilespmem:s8], [sflag:$0x4] =	stream.indirect_vreg.gather [hbm4b:s2+s5], $0x80, v2, vm0, $0xb8;
	[tilespmem:$0x13D00] =	vst v63  }
0x3ea: {  	s16 =	simm.s32 $0xE000;
	v0 =	vadd.s32 v4, v0  }
0x3eb: {  	[tilespmem:s16], [sflag:$0x4] =	stream.indirect_vreg.gather [hbm4b:s11+s5], $0x80, v2, vm0, $0xb8;
	[tilespmem:$0x13D00] =	vst v63  }
0x3ec: {  	s18 =	simm.s32 $0xE800  }
0x3ed: {  	[tilespmem:s18], [sflag:$0x4] =	stream.indirect_vreg.gather [hbm4b:s12+s5], $0x80, v2, vm0, $0xb8;
	[tilespmem:$0x13D00] =	vst v63  }
0x3ee: {  	s10 =	simm.s32 $0xF000  }
0x3ef: {  	[tilespmem:s10], [sflag:$0x4] =	stream.indirect_vreg.gather [hbm4b:s2+s5], $0x80, v0, vm0, $0xb8;
	[tilespmem:$0x13D00] =	vst v63  }
0x3f0: {  	s13 =	simm.s32 $0xF800  }
0x3f1: {  	[tilespmem:s13], [sflag:$0x4] =	stream.indirect_vreg.gather [hbm4b:s11+s5], $0x80, v0, vm0, $0xb8;
	[tilespmem:$0x13D00] =	vst v63  }
0x3f2: {  	s14 =	simm.s32 $0x10000  }
0x3f3: {  	[tilespmem:s14], [sflag:$0x4] =	stream.indirect_vreg.gather [hbm4b:s12+s5], $0x80, v0, vm0, $0xb8;
	[tilespmem:$0x13D00] =	vst v63  }
0x3f4: {  	v0 =	vld.msk [tilespmem:s1+$0x12510], $0xff;
	_ =	sdelay $0x4  }
0x3f5: {  	v2 =	vshrl.u32 v0, $0x3  }
0x3f6: {  	v2 =	vmul.u32 $0x30, v2  }
0x3f7: {  	v0 =	vand.u32 $0x7, v0  }
0x3f8: {  	v0 =	vor.u32 v0, v2  }
0x3f9: {  	v0 =	vperm.xlane v0, v3;
	_ =	sdelay $0x1  }
0x3fa: {  	v0 =	vadd.s32 v4, v0;
	_ =	sdelay $0x3  }
0x3fb: {  	s15 =	simm.s32 $0x10800  }
0x3fc: {  	[tilespmem:s15], [sflag:$0x4] =	stream.indirect_vreg.gather [hbm4b:s2+s5], $0x80, v0, vm0, $0xb8;
	[tilespmem:$0x13D00] =	vst v63  }
.Ltmp5:
0x3fd: {  	_ = 	snop;
	(pc) =	sbr.rel .LBB2_2-.Ltmp5, $4  }
0x3fe: {  	s9 =	sadd.s32 $0x1, s9;
	s16 =	simm.s32 $0x11000  }
0x3ff: {  	[tilespmem:s16], [sflag:$0x4] =	stream.indirect_vreg.gather [hbm4b:s11+s5], $0x80, v0, vm0, $0xb8;
	[tilespmem:$0x13D00] =	vst v63  }
0x400: {  	s29 =	sadd.s32 $0x30, s29;
	s30 =	sadd.s32 $0x2, s30;
	s18 =	simm.s32 $0x11800  }
0x401: {  	[tilespmem:s18], [sflag:$0x4] =	stream.indirect_vreg.gather [hbm4b:s12+s5], $0x80, v0, vm0, $0xb8;
	[tilespmem:$0x13D00] =	vst v63  }
.LBB2_9:
0x402: {  	_ =	sfence.sel $0x180000  }
0x403: {  	[bflag:$0x0] =	sbarrier.arrive $0xFFFF  }
0x404: {  	_ =	strace $0x90000047  }
0x405: {  	s0 =	stileid.u32;
	[bflag:$0x2] =	sbarrier.arrive $0xFFFF  }
0x406: {  	p0 =	sne.s32 s0, $0x0;
	s0 =	rddreg [dreg:$0x4]  }
0x407: {  	s0 =	sadd.s32 @!p0 $0x100000, s0  }
0x408: {  	[sflag:s0] =	ssyncadd.tile.s32 @!p0 $0x1;
	_ =	shalt  }
.Lfunc_end2:
_tile_overlayer_lowered:
.L_overlay_start_2:
0x409: {  	(tag) =	ssettag $0x2  }
0x40a: {  	s0 =	rddreg [dreg:$0x0];
	s2 =	stileid.u32  }
0x40b: {  	s1 =	rddreg [dreg:$0x1];
	p0 =	sne.s32 s2, $0x0  }
0x40c: {  	s3 =	rddreg [dreg:$0x2];
	[bflag:$0x3] =	sbarrier.arrive $0xFFFF;
	s2 =	simm.s32 @!p0 $0x1C07  }
0x40d: {  	[timem:s3], [sflag:s2] =	dma.local @!p0 [hbm:s0], s1  }
0x40e: {  	s0 =	simm.s32 @!p0 $0x7  }
0x40f: {  	_ =	swait.ge @!p0 [sflag:s0], s1  }
0x410: {  	s1 =	ssub.s32 @!p0 $0x0, s1;
	[sflag:s0] =	ssyncset.done @!p0 $0x0  }
0x411: {  	[sflag:s0] =	ssyncadd.s32 @!p0 s1  }
0x412: {  	[bflag:$0x3] =	sbarrier.arrive $0xFFFF  }
0x413: {  	_ =	shalt  }

</sc_bundles>
